<compile_context>
chip_gen: v7x
topology: tpu7x:2x2x1
jax: 0.10.2.dev20260603
libtpu: 0.0.44.dev20260713+nightly
codegen_flags: <defaults>
</compile_context>

<pallas_src>
import functools
import math

import jax
import jax.numpy as jnp
from jax import lax
from jax.experimental import pallas as pl
from jax.experimental.pallas import tpu as pltpu
from jax.experimental.pallas import tpu_sc as plsc

_B = 16
_N = 32768
_D = 1024
_TEMPERATURE = 1.0

_L = 16
_NTILES = 16
_CHUNK = _N // _NTILES
_NVEC = _CHUNK // _L

_NEG_INF = float("-inf")


def _tc_prep_body(std_ref, batch_ref, unc_ref, starts_ref):
    s = std_ref[...]
    ent = 0.5 * jnp.log((2.0 * math.pi * math.e) * jnp.square(s))
    unc_ref[...] = jnp.sum(ent, axis=1, keepdims=True)

    b2 = batch_ref[...]
    iota2 = lax.broadcasted_iota(jnp.int32, (_B, 1), 0)
    acc = jnp.zeros((_B, 1), jnp.int32)
    for b in range(_B):
        cnt = jnp.sum((b2 < b).astype(jnp.int32))
        acc = jnp.where(iota2 == b, cnt, acc)
    starts_ref[...] = acc


def _tc_prep(posterior_std, batch):
    unc, starts = pl.pallas_call(
        _tc_prep_body,
        out_shape=[
            jax.ShapeDtypeStruct((_B, 1), jnp.float32),
            jax.ShapeDtypeStruct((_B, 1), jnp.int32),
        ],
    )(posterior_std, batch.reshape(_B * _L, -1))
    return unc.reshape(_B), starts.reshape(_B)


def _sc_body(coh_hbm, batch_hbm, u_hbm, starts_hbm, prio_hbm, norm_hbm,
             coh_v, idx_v, s_v, e_v, n_v,
             u_v, gmax_v, ginv_v, starts_v, row_v, all_v,
             shared_max, shared_sum, sem_in, sem_out, sem_out2):
    sid = lax.axis_index("s")
    base = sid * _CHUNK

    cp_coh = pltpu.make_async_copy(coh_hbm.at[pl.ds(base, _CHUNK)], coh_v, sem_in)
    cp_idx = pltpu.make_async_copy(batch_hbm.at[pl.ds(base, _CHUNK)], idx_v, sem_in)
    cp_u = pltpu.make_async_copy(u_hbm, u_v, sem_in)
    cp_st = pltpu.make_async_copy(starts_hbm, starts_v, sem_in)
    cp_coh.start()
    cp_idx.start()
    cp_u.start()
    cp_st.start()
    cp_coh.wait()
    cp_idx.wait()
    cp_u.wait()
    cp_st.wait()

    lane = lax.iota(jnp.int32, _L)
    neg_inf_vec = jnp.full((_L,), _NEG_INF, dtype=jnp.float32)
    zero_vec = jnp.zeros((_L,), dtype=jnp.float32)
    inv_temp = jnp.float32(1.0 / _TEMPERATURE)

    def body_a(j):
        off = j * _L
        c = coh_v[pl.ds(off, _L)]
        ii = idx_v[pl.ds(off, _L)]
        ue = plsc.load_gather(u_v, [ii])
        s_v[pl.ds(off, _L)] = (c * ue) * inv_temp

    plsc.parallel_loop(0, _NVEC, unroll=4)(body_a)

    cp_prio = pltpu.make_async_copy(s_v, prio_hbm.at[pl.ds(base, _CHUNK)], sem_out)
    cp_prio.start()

    sv = starts_v[...]

    ranges = []
    for b in range(_B):
        lo_g = sv[b]
        hi_g = sv[b + 1] if b < _B - 1 else jnp.int32(_N)
        lo = jnp.clip(lo_g - base, 0, _CHUNK)
        hi = jnp.clip(hi_g - base, 0, _CHUNK)
        ranges.append((lo, hi))

    def _range_reduce(src_ref, combine, reduce_fn, identity_vec):
        tab = identity_vec
        for b in range(_B):
            lo, hi = ranges[b]
            jlo = lo >> 4
            jhi = (hi + (_L - 1)) >> 4

            def red_body(j, acc, lo=lo, hi=hi, src_ref=src_ref,
                         combine=combine, identity_vec=identity_vec):
                pos = lane + j * _L
                x = src_ref[pl.ds(j * _L, _L)]
                m = jnp.logical_and(pos >= lo, pos < hi)
                return combine(acc, jnp.where(m, x, identity_vec))

            acc = lax.fori_loop(jlo, jhi, red_body, identity_vec)
            tab = jnp.where(lane == b, combine(tab, reduce_fn(acc)), tab)
        return tab

    lmax = _range_reduce(s_v, jnp.maximum, jnp.max, neg_inf_vec)
    gmax_v[...] = lmax

    def body_b(j):
        off = j * _L
        s = s_v[pl.ds(off, _L)]
        ii = idx_v[pl.ds(off, _L)]
        lm = plsc.load_gather(gmax_v, [ii])
        e_v[pl.ds(off, _L)] = jnp.exp(s - lm)

    plsc.parallel_loop(0, _NVEC, unroll=4)(body_b)

    lsum = _range_reduce(e_v, jnp.add, jnp.sum, zero_vec)

    row_v[...] = lmax
    pltpu.sync_copy(row_v, shared_max.at[pl.ds(sid * _L, _L)])
    row_v[...] = lsum
    pltpu.sync_copy(row_v, shared_sum.at[pl.ds(sid * _L, _L)])
    plsc.subcore_barrier()

    pltpu.sync_copy(shared_max, all_v.at[pl.ds(0, _NTILES * _L)])
    pltpu.sync_copy(shared_sum, all_v.at[pl.ds(_NTILES * _L, _NTILES * _L)])
    g = neg_inf_vec
    for t in range(_NTILES):
        g = jnp.maximum(g, all_v[pl.ds(t * _L, _L)])
    total = zero_vec
    for t in range(_NTILES):
        lm_t = all_v[pl.ds(t * _L, _L)]
        ls_t = all_v[pl.ds(_NTILES * _L + t * _L, _L)]
        total = total + ls_t * jnp.exp(lm_t - g)
    ginv_v[...] = jnp.exp(lmax - g) / total

    def body_c(j):
        off = j * _L
        e = e_v[pl.ds(off, _L)]
        ii = idx_v[pl.ds(off, _L)]
        fv = plsc.load_gather(ginv_v, [ii])
        n_v[pl.ds(off, _L)] = e * fv

    half = _CHUNK // 2
    plsc.parallel_loop(0, _NVEC // 2, unroll=4)(body_c)
    cp_n0 = pltpu.make_async_copy(
        n_v.at[pl.ds(0, half)], norm_hbm.at[pl.ds(base, half)], sem_out2
    )
    cp_n0.start()
    plsc.parallel_loop(_NVEC // 2, _NVEC, unroll=4)(body_c)
    pltpu.sync_copy(
        n_v.at[pl.ds(half, half)], norm_hbm.at[pl.ds(base + half, half)]
    )
    cp_n0.wait()
    cp_prio.wait()


def _sc_softmax(coherence_spatial, batch, uncertainty, starts):
    mesh = plsc.VectorSubcoreMesh(
        core_axis_name="c", subcore_axis_name="s", num_cores=1
    )
    f32 = jnp.float32
    run = functools.partial(
        pl.kernel,
        mesh=mesh,
        out_type=[
            jax.ShapeDtypeStruct((_N,), f32),
            jax.ShapeDtypeStruct((_N,), f32),
        ],
        scratch_types=[
            pltpu.VMEM((_CHUNK,), f32),
            pltpu.VMEM((_CHUNK,), jnp.int32),
            pltpu.VMEM((_CHUNK,), f32),
            pltpu.VMEM((_CHUNK,), f32),
            pltpu.VMEM((_CHUNK,), f32),
            pltpu.VMEM((_L,), f32),
            pltpu.VMEM((_L,), f32),
            pltpu.VMEM((_L,), f32),
            pltpu.VMEM((_L,), jnp.int32),
            pltpu.VMEM((_L,), f32),
            pltpu.VMEM((2 * _NTILES * _L,), f32),
            pltpu.VMEM_SHARED((_NTILES * _L,), f32),
            pltpu.VMEM_SHARED((_NTILES * _L,), f32),
            pltpu.SemaphoreType.DMA,
            pltpu.SemaphoreType.DMA,
            pltpu.SemaphoreType.DMA,
        ],
        compiler_params=pltpu.CompilerParams(needs_layout_passes=False),
    )(_sc_body)
    return run(coherence_spatial, batch, uncertainty, starts)


def kernel(coherence_spatial, posterior_mean, posterior_std, batch):
    uncertainty, starts = _tc_prep(posterior_std, batch)
    priority, priority_normalized = _sc_softmax(
        coherence_spatial, batch, uncertainty, starts
    )
    return (priority, priority_normalized, uncertainty)

# --- scband reference (transcript-rebuilt; emitter-appended) ---
"""Pipeline reference for scband-priority-computation-13623636263379 (READ-ONLY COPY).

The authoritative reference and input builder live on the scoring server;
editing this copy changes nothing except your own understanding.
"""

import jax, jax.numpy as jnp
import numpy as np

B = 16
N = 32768
D = 1024
TEMPERATURE = 1.0


def setup_inputs(seed: int = 0) -> dict:
    key = jax.random.key(seed)
    k1, k2, k3, k4 = jax.random.split(key, 4)
    coherence_spatial = jax.random.normal(k1, (N,), dtype=jnp.float32)
    posterior_mean = jax.random.normal(k2, (B, D), dtype=jnp.float32)
    # std must be strictly positive for log(); uniform in (0.1, 1.0)
    posterior_std = jax.random.uniform(k3, (B, D), dtype=jnp.float32, minval=0.1, maxval=1.0)
    batch = jnp.sort(jax.random.randint(k4, (N,), 0, B, dtype=jnp.int32))
    return {
        "coherence_spatial": coherence_spatial,
        "posterior_mean": posterior_mean,
        "posterior_std": posterior_std,
        "batch": batch,
    }


def reference(coherence_spatial, posterior_mean, posterior_std, batch):
    # uncertainty: Gaussian differential entropy per sample (B,)
    entropy = 0.5 * jnp.log(2.0 * jnp.pi * jnp.e * jnp.square(posterior_std))
    uncertainty = jnp.sum(entropy, axis=-1)

    # priority = coherence * uncertainty[batch]  (gather by segment id)
    uncertainty_expanded = jnp.take(uncertainty, batch, axis=0)
    priority = coherence_spatial * uncertainty_expanded

    # per-segment (per-batch-element) softmax, numerically stable
    scaled = priority / TEMPERATURE
    seg_max = jax.ops.segment_max(scaled, batch, num_segments=B)
    seg_max = jnp.where(jnp.isfinite(seg_max), seg_max, 0.0)
    ex = jnp.exp(scaled - jnp.take(seg_max, batch, axis=0))
    seg_sum = jax.ops.segment_sum(ex, batch, num_segments=B)
    priority_normalized = ex / jnp.take(seg_sum, batch, axis=0)

    return (priority, priority_normalized, uncertainty)

if __name__ == "__main__":
    import jax
    _d = setup_inputs()
    print(jax.jit(kernel)(*tuple(_d.values())))

</pallas_src>

<mosaic_0001>
#map = affine_map<(d0, d1) -> (0)>
module attributes {stable_mosaic.version = 14 : i64} {
  func.func @_sc_body(%arg0: i32, %arg1: i32, %arg2: memref<32768xf32, #tpu.memory_space<hbm>>, %arg3: memref<32768xi32, #tpu.memory_space<hbm>>, %arg4: memref<16xf32, #tpu.memory_space<hbm>>, %arg5: memref<16xi32, #tpu.memory_space<hbm>>, %arg6: memref<32768xf32, #tpu.memory_space<hbm>>, %arg7: memref<32768xf32, #tpu.memory_space<hbm>>, %arg8: memref<2048xf32, #tpu.memory_space<vmem>>, %arg9: memref<2048xi32, #tpu.memory_space<vmem>>, %arg10: memref<2048xf32, #tpu.memory_space<vmem>>, %arg11: memref<2048xf32, #tpu.memory_space<vmem>>, %arg12: memref<2048xf32, #tpu.memory_space<vmem>>, %arg13: memref<16xf32, #tpu.memory_space<vmem>>, %arg14: memref<16xf32, #tpu.memory_space<vmem>>, %arg15: memref<16xf32, #tpu.memory_space<vmem>>, %arg16: memref<16xi32, #tpu.memory_space<vmem>>, %arg17: memref<16xf32, #tpu.memory_space<vmem>>, %arg18: memref<512xf32, #tpu.memory_space<vmem>>, %arg19: memref<256xf32, #tpu.memory_space<vmem_shared>>, %arg20: memref<256xf32, #tpu.memory_space<vmem_shared>>, %arg21: memref<!tpu.dma_semaphore, #tpu.memory_space<semaphore_mem>>, %arg22: memref<!tpu.dma_semaphore, #tpu.memory_space<semaphore_mem>>, %arg23: memref<!tpu.dma_semaphore, #tpu.memory_space<semaphore_mem>>) attributes {dimension_semantics = [#tpu.dimension_semantics<core_parallel>, #tpu.dimension_semantics<subcore_parallel>], iteration_bounds = array<i64: 1, 16>, scalar_prefetch = 0 : i64, scratch_operands = 16 : i64, tpu.core_type = #tpu.core_type<sc_vector_subcore>, window_params = [{transform_indices = #map}, {transform_indices = #map}, {transform_indices = #map}, {transform_indices = #map}, {transform_indices = #map}, {transform_indices = #map}]} {
    %mul3A = arith.constant 2048 : i32
    %mul3A_0 = arith.muli %arg1, %mul3A : i32
    %dma_start3A = tpu.memref_slice %arg2[%mul3A_0] : memref<32768xf32, #tpu.memory_space<hbm>> -> memref<2048xf32, #tpu.memory_space<hbm>>
    %dma_start3A_1 = tpu.memref_slice %arg2[%mul3A_0] : memref<32768xf32, #tpu.memory_space<hbm>> -> memref<2048xf32, #tpu.memory_space<hbm>>
    tpu.enqueue_dma source(%dma_start3A_1 : memref<2048xf32, #tpu.memory_space<hbm>>) target(%arg8 : memref<2048xf32, #tpu.memory_space<vmem>>) target_semaphore(%arg21 : memref<!tpu.dma_semaphore, #tpu.memory_space<semaphore_mem>>)
    %dma_start3A_2 = tpu.memref_slice %arg3[%mul3A_0] : memref<32768xi32, #tpu.memory_space<hbm>> -> memref<2048xi32, #tpu.memory_space<hbm>>
    %dma_start3A_3 = tpu.memref_slice %arg3[%mul3A_0] : memref<32768xi32, #tpu.memory_space<hbm>> -> memref<2048xi32, #tpu.memory_space<hbm>>
    tpu.enqueue_dma source(%dma_start3A_3 : memref<2048xi32, #tpu.memory_space<hbm>>) target(%arg9 : memref<2048xi32, #tpu.memory_space<vmem>>) target_semaphore(%arg21 : memref<!tpu.dma_semaphore, #tpu.memory_space<semaphore_mem>>)
    tpu.enqueue_dma source(%arg4 : memref<16xf32, #tpu.memory_space<hbm>>) target(%arg13 : memref<16xf32, #tpu.memory_space<vmem>>) target_semaphore(%arg21 : memref<!tpu.dma_semaphore, #tpu.memory_space<semaphore_mem>>)
    tpu.enqueue_dma source(%arg5 : memref<16xi32, #tpu.memory_space<hbm>>) target(%arg16 : memref<16xi32, #tpu.memory_space<vmem>>) target_semaphore(%arg21 : memref<!tpu.dma_semaphore, #tpu.memory_space<semaphore_mem>>)
    %dma_wait3A = tpu.memref_slice %arg2[%mul3A_0] : memref<32768xf32, #tpu.memory_space<hbm>> -> memref<2048xf32, #tpu.memory_space<hbm>>
    %dma_wait3A_4 = tpu.memref_slice %arg2[%mul3A_0] : memref<32768xf32, #tpu.memory_space<hbm>> -> memref<2048xf32, #tpu.memory_space<hbm>>
    tpu.wait_dma2 semaphore(%arg21 : memref<!tpu.dma_semaphore, #tpu.memory_space<semaphore_mem>>) src(%dma_wait3A_4 : memref<2048xf32, #tpu.memory_space<hbm>>) dst(%arg8 : memref<2048xf32, #tpu.memory_space<vmem>>)
    %dma_wait3A_5 = tpu.memref_slice %arg3[%mul3A_0] : memref<32768xi32, #tpu.memory_space<hbm>> -> memref<2048xi32, #tpu.memory_space<hbm>>
    %dma_wait3A_6 = tpu.memref_slice %arg3[%mul3A_0] : memref<32768xi32, #tpu.memory_space<hbm>> -> memref<2048xi32, #tpu.memory_space<hbm>>
    tpu.wait_dma2 semaphore(%arg21 : memref<!tpu.dma_semaphore, #tpu.memory_space<semaphore_mem>>) src(%dma_wait3A_6 : memref<2048xi32, #tpu.memory_space<hbm>>) dst(%arg9 : memref<2048xi32, #tpu.memory_space<vmem>>)
    tpu.wait_dma2 semaphore(%arg21 : memref<!tpu.dma_semaphore, #tpu.memory_space<semaphore_mem>>) src(%arg4 : memref<16xf32, #tpu.memory_space<hbm>>) dst(%arg13 : memref<16xf32, #tpu.memory_space<vmem>>)
    tpu.wait_dma2 semaphore(%arg21 : memref<!tpu.dma_semaphore, #tpu.memory_space<semaphore_mem>>) src(%arg5 : memref<16xi32, #tpu.memory_space<hbm>>) dst(%arg16 : memref<16xi32, #tpu.memory_space<vmem>>)
    %iota3A = tpu.iota {dimensions = array<i32: 0>} : vector<16xi32>
    %broadcast_in_dim3A = arith.constant 0xFF800000 : f32
    %broadcast_in_dim3A_7 = vector.broadcast %broadcast_in_dim3A : f32 to vector<16xf32>
    %broadcast_in_dim3A_8 = arith.constant 0.000000e+00 : f32
    %broadcast_in_dim3A_9 = vector.broadcast %broadcast_in_dim3A_8 : f32 to vector<16xf32>
    %parallel_loop3A = arith.constant 0 : i32
    %parallel_loop3A_10 = arith.constant 128 : i32
    %parallel_loop3A_11 = arith.constant 1 : i32
    %parallel_loop3A_12 = arith.constant 1.000000e+00 : f32
    scf.for %parallel_loop3A_1271 = %parallel_loop3A to %parallel_loop3A_10 step %parallel_loop3A_11  : i32 {
      %parallel_loop3A_1272 = arith.constant 16 : i32
      %parallel_loop3A_1273 = arith.muli %parallel_loop3A_1271, %parallel_loop3A_1272 : i32
      %parallel_loop3A_1274 = arith.index_cast %parallel_loop3A_1273 : i32 to index
      %parallel_loop3A_1275 = tpu.vector_load %arg8[%parallel_loop3A_1274] {strides = array<i32>} : memref<2048xf32, #tpu.memory_space<vmem>>, vector<16xf32>,
      %parallel_loop3A_1276 = arith.index_cast %parallel_loop3A_1273 : i32 to index
      %parallel_loop3A_1277 = tpu.vector_load %arg9[%parallel_loop3A_1276] {strides = array<i32>} : memref<2048xi32, #tpu.memory_space<vmem>>, vector<16xi32>,
      %parallel_loop3A_1278 = tpu.vector_load_idx %arg13[%parallel_loop3A_1277] : memref<16xf32, #tpu.memory_space<vmem>>[vector<16xi32>], vector<16xf32>,
      %parallel_loop3A_1279 = arith.mulf %parallel_loop3A_1275, %parallel_loop3A_1278 : vector<16xf32>
      %parallel_loop3A_1280 = vector.broadcast %parallel_loop3A_12 : f32 to vector<16xf32>
      %parallel_loop3A_1281 = arith.mulf %parallel_loop3A_1279, %parallel_loop3A_1280 : vector<16xf32>
      %parallel_loop3A_1282 = arith.index_cast %parallel_loop3A_1273 : i32 to index
      %parallel_loop3A_1283 = tpu.vector_load %arg10[%parallel_loop3A_1282] {strides = array<i32>} : memref<2048xf32, #tpu.memory_space<vmem>>, vector<16xf32>,
      tpu.vector_store %arg10[%parallel_loop3A_1282], %parallel_loop3A_1281 {strides = array<i32>} : memref<2048xf32, #tpu.memory_space<vmem>>, vector<16xf32>,
    } {sc.loop_unroll_factor = 4 : i64, sc.parallel_access}
    %dma_start3A_13 = tpu.memref_slice %arg6[%mul3A_0] : memref<32768xf32, #tpu.memory_space<hbm>> -> memref<2048xf32, #tpu.memory_space<hbm>>
    %dma_start3A_14 = tpu.memref_slice %arg6[%mul3A_0] : memref<32768xf32, #tpu.memory_space<hbm>> -> memref<2048xf32, #tpu.memory_space<hbm>>
    tpu.enqueue_dma source(%arg10 : memref<2048xf32, #tpu.memory_space<vmem>>) target(%dma_start3A_14 : memref<2048xf32, #tpu.memory_space<hbm>>) target_semaphore(%arg22 : memref<!tpu.dma_semaphore, #tpu.memory_space<semaphore_mem>>)
    %get3A = arith.constant 0 : index
    %get3A_15 = tpu.vector_load %arg16[%get3A] {strides = array<i32>} : memref<16xi32, #tpu.memory_space<vmem>>, vector<16xi32>,
    %slice3A = vector.extract_strided_slice %get3A_15 {offsets = [0], sizes = [1], strides = [1]} : vector<16xi32> to vector<1xi32>
    %squeeze3A = vector.extract %slice3A[0] : i32 from vector<1xi32>
    %slice3A_16 = vector.extract_strided_slice %get3A_15 {offsets = [1], sizes = [1], strides = [1]} : vector<16xi32> to vector<1xi32>
    %squeeze3A_17 = vector.extract %slice3A_16[0] : i32 from vector<1xi32>
    %sub3A = arith.subi %squeeze3A, %mul3A_0 : i32
    %jit3A = arith.constant 0 : i32
    %jit3A_18 = arith.constant 2048 : i32
    %max3A = arith.maxsi %jit3A, %sub3A : i32
    %min3A = arith.minsi %jit3A_18, %max3A : i32
    %sub3A_19 = arith.subi %squeeze3A_17, %mul3A_0 : i32
    %jit3A_20 = arith.constant 0 : i32
    %jit3A_21 = arith.constant 2048 : i32
    %max3A_22 = arith.maxsi %jit3A_20, %sub3A_19 : i32
    %min3A_23 = arith.minsi %jit3A_21, %max3A_22 : i32
    %slice3A_24 = vector.extract_strided_slice %get3A_15 {offsets = [1], sizes = [1], strides = [1]} : vector<16xi32> to vector<1xi32>
    %squeeze3A_25 = vector.extract %slice3A_24[0] : i32 from vector<1xi32>
    %slice3A_26 = vector.extract_strided_slice %get3A_15 {offsets = [2], sizes = [1], strides = [1]} : vector<16xi32> to vector<1xi32>
    %squeeze3A_27 = vector.extract %slice3A_26[0] : i32 from vector<1xi32>
    %sub3A_28 = arith.subi %squeeze3A_25, %mul3A_0 : i32
    %jit3A_29 = arith.constant 0 : i32
    %jit3A_30 = arith.constant 2048 : i32
    %max3A_31 = arith.maxsi %jit3A_29, %sub3A_28 : i32
    %min3A_32 = arith.minsi %jit3A_30, %max3A_31 : i32
    %sub3A_33 = arith.subi %squeeze3A_27, %mul3A_0 : i32
    %jit3A_34 = arith.constant 0 : i32
    %jit3A_35 = arith.constant 2048 : i32
    %max3A_36 = arith.maxsi %jit3A_34, %sub3A_33 : i32
    %min3A_37 = arith.minsi %jit3A_35, %max3A_36 : i32
    %slice3A_38 = vector.extract_strided_slice %get3A_15 {offsets = [2], sizes = [1], strides = [1]} : vector<16xi32> to vector<1xi32>
    %squeeze3A_39 = vector.extract %slice3A_38[0] : i32 from vector<1xi32>
    %slice3A_40 = vector.extract_strided_slice %get3A_15 {offsets = [3], sizes = [1], strides = [1]} : vector<16xi32> to vector<1xi32>
    %squeeze3A_41 = vector.extract %slice3A_40[0] : i32 from vector<1xi32>
    %sub3A_42 = arith.subi %squeeze3A_39, %mul3A_0 : i32
    %jit3A_43 = arith.constant 0 : i32
    %jit3A_44 = arith.constant 2048 : i32
    %max3A_45 = arith.maxsi %jit3A_43, %sub3A_42 : i32
    %min3A_46 = arith.minsi %jit3A_44, %max3A_45 : i32
    %sub3A_47 = arith.subi %squeeze3A_41, %mul3A_0 : i32
    %jit3A_48 = arith.constant 0 : i32
    %jit3A_49 = arith.constant 2048 : i32
    %max3A_50 = arith.maxsi %jit3A_48, %sub3A_47 : i32
    %min3A_51 = arith.minsi %jit3A_49, %max3A_50 : i32
    %slice3A_52 = vector.extract_strided_slice %get3A_15 {offsets = [3], sizes = [1], strides = [1]} : vector<16xi32> to vector<1xi32>
    %squeeze3A_53 = vector.extract %slice3A_52[0] : i32 from vector<1xi32>
    %slice3A_54 = vector.extract_strided_slice %get3A_15 {offsets = [4], sizes = [1], strides = [1]} : vector<16xi32> to vector<1xi32>
    %squeeze3A_55 = vector.extract %slice3A_54[0] : i32 from vector<1xi32>
    %sub3A_56 = arith.subi %squeeze3A_53, %mul3A_0 : i32
    %jit3A_57 = arith.constant 0 : i32
    %jit3A_58 = arith.constant 2048 : i32
    %max3A_59 = arith.maxsi %jit3A_57, %sub3A_56 : i32
    %min3A_60 = arith.minsi %jit3A_58, %max3A_59 : i32
    %sub3A_61 = arith.subi %squeeze3A_55, %mul3A_0 : i32
    %jit3A_62 = arith.constant 0 : i32
    %jit3A_63 = arith.constant 2048 : i32
    %max3A_64 = arith.maxsi %jit3A_62, %sub3A_61 : i32
    %min3A_65 = arith.minsi %jit3A_63, %max3A_64 : i32
    %slice3A_66 = vector.extract_strided_slice %get3A_15 {offsets = [4], sizes = [1], strides = [1]} : vector<16xi32> to vector<1xi32>
    %squeeze3A_67 = vector.extract %slice3A_66[0] : i32 from vector<1xi32>
    %slice3A_68 = vector.extract_strided_slice %get3A_15 {offsets = [5], sizes = [1], strides = [1]} : vector<16xi32> to vector<1xi32>
    %squeeze3A_69 = vector.extract %slice3A_68[0] : i32 from vector<1xi32>
    %sub3A_70 = arith.subi %squeeze3A_67, %mul3A_0 : i32
    %jit3A_71 = arith.constant 0 : i32
    %jit3A_72 = arith.constant 2048 : i32
    %max3A_73 = arith.maxsi %jit3A_71, %sub3A_70 : i32
    %min3A_74 = arith.minsi %jit3A_72, %max3A_73 : i32
    %sub3A_75 = arith.subi %squeeze3A_69, %mul3A_0 : i32
    %jit3A_76 = arith.constant 0 : i32
    %jit3A_77 = arith.constant 2048 : i32
    %max3A_78 = arith.maxsi %jit3A_76, %sub3A_75 : i32
    %min3A_79 = arith.minsi %jit3A_77, %max3A_78 : i32
    %slice3A_80 = vector.extract_strided_slice %get3A_15 {offsets = [5], sizes = [1], strides = [1]} : vector<16xi32> to vector<1xi32>
    %squeeze3A_81 = vector.extract %slice3A_80[0] : i32 from vector<1xi32>
    %slice3A_82 = vector.extract_strided_slice %get3A_15 {offsets = [6], sizes = [1], strides = [1]} : vector<16xi32> to vector<1xi32>
    %squeeze3A_83 = vector.extract %slice3A_82[0] : i32 from vector<1xi32>
    %sub3A_84 = arith.subi %squeeze3A_81, %mul3A_0 : i32
    %jit3A_85 = arith.constant 0 : i32
    %jit3A_86 = arith.constant 2048 : i32
    %max3A_87 = arith.maxsi %jit3A_85, %sub3A_84 : i32
    %min3A_88 = arith.minsi %jit3A_86, %max3A_87 : i32
    %sub3A_89 = arith.subi %squeeze3A_83, %mul3A_0 : i32
    %jit3A_90 = arith.constant 0 : i32
    %jit3A_91 = arith.constant 2048 : i32
    %max3A_92 = arith.maxsi %jit3A_90, %sub3A_89 : i32
    %min3A_93 = arith.minsi %jit3A_91, %max3A_92 : i32
    %slice3A_94 = vector.extract_strided_slice %get3A_15 {offsets = [6], sizes = [1], strides = [1]} : vector<16xi32> to vector<1xi32>
    %squeeze3A_95 = vector.extract %slice3A_94[0] : i32 from vector<1xi32>
    %slice3A_96 = vector.extract_strided_slice %get3A_15 {offsets = [7], sizes = [1], strides = [1]} : vector<16xi32> to vector<1xi32>
    %squeeze3A_97 = vector.extract %slice3A_96[0] : i32 from vector<1xi32>
    %sub3A_98 = arith.subi %squeeze3A_95, %mul3A_0 : i32
    %jit3A_99 = arith.constant 0 : i32
    %jit3A_100 = arith.constant 2048 : i32
    %max3A_101 = arith.maxsi %jit3A_99, %sub3A_98 : i32
    %min3A_102 = arith.minsi %jit3A_100, %max3A_101 : i32
    %sub3A_103 = arith.subi %squeeze3A_97, %mul3A_0 : i32
    %jit3A_104 = arith.constant 0 : i32
    %jit3A_105 = arith.constant 2048 : i32
    %max3A_106 = arith.maxsi %jit3A_104, %sub3A_103 : i32
    %min3A_107 = arith.minsi %jit3A_105, %max3A_106 : i32
    %slice3A_108 = vector.extract_strided_slice %get3A_15 {offsets = [7], sizes = [1], strides = [1]} : vector<16xi32> to vector<1xi32>
    %squeeze3A_109 = vector.extract %slice3A_108[0] : i32 from vector<1xi32>
    %slice3A_110 = vector.extract_strided_slice %get3A_15 {offsets = [8], sizes = [1], strides = [1]} : vector<16xi32> to vector<1xi32>
    %squeeze3A_111 = vector.extract %slice3A_110[0] : i32 from vector<1xi32>
    %sub3A_112 = arith.subi %squeeze3A_109, %mul3A_0 : i32
    %jit3A_113 = arith.constant 0 : i32
    %jit3A_114 = arith.constant 2048 : i32
    %max3A_115 = arith.maxsi %jit3A_113, %sub3A_112 : i32
    %min3A_116 = arith.minsi %jit3A_114, %max3A_115 : i32
    %sub3A_117 = arith.subi %squeeze3A_111, %mul3A_0 : i32
    %jit3A_118 = arith.constant 0 : i32
    %jit3A_119 = arith.constant 2048 : i32
    %max3A_120 = arith.maxsi %jit3A_118, %sub3A_117 : i32
    %min3A_121 = arith.minsi %jit3A_119, %max3A_120 : i32
    %slice3A_122 = vector.extract_strided_slice %get3A_15 {offsets = [8], sizes = [1], strides = [1]} : vector<16xi32> to vector<1xi32>
    %squeeze3A_123 = vector.extract %slice3A_122[0] : i32 from vector<1xi32>
    %slice3A_124 = vector.extract_strided_slice %get3A_15 {offsets = [9], sizes = [1], strides = [1]} : vector<16xi32> to vector<1xi32>
    %squeeze3A_125 = vector.extract %slice3A_124[0] : i32 from vector<1xi32>
    %sub3A_126 = arith.subi %squeeze3A_123, %mul3A_0 : i32
    %jit3A_127 = arith.constant 0 : i32
    %jit3A_128 = arith.constant 2048 : i32
    %max3A_129 = arith.maxsi %jit3A_127, %sub3A_126 : i32
    %min3A_130 = arith.minsi %jit3A_128, %max3A_129 : i32
    %sub3A_131 = arith.subi %squeeze3A_125, %mul3A_0 : i32
    %jit3A_132 = arith.constant 0 : i32
    %jit3A_133 = arith.constant 2048 : i32
    %max3A_134 = arith.maxsi %jit3A_132, %sub3A_131 : i32
    %min3A_135 = arith.minsi %jit3A_133, %max3A_134 : i32
    %slice3A_136 = vector.extract_strided_slice %get3A_15 {offsets = [9], sizes = [1], strides = [1]} : vector<16xi32> to vector<1xi32>
    %squeeze3A_137 = vector.extract %slice3A_136[0] : i32 from vector<1xi32>
    %slice3A_138 = vector.extract_strided_slice %get3A_15 {offsets = [10], sizes = [1], strides = [1]} : vector<16xi32> to vector<1xi32>
    %squeeze3A_139 = vector.extract %slice3A_138[0] : i32 from vector<1xi32>
    %sub3A_140 = arith.subi %squeeze3A_137, %mul3A_0 : i32
    %jit3A_141 = arith.constant 0 : i32
    %jit3A_142 = arith.constant 2048 : i32
    %max3A_143 = arith.maxsi %jit3A_141, %sub3A_140 : i32
    %min3A_144 = arith.minsi %jit3A_142, %max3A_143 : i32
    %sub3A_145 = arith.subi %squeeze3A_139, %mul3A_0 : i32
    %jit3A_146 = arith.constant 0 : i32
    %jit3A_147 = arith.constant 2048 : i32
    %max3A_148 = arith.maxsi %jit3A_146, %sub3A_145 : i32
    %min3A_149 = arith.minsi %jit3A_147, %max3A_148 : i32
    %slice3A_150 = vector.extract_strided_slice %get3A_15 {offsets = [10], sizes = [1], strides = [1]} : vector<16xi32> to vector<1xi32>
    %squeeze3A_151 = vector.extract %slice3A_150[0] : i32 from vector<1xi32>
    %slice3A_152 = vector.extract_strided_slice %get3A_15 {offsets = [11], sizes = [1], strides = [1]} : vector<16xi32> to vector<1xi32>
    %squeeze3A_153 = vector.extract %slice3A_152[0] : i32 from vector<1xi32>
    %sub3A_154 = arith.subi %squeeze3A_151, %mul3A_0 : i32
    %jit3A_155 = arith.constant 0 : i32
    %jit3A_156 = arith.constant 2048 : i32
    %max3A_157 = arith.maxsi %jit3A_155, %sub3A_154 : i32
    %min3A_158 = arith.minsi %jit3A_156, %max3A_157 : i32
    %sub3A_159 = arith.subi %squeeze3A_153, %mul3A_0 : i32
    %jit3A_160 = arith.constant 0 : i32
    %jit3A_161 = arith.constant 2048 : i32
    %max3A_162 = arith.maxsi %jit3A_160, %sub3A_159 : i32
    %min3A_163 = arith.minsi %jit3A_161, %max3A_162 : i32
    %slice3A_164 = vector.extract_strided_slice %get3A_15 {offsets = [11], sizes = [1], strides = [1]} : vector<16xi32> to vector<1xi32>
    %squeeze3A_165 = vector.extract %slice3A_164[0] : i32 from vector<1xi32>
    %slice3A_166 = vector.extract_strided_slice %get3A_15 {offsets = [12], sizes = [1], strides = [1]} : vector<16xi32> to vector<1xi32>
    %squeeze3A_167 = vector.extract %slice3A_166[0] : i32 from vector<1xi32>
    %sub3A_168 = arith.subi %squeeze3A_165, %mul3A_0 : i32
    %jit3A_169 = arith.constant 0 : i32
    %jit3A_170 = arith.constant 2048 : i32
    %max3A_171 = arith.maxsi %jit3A_169, %sub3A_168 : i32
    %min3A_172 = arith.minsi %jit3A_170, %max3A_171 : i32
    %sub3A_173 = arith.subi %squeeze3A_167, %mul3A_0 : i32
    %jit3A_174 = arith.constant 0 : i32
    %jit3A_175 = arith.constant 2048 : i32
    %max3A_176 = arith.maxsi %jit3A_174, %sub3A_173 : i32
    %min3A_177 = arith.minsi %jit3A_175, %max3A_176 : i32
    %slice3A_178 = vector.extract_strided_slice %get3A_15 {offsets = [12], sizes = [1], strides = [1]} : vector<16xi32> to vector<1xi32>
    %squeeze3A_179 = vector.extract %slice3A_178[0] : i32 from vector<1xi32>
    %slice3A_180 = vector.extract_strided_slice %get3A_15 {offsets = [13], sizes = [1], strides = [1]} : vector<16xi32> to vector<1xi32>
    %squeeze3A_181 = vector.extract %slice3A_180[0] : i32 from vector<1xi32>
    %sub3A_182 = arith.subi %squeeze3A_179, %mul3A_0 : i32
    %jit3A_183 = arith.constant 0 : i32
    %jit3A_184 = arith.constant 2048 : i32
    %max3A_185 = arith.maxsi %jit3A_183, %sub3A_182 : i32
    %min3A_186 = arith.minsi %jit3A_184, %max3A_185 : i32
    %sub3A_187 = arith.subi %squeeze3A_181, %mul3A_0 : i32
    %jit3A_188 = arith.constant 0 : i32
    %jit3A_189 = arith.constant 2048 : i32
    %max3A_190 = arith.maxsi %jit3A_188, %sub3A_187 : i32
    %min3A_191 = arith.minsi %jit3A_189, %max3A_190 : i32
    %slice3A_192 = vector.extract_strided_slice %get3A_15 {offsets = [13], sizes = [1], strides = [1]} : vector<16xi32> to vector<1xi32>
    %squeeze3A_193 = vector.extract %slice3A_192[0] : i32 from vector<1xi32>
    %slice3A_194 = vector.extract_strided_slice %get3A_15 {offsets = [14], sizes = [1], strides = [1]} : vector<16xi32> to vector<1xi32>
    %squeeze3A_195 = vector.extract %slice3A_194[0] : i32 from vector<1xi32>
    %sub3A_196 = arith.subi %squeeze3A_193, %mul3A_0 : i32
    %jit3A_197 = arith.constant 0 : i32
    %jit3A_198 = arith.constant 2048 : i32
    %max3A_199 = arith.maxsi %jit3A_197, %sub3A_196 : i32
    %min3A_200 = arith.minsi %jit3A_198, %max3A_199 : i32
    %sub3A_201 = arith.subi %squeeze3A_195, %mul3A_0 : i32
    %jit3A_202 = arith.constant 0 : i32
    %jit3A_203 = arith.constant 2048 : i32
    %max3A_204 = arith.maxsi %jit3A_202, %sub3A_201 : i32
    %min3A_205 = arith.minsi %jit3A_203, %max3A_204 : i32
    %slice3A_206 = vector.extract_strided_slice %get3A_15 {offsets = [14], sizes = [1], strides = [1]} : vector<16xi32> to vector<1xi32>
    %squeeze3A_207 = vector.extract %slice3A_206[0] : i32 from vector<1xi32>
    %slice3A_208 = vector.extract_strided_slice %get3A_15 {offsets = [15], sizes = [1], strides = [1]} : vector<16xi32> to vector<1xi32>
    %squeeze3A_209 = vector.extract %slice3A_208[0] : i32 from vector<1xi32>
    %sub3A_210 = arith.subi %squeeze3A_207, %mul3A_0 : i32
    %jit3A_211 = arith.constant 0 : i32
    %jit3A_212 = arith.constant 2048 : i32
    %max3A_213 = arith.maxsi %jit3A_211, %sub3A_210 : i32
    %min3A_214 = arith.minsi %jit3A_212, %max3A_213 : i32
    %sub3A_215 = arith.subi %squeeze3A_209, %mul3A_0 : i32
    %jit3A_216 = arith.constant 0 : i32
    %jit3A_217 = arith.constant 2048 : i32
    %max3A_218 = arith.maxsi %jit3A_216, %sub3A_215 : i32
    %min3A_219 = arith.minsi %jit3A_217, %max3A_218 : i32
    %slice3A_220 = vector.extract_strided_slice %get3A_15 {offsets = [15], sizes = [1], strides = [1]} : vector<16xi32> to vector<1xi32>
    %squeeze3A_221 = vector.extract %slice3A_220[0] : i32 from vector<1xi32>
    %sub3A_222 = arith.subi %squeeze3A_221, %mul3A_0 : i32
    %jit3A_223 = arith.constant 0 : i32
    %jit3A_224 = arith.constant 2048 : i32
    %max3A_225 = arith.maxsi %jit3A_223, %sub3A_222 : i32
    %min3A_226 = arith.minsi %jit3A_224, %max3A_225 : i32
    %sub3A_227 = arith.constant 32768 : i32
    %sub3A_228 = arith.subi %sub3A_227, %mul3A_0 : i32
    %jit3A_229 = arith.constant 0 : i32
    %jit3A_230 = arith.constant 2048 : i32
    %max3A_231 = arith.maxsi %jit3A_229, %sub3A_228 : i32
    %min3A_232 = arith.minsi %jit3A_230, %max3A_231 : i32
    %shift_right_arithmetic3A = arith.constant 4 : i32
    %shift_right_arithmetic3A_233 = arith.shrsi %min3A, %shift_right_arithmetic3A : i32
    %add3A = arith.constant 15 : i32
    %add3A_234 = arith.addi %min3A_23, %add3A : i32
    %shift_right_arithmetic3A_235 = arith.constant 4 : i32
    %shift_right_arithmetic3A_236 = arith.shrsi %add3A_234, %shift_right_arithmetic3A_235 : i32
    %while3A = arith.subi %shift_right_arithmetic3A_236, %shift_right_arithmetic3A_233 : i32
    %while3A_237 = arith.addi %shift_right_arithmetic3A_233, %while3A : i32
    %while3A_238 = arith.constant 1 : i32
    %while3A_239 = arith.divsi %while3A, %while3A_238 : i32
    %while3A_240 = arith.muli %while3A_239, %while3A_238 : i32
    %while3A_241 = arith.addi %shift_right_arithmetic3A_233, %while3A_240 : i32
    %while3A_242 = arith.constant 1 : i32
    %while3A_243 = scf.for %while3A_1271 = %shift_right_arithmetic3A_233 to %while3A_241 step %while3A_242 iter_args(%while3A_1272 = %broadcast_in_dim3A_7) -> (vector<16xf32>)  : i32 {
      %mul3A_1273 = arith.constant 16 : i32
      %mul3A_1274 = arith.muli %while3A_1271, %mul3A_1273 : i32
      %add3A_1275 = vector.broadcast %mul3A_1274 : i32 to vector<16xi32>
      %add3A_1276 = arith.addi %iota3A, %add3A_1275 : vector<16xi32>
      %mul3A_1277 = arith.constant 16 : i32
      %mul3A_1278 = arith.muli %while3A_1271, %mul3A_1277 : i32
      %get3A_1279 = arith.index_cast %mul3A_1278 : i32 to index
      %get3A_1280 = tpu.vector_load %arg10[%get3A_1279] {strides = array<i32>} : memref<2048xf32, #tpu.memory_space<vmem>>, vector<16xf32>,
      %ge3A = vector.broadcast %min3A : i32 to vector<16xi32>
      %ge3A_1281 = arith.cmpi sge, %add3A_1276, %ge3A : vector<16xi32>
      %lt3A = vector.broadcast %min3A_23 : i32 to vector<16xi32>
      %lt3A_1282 = arith.cmpi slt, %add3A_1276, %lt3A : vector<16xi32>
      %and3A = arith.andi %ge3A_1281, %lt3A_1282 : vector<16xi1>
      %select_n3A_1283 = arith.select %and3A, %get3A_1280, %broadcast_in_dim3A_7 : vector<16xi1>, vector<16xf32>
      %max3A_1284 = arith.maximumf %while3A_1272, %select_n3A_1283 : vector<16xf32>
      scf.yield %max3A_1284 : vector<16xf32>
    }
    %while3A_244 = arith.constant 1 : i32
    %while3A_245 = scf.for %while3A_1271 = %while3A_241 to %while3A_237 step %while3A_244 iter_args(%while3A_1272 = %while3A_243) -> (vector<16xf32>)  : i32 {
      %mul3A_1273 = arith.constant 16 : i32
      %mul3A_1274 = arith.muli %while3A_1271, %mul3A_1273 : i32
      %add3A_1275 = vector.broadcast %mul3A_1274 : i32 to vector<16xi32>
      %add3A_1276 = arith.addi %iota3A, %add3A_1275 : vector<16xi32>
      %mul3A_1277 = arith.constant 16 : i32
      %mul3A_1278 = arith.muli %while3A_1271, %mul3A_1277 : i32
      %get3A_1279 = arith.index_cast %mul3A_1278 : i32 to index
      %get3A_1280 = tpu.vector_load %arg10[%get3A_1279] {strides = array<i32>} : memref<2048xf32, #tpu.memory_space<vmem>>, vector<16xf32>,
      %ge3A = vector.broadcast %min3A : i32 to vector<16xi32>
      %ge3A_1281 = arith.cmpi sge, %add3A_1276, %ge3A : vector<16xi32>
      %lt3A = vector.broadcast %min3A_23 : i32 to vector<16xi32>
      %lt3A_1282 = arith.cmpi slt, %add3A_1276, %lt3A : vector<16xi32>
      %and3A = arith.andi %ge3A_1281, %lt3A_1282 : vector<16xi1>
      %select_n3A_1283 = arith.select %and3A, %get3A_1280, %broadcast_in_dim3A_7 : vector<16xi1>, vector<16xf32>
      %max3A_1284 = arith.maximumf %while3A_1272, %select_n3A_1283 : vector<16xf32>
      scf.yield %max3A_1284 : vector<16xf32>
    }
    %eq3A = arith.constant 0 : i32
    %eq3A_246 = vector.broadcast %eq3A : i32 to vector<16xi32>
    %eq3A_247 = arith.cmpi eq, %iota3A, %eq3A_246 : vector<16xi32>
    %reduce_max3A = arith.constant true
    %reduce_max3A_248 = vector.broadcast %reduce_max3A : i1 to vector<16xi1>
    %reduce_max3A_249 = tpu.scan <max>, %while3A_245 masked %reduce_max3A_248 : vector<16xf32>, vector<16xi1> -> vector<16xf32>
    %reduce_max3A_250 = vector.extract %reduce_max3A_249[15] : f32 from vector<16xf32>
    %max3A_251 = vector.broadcast %reduce_max3A_250 : f32 to vector<16xf32>
    %max3A_252 = arith.maximumf %broadcast_in_dim3A_7, %max3A_251 : vector<16xf32>
    %select_n3A = arith.select %eq3A_247, %max3A_252, %broadcast_in_dim3A_7 : vector<16xi1>, vector<16xf32>
    %shift_right_arithmetic3A_253 = arith.constant 4 : i32
    %shift_right_arithmetic3A_254 = arith.shrsi %min3A_32, %shift_right_arithmetic3A_253 : i32
    %add3A_255 = arith.constant 15 : i32
    %add3A_256 = arith.addi %min3A_37, %add3A_255 : i32
    %shift_right_arithmetic3A_257 = arith.constant 4 : i32
    %shift_right_arithmetic3A_258 = arith.shrsi %add3A_256, %shift_right_arithmetic3A_257 : i32
    %while3A_259 = arith.subi %shift_right_arithmetic3A_258, %shift_right_arithmetic3A_254 : i32
    %while3A_260 = arith.addi %shift_right_arithmetic3A_254, %while3A_259 : i32
    %while3A_261 = arith.constant 1 : i32
    %while3A_262 = arith.divsi %while3A_259, %while3A_261 : i32
    %while3A_263 = arith.muli %while3A_262, %while3A_261 : i32
    %while3A_264 = arith.addi %shift_right_arithmetic3A_254, %while3A_263 : i32
    %while3A_265 = arith.constant 1 : i32
    %while3A_266 = scf.for %while3A_1271 = %shift_right_arithmetic3A_254 to %while3A_264 step %while3A_265 iter_args(%while3A_1272 = %broadcast_in_dim3A_7) -> (vector<16xf32>)  : i32 {
      %mul3A_1273 = arith.constant 16 : i32
      %mul3A_1274 = arith.muli %while3A_1271, %mul3A_1273 : i32
      %add3A_1275 = vector.broadcast %mul3A_1274 : i32 to vector<16xi32>
      %add3A_1276 = arith.addi %iota3A, %add3A_1275 : vector<16xi32>
      %mul3A_1277 = arith.constant 16 : i32
      %mul3A_1278 = arith.muli %while3A_1271, %mul3A_1277 : i32
      %get3A_1279 = arith.index_cast %mul3A_1278 : i32 to index
      %get3A_1280 = tpu.vector_load %arg10[%get3A_1279] {strides = array<i32>} : memref<2048xf32, #tpu.memory_space<vmem>>, vector<16xf32>,
      %ge3A = vector.broadcast %min3A_32 : i32 to vector<16xi32>
      %ge3A_1281 = arith.cmpi sge, %add3A_1276, %ge3A : vector<16xi32>
      %lt3A = vector.broadcast %min3A_37 : i32 to vector<16xi32>
      %lt3A_1282 = arith.cmpi slt, %add3A_1276, %lt3A : vector<16xi32>
      %and3A = arith.andi %ge3A_1281, %lt3A_1282 : vector<16xi1>
      %select_n3A_1283 = arith.select %and3A, %get3A_1280, %broadcast_in_dim3A_7 : vector<16xi1>, vector<16xf32>
      %max3A_1284 = arith.maximumf %while3A_1272, %select_n3A_1283 : vector<16xf32>
      scf.yield %max3A_1284 : vector<16xf32>
    }
    %while3A_267 = arith.constant 1 : i32
    %while3A_268 = scf.for %while3A_1271 = %while3A_264 to %while3A_260 step %while3A_267 iter_args(%while3A_1272 = %while3A_266) -> (vector<16xf32>)  : i32 {
      %mul3A_1273 = arith.constant 16 : i32
      %mul3A_1274 = arith.muli %while3A_1271, %mul3A_1273 : i32
      %add3A_1275 = vector.broadcast %mul3A_1274 : i32 to vector<16xi32>
      %add3A_1276 = arith.addi %iota3A, %add3A_1275 : vector<16xi32>
      %mul3A_1277 = arith.constant 16 : i32
      %mul3A_1278 = arith.muli %while3A_1271, %mul3A_1277 : i32
      %get3A_1279 = arith.index_cast %mul3A_1278 : i32 to index
      %get3A_1280 = tpu.vector_load %arg10[%get3A_1279] {strides = array<i32>} : memref<2048xf32, #tpu.memory_space<vmem>>, vector<16xf32>,
      %ge3A = vector.broadcast %min3A_32 : i32 to vector<16xi32>
      %ge3A_1281 = arith.cmpi sge, %add3A_1276, %ge3A : vector<16xi32>
      %lt3A = vector.broadcast %min3A_37 : i32 to vector<16xi32>
      %lt3A_1282 = arith.cmpi slt, %add3A_1276, %lt3A : vector<16xi32>
      %and3A = arith.andi %ge3A_1281, %lt3A_1282 : vector<16xi1>
      %select_n3A_1283 = arith.select %and3A, %get3A_1280, %broadcast_in_dim3A_7 : vector<16xi1>, vector<16xf32>
      %max3A_1284 = arith.maximumf %while3A_1272, %select_n3A_1283 : vector<16xf32>
      scf.yield %max3A_1284 : vector<16xf32>
    }
    %eq3A_269 = arith.constant 1 : i32
    %eq3A_270 = vector.broadcast %eq3A_269 : i32 to vector<16xi32>
    %eq3A_271 = arith.cmpi eq, %iota3A, %eq3A_270 : vector<16xi32>
    %reduce_max3A_272 = arith.constant true
    %reduce_max3A_273 = vector.broadcast %reduce_max3A_272 : i1 to vector<16xi1>
    %reduce_max3A_274 = tpu.scan <max>, %while3A_268 masked %reduce_max3A_273 : vector<16xf32>, vector<16xi1> -> vector<16xf32>
    %reduce_max3A_275 = vector.extract %reduce_max3A_274[15] : f32 from vector<16xf32>
    %max3A_276 = vector.broadcast %reduce_max3A_275 : f32 to vector<16xf32>
    %max3A_277 = arith.maximumf %select_n3A, %max3A_276 : vector<16xf32>
    %select_n3A_278 = arith.select %eq3A_271, %max3A_277, %select_n3A : vector<16xi1>, vector<16xf32>
    %shift_right_arithmetic3A_279 = arith.constant 4 : i32
    %shift_right_arithmetic3A_280 = arith.shrsi %min3A_46, %shift_right_arithmetic3A_279 : i32
    %add3A_281 = arith.constant 15 : i32
    %add3A_282 = arith.addi %min3A_51, %add3A_281 : i32
    %shift_right_arithmetic3A_283 = arith.constant 4 : i32
    %shift_right_arithmetic3A_284 = arith.shrsi %add3A_282, %shift_right_arithmetic3A_283 : i32
    %while3A_285 = arith.subi %shift_right_arithmetic3A_284, %shift_right_arithmetic3A_280 : i32
    %while3A_286 = arith.addi %shift_right_arithmetic3A_280, %while3A_285 : i32
    %while3A_287 = arith.constant 1 : i32
    %while3A_288 = arith.divsi %while3A_285, %while3A_287 : i32
    %while3A_289 = arith.muli %while3A_288, %while3A_287 : i32
    %while3A_290 = arith.addi %shift_right_arithmetic3A_280, %while3A_289 : i32
    %while3A_291 = arith.constant 1 : i32
    %while3A_292 = scf.for %while3A_1271 = %shift_right_arithmetic3A_280 to %while3A_290 step %while3A_291 iter_args(%while3A_1272 = %broadcast_in_dim3A_7) -> (vector<16xf32>)  : i32 {
      %mul3A_1273 = arith.constant 16 : i32
      %mul3A_1274 = arith.muli %while3A_1271, %mul3A_1273 : i32
      %add3A_1275 = vector.broadcast %mul3A_1274 : i32 to vector<16xi32>
      %add3A_1276 = arith.addi %iota3A, %add3A_1275 : vector<16xi32>
      %mul3A_1277 = arith.constant 16 : i32
      %mul3A_1278 = arith.muli %while3A_1271, %mul3A_1277 : i32
      %get3A_1279 = arith.index_cast %mul3A_1278 : i32 to index
      %get3A_1280 = tpu.vector_load %arg10[%get3A_1279] {strides = array<i32>} : memref<2048xf32, #tpu.memory_space<vmem>>, vector<16xf32>,
      %ge3A = vector.broadcast %min3A_46 : i32 to vector<16xi32>
      %ge3A_1281 = arith.cmpi sge, %add3A_1276, %ge3A : vector<16xi32>
      %lt3A = vector.broadcast %min3A_51 : i32 to vector<16xi32>
      %lt3A_1282 = arith.cmpi slt, %add3A_1276, %lt3A : vector<16xi32>
      %and3A = arith.andi %ge3A_1281, %lt3A_1282 : vector<16xi1>
      %select_n3A_1283 = arith.select %and3A, %get3A_1280, %broadcast_in_dim3A_7 : vector<16xi1>, vector<16xf32>
      %max3A_1284 = arith.maximumf %while3A_1272, %select_n3A_1283 : vector<16xf32>
      scf.yield %max3A_1284 : vector<16xf32>
    }
    %while3A_293 = arith.constant 1 : i32
    %while3A_294 = scf.for %while3A_1271 = %while3A_290 to %while3A_286 step %while3A_293 iter_args(%while3A_1272 = %while3A_292) -> (vector<16xf32>)  : i32 {
      %mul3A_1273 = arith.constant 16 : i32
      %mul3A_1274 = arith.muli %while3A_1271, %mul3A_1273 : i32
      %add3A_1275 = vector.broadcast %mul3A_1274 : i32 to vector<16xi32>
      %add3A_1276 = arith.addi %iota3A, %add3A_1275 : vector<16xi32>
      %mul3A_1277 = arith.constant 16 : i32
      %mul3A_1278 = arith.muli %while3A_1271, %mul3A_1277 : i32
      %get3A_1279 = arith.index_cast %mul3A_1278 : i32 to index
      %get3A_1280 = tpu.vector_load %arg10[%get3A_1279] {strides = array<i32>} : memref<2048xf32, #tpu.memory_space<vmem>>, vector<16xf32>,
      %ge3A = vector.broadcast %min3A_46 : i32 to vector<16xi32>
      %ge3A_1281 = arith.cmpi sge, %add3A_1276, %ge3A : vector<16xi32>
      %lt3A = vector.broadcast %min3A_51 : i32 to vector<16xi32>
      %lt3A_1282 = arith.cmpi slt, %add3A_1276, %lt3A : vector<16xi32>
      %and3A = arith.andi %ge3A_1281, %lt3A_1282 : vector<16xi1>
      %select_n3A_1283 = arith.select %and3A, %get3A_1280, %broadcast_in_dim3A_7 : vector<16xi1>, vector<16xf32>
      %max3A_1284 = arith.maximumf %while3A_1272, %select_n3A_1283 : vector<16xf32>
      scf.yield %max3A_1284 : vector<16xf32>
    }
    %eq3A_295 = arith.constant 2 : i32
    %eq3A_296 = vector.broadcast %eq3A_295 : i32 to vector<16xi32>
    %eq3A_297 = arith.cmpi eq, %iota3A, %eq3A_296 : vector<16xi32>
    %reduce_max3A_298 = arith.constant true
    %reduce_max3A_299 = vector.broadcast %reduce_max3A_298 : i1 to vector<16xi1>
    %reduce_max3A_300 = tpu.scan <max>, %while3A_294 masked %reduce_max3A_299 : vector<16xf32>, vector<16xi1> -> vector<16xf32>
    %reduce_max3A_301 = vector.extract %reduce_max3A_300[15] : f32 from vector<16xf32>
    %max3A_302 = vector.broadcast %reduce_max3A_301 : f32 to vector<16xf32>
    %max3A_303 = arith.maximumf %select_n3A_278, %max3A_302 : vector<16xf32>
    %select_n3A_304 = arith.select %eq3A_297, %max3A_303, %select_n3A_278 : vector<16xi1>, vector<16xf32>
    %shift_right_arithmetic3A_305 = arith.constant 4 : i32
    %shift_right_arithmetic3A_306 = arith.shrsi %min3A_60, %shift_right_arithmetic3A_305 : i32
    %add3A_307 = arith.constant 15 : i32
    %add3A_308 = arith.addi %min3A_65, %add3A_307 : i32
    %shift_right_arithmetic3A_309 = arith.constant 4 : i32
    %shift_right_arithmetic3A_310 = arith.shrsi %add3A_308, %shift_right_arithmetic3A_309 : i32
    %while3A_311 = arith.subi %shift_right_arithmetic3A_310, %shift_right_arithmetic3A_306 : i32
    %while3A_312 = arith.addi %shift_right_arithmetic3A_306, %while3A_311 : i32
    %while3A_313 = arith.constant 1 : i32
    %while3A_314 = arith.divsi %while3A_311, %while3A_313 : i32
    %while3A_315 = arith.muli %while3A_314, %while3A_313 : i32
    %while3A_316 = arith.addi %shift_right_arithmetic3A_306, %while3A_315 : i32
    %while3A_317 = arith.constant 1 : i32
    %while3A_318 = scf.for %while3A_1271 = %shift_right_arithmetic3A_306 to %while3A_316 step %while3A_317 iter_args(%while3A_1272 = %broadcast_in_dim3A_7) -> (vector<16xf32>)  : i32 {
      %mul3A_1273 = arith.constant 16 : i32
      %mul3A_1274 = arith.muli %while3A_1271, %mul3A_1273 : i32
      %add3A_1275 = vector.broadcast %mul3A_1274 : i32 to vector<16xi32>
      %add3A_1276 = arith.addi %iota3A, %add3A_1275 : vector<16xi32>
      %mul3A_1277 = arith.constant 16 : i32
      %mul3A_1278 = arith.muli %while3A_1271, %mul3A_1277 : i32
      %get3A_1279 = arith.index_cast %mul3A_1278 : i32 to index
      %get3A_1280 = tpu.vector_load %arg10[%get3A_1279] {strides = array<i32>} : memref<2048xf32, #tpu.memory_space<vmem>>, vector<16xf32>,
      %ge3A = vector.broadcast %min3A_60 : i32 to vector<16xi32>
      %ge3A_1281 = arith.cmpi sge, %add3A_1276, %ge3A : vector<16xi32>
      %lt3A = vector.broadcast %min3A_65 : i32 to vector<16xi32>
      %lt3A_1282 = arith.cmpi slt, %add3A_1276, %lt3A : vector<16xi32>
      %and3A = arith.andi %ge3A_1281, %lt3A_1282 : vector<16xi1>
      %select_n3A_1283 = arith.select %and3A, %get3A_1280, %broadcast_in_dim3A_7 : vector<16xi1>, vector<16xf32>
      %max3A_1284 = arith.maximumf %while3A_1272, %select_n3A_1283 : vector<16xf32>
      scf.yield %max3A_1284 : vector<16xf32>
    }
    %while3A_319 = arith.constant 1 : i32
    %while3A_320 = scf.for %while3A_1271 = %while3A_316 to %while3A_312 step %while3A_319 iter_args(%while3A_1272 = %while3A_318) -> (vector<16xf32>)  : i32 {
      %mul3A_1273 = arith.constant 16 : i32
      %mul3A_1274 = arith.muli %while3A_1271, %mul3A_1273 : i32
      %add3A_1275 = vector.broadcast %mul3A_1274 : i32 to vector<16xi32>
      %add3A_1276 = arith.addi %iota3A, %add3A_1275 : vector<16xi32>
      %mul3A_1277 = arith.constant 16 : i32
      %mul3A_1278 = arith.muli %while3A_1271, %mul3A_1277 : i32
      %get3A_1279 = arith.index_cast %mul3A_1278 : i32 to index
      %get3A_1280 = tpu.vector_load %arg10[%get3A_1279] {strides = array<i32>} : memref<2048xf32, #tpu.memory_space<vmem>>, vector<16xf32>,
      %ge3A = vector.broadcast %min3A_60 : i32 to vector<16xi32>
      %ge3A_1281 = arith.cmpi sge, %add3A_1276, %ge3A : vector<16xi32>
      %lt3A = vector.broadcast %min3A_65 : i32 to vector<16xi32>
      %lt3A_1282 = arith.cmpi slt, %add3A_1276, %lt3A : vector<16xi32>
      %and3A = arith.andi %ge3A_1281, %lt3A_1282 : vector<16xi1>
      %select_n3A_1283 = arith.select %and3A, %get3A_1280, %broadcast_in_dim3A_7 : vector<16xi1>, vector<16xf32>
      %max3A_1284 = arith.maximumf %while3A_1272, %select_n3A_1283 : vector<16xf32>
      scf.yield %max3A_1284 : vector<16xf32>
    }
    %eq3A_321 = arith.constant 3 : i32
    %eq3A_322 = vector.broadcast %eq3A_321 : i32 to vector<16xi32>
    %eq3A_323 = arith.cmpi eq, %iota3A, %eq3A_322 : vector<16xi32>
    %reduce_max3A_324 = arith.constant true
    %reduce_max3A_325 = vector.broadcast %reduce_max3A_324 : i1 to vector<16xi1>
    %reduce_max3A_326 = tpu.scan <max>, %while3A_320 masked %reduce_max3A_325 : vector<16xf32>, vector<16xi1> -> vector<16xf32>
    %reduce_max3A_327 = vector.extract %reduce_max3A_326[15] : f32 from vector<16xf32>
    %max3A_328 = vector.broadcast %reduce_max3A_327 : f32 to vector<16xf32>
    %max3A_329 = arith.maximumf %select_n3A_304, %max3A_328 : vector<16xf32>
    %select_n3A_330 = arith.select %eq3A_323, %max3A_329, %select_n3A_304 : vector<16xi1>, vector<16xf32>
    %shift_right_arithmetic3A_331 = arith.constant 4 : i32
    %shift_right_arithmetic3A_332 = arith.shrsi %min3A_74, %shift_right_arithmetic3A_331 : i32
    %add3A_333 = arith.constant 15 : i32
    %add3A_334 = arith.addi %min3A_79, %add3A_333 : i32
    %shift_right_arithmetic3A_335 = arith.constant 4 : i32
    %shift_right_arithmetic3A_336 = arith.shrsi %add3A_334, %shift_right_arithmetic3A_335 : i32
    %while3A_337 = arith.subi %shift_right_arithmetic3A_336, %shift_right_arithmetic3A_332 : i32
    %while3A_338 = arith.addi %shift_right_arithmetic3A_332, %while3A_337 : i32
    %while3A_339 = arith.constant 1 : i32
    %while3A_340 = arith.divsi %while3A_337, %while3A_339 : i32
    %while3A_341 = arith.muli %while3A_340, %while3A_339 : i32
    %while3A_342 = arith.addi %shift_right_arithmetic3A_332, %while3A_341 : i32
    %while3A_343 = arith.constant 1 : i32
    %while3A_344 = scf.for %while3A_1271 = %shift_right_arithmetic3A_332 to %while3A_342 step %while3A_343 iter_args(%while3A_1272 = %broadcast_in_dim3A_7) -> (vector<16xf32>)  : i32 {
      %mul3A_1273 = arith.constant 16 : i32
      %mul3A_1274 = arith.muli %while3A_1271, %mul3A_1273 : i32
      %add3A_1275 = vector.broadcast %mul3A_1274 : i32 to vector<16xi32>
      %add3A_1276 = arith.addi %iota3A, %add3A_1275 : vector<16xi32>
      %mul3A_1277 = arith.constant 16 : i32
      %mul3A_1278 = arith.muli %while3A_1271, %mul3A_1277 : i32
      %get3A_1279 = arith.index_cast %mul3A_1278 : i32 to index
      %get3A_1280 = tpu.vector_load %arg10[%get3A_1279] {strides = array<i32>} : memref<2048xf32, #tpu.memory_space<vmem>>, vector<16xf32>,
      %ge3A = vector.broadcast %min3A_74 : i32 to vector<16xi32>
      %ge3A_1281 = arith.cmpi sge, %add3A_1276, %ge3A : vector<16xi32>
      %lt3A = vector.broadcast %min3A_79 : i32 to vector<16xi32>
      %lt3A_1282 = arith.cmpi slt, %add3A_1276, %lt3A : vector<16xi32>
      %and3A = arith.andi %ge3A_1281, %lt3A_1282 : vector<16xi1>
      %select_n3A_1283 = arith.select %and3A, %get3A_1280, %broadcast_in_dim3A_7 : vector<16xi1>, vector<16xf32>
      %max3A_1284 = arith.maximumf %while3A_1272, %select_n3A_1283 : vector<16xf32>
      scf.yield %max3A_1284 : vector<16xf32>
    }
    %while3A_345 = arith.constant 1 : i32
    %while3A_346 = scf.for %while3A_1271 = %while3A_342 to %while3A_338 step %while3A_345 iter_args(%while3A_1272 = %while3A_344) -> (vector<16xf32>)  : i32 {
      %mul3A_1273 = arith.constant 16 : i32
      %mul3A_1274 = arith.muli %while3A_1271, %mul3A_1273 : i32
      %add3A_1275 = vector.broadcast %mul3A_1274 : i32 to vector<16xi32>
      %add3A_1276 = arith.addi %iota3A, %add3A_1275 : vector<16xi32>
      %mul3A_1277 = arith.constant 16 : i32
      %mul3A_1278 = arith.muli %while3A_1271, %mul3A_1277 : i32
      %get3A_1279 = arith.index_cast %mul3A_1278 : i32 to index
      %get3A_1280 = tpu.vector_load %arg10[%get3A_1279] {strides = array<i32>} : memref<2048xf32, #tpu.memory_space<vmem>>, vector<16xf32>,
      %ge3A = vector.broadcast %min3A_74 : i32 to vector<16xi32>
      %ge3A_1281 = arith.cmpi sge, %add3A_1276, %ge3A : vector<16xi32>
      %lt3A = vector.broadcast %min3A_79 : i32 to vector<16xi32>
      %lt3A_1282 = arith.cmpi slt, %add3A_1276, %lt3A : vector<16xi32>
      %and3A = arith.andi %ge3A_1281, %lt3A_1282 : vector<16xi1>
      %select_n3A_1283 = arith.select %and3A, %get3A_1280, %broadcast_in_dim3A_7 : vector<16xi1>, vector<16xf32>
      %max3A_1284 = arith.maximumf %while3A_1272, %select_n3A_1283 : vector<16xf32>
      scf.yield %max3A_1284 : vector<16xf32>
    }
    %eq3A_347 = arith.constant 4 : i32
    %eq3A_348 = vector.broadcast %eq3A_347 : i32 to vector<16xi32>
    %eq3A_349 = arith.cmpi eq, %iota3A, %eq3A_348 : vector<16xi32>
    %reduce_max3A_350 = arith.constant true
    %reduce_max3A_351 = vector.broadcast %reduce_max3A_350 : i1 to vector<16xi1>
    %reduce_max3A_352 = tpu.scan <max>, %while3A_346 masked %reduce_max3A_351 : vector<16xf32>, vector<16xi1> -> vector<16xf32>
    %reduce_max3A_353 = vector.extract %reduce_max3A_352[15] : f32 from vector<16xf32>
    %max3A_354 = vector.broadcast %reduce_max3A_353 : f32 to vector<16xf32>
    %max3A_355 = arith.maximumf %select_n3A_330, %max3A_354 : vector<16xf32>
    %select_n3A_356 = arith.select %eq3A_349, %max3A_355, %select_n3A_330 : vector<16xi1>, vector<16xf32>
    %shift_right_arithmetic3A_357 = arith.constant 4 : i32
    %shift_right_arithmetic3A_358 = arith.shrsi %min3A_88, %shift_right_arithmetic3A_357 : i32
    %add3A_359 = arith.constant 15 : i32
    %add3A_360 = arith.addi %min3A_93, %add3A_359 : i32
    %shift_right_arithmetic3A_361 = arith.constant 4 : i32
    %shift_right_arithmetic3A_362 = arith.shrsi %add3A_360, %shift_right_arithmetic3A_361 : i32
    %while3A_363 = arith.subi %shift_right_arithmetic3A_362, %shift_right_arithmetic3A_358 : i32
    %while3A_364 = arith.addi %shift_right_arithmetic3A_358, %while3A_363 : i32
    %while3A_365 = arith.constant 1 : i32
    %while3A_366 = arith.divsi %while3A_363, %while3A_365 : i32
    %while3A_367 = arith.muli %while3A_366, %while3A_365 : i32
    %while3A_368 = arith.addi %shift_right_arithmetic3A_358, %while3A_367 : i32
    %while3A_369 = arith.constant 1 : i32
    %while3A_370 = scf.for %while3A_1271 = %shift_right_arithmetic3A_358 to %while3A_368 step %while3A_369 iter_args(%while3A_1272 = %broadcast_in_dim3A_7) -> (vector<16xf32>)  : i32 {
      %mul3A_1273 = arith.constant 16 : i32
      %mul3A_1274 = arith.muli %while3A_1271, %mul3A_1273 : i32
      %add3A_1275 = vector.broadcast %mul3A_1274 : i32 to vector<16xi32>
      %add3A_1276 = arith.addi %iota3A, %add3A_1275 : vector<16xi32>
      %mul3A_1277 = arith.constant 16 : i32
      %mul3A_1278 = arith.muli %while3A_1271, %mul3A_1277 : i32
      %get3A_1279 = arith.index_cast %mul3A_1278 : i32 to index
      %get3A_1280 = tpu.vector_load %arg10[%get3A_1279] {strides = array<i32>} : memref<2048xf32, #tpu.memory_space<vmem>>, vector<16xf32>,
      %ge3A = vector.broadcast %min3A_88 : i32 to vector<16xi32>
      %ge3A_1281 = arith.cmpi sge, %add3A_1276, %ge3A : vector<16xi32>
      %lt3A = vector.broadcast %min3A_93 : i32 to vector<16xi32>
      %lt3A_1282 = arith.cmpi slt, %add3A_1276, %lt3A : vector<16xi32>
      %and3A = arith.andi %ge3A_1281, %lt3A_1282 : vector<16xi1>
      %select_n3A_1283 = arith.select %and3A, %get3A_1280, %broadcast_in_dim3A_7 : vector<16xi1>, vector<16xf32>
      %max3A_1284 = arith.maximumf %while3A_1272, %select_n3A_1283 : vector<16xf32>
      scf.yield %max3A_1284 : vector<16xf32>
    }
    %while3A_371 = arith.constant 1 : i32
    %while3A_372 = scf.for %while3A_1271 = %while3A_368 to %while3A_364 step %while3A_371 iter_args(%while3A_1272 = %while3A_370) -> (vector<16xf32>)  : i32 {
      %mul3A_1273 = arith.constant 16 : i32
      %mul3A_1274 = arith.muli %while3A_1271, %mul3A_1273 : i32
      %add3A_1275 = vector.broadcast %mul3A_1274 : i32 to vector<16xi32>
      %add3A_1276 = arith.addi %iota3A, %add3A_1275 : vector<16xi32>
      %mul3A_1277 = arith.constant 16 : i32
      %mul3A_1278 = arith.muli %while3A_1271, %mul3A_1277 : i32
      %get3A_1279 = arith.index_cast %mul3A_1278 : i32 to index
      %get3A_1280 = tpu.vector_load %arg10[%get3A_1279] {strides = array<i32>} : memref<2048xf32, #tpu.memory_space<vmem>>, vector<16xf32>,
      %ge3A = vector.broadcast %min3A_88 : i32 to vector<16xi32>
      %ge3A_1281 = arith.cmpi sge, %add3A_1276, %ge3A : vector<16xi32>
      %lt3A = vector.broadcast %min3A_93 : i32 to vector<16xi32>
      %lt3A_1282 = arith.cmpi slt, %add3A_1276, %lt3A : vector<16xi32>
      %and3A = arith.andi %ge3A_1281, %lt3A_1282 : vector<16xi1>
      %select_n3A_1283 = arith.select %and3A, %get3A_1280, %broadcast_in_dim3A_7 : vector<16xi1>, vector<16xf32>
      %max3A_1284 = arith.maximumf %while3A_1272, %select_n3A_1283 : vector<16xf32>
      scf.yield %max3A_1284 : vector<16xf32>
    }
    %eq3A_373 = arith.constant 5 : i32
    %eq3A_374 = vector.broadcast %eq3A_373 : i32 to vector<16xi32>
    %eq3A_375 = arith.cmpi eq, %iota3A, %eq3A_374 : vector<16xi32>
    %reduce_max3A_376 = arith.constant true
    %reduce_max3A_377 = vector.broadcast %reduce_max3A_376 : i1 to vector<16xi1>
    %reduce_max3A_378 = tpu.scan <max>, %while3A_372 masked %reduce_max3A_377 : vector<16xf32>, vector<16xi1> -> vector<16xf32>
    %reduce_max3A_379 = vector.extract %reduce_max3A_378[15] : f32 from vector<16xf32>
    %max3A_380 = vector.broadcast %reduce_max3A_379 : f32 to vector<16xf32>
    %max3A_381 = arith.maximumf %select_n3A_356, %max3A_380 : vector<16xf32>
    %select_n3A_382 = arith.select %eq3A_375, %max3A_381, %select_n3A_356 : vector<16xi1>, vector<16xf32>
    %shift_right_arithmetic3A_383 = arith.constant 4 : i32
    %shift_right_arithmetic3A_384 = arith.shrsi %min3A_102, %shift_right_arithmetic3A_383 : i32
    %add3A_385 = arith.constant 15 : i32
    %add3A_386 = arith.addi %min3A_107, %add3A_385 : i32
    %shift_right_arithmetic3A_387 = arith.constant 4 : i32
    %shift_right_arithmetic3A_388 = arith.shrsi %add3A_386, %shift_right_arithmetic3A_387 : i32
    %while3A_389 = arith.subi %shift_right_arithmetic3A_388, %shift_right_arithmetic3A_384 : i32
    %while3A_390 = arith.addi %shift_right_arithmetic3A_384, %while3A_389 : i32
    %while3A_391 = arith.constant 1 : i32
    %while3A_392 = arith.divsi %while3A_389, %while3A_391 : i32
    %while3A_393 = arith.muli %while3A_392, %while3A_391 : i32
    %while3A_394 = arith.addi %shift_right_arithmetic3A_384, %while3A_393 : i32
    %while3A_395 = arith.constant 1 : i32
    %while3A_396 = scf.for %while3A_1271 = %shift_right_arithmetic3A_384 to %while3A_394 step %while3A_395 iter_args(%while3A_1272 = %broadcast_in_dim3A_7) -> (vector<16xf32>)  : i32 {
      %mul3A_1273 = arith.constant 16 : i32
      %mul3A_1274 = arith.muli %while3A_1271, %mul3A_1273 : i32
      %add3A_1275 = vector.broadcast %mul3A_1274 : i32 to vector<16xi32>
      %add3A_1276 = arith.addi %iota3A, %add3A_1275 : vector<16xi32>
      %mul3A_1277 = arith.constant 16 : i32
      %mul3A_1278 = arith.muli %while3A_1271, %mul3A_1277 : i32
      %get3A_1279 = arith.index_cast %mul3A_1278 : i32 to index
      %get3A_1280 = tpu.vector_load %arg10[%get3A_1279] {strides = array<i32>} : memref<2048xf32, #tpu.memory_space<vmem>>, vector<16xf32>,
      %ge3A = vector.broadcast %min3A_102 : i32 to vector<16xi32>
      %ge3A_1281 = arith.cmpi sge, %add3A_1276, %ge3A : vector<16xi32>
      %lt3A = vector.broadcast %min3A_107 : i32 to vector<16xi32>
      %lt3A_1282 = arith.cmpi slt, %add3A_1276, %lt3A : vector<16xi32>
      %and3A = arith.andi %ge3A_1281, %lt3A_1282 : vector<16xi1>
      %select_n3A_1283 = arith.select %and3A, %get3A_1280, %broadcast_in_dim3A_7 : vector<16xi1>, vector<16xf32>
      %max3A_1284 = arith.maximumf %while3A_1272, %select_n3A_1283 : vector<16xf32>
      scf.yield %max3A_1284 : vector<16xf32>
    }
    %while3A_397 = arith.constant 1 : i32
    %while3A_398 = scf.for %while3A_1271 = %while3A_394 to %while3A_390 step %while3A_397 iter_args(%while3A_1272 = %while3A_396) -> (vector<16xf32>)  : i32 {
      %mul3A_1273 = arith.constant 16 : i32
      %mul3A_1274 = arith.muli %while3A_1271, %mul3A_1273 : i32
      %add3A_1275 = vector.broadcast %mul3A_1274 : i32 to vector<16xi32>
      %add3A_1276 = arith.addi %iota3A, %add3A_1275 : vector<16xi32>
      %mul3A_1277 = arith.constant 16 : i32
      %mul3A_1278 = arith.muli %while3A_1271, %mul3A_1277 : i32
      %get3A_1279 = arith.index_cast %mul3A_1278 : i32 to index
      %get3A_1280 = tpu.vector_load %arg10[%get3A_1279] {strides = array<i32>} : memref<2048xf32, #tpu.memory_space<vmem>>, vector<16xf32>,
      %ge3A = vector.broadcast %min3A_102 : i32 to vector<16xi32>
      %ge3A_1281 = arith.cmpi sge, %add3A_1276, %ge3A : vector<16xi32>
      %lt3A = vector.broadcast %min3A_107 : i32 to vector<16xi32>
      %lt3A_1282 = arith.cmpi slt, %add3A_1276, %lt3A : vector<16xi32>
      %and3A = arith.andi %ge3A_1281, %lt3A_1282 : vector<16xi1>
      %select_n3A_1283 = arith.select %and3A, %get3A_1280, %broadcast_in_dim3A_7 : vector<16xi1>, vector<16xf32>
      %max3A_1284 = arith.maximumf %while3A_1272, %select_n3A_1283 : vector<16xf32>
      scf.yield %max3A_1284 : vector<16xf32>
    }
    %eq3A_399 = arith.constant 6 : i32
    %eq3A_400 = vector.broadcast %eq3A_399 : i32 to vector<16xi32>
    %eq3A_401 = arith.cmpi eq, %iota3A, %eq3A_400 : vector<16xi32>
    %reduce_max3A_402 = arith.constant true
    %reduce_max3A_403 = vector.broadcast %reduce_max3A_402 : i1 to vector<16xi1>
    %reduce_max3A_404 = tpu.scan <max>, %while3A_398 masked %reduce_max3A_403 : vector<16xf32>, vector<16xi1> -> vector<16xf32>
    %reduce_max3A_405 = vector.extract %reduce_max3A_404[15] : f32 from vector<16xf32>
    %max3A_406 = vector.broadcast %reduce_max3A_405 : f32 to vector<16xf32>
    %max3A_407 = arith.maximumf %select_n3A_382, %max3A_406 : vector<16xf32>
    %select_n3A_408 = arith.select %eq3A_401, %max3A_407, %select_n3A_382 : vector<16xi1>, vector<16xf32>
    %shift_right_arithmetic3A_409 = arith.constant 4 : i32
    %shift_right_arithmetic3A_410 = arith.shrsi %min3A_116, %shift_right_arithmetic3A_409 : i32
    %add3A_411 = arith.constant 15 : i32
    %add3A_412 = arith.addi %min3A_121, %add3A_411 : i32
    %shift_right_arithmetic3A_413 = arith.constant 4 : i32
    %shift_right_arithmetic3A_414 = arith.shrsi %add3A_412, %shift_right_arithmetic3A_413 : i32
    %while3A_415 = arith.subi %shift_right_arithmetic3A_414, %shift_right_arithmetic3A_410 : i32
    %while3A_416 = arith.addi %shift_right_arithmetic3A_410, %while3A_415 : i32
    %while3A_417 = arith.constant 1 : i32
    %while3A_418 = arith.divsi %while3A_415, %while3A_417 : i32
    %while3A_419 = arith.muli %while3A_418, %while3A_417 : i32
    %while3A_420 = arith.addi %shift_right_arithmetic3A_410, %while3A_419 : i32
    %while3A_421 = arith.constant 1 : i32
    %while3A_422 = scf.for %while3A_1271 = %shift_right_arithmetic3A_410 to %while3A_420 step %while3A_421 iter_args(%while3A_1272 = %broadcast_in_dim3A_7) -> (vector<16xf32>)  : i32 {
      %mul3A_1273 = arith.constant 16 : i32
      %mul3A_1274 = arith.muli %while3A_1271, %mul3A_1273 : i32
      %add3A_1275 = vector.broadcast %mul3A_1274 : i32 to vector<16xi32>
      %add3A_1276 = arith.addi %iota3A, %add3A_1275 : vector<16xi32>
      %mul3A_1277 = arith.constant 16 : i32
      %mul3A_1278 = arith.muli %while3A_1271, %mul3A_1277 : i32
      %get3A_1279 = arith.index_cast %mul3A_1278 : i32 to index
      %get3A_1280 = tpu.vector_load %arg10[%get3A_1279] {strides = array<i32>} : memref<2048xf32, #tpu.memory_space<vmem>>, vector<16xf32>,
      %ge3A = vector.broadcast %min3A_116 : i32 to vector<16xi32>
      %ge3A_1281 = arith.cmpi sge, %add3A_1276, %ge3A : vector<16xi32>
      %lt3A = vector.broadcast %min3A_121 : i32 to vector<16xi32>
      %lt3A_1282 = arith.cmpi slt, %add3A_1276, %lt3A : vector<16xi32>
      %and3A = arith.andi %ge3A_1281, %lt3A_1282 : vector<16xi1>
      %select_n3A_1283 = arith.select %and3A, %get3A_1280, %broadcast_in_dim3A_7 : vector<16xi1>, vector<16xf32>
      %max3A_1284 = arith.maximumf %while3A_1272, %select_n3A_1283 : vector<16xf32>
      scf.yield %max3A_1284 : vector<16xf32>
    }
    %while3A_423 = arith.constant 1 : i32
    %while3A_424 = scf.for %while3A_1271 = %while3A_420 to %while3A_416 step %while3A_423 iter_args(%while3A_1272 = %while3A_422) -> (vector<16xf32>)  : i32 {
      %mul3A_1273 = arith.constant 16 : i32
      %mul3A_1274 = arith.muli %while3A_1271, %mul3A_1273 : i32
      %add3A_1275 = vector.broadcast %mul3A_1274 : i32 to vector<16xi32>
      %add3A_1276 = arith.addi %iota3A, %add3A_1275 : vector<16xi32>
      %mul3A_1277 = arith.constant 16 : i32
      %mul3A_1278 = arith.muli %while3A_1271, %mul3A_1277 : i32
      %get3A_1279 = arith.index_cast %mul3A_1278 : i32 to index
      %get3A_1280 = tpu.vector_load %arg10[%get3A_1279] {strides = array<i32>} : memref<2048xf32, #tpu.memory_space<vmem>>, vector<16xf32>,
      %ge3A = vector.broadcast %min3A_116 : i32 to vector<16xi32>
      %ge3A_1281 = arith.cmpi sge, %add3A_1276, %ge3A : vector<16xi32>
      %lt3A = vector.broadcast %min3A_121 : i32 to vector<16xi32>
      %lt3A_1282 = arith.cmpi slt, %add3A_1276, %lt3A : vector<16xi32>
      %and3A = arith.andi %ge3A_1281, %lt3A_1282 : vector<16xi1>
      %select_n3A_1283 = arith.select %and3A, %get3A_1280, %broadcast_in_dim3A_7 : vector<16xi1>, vector<16xf32>
      %max3A_1284 = arith.maximumf %while3A_1272, %select_n3A_1283 : vector<16xf32>
      scf.yield %max3A_1284 : vector<16xf32>
    }
    %eq3A_425 = arith.constant 7 : i32
    %eq3A_426 = vector.broadcast %eq3A_425 : i32 to vector<16xi32>
    %eq3A_427 = arith.cmpi eq, %iota3A, %eq3A_426 : vector<16xi32>
    %reduce_max3A_428 = arith.constant true
    %reduce_max3A_429 = vector.broadcast %reduce_max3A_428 : i1 to vector<16xi1>
    %reduce_max3A_430 = tpu.scan <max>, %while3A_424 masked %reduce_max3A_429 : vector<16xf32>, vector<16xi1> -> vector<16xf32>
    %reduce_max3A_431 = vector.extract %reduce_max3A_430[15] : f32 from vector<16xf32>
    %max3A_432 = vector.broadcast %reduce_max3A_431 : f32 to vector<16xf32>
    %max3A_433 = arith.maximumf %select_n3A_408, %max3A_432 : vector<16xf32>
    %select_n3A_434 = arith.select %eq3A_427, %max3A_433, %select_n3A_408 : vector<16xi1>, vector<16xf32>
    %shift_right_arithmetic3A_435 = arith.constant 4 : i32
    %shift_right_arithmetic3A_436 = arith.shrsi %min3A_130, %shift_right_arithmetic3A_435 : i32
    %add3A_437 = arith.constant 15 : i32
    %add3A_438 = arith.addi %min3A_135, %add3A_437 : i32
    %shift_right_arithmetic3A_439 = arith.constant 4 : i32
    %shift_right_arithmetic3A_440 = arith.shrsi %add3A_438, %shift_right_arithmetic3A_439 : i32
    %while3A_441 = arith.subi %shift_right_arithmetic3A_440, %shift_right_arithmetic3A_436 : i32
    %while3A_442 = arith.addi %shift_right_arithmetic3A_436, %while3A_441 : i32
    %while3A_443 = arith.constant 1 : i32
    %while3A_444 = arith.divsi %while3A_441, %while3A_443 : i32
    %while3A_445 = arith.muli %while3A_444, %while3A_443 : i32
    %while3A_446 = arith.addi %shift_right_arithmetic3A_436, %while3A_445 : i32
    %while3A_447 = arith.constant 1 : i32
    %while3A_448 = scf.for %while3A_1271 = %shift_right_arithmetic3A_436 to %while3A_446 step %while3A_447 iter_args(%while3A_1272 = %broadcast_in_dim3A_7) -> (vector<16xf32>)  : i32 {
      %mul3A_1273 = arith.constant 16 : i32
      %mul3A_1274 = arith.muli %while3A_1271, %mul3A_1273 : i32
      %add3A_1275 = vector.broadcast %mul3A_1274 : i32 to vector<16xi32>
      %add3A_1276 = arith.addi %iota3A, %add3A_1275 : vector<16xi32>
      %mul3A_1277 = arith.constant 16 : i32
      %mul3A_1278 = arith.muli %while3A_1271, %mul3A_1277 : i32
      %get3A_1279 = arith.index_cast %mul3A_1278 : i32 to index
      %get3A_1280 = tpu.vector_load %arg10[%get3A_1279] {strides = array<i32>} : memref<2048xf32, #tpu.memory_space<vmem>>, vector<16xf32>,
      %ge3A = vector.broadcast %min3A_130 : i32 to vector<16xi32>
      %ge3A_1281 = arith.cmpi sge, %add3A_1276, %ge3A : vector<16xi32>
      %lt3A = vector.broadcast %min3A_135 : i32 to vector<16xi32>
      %lt3A_1282 = arith.cmpi slt, %add3A_1276, %lt3A : vector<16xi32>
      %and3A = arith.andi %ge3A_1281, %lt3A_1282 : vector<16xi1>
      %select_n3A_1283 = arith.select %and3A, %get3A_1280, %broadcast_in_dim3A_7 : vector<16xi1>, vector<16xf32>
      %max3A_1284 = arith.maximumf %while3A_1272, %select_n3A_1283 : vector<16xf32>
      scf.yield %max3A_1284 : vector<16xf32>
    }
    %while3A_449 = arith.constant 1 : i32
    %while3A_450 = scf.for %while3A_1271 = %while3A_446 to %while3A_442 step %while3A_449 iter_args(%while3A_1272 = %while3A_448) -> (vector<16xf32>)  : i32 {
      %mul3A_1273 = arith.constant 16 : i32
      %mul3A_1274 = arith.muli %while3A_1271, %mul3A_1273 : i32
      %add3A_1275 = vector.broadcast %mul3A_1274 : i32 to vector<16xi32>
      %add3A_1276 = arith.addi %iota3A, %add3A_1275 : vector<16xi32>
      %mul3A_1277 = arith.constant 16 : i32
      %mul3A_1278 = arith.muli %while3A_1271, %mul3A_1277 : i32
      %get3A_1279 = arith.index_cast %mul3A_1278 : i32 to index
      %get3A_1280 = tpu.vector_load %arg10[%get3A_1279] {strides = array<i32>} : memref<2048xf32, #tpu.memory_space<vmem>>, vector<16xf32>,
      %ge3A = vector.broadcast %min3A_130 : i32 to vector<16xi32>
      %ge3A_1281 = arith.cmpi sge, %add3A_1276, %ge3A : vector<16xi32>
      %lt3A = vector.broadcast %min3A_135 : i32 to vector<16xi32>
      %lt3A_1282 = arith.cmpi slt, %add3A_1276, %lt3A : vector<16xi32>
      %and3A = arith.andi %ge3A_1281, %lt3A_1282 : vector<16xi1>
      %select_n3A_1283 = arith.select %and3A, %get3A_1280, %broadcast_in_dim3A_7 : vector<16xi1>, vector<16xf32>
      %max3A_1284 = arith.maximumf %while3A_1272, %select_n3A_1283 : vector<16xf32>
      scf.yield %max3A_1284 : vector<16xf32>
    }
    %eq3A_451 = arith.constant 8 : i32
    %eq3A_452 = vector.broadcast %eq3A_451 : i32 to vector<16xi32>
    %eq3A_453 = arith.cmpi eq, %iota3A, %eq3A_452 : vector<16xi32>
    %reduce_max3A_454 = arith.constant true
    %reduce_max3A_455 = vector.broadcast %reduce_max3A_454 : i1 to vector<16xi1>
    %reduce_max3A_456 = tpu.scan <max>, %while3A_450 masked %reduce_max3A_455 : vector<16xf32>, vector<16xi1> -> vector<16xf32>
    %reduce_max3A_457 = vector.extract %reduce_max3A_456[15] : f32 from vector<16xf32>
    %max3A_458 = vector.broadcast %reduce_max3A_457 : f32 to vector<16xf32>
    %max3A_459 = arith.maximumf %select_n3A_434, %max3A_458 : vector<16xf32>
    %select_n3A_460 = arith.select %eq3A_453, %max3A_459, %select_n3A_434 : vector<16xi1>, vector<16xf32>
    %shift_right_arithmetic3A_461 = arith.constant 4 : i32
    %shift_right_arithmetic3A_462 = arith.shrsi %min3A_144, %shift_right_arithmetic3A_461 : i32
    %add3A_463 = arith.constant 15 : i32
    %add3A_464 = arith.addi %min3A_149, %add3A_463 : i32
    %shift_right_arithmetic3A_465 = arith.constant 4 : i32
    %shift_right_arithmetic3A_466 = arith.shrsi %add3A_464, %shift_right_arithmetic3A_465 : i32
    %while3A_467 = arith.subi %shift_right_arithmetic3A_466, %shift_right_arithmetic3A_462 : i32
    %while3A_468 = arith.addi %shift_right_arithmetic3A_462, %while3A_467 : i32
    %while3A_469 = arith.constant 1 : i32
    %while3A_470 = arith.divsi %while3A_467, %while3A_469 : i32
    %while3A_471 = arith.muli %while3A_470, %while3A_469 : i32
    %while3A_472 = arith.addi %shift_right_arithmetic3A_462, %while3A_471 : i32
    %while3A_473 = arith.constant 1 : i32
    %while3A_474 = scf.for %while3A_1271 = %shift_right_arithmetic3A_462 to %while3A_472 step %while3A_473 iter_args(%while3A_1272 = %broadcast_in_dim3A_7) -> (vector<16xf32>)  : i32 {
      %mul3A_1273 = arith.constant 16 : i32
      %mul3A_1274 = arith.muli %while3A_1271, %mul3A_1273 : i32
      %add3A_1275 = vector.broadcast %mul3A_1274 : i32 to vector<16xi32>
      %add3A_1276 = arith.addi %iota3A, %add3A_1275 : vector<16xi32>
      %mul3A_1277 = arith.constant 16 : i32
      %mul3A_1278 = arith.muli %while3A_1271, %mul3A_1277 : i32
      %get3A_1279 = arith.index_cast %mul3A_1278 : i32 to index
      %get3A_1280 = tpu.vector_load %arg10[%get3A_1279] {strides = array<i32>} : memref<2048xf32, #tpu.memory_space<vmem>>, vector<16xf32>,
      %ge3A = vector.broadcast %min3A_144 : i32 to vector<16xi32>
      %ge3A_1281 = arith.cmpi sge, %add3A_1276, %ge3A : vector<16xi32>
      %lt3A = vector.broadcast %min3A_149 : i32 to vector<16xi32>
      %lt3A_1282 = arith.cmpi slt, %add3A_1276, %lt3A : vector<16xi32>
      %and3A = arith.andi %ge3A_1281, %lt3A_1282 : vector<16xi1>
      %select_n3A_1283 = arith.select %and3A, %get3A_1280, %broadcast_in_dim3A_7 : vector<16xi1>, vector<16xf32>
      %max3A_1284 = arith.maximumf %while3A_1272, %select_n3A_1283 : vector<16xf32>
      scf.yield %max3A_1284 : vector<16xf32>
    }
    %while3A_475 = arith.constant 1 : i32
    %while3A_476 = scf.for %while3A_1271 = %while3A_472 to %while3A_468 step %while3A_475 iter_args(%while3A_1272 = %while3A_474) -> (vector<16xf32>)  : i32 {
      %mul3A_1273 = arith.constant 16 : i32
      %mul3A_1274 = arith.muli %while3A_1271, %mul3A_1273 : i32
      %add3A_1275 = vector.broadcast %mul3A_1274 : i32 to vector<16xi32>
      %add3A_1276 = arith.addi %iota3A, %add3A_1275 : vector<16xi32>
      %mul3A_1277 = arith.constant 16 : i32
      %mul3A_1278 = arith.muli %while3A_1271, %mul3A_1277 : i32
      %get3A_1279 = arith.index_cast %mul3A_1278 : i32 to index
      %get3A_1280 = tpu.vector_load %arg10[%get3A_1279] {strides = array<i32>} : memref<2048xf32, #tpu.memory_space<vmem>>, vector<16xf32>,
      %ge3A = vector.broadcast %min3A_144 : i32 to vector<16xi32>
      %ge3A_1281 = arith.cmpi sge, %add3A_1276, %ge3A : vector<16xi32>
      %lt3A = vector.broadcast %min3A_149 : i32 to vector<16xi32>
      %lt3A_1282 = arith.cmpi slt, %add3A_1276, %lt3A : vector<16xi32>
      %and3A = arith.andi %ge3A_1281, %lt3A_1282 : vector<16xi1>
      %select_n3A_1283 = arith.select %and3A, %get3A_1280, %broadcast_in_dim3A_7 : vector<16xi1>, vector<16xf32>
      %max3A_1284 = arith.maximumf %while3A_1272, %select_n3A_1283 : vector<16xf32>
      scf.yield %max3A_1284 : vector<16xf32>
    }
    %eq3A_477 = arith.constant 9 : i32
    %eq3A_478 = vector.broadcast %eq3A_477 : i32 to vector<16xi32>
    %eq3A_479 = arith.cmpi eq, %iota3A, %eq3A_478 : vector<16xi32>
    %reduce_max3A_480 = arith.constant true
    %reduce_max3A_481 = vector.broadcast %reduce_max3A_480 : i1 to vector<16xi1>
    %reduce_max3A_482 = tpu.scan <max>, %while3A_476 masked %reduce_max3A_481 : vector<16xf32>, vector<16xi1> -> vector<16xf32>
    %reduce_max3A_483 = vector.extract %reduce_max3A_482[15] : f32 from vector<16xf32>
    %max3A_484 = vector.broadcast %reduce_max3A_483 : f32 to vector<16xf32>
    %max3A_485 = arith.maximumf %select_n3A_460, %max3A_484 : vector<16xf32>
    %select_n3A_486 = arith.select %eq3A_479, %max3A_485, %select_n3A_460 : vector<16xi1>, vector<16xf32>
    %shift_right_arithmetic3A_487 = arith.constant 4 : i32
    %shift_right_arithmetic3A_488 = arith.shrsi %min3A_158, %shift_right_arithmetic3A_487 : i32
    %add3A_489 = arith.constant 15 : i32
    %add3A_490 = arith.addi %min3A_163, %add3A_489 : i32
    %shift_right_arithmetic3A_491 = arith.constant 4 : i32
    %shift_right_arithmetic3A_492 = arith.shrsi %add3A_490, %shift_right_arithmetic3A_491 : i32
    %while3A_493 = arith.subi %shift_right_arithmetic3A_492, %shift_right_arithmetic3A_488 : i32
    %while3A_494 = arith.addi %shift_right_arithmetic3A_488, %while3A_493 : i32
    %while3A_495 = arith.constant 1 : i32
    %while3A_496 = arith.divsi %while3A_493, %while3A_495 : i32
    %while3A_497 = arith.muli %while3A_496, %while3A_495 : i32
    %while3A_498 = arith.addi %shift_right_arithmetic3A_488, %while3A_497 : i32
    %while3A_499 = arith.constant 1 : i32
    %while3A_500 = scf.for %while3A_1271 = %shift_right_arithmetic3A_488 to %while3A_498 step %while3A_499 iter_args(%while3A_1272 = %broadcast_in_dim3A_7) -> (vector<16xf32>)  : i32 {
      %mul3A_1273 = arith.constant 16 : i32
      %mul3A_1274 = arith.muli %while3A_1271, %mul3A_1273 : i32
      %add3A_1275 = vector.broadcast %mul3A_1274 : i32 to vector<16xi32>
      %add3A_1276 = arith.addi %iota3A, %add3A_1275 : vector<16xi32>
      %mul3A_1277 = arith.constant 16 : i32
      %mul3A_1278 = arith.muli %while3A_1271, %mul3A_1277 : i32
      %get3A_1279 = arith.index_cast %mul3A_1278 : i32 to index
      %get3A_1280 = tpu.vector_load %arg10[%get3A_1279] {strides = array<i32>} : memref<2048xf32, #tpu.memory_space<vmem>>, vector<16xf32>,
      %ge3A = vector.broadcast %min3A_158 : i32 to vector<16xi32>
      %ge3A_1281 = arith.cmpi sge, %add3A_1276, %ge3A : vector<16xi32>
      %lt3A = vector.broadcast %min3A_163 : i32 to vector<16xi32>
      %lt3A_1282 = arith.cmpi slt, %add3A_1276, %lt3A : vector<16xi32>
      %and3A = arith.andi %ge3A_1281, %lt3A_1282 : vector<16xi1>
      %select_n3A_1283 = arith.select %and3A, %get3A_1280, %broadcast_in_dim3A_7 : vector<16xi1>, vector<16xf32>
      %max3A_1284 = arith.maximumf %while3A_1272, %select_n3A_1283 : vector<16xf32>
      scf.yield %max3A_1284 : vector<16xf32>
    }
    %while3A_501 = arith.constant 1 : i32
    %while3A_502 = scf.for %while3A_1271 = %while3A_498 to %while3A_494 step %while3A_501 iter_args(%while3A_1272 = %while3A_500) -> (vector<16xf32>)  : i32 {
      %mul3A_1273 = arith.constant 16 : i32
      %mul3A_1274 = arith.muli %while3A_1271, %mul3A_1273 : i32
      %add3A_1275 = vector.broadcast %mul3A_1274 : i32 to vector<16xi32>
      %add3A_1276 = arith.addi %iota3A, %add3A_1275 : vector<16xi32>
      %mul3A_1277 = arith.constant 16 : i32
      %mul3A_1278 = arith.muli %while3A_1271, %mul3A_1277 : i32
      %get3A_1279 = arith.index_cast %mul3A_1278 : i32 to index
      %get3A_1280 = tpu.vector_load %arg10[%get3A_1279] {strides = array<i32>} : memref<2048xf32, #tpu.memory_space<vmem>>, vector<16xf32>,
      %ge3A = vector.broadcast %min3A_158 : i32 to vector<16xi32>
      %ge3A_1281 = arith.cmpi sge, %add3A_1276, %ge3A : vector<16xi32>
      %lt3A = vector.broadcast %min3A_163 : i32 to vector<16xi32>
      %lt3A_1282 = arith.cmpi slt, %add3A_1276, %lt3A : vector<16xi32>
      %and3A = arith.andi %ge3A_1281, %lt3A_1282 : vector<16xi1>
      %select_n3A_1283 = arith.select %and3A, %get3A_1280, %broadcast_in_dim3A_7 : vector<16xi1>, vector<16xf32>
      %max3A_1284 = arith.maximumf %while3A_1272, %select_n3A_1283 : vector<16xf32>
      scf.yield %max3A_1284 : vector<16xf32>
    }
    %eq3A_503 = arith.constant 10 : i32
    %eq3A_504 = vector.broadcast %eq3A_503 : i32 to vector<16xi32>
    %eq3A_505 = arith.cmpi eq, %iota3A, %eq3A_504 : vector<16xi32>
    %reduce_max3A_506 = arith.constant true
    %reduce_max3A_507 = vector.broadcast %reduce_max3A_506 : i1 to vector<16xi1>
    %reduce_max3A_508 = tpu.scan <max>, %while3A_502 masked %reduce_max3A_507 : vector<16xf32>, vector<16xi1> -> vector<16xf32>
    %reduce_max3A_509 = vector.extract %reduce_max3A_508[15] : f32 from vector<16xf32>
    %max3A_510 = vector.broadcast %reduce_max3A_509 : f32 to vector<16xf32>
    %max3A_511 = arith.maximumf %select_n3A_486, %max3A_510 : vector<16xf32>
    %select_n3A_512 = arith.select %eq3A_505, %max3A_511, %select_n3A_486 : vector<16xi1>, vector<16xf32>
    %shift_right_arithmetic3A_513 = arith.constant 4 : i32
    %shift_right_arithmetic3A_514 = arith.shrsi %min3A_172, %shift_right_arithmetic3A_513 : i32
    %add3A_515 = arith.constant 15 : i32
    %add3A_516 = arith.addi %min3A_177, %add3A_515 : i32
    %shift_right_arithmetic3A_517 = arith.constant 4 : i32
    %shift_right_arithmetic3A_518 = arith.shrsi %add3A_516, %shift_right_arithmetic3A_517 : i32
    %while3A_519 = arith.subi %shift_right_arithmetic3A_518, %shift_right_arithmetic3A_514 : i32
    %while3A_520 = arith.addi %shift_right_arithmetic3A_514, %while3A_519 : i32
    %while3A_521 = arith.constant 1 : i32
    %while3A_522 = arith.divsi %while3A_519, %while3A_521 : i32
    %while3A_523 = arith.muli %while3A_522, %while3A_521 : i32
    %while3A_524 = arith.addi %shift_right_arithmetic3A_514, %while3A_523 : i32
    %while3A_525 = arith.constant 1 : i32
    %while3A_526 = scf.for %while3A_1271 = %shift_right_arithmetic3A_514 to %while3A_524 step %while3A_525 iter_args(%while3A_1272 = %broadcast_in_dim3A_7) -> (vector<16xf32>)  : i32 {
      %mul3A_1273 = arith.constant 16 : i32
      %mul3A_1274 = arith.muli %while3A_1271, %mul3A_1273 : i32
      %add3A_1275 = vector.broadcast %mul3A_1274 : i32 to vector<16xi32>
      %add3A_1276 = arith.addi %iota3A, %add3A_1275 : vector<16xi32>
      %mul3A_1277 = arith.constant 16 : i32
      %mul3A_1278 = arith.muli %while3A_1271, %mul3A_1277 : i32
      %get3A_1279 = arith.index_cast %mul3A_1278 : i32 to index
      %get3A_1280 = tpu.vector_load %arg10[%get3A_1279] {strides = array<i32>} : memref<2048xf32, #tpu.memory_space<vmem>>, vector<16xf32>,
      %ge3A = vector.broadcast %min3A_172 : i32 to vector<16xi32>
      %ge3A_1281 = arith.cmpi sge, %add3A_1276, %ge3A : vector<16xi32>
      %lt3A = vector.broadcast %min3A_177 : i32 to vector<16xi32>
      %lt3A_1282 = arith.cmpi slt, %add3A_1276, %lt3A : vector<16xi32>
      %and3A = arith.andi %ge3A_1281, %lt3A_1282 : vector<16xi1>
      %select_n3A_1283 = arith.select %and3A, %get3A_1280, %broadcast_in_dim3A_7 : vector<16xi1>, vector<16xf32>
      %max3A_1284 = arith.maximumf %while3A_1272, %select_n3A_1283 : vector<16xf32>
      scf.yield %max3A_1284 : vector<16xf32>
    }
    %while3A_527 = arith.constant 1 : i32
    %while3A_528 = scf.for %while3A_1271 = %while3A_524 to %while3A_520 step %while3A_527 iter_args(%while3A_1272 = %while3A_526) -> (vector<16xf32>)  : i32 {
      %mul3A_1273 = arith.constant 16 : i32
      %mul3A_1274 = arith.muli %while3A_1271, %mul3A_1273 : i32
      %add3A_1275 = vector.broadcast %mul3A_1274 : i32 to vector<16xi32>
      %add3A_1276 = arith.addi %iota3A, %add3A_1275 : vector<16xi32>
      %mul3A_1277 = arith.constant 16 : i32
      %mul3A_1278 = arith.muli %while3A_1271, %mul3A_1277 : i32
      %get3A_1279 = arith.index_cast %mul3A_1278 : i32 to index
      %get3A_1280 = tpu.vector_load %arg10[%get3A_1279] {strides = array<i32>} : memref<2048xf32, #tpu.memory_space<vmem>>, vector<16xf32>,
      %ge3A = vector.broadcast %min3A_172 : i32 to vector<16xi32>
      %ge3A_1281 = arith.cmpi sge, %add3A_1276, %ge3A : vector<16xi32>
      %lt3A = vector.broadcast %min3A_177 : i32 to vector<16xi32>
      %lt3A_1282 = arith.cmpi slt, %add3A_1276, %lt3A : vector<16xi32>
      %and3A = arith.andi %ge3A_1281, %lt3A_1282 : vector<16xi1>
      %select_n3A_1283 = arith.select %and3A, %get3A_1280, %broadcast_in_dim3A_7 : vector<16xi1>, vector<16xf32>
      %max3A_1284 = arith.maximumf %while3A_1272, %select_n3A_1283 : vector<16xf32>
      scf.yield %max3A_1284 : vector<16xf32>
    }
    %eq3A_529 = arith.constant 11 : i32
    %eq3A_530 = vector.broadcast %eq3A_529 : i32 to vector<16xi32>
    %eq3A_531 = arith.cmpi eq, %iota3A, %eq3A_530 : vector<16xi32>
    %reduce_max3A_532 = arith.constant true
    %reduce_max3A_533 = vector.broadcast %reduce_max3A_532 : i1 to vector<16xi1>
    %reduce_max3A_534 = tpu.scan <max>, %while3A_528 masked %reduce_max3A_533 : vector<16xf32>, vector<16xi1> -> vector<16xf32>
    %reduce_max3A_535 = vector.extract %reduce_max3A_534[15] : f32 from vector<16xf32>
    %max3A_536 = vector.broadcast %reduce_max3A_535 : f32 to vector<16xf32>
    %max3A_537 = arith.maximumf %select_n3A_512, %max3A_536 : vector<16xf32>
    %select_n3A_538 = arith.select %eq3A_531, %max3A_537, %select_n3A_512 : vector<16xi1>, vector<16xf32>
    %shift_right_arithmetic3A_539 = arith.constant 4 : i32
    %shift_right_arithmetic3A_540 = arith.shrsi %min3A_186, %shift_right_arithmetic3A_539 : i32
    %add3A_541 = arith.constant 15 : i32
    %add3A_542 = arith.addi %min3A_191, %add3A_541 : i32
    %shift_right_arithmetic3A_543 = arith.constant 4 : i32
    %shift_right_arithmetic3A_544 = arith.shrsi %add3A_542, %shift_right_arithmetic3A_543 : i32
    %while3A_545 = arith.subi %shift_right_arithmetic3A_544, %shift_right_arithmetic3A_540 : i32
    %while3A_546 = arith.addi %shift_right_arithmetic3A_540, %while3A_545 : i32
    %while3A_547 = arith.constant 1 : i32
    %while3A_548 = arith.divsi %while3A_545, %while3A_547 : i32
    %while3A_549 = arith.muli %while3A_548, %while3A_547 : i32
    %while3A_550 = arith.addi %shift_right_arithmetic3A_540, %while3A_549 : i32
    %while3A_551 = arith.constant 1 : i32
    %while3A_552 = scf.for %while3A_1271 = %shift_right_arithmetic3A_540 to %while3A_550 step %while3A_551 iter_args(%while3A_1272 = %broadcast_in_dim3A_7) -> (vector<16xf32>)  : i32 {
      %mul3A_1273 = arith.constant 16 : i32
      %mul3A_1274 = arith.muli %while3A_1271, %mul3A_1273 : i32
      %add3A_1275 = vector.broadcast %mul3A_1274 : i32 to vector<16xi32>
      %add3A_1276 = arith.addi %iota3A, %add3A_1275 : vector<16xi32>
      %mul3A_1277 = arith.constant 16 : i32
      %mul3A_1278 = arith.muli %while3A_1271, %mul3A_1277 : i32
      %get3A_1279 = arith.index_cast %mul3A_1278 : i32 to index
      %get3A_1280 = tpu.vector_load %arg10[%get3A_1279] {strides = array<i32>} : memref<2048xf32, #tpu.memory_space<vmem>>, vector<16xf32>,
      %ge3A = vector.broadcast %min3A_186 : i32 to vector<16xi32>
      %ge3A_1281 = arith.cmpi sge, %add3A_1276, %ge3A : vector<16xi32>
      %lt3A = vector.broadcast %min3A_191 : i32 to vector<16xi32>
      %lt3A_1282 = arith.cmpi slt, %add3A_1276, %lt3A : vector<16xi32>
      %and3A = arith.andi %ge3A_1281, %lt3A_1282 : vector<16xi1>
      %select_n3A_1283 = arith.select %and3A, %get3A_1280, %broadcast_in_dim3A_7 : vector<16xi1>, vector<16xf32>
      %max3A_1284 = arith.maximumf %while3A_1272, %select_n3A_1283 : vector<16xf32>
      scf.yield %max3A_1284 : vector<16xf32>
    }
    %while3A_553 = arith.constant 1 : i32
    %while3A_554 = scf.for %while3A_1271 = %while3A_550 to %while3A_546 step %while3A_553 iter_args(%while3A_1272 = %while3A_552) -> (vector<16xf32>)  : i32 {
      %mul3A_1273 = arith.constant 16 : i32
      %mul3A_1274 = arith.muli %while3A_1271, %mul3A_1273 : i32
      %add3A_1275 = vector.broadcast %mul3A_1274 : i32 to vector<16xi32>
      %add3A_1276 = arith.addi %iota3A, %add3A_1275 : vector<16xi32>
      %mul3A_1277 = arith.constant 16 : i32
      %mul3A_1278 = arith.muli %while3A_1271, %mul3A_1277 : i32
      %get3A_1279 = arith.index_cast %mul3A_1278 : i32 to index
      %get3A_1280 = tpu.vector_load %arg10[%get3A_1279] {strides = array<i32>} : memref<2048xf32, #tpu.memory_space<vmem>>, vector<16xf32>,
      %ge3A = vector.broadcast %min3A_186 : i32 to vector<16xi32>
      %ge3A_1281 = arith.cmpi sge, %add3A_1276, %ge3A : vector<16xi32>
      %lt3A = vector.broadcast %min3A_191 : i32 to vector<16xi32>
      %lt3A_1282 = arith.cmpi slt, %add3A_1276, %lt3A : vector<16xi32>
      %and3A = arith.andi %ge3A_1281, %lt3A_1282 : vector<16xi1>
      %select_n3A_1283 = arith.select %and3A, %get3A_1280, %broadcast_in_dim3A_7 : vector<16xi1>, vector<16xf32>
      %max3A_1284 = arith.maximumf %while3A_1272, %select_n3A_1283 : vector<16xf32>
      scf.yield %max3A_1284 : vector<16xf32>
    }
    %eq3A_555 = arith.constant 12 : i32
    %eq3A_556 = vector.broadcast %eq3A_555 : i32 to vector<16xi32>
    %eq3A_557 = arith.cmpi eq, %iota3A, %eq3A_556 : vector<16xi32>
    %reduce_max3A_558 = arith.constant true
    %reduce_max3A_559 = vector.broadcast %reduce_max3A_558 : i1 to vector<16xi1>
    %reduce_max3A_560 = tpu.scan <max>, %while3A_554 masked %reduce_max3A_559 : vector<16xf32>, vector<16xi1> -> vector<16xf32>
    %reduce_max3A_561 = vector.extract %reduce_max3A_560[15] : f32 from vector<16xf32>
    %max3A_562 = vector.broadcast %reduce_max3A_561 : f32 to vector<16xf32>
    %max3A_563 = arith.maximumf %select_n3A_538, %max3A_562 : vector<16xf32>
    %select_n3A_564 = arith.select %eq3A_557, %max3A_563, %select_n3A_538 : vector<16xi1>, vector<16xf32>
    %shift_right_arithmetic3A_565 = arith.constant 4 : i32
    %shift_right_arithmetic3A_566 = arith.shrsi %min3A_200, %shift_right_arithmetic3A_565 : i32
    %add3A_567 = arith.constant 15 : i32
    %add3A_568 = arith.addi %min3A_205, %add3A_567 : i32
    %shift_right_arithmetic3A_569 = arith.constant 4 : i32
    %shift_right_arithmetic3A_570 = arith.shrsi %add3A_568, %shift_right_arithmetic3A_569 : i32
    %while3A_571 = arith.subi %shift_right_arithmetic3A_570, %shift_right_arithmetic3A_566 : i32
    %while3A_572 = arith.addi %shift_right_arithmetic3A_566, %while3A_571 : i32
    %while3A_573 = arith.constant 1 : i32
    %while3A_574 = arith.divsi %while3A_571, %while3A_573 : i32
    %while3A_575 = arith.muli %while3A_574, %while3A_573 : i32
    %while3A_576 = arith.addi %shift_right_arithmetic3A_566, %while3A_575 : i32
    %while3A_577 = arith.constant 1 : i32
    %while3A_578 = scf.for %while3A_1271 = %shift_right_arithmetic3A_566 to %while3A_576 step %while3A_577 iter_args(%while3A_1272 = %broadcast_in_dim3A_7) -> (vector<16xf32>)  : i32 {
      %mul3A_1273 = arith.constant 16 : i32
      %mul3A_1274 = arith.muli %while3A_1271, %mul3A_1273 : i32
      %add3A_1275 = vector.broadcast %mul3A_1274 : i32 to vector<16xi32>
      %add3A_1276 = arith.addi %iota3A, %add3A_1275 : vector<16xi32>
      %mul3A_1277 = arith.constant 16 : i32
      %mul3A_1278 = arith.muli %while3A_1271, %mul3A_1277 : i32
      %get3A_1279 = arith.index_cast %mul3A_1278 : i32 to index
      %get3A_1280 = tpu.vector_load %arg10[%get3A_1279] {strides = array<i32>} : memref<2048xf32, #tpu.memory_space<vmem>>, vector<16xf32>,
      %ge3A = vector.broadcast %min3A_200 : i32 to vector<16xi32>
      %ge3A_1281 = arith.cmpi sge, %add3A_1276, %ge3A : vector<16xi32>
      %lt3A = vector.broadcast %min3A_205 : i32 to vector<16xi32>
      %lt3A_1282 = arith.cmpi slt, %add3A_1276, %lt3A : vector<16xi32>
      %and3A = arith.andi %ge3A_1281, %lt3A_1282 : vector<16xi1>
      %select_n3A_1283 = arith.select %and3A, %get3A_1280, %broadcast_in_dim3A_7 : vector<16xi1>, vector<16xf32>
      %max3A_1284 = arith.maximumf %while3A_1272, %select_n3A_1283 : vector<16xf32>
      scf.yield %max3A_1284 : vector<16xf32>
    }
    %while3A_579 = arith.constant 1 : i32
    %while3A_580 = scf.for %while3A_1271 = %while3A_576 to %while3A_572 step %while3A_579 iter_args(%while3A_1272 = %while3A_578) -> (vector<16xf32>)  : i32 {
      %mul3A_1273 = arith.constant 16 : i32
      %mul3A_1274 = arith.muli %while3A_1271, %mul3A_1273 : i32
      %add3A_1275 = vector.broadcast %mul3A_1274 : i32 to vector<16xi32>
      %add3A_1276 = arith.addi %iota3A, %add3A_1275 : vector<16xi32>
      %mul3A_1277 = arith.constant 16 : i32
      %mul3A_1278 = arith.muli %while3A_1271, %mul3A_1277 : i32
      %get3A_1279 = arith.index_cast %mul3A_1278 : i32 to index
      %get3A_1280 = tpu.vector_load %arg10[%get3A_1279] {strides = array<i32>} : memref<2048xf32, #tpu.memory_space<vmem>>, vector<16xf32>,
      %ge3A = vector.broadcast %min3A_200 : i32 to vector<16xi32>
      %ge3A_1281 = arith.cmpi sge, %add3A_1276, %ge3A : vector<16xi32>
      %lt3A = vector.broadcast %min3A_205 : i32 to vector<16xi32>
      %lt3A_1282 = arith.cmpi slt, %add3A_1276, %lt3A : vector<16xi32>
      %and3A = arith.andi %ge3A_1281, %lt3A_1282 : vector<16xi1>
      %select_n3A_1283 = arith.select %and3A, %get3A_1280, %broadcast_in_dim3A_7 : vector<16xi1>, vector<16xf32>
      %max3A_1284 = arith.maximumf %while3A_1272, %select_n3A_1283 : vector<16xf32>
      scf.yield %max3A_1284 : vector<16xf32>
    }
    %eq3A_581 = arith.constant 13 : i32
    %eq3A_582 = vector.broadcast %eq3A_581 : i32 to vector<16xi32>
    %eq3A_583 = arith.cmpi eq, %iota3A, %eq3A_582 : vector<16xi32>
    %reduce_max3A_584 = arith.constant true
    %reduce_max3A_585 = vector.broadcast %reduce_max3A_584 : i1 to vector<16xi1>
    %reduce_max3A_586 = tpu.scan <max>, %while3A_580 masked %reduce_max3A_585 : vector<16xf32>, vector<16xi1> -> vector<16xf32>
    %reduce_max3A_587 = vector.extract %reduce_max3A_586[15] : f32 from vector<16xf32>
    %max3A_588 = vector.broadcast %reduce_max3A_587 : f32 to vector<16xf32>
    %max3A_589 = arith.maximumf %select_n3A_564, %max3A_588 : vector<16xf32>
    %select_n3A_590 = arith.select %eq3A_583, %max3A_589, %select_n3A_564 : vector<16xi1>, vector<16xf32>
    %shift_right_arithmetic3A_591 = arith.constant 4 : i32
    %shift_right_arithmetic3A_592 = arith.shrsi %min3A_214, %shift_right_arithmetic3A_591 : i32
    %add3A_593 = arith.constant 15 : i32
    %add3A_594 = arith.addi %min3A_219, %add3A_593 : i32
    %shift_right_arithmetic3A_595 = arith.constant 4 : i32
    %shift_right_arithmetic3A_596 = arith.shrsi %add3A_594, %shift_right_arithmetic3A_595 : i32
    %while3A_597 = arith.subi %shift_right_arithmetic3A_596, %shift_right_arithmetic3A_592 : i32
    %while3A_598 = arith.addi %shift_right_arithmetic3A_592, %while3A_597 : i32
    %while3A_599 = arith.constant 1 : i32
    %while3A_600 = arith.divsi %while3A_597, %while3A_599 : i32
    %while3A_601 = arith.muli %while3A_600, %while3A_599 : i32
    %while3A_602 = arith.addi %shift_right_arithmetic3A_592, %while3A_601 : i32
    %while3A_603 = arith.constant 1 : i32
    %while3A_604 = scf.for %while3A_1271 = %shift_right_arithmetic3A_592 to %while3A_602 step %while3A_603 iter_args(%while3A_1272 = %broadcast_in_dim3A_7) -> (vector<16xf32>)  : i32 {
      %mul3A_1273 = arith.constant 16 : i32
      %mul3A_1274 = arith.muli %while3A_1271, %mul3A_1273 : i32
      %add3A_1275 = vector.broadcast %mul3A_1274 : i32 to vector<16xi32>
      %add3A_1276 = arith.addi %iota3A, %add3A_1275 : vector<16xi32>
      %mul3A_1277 = arith.constant 16 : i32
      %mul3A_1278 = arith.muli %while3A_1271, %mul3A_1277 : i32
      %get3A_1279 = arith.index_cast %mul3A_1278 : i32 to index
      %get3A_1280 = tpu.vector_load %arg10[%get3A_1279] {strides = array<i32>} : memref<2048xf32, #tpu.memory_space<vmem>>, vector<16xf32>,
      %ge3A = vector.broadcast %min3A_214 : i32 to vector<16xi32>
      %ge3A_1281 = arith.cmpi sge, %add3A_1276, %ge3A : vector<16xi32>
      %lt3A = vector.broadcast %min3A_219 : i32 to vector<16xi32>
      %lt3A_1282 = arith.cmpi slt, %add3A_1276, %lt3A : vector<16xi32>
      %and3A = arith.andi %ge3A_1281, %lt3A_1282 : vector<16xi1>
      %select_n3A_1283 = arith.select %and3A, %get3A_1280, %broadcast_in_dim3A_7 : vector<16xi1>, vector<16xf32>
      %max3A_1284 = arith.maximumf %while3A_1272, %select_n3A_1283 : vector<16xf32>
      scf.yield %max3A_1284 : vector<16xf32>
    }
    %while3A_605 = arith.constant 1 : i32
    %while3A_606 = scf.for %while3A_1271 = %while3A_602 to %while3A_598 step %while3A_605 iter_args(%while3A_1272 = %while3A_604) -> (vector<16xf32>)  : i32 {
      %mul3A_1273 = arith.constant 16 : i32
      %mul3A_1274 = arith.muli %while3A_1271, %mul3A_1273 : i32
      %add3A_1275 = vector.broadcast %mul3A_1274 : i32 to vector<16xi32>
      %add3A_1276 = arith.addi %iota3A, %add3A_1275 : vector<16xi32>
      %mul3A_1277 = arith.constant 16 : i32
      %mul3A_1278 = arith.muli %while3A_1271, %mul3A_1277 : i32
      %get3A_1279 = arith.index_cast %mul3A_1278 : i32 to index
      %get3A_1280 = tpu.vector_load %arg10[%get3A_1279] {strides = array<i32>} : memref<2048xf32, #tpu.memory_space<vmem>>, vector<16xf32>,
      %ge3A = vector.broadcast %min3A_214 : i32 to vector<16xi32>
      %ge3A_1281 = arith.cmpi sge, %add3A_1276, %ge3A : vector<16xi32>
      %lt3A = vector.broadcast %min3A_219 : i32 to vector<16xi32>
      %lt3A_1282 = arith.cmpi slt, %add3A_1276, %lt3A : vector<16xi32>
      %and3A = arith.andi %ge3A_1281, %lt3A_1282 : vector<16xi1>
      %select_n3A_1283 = arith.select %and3A, %get3A_1280, %broadcast_in_dim3A_7 : vector<16xi1>, vector<16xf32>
      %max3A_1284 = arith.maximumf %while3A_1272, %select_n3A_1283 : vector<16xf32>
      scf.yield %max3A_1284 : vector<16xf32>
    }
    %eq3A_607 = arith.constant 14 : i32
    %eq3A_608 = vector.broadcast %eq3A_607 : i32 to vector<16xi32>
    %eq3A_609 = arith.cmpi eq, %iota3A, %eq3A_608 : vector<16xi32>
    %reduce_max3A_610 = arith.constant true
    %reduce_max3A_611 = vector.broadcast %reduce_max3A_610 : i1 to vector<16xi1>
    %reduce_max3A_612 = tpu.scan <max>, %while3A_606 masked %reduce_max3A_611 : vector<16xf32>, vector<16xi1> -> vector<16xf32>
    %reduce_max3A_613 = vector.extract %reduce_max3A_612[15] : f32 from vector<16xf32>
    %max3A_614 = vector.broadcast %reduce_max3A_613 : f32 to vector<16xf32>
    %max3A_615 = arith.maximumf %select_n3A_590, %max3A_614 : vector<16xf32>
    %select_n3A_616 = arith.select %eq3A_609, %max3A_615, %select_n3A_590 : vector<16xi1>, vector<16xf32>
    %shift_right_arithmetic3A_617 = arith.constant 4 : i32
    %shift_right_arithmetic3A_618 = arith.shrsi %min3A_226, %shift_right_arithmetic3A_617 : i32
    %add3A_619 = arith.constant 15 : i32
    %add3A_620 = arith.addi %min3A_232, %add3A_619 : i32
    %shift_right_arithmetic3A_621 = arith.constant 4 : i32
    %shift_right_arithmetic3A_622 = arith.shrsi %add3A_620, %shift_right_arithmetic3A_621 : i32
    %while3A_623 = arith.subi %shift_right_arithmetic3A_622, %shift_right_arithmetic3A_618 : i32
    %while3A_624 = arith.addi %shift_right_arithmetic3A_618, %while3A_623 : i32
    %while3A_625 = arith.constant 1 : i32
    %while3A_626 = arith.divsi %while3A_623, %while3A_625 : i32
    %while3A_627 = arith.muli %while3A_626, %while3A_625 : i32
    %while3A_628 = arith.addi %shift_right_arithmetic3A_618, %while3A_627 : i32
    %while3A_629 = arith.constant 1 : i32
    %while3A_630 = scf.for %while3A_1271 = %shift_right_arithmetic3A_618 to %while3A_628 step %while3A_629 iter_args(%while3A_1272 = %broadcast_in_dim3A_7) -> (vector<16xf32>)  : i32 {
      %mul3A_1273 = arith.constant 16 : i32
      %mul3A_1274 = arith.muli %while3A_1271, %mul3A_1273 : i32
      %add3A_1275 = vector.broadcast %mul3A_1274 : i32 to vector<16xi32>
      %add3A_1276 = arith.addi %iota3A, %add3A_1275 : vector<16xi32>
      %mul3A_1277 = arith.constant 16 : i32
      %mul3A_1278 = arith.muli %while3A_1271, %mul3A_1277 : i32
      %get3A_1279 = arith.index_cast %mul3A_1278 : i32 to index
      %get3A_1280 = tpu.vector_load %arg10[%get3A_1279] {strides = array<i32>} : memref<2048xf32, #tpu.memory_space<vmem>>, vector<16xf32>,
      %ge3A = vector.broadcast %min3A_226 : i32 to vector<16xi32>
      %ge3A_1281 = arith.cmpi sge, %add3A_1276, %ge3A : vector<16xi32>
      %lt3A = vector.broadcast %min3A_232 : i32 to vector<16xi32>
      %lt3A_1282 = arith.cmpi slt, %add3A_1276, %lt3A : vector<16xi32>
      %and3A = arith.andi %ge3A_1281, %lt3A_1282 : vector<16xi1>
      %select_n3A_1283 = arith.select %and3A, %get3A_1280, %broadcast_in_dim3A_7 : vector<16xi1>, vector<16xf32>
      %max3A_1284 = arith.maximumf %while3A_1272, %select_n3A_1283 : vector<16xf32>
      scf.yield %max3A_1284 : vector<16xf32>
    }
    %while3A_631 = arith.constant 1 : i32
    %while3A_632 = scf.for %while3A_1271 = %while3A_628 to %while3A_624 step %while3A_631 iter_args(%while3A_1272 = %while3A_630) -> (vector<16xf32>)  : i32 {
      %mul3A_1273 = arith.constant 16 : i32
      %mul3A_1274 = arith.muli %while3A_1271, %mul3A_1273 : i32
      %add3A_1275 = vector.broadcast %mul3A_1274 : i32 to vector<16xi32>
      %add3A_1276 = arith.addi %iota3A, %add3A_1275 : vector<16xi32>
      %mul3A_1277 = arith.constant 16 : i32
      %mul3A_1278 = arith.muli %while3A_1271, %mul3A_1277 : i32
      %get3A_1279 = arith.index_cast %mul3A_1278 : i32 to index
      %get3A_1280 = tpu.vector_load %arg10[%get3A_1279] {strides = array<i32>} : memref<2048xf32, #tpu.memory_space<vmem>>, vector<16xf32>,
      %ge3A = vector.broadcast %min3A_226 : i32 to vector<16xi32>
      %ge3A_1281 = arith.cmpi sge, %add3A_1276, %ge3A : vector<16xi32>
      %lt3A = vector.broadcast %min3A_232 : i32 to vector<16xi32>
      %lt3A_1282 = arith.cmpi slt, %add3A_1276, %lt3A : vector<16xi32>
      %and3A = arith.andi %ge3A_1281, %lt3A_1282 : vector<16xi1>
      %select_n3A_1283 = arith.select %and3A, %get3A_1280, %broadcast_in_dim3A_7 : vector<16xi1>, vector<16xf32>
      %max3A_1284 = arith.maximumf %while3A_1272, %select_n3A_1283 : vector<16xf32>
      scf.yield %max3A_1284 : vector<16xf32>
    }
    %eq3A_633 = arith.constant 15 : i32
    %eq3A_634 = vector.broadcast %eq3A_633 : i32 to vector<16xi32>
    %eq3A_635 = arith.cmpi eq, %iota3A, %eq3A_634 : vector<16xi32>
    %reduce_max3A_636 = arith.constant true
    %reduce_max3A_637 = vector.broadcast %reduce_max3A_636 : i1 to vector<16xi1>
    %reduce_max3A_638 = tpu.scan <max>, %while3A_632 masked %reduce_max3A_637 : vector<16xf32>, vector<16xi1> -> vector<16xf32>
    %reduce_max3A_639 = vector.extract %reduce_max3A_638[15] : f32 from vector<16xf32>
    %max3A_640 = vector.broadcast %reduce_max3A_639 : f32 to vector<16xf32>
    %max3A_641 = arith.maximumf %select_n3A_616, %max3A_640 : vector<16xf32>
    %select_n3A_642 = arith.select %eq3A_635, %max3A_641, %select_n3A_616 : vector<16xi1>, vector<16xf32>
    %swap3A = arith.constant 0 : index
    %swap3A_643 = tpu.vector_load %arg14[%swap3A] {strides = array<i32>} : memref<16xf32, #tpu.memory_space<vmem>>, vector<16xf32>,
    tpu.vector_store %arg14[%swap3A], %select_n3A_642 {strides = array<i32>} : memref<16xf32, #tpu.memory_space<vmem>>, vector<16xf32>,
    %parallel_loop3A_644 = arith.constant 0 : i32
    %parallel_loop3A_645 = arith.constant 128 : i32
    %parallel_loop3A_646 = arith.constant 1 : i32
    scf.for %parallel_loop3A_1271 = %parallel_loop3A_644 to %parallel_loop3A_645 step %parallel_loop3A_646  : i32 {
      %parallel_loop3A_1272 = arith.constant 16 : i32
      %parallel_loop3A_1273 = arith.muli %parallel_loop3A_1271, %parallel_loop3A_1272 : i32
      %parallel_loop3A_1274 = arith.index_cast %parallel_loop3A_1273 : i32 to index
      %parallel_loop3A_1275 = tpu.vector_load %arg10[%parallel_loop3A_1274] {strides = array<i32>} : memref<2048xf32, #tpu.memory_space<vmem>>, vector<16xf32>,
      %parallel_loop3A_1276 = arith.index_cast %parallel_loop3A_1273 : i32 to index
      %parallel_loop3A_1277 = tpu.vector_load %arg9[%parallel_loop3A_1276] {strides = array<i32>} : memref<2048xi32, #tpu.memory_space<vmem>>, vector<16xi32>,
      %parallel_loop3A_1278 = tpu.vector_load_idx %arg14[%parallel_loop3A_1277] : memref<16xf32, #tpu.memory_space<vmem>>[vector<16xi32>], vector<16xf32>,
      %parallel_loop3A_1279 = arith.subf %parallel_loop3A_1275, %parallel_loop3A_1278 : vector<16xf32>
      %parallel_loop3A_1280 = math.exp %parallel_loop3A_1279 : vector<16xf32>
      %parallel_loop3A_1281 = arith.index_cast %parallel_loop3A_1273 : i32 to index
      %parallel_loop3A_1282 = tpu.vector_load %arg11[%parallel_loop3A_1281] {strides = array<i32>} : memref<2048xf32, #tpu.memory_space<vmem>>, vector<16xf32>,
      tpu.vector_store %arg11[%parallel_loop3A_1281], %parallel_loop3A_1280 {strides = array<i32>} : memref<2048xf32, #tpu.memory_space<vmem>>, vector<16xf32>,
    } {sc.loop_unroll_factor = 4 : i64, sc.parallel_access}
    %shift_right_arithmetic3A_647 = arith.constant 4 : i32
    %shift_right_arithmetic3A_648 = arith.shrsi %min3A, %shift_right_arithmetic3A_647 : i32
    %add3A_649 = arith.constant 15 : i32
    %add3A_650 = arith.addi %min3A_23, %add3A_649 : i32
    %shift_right_arithmetic3A_651 = arith.constant 4 : i32
    %shift_right_arithmetic3A_652 = arith.shrsi %add3A_650, %shift_right_arithmetic3A_651 : i32
    %while3A_653 = arith.subi %shift_right_arithmetic3A_652, %shift_right_arithmetic3A_648 : i32
    %while3A_654 = arith.addi %shift_right_arithmetic3A_648, %while3A_653 : i32
    %while3A_655 = arith.constant 1 : i32
    %while3A_656 = arith.divsi %while3A_653, %while3A_655 : i32
    %while3A_657 = arith.muli %while3A_656, %while3A_655 : i32
    %while3A_658 = arith.addi %shift_right_arithmetic3A_648, %while3A_657 : i32
    %while3A_659 = arith.constant 1 : i32
    %while3A_660 = scf.for %while3A_1271 = %shift_right_arithmetic3A_648 to %while3A_658 step %while3A_659 iter_args(%while3A_1272 = %broadcast_in_dim3A_9) -> (vector<16xf32>)  : i32 {
      %mul3A_1273 = arith.constant 16 : i32
      %mul3A_1274 = arith.muli %while3A_1271, %mul3A_1273 : i32
      %add3A_1275 = vector.broadcast %mul3A_1274 : i32 to vector<16xi32>
      %add3A_1276 = arith.addi %iota3A, %add3A_1275 : vector<16xi32>
      %mul3A_1277 = arith.constant 16 : i32
      %mul3A_1278 = arith.muli %while3A_1271, %mul3A_1277 : i32
      %get3A_1279 = arith.index_cast %mul3A_1278 : i32 to index
      %get3A_1280 = tpu.vector_load %arg11[%get3A_1279] {strides = array<i32>} : memref<2048xf32, #tpu.memory_space<vmem>>, vector<16xf32>,
      %ge3A = vector.broadcast %min3A : i32 to vector<16xi32>
      %ge3A_1281 = arith.cmpi sge, %add3A_1276, %ge3A : vector<16xi32>
      %lt3A = vector.broadcast %min3A_23 : i32 to vector<16xi32>
      %lt3A_1282 = arith.cmpi slt, %add3A_1276, %lt3A : vector<16xi32>
      %and3A = arith.andi %ge3A_1281, %lt3A_1282 : vector<16xi1>
      %select_n3A_1283 = arith.select %and3A, %get3A_1280, %broadcast_in_dim3A_9 : vector<16xi1>, vector<16xf32>
      %add3A_1284 = arith.addf %while3A_1272, %select_n3A_1283 : vector<16xf32>
      scf.yield %add3A_1284 : vector<16xf32>
    }
    %while3A_661 = arith.constant 1 : i32
    %while3A_662 = scf.for %while3A_1271 = %while3A_658 to %while3A_654 step %while3A_661 iter_args(%while3A_1272 = %while3A_660) -> (vector<16xf32>)  : i32 {
      %mul3A_1273 = arith.constant 16 : i32
      %mul3A_1274 = arith.muli %while3A_1271, %mul3A_1273 : i32
      %add3A_1275 = vector.broadcast %mul3A_1274 : i32 to vector<16xi32>
      %add3A_1276 = arith.addi %iota3A, %add3A_1275 : vector<16xi32>
      %mul3A_1277 = arith.constant 16 : i32
      %mul3A_1278 = arith.muli %while3A_1271, %mul3A_1277 : i32
      %get3A_1279 = arith.index_cast %mul3A_1278 : i32 to index
      %get3A_1280 = tpu.vector_load %arg11[%get3A_1279] {strides = array<i32>} : memref<2048xf32, #tpu.memory_space<vmem>>, vector<16xf32>,
      %ge3A = vector.broadcast %min3A : i32 to vector<16xi32>
      %ge3A_1281 = arith.cmpi sge, %add3A_1276, %ge3A : vector<16xi32>
      %lt3A = vector.broadcast %min3A_23 : i32 to vector<16xi32>
      %lt3A_1282 = arith.cmpi slt, %add3A_1276, %lt3A : vector<16xi32>
      %and3A = arith.andi %ge3A_1281, %lt3A_1282 : vector<16xi1>
      %select_n3A_1283 = arith.select %and3A, %get3A_1280, %broadcast_in_dim3A_9 : vector<16xi1>, vector<16xf32>
      %add3A_1284 = arith.addf %while3A_1272, %select_n3A_1283 : vector<16xf32>
      scf.yield %add3A_1284 : vector<16xf32>
    }
    %eq3A_663 = arith.constant 0 : i32
    %eq3A_664 = vector.broadcast %eq3A_663 : i32 to vector<16xi32>
    %eq3A_665 = arith.cmpi eq, %iota3A, %eq3A_664 : vector<16xi32>
    %reduce_sum3A = arith.constant true
    %reduce_sum3A_666 = vector.broadcast %reduce_sum3A : i1 to vector<16xi1>
    %reduce_sum3A_667 = tpu.scan <sum>, %while3A_662 masked %reduce_sum3A_666 : vector<16xf32>, vector<16xi1> -> vector<16xf32>
    %reduce_sum3A_668 = vector.extract %reduce_sum3A_667[15] : f32 from vector<16xf32>
    %add3A_669 = vector.broadcast %reduce_sum3A_668 : f32 to vector<16xf32>
    %add3A_670 = arith.addf %broadcast_in_dim3A_9, %add3A_669 : vector<16xf32>
    %select_n3A_671 = arith.select %eq3A_665, %add3A_670, %broadcast_in_dim3A_9 : vector<16xi1>, vector<16xf32>
    %shift_right_arithmetic3A_672 = arith.constant 4 : i32
    %shift_right_arithmetic3A_673 = arith.shrsi %min3A_32, %shift_right_arithmetic3A_672 : i32
    %add3A_674 = arith.constant 15 : i32
    %add3A_675 = arith.addi %min3A_37, %add3A_674 : i32
    %shift_right_arithmetic3A_676 = arith.constant 4 : i32
    %shift_right_arithmetic3A_677 = arith.shrsi %add3A_675, %shift_right_arithmetic3A_676 : i32
    %while3A_678 = arith.subi %shift_right_arithmetic3A_677, %shift_right_arithmetic3A_673 : i32
    %while3A_679 = arith.addi %shift_right_arithmetic3A_673, %while3A_678 : i32
    %while3A_680 = arith.constant 1 : i32
    %while3A_681 = arith.divsi %while3A_678, %while3A_680 : i32
    %while3A_682 = arith.muli %while3A_681, %while3A_680 : i32
    %while3A_683 = arith.addi %shift_right_arithmetic3A_673, %while3A_682 : i32
    %while3A_684 = arith.constant 1 : i32
    %while3A_685 = scf.for %while3A_1271 = %shift_right_arithmetic3A_673 to %while3A_683 step %while3A_684 iter_args(%while3A_1272 = %broadcast_in_dim3A_9) -> (vector<16xf32>)  : i32 {
      %mul3A_1273 = arith.constant 16 : i32
      %mul3A_1274 = arith.muli %while3A_1271, %mul3A_1273 : i32
      %add3A_1275 = vector.broadcast %mul3A_1274 : i32 to vector<16xi32>
      %add3A_1276 = arith.addi %iota3A, %add3A_1275 : vector<16xi32>
      %mul3A_1277 = arith.constant 16 : i32
      %mul3A_1278 = arith.muli %while3A_1271, %mul3A_1277 : i32
      %get3A_1279 = arith.index_cast %mul3A_1278 : i32 to index
      %get3A_1280 = tpu.vector_load %arg11[%get3A_1279] {strides = array<i32>} : memref<2048xf32, #tpu.memory_space<vmem>>, vector<16xf32>,
      %ge3A = vector.broadcast %min3A_32 : i32 to vector<16xi32>
      %ge3A_1281 = arith.cmpi sge, %add3A_1276, %ge3A : vector<16xi32>
      %lt3A = vector.broadcast %min3A_37 : i32 to vector<16xi32>
      %lt3A_1282 = arith.cmpi slt, %add3A_1276, %lt3A : vector<16xi32>
      %and3A = arith.andi %ge3A_1281, %lt3A_1282 : vector<16xi1>
      %select_n3A_1283 = arith.select %and3A, %get3A_1280, %broadcast_in_dim3A_9 : vector<16xi1>, vector<16xf32>
      %add3A_1284 = arith.addf %while3A_1272, %select_n3A_1283 : vector<16xf32>
      scf.yield %add3A_1284 : vector<16xf32>
    }
    %while3A_686 = arith.constant 1 : i32
    %while3A_687 = scf.for %while3A_1271 = %while3A_683 to %while3A_679 step %while3A_686 iter_args(%while3A_1272 = %while3A_685) -> (vector<16xf32>)  : i32 {
      %mul3A_1273 = arith.constant 16 : i32
      %mul3A_1274 = arith.muli %while3A_1271, %mul3A_1273 : i32
      %add3A_1275 = vector.broadcast %mul3A_1274 : i32 to vector<16xi32>
      %add3A_1276 = arith.addi %iota3A, %add3A_1275 : vector<16xi32>
      %mul3A_1277 = arith.constant 16 : i32
      %mul3A_1278 = arith.muli %while3A_1271, %mul3A_1277 : i32
      %get3A_1279 = arith.index_cast %mul3A_1278 : i32 to index
      %get3A_1280 = tpu.vector_load %arg11[%get3A_1279] {strides = array<i32>} : memref<2048xf32, #tpu.memory_space<vmem>>, vector<16xf32>,
      %ge3A = vector.broadcast %min3A_32 : i32 to vector<16xi32>
      %ge3A_1281 = arith.cmpi sge, %add3A_1276, %ge3A : vector<16xi32>
      %lt3A = vector.broadcast %min3A_37 : i32 to vector<16xi32>
      %lt3A_1282 = arith.cmpi slt, %add3A_1276, %lt3A : vector<16xi32>
      %and3A = arith.andi %ge3A_1281, %lt3A_1282 : vector<16xi1>
      %select_n3A_1283 = arith.select %and3A, %get3A_1280, %broadcast_in_dim3A_9 : vector<16xi1>, vector<16xf32>
      %add3A_1284 = arith.addf %while3A_1272, %select_n3A_1283 : vector<16xf32>
      scf.yield %add3A_1284 : vector<16xf32>
    }
    %eq3A_688 = arith.constant 1 : i32
    %eq3A_689 = vector.broadcast %eq3A_688 : i32 to vector<16xi32>
    %eq3A_690 = arith.cmpi eq, %iota3A, %eq3A_689 : vector<16xi32>
    %reduce_sum3A_691 = arith.constant true
    %reduce_sum3A_692 = vector.broadcast %reduce_sum3A_691 : i1 to vector<16xi1>
    %reduce_sum3A_693 = tpu.scan <sum>, %while3A_687 masked %reduce_sum3A_692 : vector<16xf32>, vector<16xi1> -> vector<16xf32>
    %reduce_sum3A_694 = vector.extract %reduce_sum3A_693[15] : f32 from vector<16xf32>
    %add3A_695 = vector.broadcast %reduce_sum3A_694 : f32 to vector<16xf32>
    %add3A_696 = arith.addf %select_n3A_671, %add3A_695 : vector<16xf32>
    %select_n3A_697 = arith.select %eq3A_690, %add3A_696, %select_n3A_671 : vector<16xi1>, vector<16xf32>
    %shift_right_arithmetic3A_698 = arith.constant 4 : i32
    %shift_right_arithmetic3A_699 = arith.shrsi %min3A_46, %shift_right_arithmetic3A_698 : i32
    %add3A_700 = arith.constant 15 : i32
    %add3A_701 = arith.addi %min3A_51, %add3A_700 : i32
    %shift_right_arithmetic3A_702 = arith.constant 4 : i32
    %shift_right_arithmetic3A_703 = arith.shrsi %add3A_701, %shift_right_arithmetic3A_702 : i32
    %while3A_704 = arith.subi %shift_right_arithmetic3A_703, %shift_right_arithmetic3A_699 : i32
    %while3A_705 = arith.addi %shift_right_arithmetic3A_699, %while3A_704 : i32
    %while3A_706 = arith.constant 1 : i32
    %while3A_707 = arith.divsi %while3A_704, %while3A_706 : i32
    %while3A_708 = arith.muli %while3A_707, %while3A_706 : i32
    %while3A_709 = arith.addi %shift_right_arithmetic3A_699, %while3A_708 : i32
    %while3A_710 = arith.constant 1 : i32
    %while3A_711 = scf.for %while3A_1271 = %shift_right_arithmetic3A_699 to %while3A_709 step %while3A_710 iter_args(%while3A_1272 = %broadcast_in_dim3A_9) -> (vector<16xf32>)  : i32 {
      %mul3A_1273 = arith.constant 16 : i32
      %mul3A_1274 = arith.muli %while3A_1271, %mul3A_1273 : i32
      %add3A_1275 = vector.broadcast %mul3A_1274 : i32 to vector<16xi32>
      %add3A_1276 = arith.addi %iota3A, %add3A_1275 : vector<16xi32>
      %mul3A_1277 = arith.constant 16 : i32
      %mul3A_1278 = arith.muli %while3A_1271, %mul3A_1277 : i32
      %get3A_1279 = arith.index_cast %mul3A_1278 : i32 to index
      %get3A_1280 = tpu.vector_load %arg11[%get3A_1279] {strides = array<i32>} : memref<2048xf32, #tpu.memory_space<vmem>>, vector<16xf32>,
      %ge3A = vector.broadcast %min3A_46 : i32 to vector<16xi32>
      %ge3A_1281 = arith.cmpi sge, %add3A_1276, %ge3A : vector<16xi32>
      %lt3A = vector.broadcast %min3A_51 : i32 to vector<16xi32>
      %lt3A_1282 = arith.cmpi slt, %add3A_1276, %lt3A : vector<16xi32>
      %and3A = arith.andi %ge3A_1281, %lt3A_1282 : vector<16xi1>
      %select_n3A_1283 = arith.select %and3A, %get3A_1280, %broadcast_in_dim3A_9 : vector<16xi1>, vector<16xf32>
      %add3A_1284 = arith.addf %while3A_1272, %select_n3A_1283 : vector<16xf32>
      scf.yield %add3A_1284 : vector<16xf32>
    }
    %while3A_712 = arith.constant 1 : i32
    %while3A_713 = scf.for %while3A_1271 = %while3A_709 to %while3A_705 step %while3A_712 iter_args(%while3A_1272 = %while3A_711) -> (vector<16xf32>)  : i32 {
      %mul3A_1273 = arith.constant 16 : i32
      %mul3A_1274 = arith.muli %while3A_1271, %mul3A_1273 : i32
      %add3A_1275 = vector.broadcast %mul3A_1274 : i32 to vector<16xi32>
      %add3A_1276 = arith.addi %iota3A, %add3A_1275 : vector<16xi32>
      %mul3A_1277 = arith.constant 16 : i32
      %mul3A_1278 = arith.muli %while3A_1271, %mul3A_1277 : i32
      %get3A_1279 = arith.index_cast %mul3A_1278 : i32 to index
      %get3A_1280 = tpu.vector_load %arg11[%get3A_1279] {strides = array<i32>} : memref<2048xf32, #tpu.memory_space<vmem>>, vector<16xf32>,
      %ge3A = vector.broadcast %min3A_46 : i32 to vector<16xi32>
      %ge3A_1281 = arith.cmpi sge, %add3A_1276, %ge3A : vector<16xi32>
      %lt3A = vector.broadcast %min3A_51 : i32 to vector<16xi32>
      %lt3A_1282 = arith.cmpi slt, %add3A_1276, %lt3A : vector<16xi32>
      %and3A = arith.andi %ge3A_1281, %lt3A_1282 : vector<16xi1>
      %select_n3A_1283 = arith.select %and3A, %get3A_1280, %broadcast_in_dim3A_9 : vector<16xi1>, vector<16xf32>
      %add3A_1284 = arith.addf %while3A_1272, %select_n3A_1283 : vector<16xf32>
      scf.yield %add3A_1284 : vector<16xf32>
    }
    %eq3A_714 = arith.constant 2 : i32
    %eq3A_715 = vector.broadcast %eq3A_714 : i32 to vector<16xi32>
    %eq3A_716 = arith.cmpi eq, %iota3A, %eq3A_715 : vector<16xi32>
    %reduce_sum3A_717 = arith.constant true
    %reduce_sum3A_718 = vector.broadcast %reduce_sum3A_717 : i1 to vector<16xi1>
    %reduce_sum3A_719 = tpu.scan <sum>, %while3A_713 masked %reduce_sum3A_718 : vector<16xf32>, vector<16xi1> -> vector<16xf32>
    %reduce_sum3A_720 = vector.extract %reduce_sum3A_719[15] : f32 from vector<16xf32>
    %add3A_721 = vector.broadcast %reduce_sum3A_720 : f32 to vector<16xf32>
    %add3A_722 = arith.addf %select_n3A_697, %add3A_721 : vector<16xf32>
    %select_n3A_723 = arith.select %eq3A_716, %add3A_722, %select_n3A_697 : vector<16xi1>, vector<16xf32>
    %shift_right_arithmetic3A_724 = arith.constant 4 : i32
    %shift_right_arithmetic3A_725 = arith.shrsi %min3A_60, %shift_right_arithmetic3A_724 : i32
    %add3A_726 = arith.constant 15 : i32
    %add3A_727 = arith.addi %min3A_65, %add3A_726 : i32
    %shift_right_arithmetic3A_728 = arith.constant 4 : i32
    %shift_right_arithmetic3A_729 = arith.shrsi %add3A_727, %shift_right_arithmetic3A_728 : i32
    %while3A_730 = arith.subi %shift_right_arithmetic3A_729, %shift_right_arithmetic3A_725 : i32
    %while3A_731 = arith.addi %shift_right_arithmetic3A_725, %while3A_730 : i32
    %while3A_732 = arith.constant 1 : i32
    %while3A_733 = arith.divsi %while3A_730, %while3A_732 : i32
    %while3A_734 = arith.muli %while3A_733, %while3A_732 : i32
    %while3A_735 = arith.addi %shift_right_arithmetic3A_725, %while3A_734 : i32
    %while3A_736 = arith.constant 1 : i32
    %while3A_737 = scf.for %while3A_1271 = %shift_right_arithmetic3A_725 to %while3A_735 step %while3A_736 iter_args(%while3A_1272 = %broadcast_in_dim3A_9) -> (vector<16xf32>)  : i32 {
      %mul3A_1273 = arith.constant 16 : i32
      %mul3A_1274 = arith.muli %while3A_1271, %mul3A_1273 : i32
      %add3A_1275 = vector.broadcast %mul3A_1274 : i32 to vector<16xi32>
      %add3A_1276 = arith.addi %iota3A, %add3A_1275 : vector<16xi32>
      %mul3A_1277 = arith.constant 16 : i32
      %mul3A_1278 = arith.muli %while3A_1271, %mul3A_1277 : i32
      %get3A_1279 = arith.index_cast %mul3A_1278 : i32 to index
      %get3A_1280 = tpu.vector_load %arg11[%get3A_1279] {strides = array<i32>} : memref<2048xf32, #tpu.memory_space<vmem>>, vector<16xf32>,
      %ge3A = vector.broadcast %min3A_60 : i32 to vector<16xi32>
      %ge3A_1281 = arith.cmpi sge, %add3A_1276, %ge3A : vector<16xi32>
      %lt3A = vector.broadcast %min3A_65 : i32 to vector<16xi32>
      %lt3A_1282 = arith.cmpi slt, %add3A_1276, %lt3A : vector<16xi32>
      %and3A = arith.andi %ge3A_1281, %lt3A_1282 : vector<16xi1>
      %select_n3A_1283 = arith.select %and3A, %get3A_1280, %broadcast_in_dim3A_9 : vector<16xi1>, vector<16xf32>
      %add3A_1284 = arith.addf %while3A_1272, %select_n3A_1283 : vector<16xf32>
      scf.yield %add3A_1284 : vector<16xf32>
    }
    %while3A_738 = arith.constant 1 : i32
    %while3A_739 = scf.for %while3A_1271 = %while3A_735 to %while3A_731 step %while3A_738 iter_args(%while3A_1272 = %while3A_737) -> (vector<16xf32>)  : i32 {
      %mul3A_1273 = arith.constant 16 : i32
      %mul3A_1274 = arith.muli %while3A_1271, %mul3A_1273 : i32
      %add3A_1275 = vector.broadcast %mul3A_1274 : i32 to vector<16xi32>
      %add3A_1276 = arith.addi %iota3A, %add3A_1275 : vector<16xi32>
      %mul3A_1277 = arith.constant 16 : i32
      %mul3A_1278 = arith.muli %while3A_1271, %mul3A_1277 : i32
      %get3A_1279 = arith.index_cast %mul3A_1278 : i32 to index
      %get3A_1280 = tpu.vector_load %arg11[%get3A_1279] {strides = array<i32>} : memref<2048xf32, #tpu.memory_space<vmem>>, vector<16xf32>,
      %ge3A = vector.broadcast %min3A_60 : i32 to vector<16xi32>
      %ge3A_1281 = arith.cmpi sge, %add3A_1276, %ge3A : vector<16xi32>
      %lt3A = vector.broadcast %min3A_65 : i32 to vector<16xi32>
      %lt3A_1282 = arith.cmpi slt, %add3A_1276, %lt3A : vector<16xi32>
      %and3A = arith.andi %ge3A_1281, %lt3A_1282 : vector<16xi1>
      %select_n3A_1283 = arith.select %and3A, %get3A_1280, %broadcast_in_dim3A_9 : vector<16xi1>, vector<16xf32>
      %add3A_1284 = arith.addf %while3A_1272, %select_n3A_1283 : vector<16xf32>
      scf.yield %add3A_1284 : vector<16xf32>
    }
    %eq3A_740 = arith.constant 3 : i32
    %eq3A_741 = vector.broadcast %eq3A_740 : i32 to vector<16xi32>
    %eq3A_742 = arith.cmpi eq, %iota3A, %eq3A_741 : vector<16xi32>
    %reduce_sum3A_743 = arith.constant true
    %reduce_sum3A_744 = vector.broadcast %reduce_sum3A_743 : i1 to vector<16xi1>
    %reduce_sum3A_745 = tpu.scan <sum>, %while3A_739 masked %reduce_sum3A_744 : vector<16xf32>, vector<16xi1> -> vector<16xf32>
    %reduce_sum3A_746 = vector.extract %reduce_sum3A_745[15] : f32 from vector<16xf32>
    %add3A_747 = vector.broadcast %reduce_sum3A_746 : f32 to vector<16xf32>
    %add3A_748 = arith.addf %select_n3A_723, %add3A_747 : vector<16xf32>
    %select_n3A_749 = arith.select %eq3A_742, %add3A_748, %select_n3A_723 : vector<16xi1>, vector<16xf32>
    %shift_right_arithmetic3A_750 = arith.constant 4 : i32
    %shift_right_arithmetic3A_751 = arith.shrsi %min3A_74, %shift_right_arithmetic3A_750 : i32
    %add3A_752 = arith.constant 15 : i32
    %add3A_753 = arith.addi %min3A_79, %add3A_752 : i32
    %shift_right_arithmetic3A_754 = arith.constant 4 : i32
    %shift_right_arithmetic3A_755 = arith.shrsi %add3A_753, %shift_right_arithmetic3A_754 : i32
    %while3A_756 = arith.subi %shift_right_arithmetic3A_755, %shift_right_arithmetic3A_751 : i32
    %while3A_757 = arith.addi %shift_right_arithmetic3A_751, %while3A_756 : i32
    %while3A_758 = arith.constant 1 : i32
    %while3A_759 = arith.divsi %while3A_756, %while3A_758 : i32
    %while3A_760 = arith.muli %while3A_759, %while3A_758 : i32
    %while3A_761 = arith.addi %shift_right_arithmetic3A_751, %while3A_760 : i32
    %while3A_762 = arith.constant 1 : i32
    %while3A_763 = scf.for %while3A_1271 = %shift_right_arithmetic3A_751 to %while3A_761 step %while3A_762 iter_args(%while3A_1272 = %broadcast_in_dim3A_9) -> (vector<16xf32>)  : i32 {
      %mul3A_1273 = arith.constant 16 : i32
      %mul3A_1274 = arith.muli %while3A_1271, %mul3A_1273 : i32
      %add3A_1275 = vector.broadcast %mul3A_1274 : i32 to vector<16xi32>
      %add3A_1276 = arith.addi %iota3A, %add3A_1275 : vector<16xi32>
      %mul3A_1277 = arith.constant 16 : i32
      %mul3A_1278 = arith.muli %while3A_1271, %mul3A_1277 : i32
      %get3A_1279 = arith.index_cast %mul3A_1278 : i32 to index
      %get3A_1280 = tpu.vector_load %arg11[%get3A_1279] {strides = array<i32>} : memref<2048xf32, #tpu.memory_space<vmem>>, vector<16xf32>,
      %ge3A = vector.broadcast %min3A_74 : i32 to vector<16xi32>
      %ge3A_1281 = arith.cmpi sge, %add3A_1276, %ge3A : vector<16xi32>
      %lt3A = vector.broadcast %min3A_79 : i32 to vector<16xi32>
      %lt3A_1282 = arith.cmpi slt, %add3A_1276, %lt3A : vector<16xi32>
      %and3A = arith.andi %ge3A_1281, %lt3A_1282 : vector<16xi1>
      %select_n3A_1283 = arith.select %and3A, %get3A_1280, %broadcast_in_dim3A_9 : vector<16xi1>, vector<16xf32>
      %add3A_1284 = arith.addf %while3A_1272, %select_n3A_1283 : vector<16xf32>
      scf.yield %add3A_1284 : vector<16xf32>
    }
    %while3A_764 = arith.constant 1 : i32
    %while3A_765 = scf.for %while3A_1271 = %while3A_761 to %while3A_757 step %while3A_764 iter_args(%while3A_1272 = %while3A_763) -> (vector<16xf32>)  : i32 {
      %mul3A_1273 = arith.constant 16 : i32
      %mul3A_1274 = arith.muli %while3A_1271, %mul3A_1273 : i32
      %add3A_1275 = vector.broadcast %mul3A_1274 : i32 to vector<16xi32>
      %add3A_1276 = arith.addi %iota3A, %add3A_1275 : vector<16xi32>
      %mul3A_1277 = arith.constant 16 : i32
      %mul3A_1278 = arith.muli %while3A_1271, %mul3A_1277 : i32
      %get3A_1279 = arith.index_cast %mul3A_1278 : i32 to index
      %get3A_1280 = tpu.vector_load %arg11[%get3A_1279] {strides = array<i32>} : memref<2048xf32, #tpu.memory_space<vmem>>, vector<16xf32>,
      %ge3A = vector.broadcast %min3A_74 : i32 to vector<16xi32>
      %ge3A_1281 = arith.cmpi sge, %add3A_1276, %ge3A : vector<16xi32>
      %lt3A = vector.broadcast %min3A_79 : i32 to vector<16xi32>
      %lt3A_1282 = arith.cmpi slt, %add3A_1276, %lt3A : vector<16xi32>
      %and3A = arith.andi %ge3A_1281, %lt3A_1282 : vector<16xi1>
      %select_n3A_1283 = arith.select %and3A, %get3A_1280, %broadcast_in_dim3A_9 : vector<16xi1>, vector<16xf32>
      %add3A_1284 = arith.addf %while3A_1272, %select_n3A_1283 : vector<16xf32>
      scf.yield %add3A_1284 : vector<16xf32>
    }
    %eq3A_766 = arith.constant 4 : i32
    %eq3A_767 = vector.broadcast %eq3A_766 : i32 to vector<16xi32>
    %eq3A_768 = arith.cmpi eq, %iota3A, %eq3A_767 : vector<16xi32>
    %reduce_sum3A_769 = arith.constant true
    %reduce_sum3A_770 = vector.broadcast %reduce_sum3A_769 : i1 to vector<16xi1>
    %reduce_sum3A_771 = tpu.scan <sum>, %while3A_765 masked %reduce_sum3A_770 : vector<16xf32>, vector<16xi1> -> vector<16xf32>
    %reduce_sum3A_772 = vector.extract %reduce_sum3A_771[15] : f32 from vector<16xf32>
    %add3A_773 = vector.broadcast %reduce_sum3A_772 : f32 to vector<16xf32>
    %add3A_774 = arith.addf %select_n3A_749, %add3A_773 : vector<16xf32>
    %select_n3A_775 = arith.select %eq3A_768, %add3A_774, %select_n3A_749 : vector<16xi1>, vector<16xf32>
    %shift_right_arithmetic3A_776 = arith.constant 4 : i32
    %shift_right_arithmetic3A_777 = arith.shrsi %min3A_88, %shift_right_arithmetic3A_776 : i32
    %add3A_778 = arith.constant 15 : i32
    %add3A_779 = arith.addi %min3A_93, %add3A_778 : i32
    %shift_right_arithmetic3A_780 = arith.constant 4 : i32
    %shift_right_arithmetic3A_781 = arith.shrsi %add3A_779, %shift_right_arithmetic3A_780 : i32
    %while3A_782 = arith.subi %shift_right_arithmetic3A_781, %shift_right_arithmetic3A_777 : i32
    %while3A_783 = arith.addi %shift_right_arithmetic3A_777, %while3A_782 : i32
    %while3A_784 = arith.constant 1 : i32
    %while3A_785 = arith.divsi %while3A_782, %while3A_784 : i32
    %while3A_786 = arith.muli %while3A_785, %while3A_784 : i32
    %while3A_787 = arith.addi %shift_right_arithmetic3A_777, %while3A_786 : i32
    %while3A_788 = arith.constant 1 : i32
    %while3A_789 = scf.for %while3A_1271 = %shift_right_arithmetic3A_777 to %while3A_787 step %while3A_788 iter_args(%while3A_1272 = %broadcast_in_dim3A_9) -> (vector<16xf32>)  : i32 {
      %mul3A_1273 = arith.constant 16 : i32
      %mul3A_1274 = arith.muli %while3A_1271, %mul3A_1273 : i32
      %add3A_1275 = vector.broadcast %mul3A_1274 : i32 to vector<16xi32>
      %add3A_1276 = arith.addi %iota3A, %add3A_1275 : vector<16xi32>
      %mul3A_1277 = arith.constant 16 : i32
      %mul3A_1278 = arith.muli %while3A_1271, %mul3A_1277 : i32
      %get3A_1279 = arith.index_cast %mul3A_1278 : i32 to index
      %get3A_1280 = tpu.vector_load %arg11[%get3A_1279] {strides = array<i32>} : memref<2048xf32, #tpu.memory_space<vmem>>, vector<16xf32>,
      %ge3A = vector.broadcast %min3A_88 : i32 to vector<16xi32>
      %ge3A_1281 = arith.cmpi sge, %add3A_1276, %ge3A : vector<16xi32>
      %lt3A = vector.broadcast %min3A_93 : i32 to vector<16xi32>
      %lt3A_1282 = arith.cmpi slt, %add3A_1276, %lt3A : vector<16xi32>
      %and3A = arith.andi %ge3A_1281, %lt3A_1282 : vector<16xi1>
      %select_n3A_1283 = arith.select %and3A, %get3A_1280, %broadcast_in_dim3A_9 : vector<16xi1>, vector<16xf32>
      %add3A_1284 = arith.addf %while3A_1272, %select_n3A_1283 : vector<16xf32>
      scf.yield %add3A_1284 : vector<16xf32>
    }
    %while3A_790 = arith.constant 1 : i32
    %while3A_791 = scf.for %while3A_1271 = %while3A_787 to %while3A_783 step %while3A_790 iter_args(%while3A_1272 = %while3A_789) -> (vector<16xf32>)  : i32 {
      %mul3A_1273 = arith.constant 16 : i32
      %mul3A_1274 = arith.muli %while3A_1271, %mul3A_1273 : i32
      %add3A_1275 = vector.broadcast %mul3A_1274 : i32 to vector<16xi32>
      %add3A_1276 = arith.addi %iota3A, %add3A_1275 : vector<16xi32>
      %mul3A_1277 = arith.constant 16 : i32
      %mul3A_1278 = arith.muli %while3A_1271, %mul3A_1277 : i32
      %get3A_1279 = arith.index_cast %mul3A_1278 : i32 to index
      %get3A_1280 = tpu.vector_load %arg11[%get3A_1279] {strides = array<i32>} : memref<2048xf32, #tpu.memory_space<vmem>>, vector<16xf32>,
      %ge3A = vector.broadcast %min3A_88 : i32 to vector<16xi32>
      %ge3A_1281 = arith.cmpi sge, %add3A_1276, %ge3A : vector<16xi32>
      %lt3A = vector.broadcast %min3A_93 : i32 to vector<16xi32>
      %lt3A_1282 = arith.cmpi slt, %add3A_1276, %lt3A : vector<16xi32>
      %and3A = arith.andi %ge3A_1281, %lt3A_1282 : vector<16xi1>
      %select_n3A_1283 = arith.select %and3A, %get3A_1280, %broadcast_in_dim3A_9 : vector<16xi1>, vector<16xf32>
      %add3A_1284 = arith.addf %while3A_1272, %select_n3A_1283 : vector<16xf32>
      scf.yield %add3A_1284 : vector<16xf32>
    }
    %eq3A_792 = arith.constant 5 : i32
    %eq3A_793 = vector.broadcast %eq3A_792 : i32 to vector<16xi32>
    %eq3A_794 = arith.cmpi eq, %iota3A, %eq3A_793 : vector<16xi32>
    %reduce_sum3A_795 = arith.constant true
    %reduce_sum3A_796 = vector.broadcast %reduce_sum3A_795 : i1 to vector<16xi1>
    %reduce_sum3A_797 = tpu.scan <sum>, %while3A_791 masked %reduce_sum3A_796 : vector<16xf32>, vector<16xi1> -> vector<16xf32>
    %reduce_sum3A_798 = vector.extract %reduce_sum3A_797[15] : f32 from vector<16xf32>
    %add3A_799 = vector.broadcast %reduce_sum3A_798 : f32 to vector<16xf32>
    %add3A_800 = arith.addf %select_n3A_775, %add3A_799 : vector<16xf32>
    %select_n3A_801 = arith.select %eq3A_794, %add3A_800, %select_n3A_775 : vector<16xi1>, vector<16xf32>
    %shift_right_arithmetic3A_802 = arith.constant 4 : i32
    %shift_right_arithmetic3A_803 = arith.shrsi %min3A_102, %shift_right_arithmetic3A_802 : i32
    %add3A_804 = arith.constant 15 : i32
    %add3A_805 = arith.addi %min3A_107, %add3A_804 : i32
    %shift_right_arithmetic3A_806 = arith.constant 4 : i32
    %shift_right_arithmetic3A_807 = arith.shrsi %add3A_805, %shift_right_arithmetic3A_806 : i32
    %while3A_808 = arith.subi %shift_right_arithmetic3A_807, %shift_right_arithmetic3A_803 : i32
    %while3A_809 = arith.addi %shift_right_arithmetic3A_803, %while3A_808 : i32
    %while3A_810 = arith.constant 1 : i32
    %while3A_811 = arith.divsi %while3A_808, %while3A_810 : i32
    %while3A_812 = arith.muli %while3A_811, %while3A_810 : i32
    %while3A_813 = arith.addi %shift_right_arithmetic3A_803, %while3A_812 : i32
    %while3A_814 = arith.constant 1 : i32
    %while3A_815 = scf.for %while3A_1271 = %shift_right_arithmetic3A_803 to %while3A_813 step %while3A_814 iter_args(%while3A_1272 = %broadcast_in_dim3A_9) -> (vector<16xf32>)  : i32 {
      %mul3A_1273 = arith.constant 16 : i32
      %mul3A_1274 = arith.muli %while3A_1271, %mul3A_1273 : i32
      %add3A_1275 = vector.broadcast %mul3A_1274 : i32 to vector<16xi32>
      %add3A_1276 = arith.addi %iota3A, %add3A_1275 : vector<16xi32>
      %mul3A_1277 = arith.constant 16 : i32
      %mul3A_1278 = arith.muli %while3A_1271, %mul3A_1277 : i32
      %get3A_1279 = arith.index_cast %mul3A_1278 : i32 to index
      %get3A_1280 = tpu.vector_load %arg11[%get3A_1279] {strides = array<i32>} : memref<2048xf32, #tpu.memory_space<vmem>>, vector<16xf32>,
      %ge3A = vector.broadcast %min3A_102 : i32 to vector<16xi32>
      %ge3A_1281 = arith.cmpi sge, %add3A_1276, %ge3A : vector<16xi32>
      %lt3A = vector.broadcast %min3A_107 : i32 to vector<16xi32>
      %lt3A_1282 = arith.cmpi slt, %add3A_1276, %lt3A : vector<16xi32>
      %and3A = arith.andi %ge3A_1281, %lt3A_1282 : vector<16xi1>
      %select_n3A_1283 = arith.select %and3A, %get3A_1280, %broadcast_in_dim3A_9 : vector<16xi1>, vector<16xf32>
      %add3A_1284 = arith.addf %while3A_1272, %select_n3A_1283 : vector<16xf32>
      scf.yield %add3A_1284 : vector<16xf32>
    }
    %while3A_816 = arith.constant 1 : i32
    %while3A_817 = scf.for %while3A_1271 = %while3A_813 to %while3A_809 step %while3A_816 iter_args(%while3A_1272 = %while3A_815) -> (vector<16xf32>)  : i32 {
      %mul3A_1273 = arith.constant 16 : i32
      %mul3A_1274 = arith.muli %while3A_1271, %mul3A_1273 : i32
      %add3A_1275 = vector.broadcast %mul3A_1274 : i32 to vector<16xi32>
      %add3A_1276 = arith.addi %iota3A, %add3A_1275 : vector<16xi32>
      %mul3A_1277 = arith.constant 16 : i32
      %mul3A_1278 = arith.muli %while3A_1271, %mul3A_1277 : i32
      %get3A_1279 = arith.index_cast %mul3A_1278 : i32 to index
      %get3A_1280 = tpu.vector_load %arg11[%get3A_1279] {strides = array<i32>} : memref<2048xf32, #tpu.memory_space<vmem>>, vector<16xf32>,
      %ge3A = vector.broadcast %min3A_102 : i32 to vector<16xi32>
      %ge3A_1281 = arith.cmpi sge, %add3A_1276, %ge3A : vector<16xi32>
      %lt3A = vector.broadcast %min3A_107 : i32 to vector<16xi32>
      %lt3A_1282 = arith.cmpi slt, %add3A_1276, %lt3A : vector<16xi32>
      %and3A = arith.andi %ge3A_1281, %lt3A_1282 : vector<16xi1>
      %select_n3A_1283 = arith.select %and3A, %get3A_1280, %broadcast_in_dim3A_9 : vector<16xi1>, vector<16xf32>
      %add3A_1284 = arith.addf %while3A_1272, %select_n3A_1283 : vector<16xf32>
      scf.yield %add3A_1284 : vector<16xf32>
    }
    %eq3A_818 = arith.constant 6 : i32
    %eq3A_819 = vector.broadcast %eq3A_818 : i32 to vector<16xi32>
    %eq3A_820 = arith.cmpi eq, %iota3A, %eq3A_819 : vector<16xi32>
    %reduce_sum3A_821 = arith.constant true
    %reduce_sum3A_822 = vector.broadcast %reduce_sum3A_821 : i1 to vector<16xi1>
    %reduce_sum3A_823 = tpu.scan <sum>, %while3A_817 masked %reduce_sum3A_822 : vector<16xf32>, vector<16xi1> -> vector<16xf32>
    %reduce_sum3A_824 = vector.extract %reduce_sum3A_823[15] : f32 from vector<16xf32>
    %add3A_825 = vector.broadcast %reduce_sum3A_824 : f32 to vector<16xf32>
    %add3A_826 = arith.addf %select_n3A_801, %add3A_825 : vector<16xf32>
    %select_n3A_827 = arith.select %eq3A_820, %add3A_826, %select_n3A_801 : vector<16xi1>, vector<16xf32>
    %shift_right_arithmetic3A_828 = arith.constant 4 : i32
    %shift_right_arithmetic3A_829 = arith.shrsi %min3A_116, %shift_right_arithmetic3A_828 : i32
    %add3A_830 = arith.constant 15 : i32
    %add3A_831 = arith.addi %min3A_121, %add3A_830 : i32
    %shift_right_arithmetic3A_832 = arith.constant 4 : i32
    %shift_right_arithmetic3A_833 = arith.shrsi %add3A_831, %shift_right_arithmetic3A_832 : i32
    %while3A_834 = arith.subi %shift_right_arithmetic3A_833, %shift_right_arithmetic3A_829 : i32
    %while3A_835 = arith.addi %shift_right_arithmetic3A_829, %while3A_834 : i32
    %while3A_836 = arith.constant 1 : i32
    %while3A_837 = arith.divsi %while3A_834, %while3A_836 : i32
    %while3A_838 = arith.muli %while3A_837, %while3A_836 : i32
    %while3A_839 = arith.addi %shift_right_arithmetic3A_829, %while3A_838 : i32
    %while3A_840 = arith.constant 1 : i32
    %while3A_841 = scf.for %while3A_1271 = %shift_right_arithmetic3A_829 to %while3A_839 step %while3A_840 iter_args(%while3A_1272 = %broadcast_in_dim3A_9) -> (vector<16xf32>)  : i32 {
      %mul3A_1273 = arith.constant 16 : i32
      %mul3A_1274 = arith.muli %while3A_1271, %mul3A_1273 : i32
      %add3A_1275 = vector.broadcast %mul3A_1274 : i32 to vector<16xi32>
      %add3A_1276 = arith.addi %iota3A, %add3A_1275 : vector<16xi32>
      %mul3A_1277 = arith.constant 16 : i32
      %mul3A_1278 = arith.muli %while3A_1271, %mul3A_1277 : i32
      %get3A_1279 = arith.index_cast %mul3A_1278 : i32 to index
      %get3A_1280 = tpu.vector_load %arg11[%get3A_1279] {strides = array<i32>} : memref<2048xf32, #tpu.memory_space<vmem>>, vector<16xf32>,
      %ge3A = vector.broadcast %min3A_116 : i32 to vector<16xi32>
      %ge3A_1281 = arith.cmpi sge, %add3A_1276, %ge3A : vector<16xi32>
      %lt3A = vector.broadcast %min3A_121 : i32 to vector<16xi32>
      %lt3A_1282 = arith.cmpi slt, %add3A_1276, %lt3A : vector<16xi32>
      %and3A = arith.andi %ge3A_1281, %lt3A_1282 : vector<16xi1>
      %select_n3A_1283 = arith.select %and3A, %get3A_1280, %broadcast_in_dim3A_9 : vector<16xi1>, vector<16xf32>
      %add3A_1284 = arith.addf %while3A_1272, %select_n3A_1283 : vector<16xf32>
      scf.yield %add3A_1284 : vector<16xf32>
    }
    %while3A_842 = arith.constant 1 : i32
    %while3A_843 = scf.for %while3A_1271 = %while3A_839 to %while3A_835 step %while3A_842 iter_args(%while3A_1272 = %while3A_841) -> (vector<16xf32>)  : i32 {
      %mul3A_1273 = arith.constant 16 : i32
      %mul3A_1274 = arith.muli %while3A_1271, %mul3A_1273 : i32
      %add3A_1275 = vector.broadcast %mul3A_1274 : i32 to vector<16xi32>
      %add3A_1276 = arith.addi %iota3A, %add3A_1275 : vector<16xi32>
      %mul3A_1277 = arith.constant 16 : i32
      %mul3A_1278 = arith.muli %while3A_1271, %mul3A_1277 : i32
      %get3A_1279 = arith.index_cast %mul3A_1278 : i32 to index
      %get3A_1280 = tpu.vector_load %arg11[%get3A_1279] {strides = array<i32>} : memref<2048xf32, #tpu.memory_space<vmem>>, vector<16xf32>,
      %ge3A = vector.broadcast %min3A_116 : i32 to vector<16xi32>
      %ge3A_1281 = arith.cmpi sge, %add3A_1276, %ge3A : vector<16xi32>
      %lt3A = vector.broadcast %min3A_121 : i32 to vector<16xi32>
      %lt3A_1282 = arith.cmpi slt, %add3A_1276, %lt3A : vector<16xi32>
      %and3A = arith.andi %ge3A_1281, %lt3A_1282 : vector<16xi1>
      %select_n3A_1283 = arith.select %and3A, %get3A_1280, %broadcast_in_dim3A_9 : vector<16xi1>, vector<16xf32>
      %add3A_1284 = arith.addf %while3A_1272, %select_n3A_1283 : vector<16xf32>
      scf.yield %add3A_1284 : vector<16xf32>
    }
    %eq3A_844 = arith.constant 7 : i32
    %eq3A_845 = vector.broadcast %eq3A_844 : i32 to vector<16xi32>
    %eq3A_846 = arith.cmpi eq, %iota3A, %eq3A_845 : vector<16xi32>
    %reduce_sum3A_847 = arith.constant true
    %reduce_sum3A_848 = vector.broadcast %reduce_sum3A_847 : i1 to vector<16xi1>
    %reduce_sum3A_849 = tpu.scan <sum>, %while3A_843 masked %reduce_sum3A_848 : vector<16xf32>, vector<16xi1> -> vector<16xf32>
    %reduce_sum3A_850 = vector.extract %reduce_sum3A_849[15] : f32 from vector<16xf32>
    %add3A_851 = vector.broadcast %reduce_sum3A_850 : f32 to vector<16xf32>
    %add3A_852 = arith.addf %select_n3A_827, %add3A_851 : vector<16xf32>
    %select_n3A_853 = arith.select %eq3A_846, %add3A_852, %select_n3A_827 : vector<16xi1>, vector<16xf32>
    %shift_right_arithmetic3A_854 = arith.constant 4 : i32
    %shift_right_arithmetic3A_855 = arith.shrsi %min3A_130, %shift_right_arithmetic3A_854 : i32
    %add3A_856 = arith.constant 15 : i32
    %add3A_857 = arith.addi %min3A_135, %add3A_856 : i32
    %shift_right_arithmetic3A_858 = arith.constant 4 : i32
    %shift_right_arithmetic3A_859 = arith.shrsi %add3A_857, %shift_right_arithmetic3A_858 : i32
    %while3A_860 = arith.subi %shift_right_arithmetic3A_859, %shift_right_arithmetic3A_855 : i32
    %while3A_861 = arith.addi %shift_right_arithmetic3A_855, %while3A_860 : i32
    %while3A_862 = arith.constant 1 : i32
    %while3A_863 = arith.divsi %while3A_860, %while3A_862 : i32
    %while3A_864 = arith.muli %while3A_863, %while3A_862 : i32
    %while3A_865 = arith.addi %shift_right_arithmetic3A_855, %while3A_864 : i32
    %while3A_866 = arith.constant 1 : i32
    %while3A_867 = scf.for %while3A_1271 = %shift_right_arithmetic3A_855 to %while3A_865 step %while3A_866 iter_args(%while3A_1272 = %broadcast_in_dim3A_9) -> (vector<16xf32>)  : i32 {
      %mul3A_1273 = arith.constant 16 : i32
      %mul3A_1274 = arith.muli %while3A_1271, %mul3A_1273 : i32
      %add3A_1275 = vector.broadcast %mul3A_1274 : i32 to vector<16xi32>
      %add3A_1276 = arith.addi %iota3A, %add3A_1275 : vector<16xi32>
      %mul3A_1277 = arith.constant 16 : i32
      %mul3A_1278 = arith.muli %while3A_1271, %mul3A_1277 : i32
      %get3A_1279 = arith.index_cast %mul3A_1278 : i32 to index
      %get3A_1280 = tpu.vector_load %arg11[%get3A_1279] {strides = array<i32>} : memref<2048xf32, #tpu.memory_space<vmem>>, vector<16xf32>,
      %ge3A = vector.broadcast %min3A_130 : i32 to vector<16xi32>
      %ge3A_1281 = arith.cmpi sge, %add3A_1276, %ge3A : vector<16xi32>
      %lt3A = vector.broadcast %min3A_135 : i32 to vector<16xi32>
      %lt3A_1282 = arith.cmpi slt, %add3A_1276, %lt3A : vector<16xi32>
      %and3A = arith.andi %ge3A_1281, %lt3A_1282 : vector<16xi1>
      %select_n3A_1283 = arith.select %and3A, %get3A_1280, %broadcast_in_dim3A_9 : vector<16xi1>, vector<16xf32>
      %add3A_1284 = arith.addf %while3A_1272, %select_n3A_1283 : vector<16xf32>
      scf.yield %add3A_1284 : vector<16xf32>
    }
    %while3A_868 = arith.constant 1 : i32
    %while3A_869 = scf.for %while3A_1271 = %while3A_865 to %while3A_861 step %while3A_868 iter_args(%while3A_1272 = %while3A_867) -> (vector<16xf32>)  : i32 {
      %mul3A_1273 = arith.constant 16 : i32
      %mul3A_1274 = arith.muli %while3A_1271, %mul3A_1273 : i32
      %add3A_1275 = vector.broadcast %mul3A_1274 : i32 to vector<16xi32>
      %add3A_1276 = arith.addi %iota3A, %add3A_1275 : vector<16xi32>
      %mul3A_1277 = arith.constant 16 : i32
      %mul3A_1278 = arith.muli %while3A_1271, %mul3A_1277 : i32
      %get3A_1279 = arith.index_cast %mul3A_1278 : i32 to index
      %get3A_1280 = tpu.vector_load %arg11[%get3A_1279] {strides = array<i32>} : memref<2048xf32, #tpu.memory_space<vmem>>, vector<16xf32>,
      %ge3A = vector.broadcast %min3A_130 : i32 to vector<16xi32>
      %ge3A_1281 = arith.cmpi sge, %add3A_1276, %ge3A : vector<16xi32>
      %lt3A = vector.broadcast %min3A_135 : i32 to vector<16xi32>
      %lt3A_1282 = arith.cmpi slt, %add3A_1276, %lt3A : vector<16xi32>
      %and3A = arith.andi %ge3A_1281, %lt3A_1282 : vector<16xi1>
      %select_n3A_1283 = arith.select %and3A, %get3A_1280, %broadcast_in_dim3A_9 : vector<16xi1>, vector<16xf32>
      %add3A_1284 = arith.addf %while3A_1272, %select_n3A_1283 : vector<16xf32>
      scf.yield %add3A_1284 : vector<16xf32>
    }
    %eq3A_870 = arith.constant 8 : i32
    %eq3A_871 = vector.broadcast %eq3A_870 : i32 to vector<16xi32>
    %eq3A_872 = arith.cmpi eq, %iota3A, %eq3A_871 : vector<16xi32>
    %reduce_sum3A_873 = arith.constant true
    %reduce_sum3A_874 = vector.broadcast %reduce_sum3A_873 : i1 to vector<16xi1>
    %reduce_sum3A_875 = tpu.scan <sum>, %while3A_869 masked %reduce_sum3A_874 : vector<16xf32>, vector<16xi1> -> vector<16xf32>
    %reduce_sum3A_876 = vector.extract %reduce_sum3A_875[15] : f32 from vector<16xf32>
    %add3A_877 = vector.broadcast %reduce_sum3A_876 : f32 to vector<16xf32>
    %add3A_878 = arith.addf %select_n3A_853, %add3A_877 : vector<16xf32>
    %select_n3A_879 = arith.select %eq3A_872, %add3A_878, %select_n3A_853 : vector<16xi1>, vector<16xf32>
    %shift_right_arithmetic3A_880 = arith.constant 4 : i32
    %shift_right_arithmetic3A_881 = arith.shrsi %min3A_144, %shift_right_arithmetic3A_880 : i32
    %add3A_882 = arith.constant 15 : i32
    %add3A_883 = arith.addi %min3A_149, %add3A_882 : i32
    %shift_right_arithmetic3A_884 = arith.constant 4 : i32
    %shift_right_arithmetic3A_885 = arith.shrsi %add3A_883, %shift_right_arithmetic3A_884 : i32
    %while3A_886 = arith.subi %shift_right_arithmetic3A_885, %shift_right_arithmetic3A_881 : i32
    %while3A_887 = arith.addi %shift_right_arithmetic3A_881, %while3A_886 : i32
    %while3A_888 = arith.constant 1 : i32
    %while3A_889 = arith.divsi %while3A_886, %while3A_888 : i32
    %while3A_890 = arith.muli %while3A_889, %while3A_888 : i32
    %while3A_891 = arith.addi %shift_right_arithmetic3A_881, %while3A_890 : i32
    %while3A_892 = arith.constant 1 : i32
    %while3A_893 = scf.for %while3A_1271 = %shift_right_arithmetic3A_881 to %while3A_891 step %while3A_892 iter_args(%while3A_1272 = %broadcast_in_dim3A_9) -> (vector<16xf32>)  : i32 {
      %mul3A_1273 = arith.constant 16 : i32
      %mul3A_1274 = arith.muli %while3A_1271, %mul3A_1273 : i32
      %add3A_1275 = vector.broadcast %mul3A_1274 : i32 to vector<16xi32>
      %add3A_1276 = arith.addi %iota3A, %add3A_1275 : vector<16xi32>
      %mul3A_1277 = arith.constant 16 : i32
      %mul3A_1278 = arith.muli %while3A_1271, %mul3A_1277 : i32
      %get3A_1279 = arith.index_cast %mul3A_1278 : i32 to index
      %get3A_1280 = tpu.vector_load %arg11[%get3A_1279] {strides = array<i32>} : memref<2048xf32, #tpu.memory_space<vmem>>, vector<16xf32>,
      %ge3A = vector.broadcast %min3A_144 : i32 to vector<16xi32>
      %ge3A_1281 = arith.cmpi sge, %add3A_1276, %ge3A : vector<16xi32>
      %lt3A = vector.broadcast %min3A_149 : i32 to vector<16xi32>
      %lt3A_1282 = arith.cmpi slt, %add3A_1276, %lt3A : vector<16xi32>
      %and3A = arith.andi %ge3A_1281, %lt3A_1282 : vector<16xi1>
      %select_n3A_1283 = arith.select %and3A, %get3A_1280, %broadcast_in_dim3A_9 : vector<16xi1>, vector<16xf32>
      %add3A_1284 = arith.addf %while3A_1272, %select_n3A_1283 : vector<16xf32>
      scf.yield %add3A_1284 : vector<16xf32>
    }
    %while3A_894 = arith.constant 1 : i32
    %while3A_895 = scf.for %while3A_1271 = %while3A_891 to %while3A_887 step %while3A_894 iter_args(%while3A_1272 = %while3A_893) -> (vector<16xf32>)  : i32 {
      %mul3A_1273 = arith.constant 16 : i32
      %mul3A_1274 = arith.muli %while3A_1271, %mul3A_1273 : i32
      %add3A_1275 = vector.broadcast %mul3A_1274 : i32 to vector<16xi32>
      %add3A_1276 = arith.addi %iota3A, %add3A_1275 : vector<16xi32>
      %mul3A_1277 = arith.constant 16 : i32
      %mul3A_1278 = arith.muli %while3A_1271, %mul3A_1277 : i32
      %get3A_1279 = arith.index_cast %mul3A_1278 : i32 to index
      %get3A_1280 = tpu.vector_load %arg11[%get3A_1279] {strides = array<i32>} : memref<2048xf32, #tpu.memory_space<vmem>>, vector<16xf32>,
      %ge3A = vector.broadcast %min3A_144 : i32 to vector<16xi32>
      %ge3A_1281 = arith.cmpi sge, %add3A_1276, %ge3A : vector<16xi32>
      %lt3A = vector.broadcast %min3A_149 : i32 to vector<16xi32>
      %lt3A_1282 = arith.cmpi slt, %add3A_1276, %lt3A : vector<16xi32>
      %and3A = arith.andi %ge3A_1281, %lt3A_1282 : vector<16xi1>
      %select_n3A_1283 = arith.select %and3A, %get3A_1280, %broadcast_in_dim3A_9 : vector<16xi1>, vector<16xf32>
      %add3A_1284 = arith.addf %while3A_1272, %select_n3A_1283 : vector<16xf32>
      scf.yield %add3A_1284 : vector<16xf32>
    }
    %eq3A_896 = arith.constant 9 : i32
    %eq3A_897 = vector.broadcast %eq3A_896 : i32 to vector<16xi32>
    %eq3A_898 = arith.cmpi eq, %iota3A, %eq3A_897 : vector<16xi32>
    %reduce_sum3A_899 = arith.constant true
    %reduce_sum3A_900 = vector.broadcast %reduce_sum3A_899 : i1 to vector<16xi1>
    %reduce_sum3A_901 = tpu.scan <sum>, %while3A_895 masked %reduce_sum3A_900 : vector<16xf32>, vector<16xi1> -> vector<16xf32>
    %reduce_sum3A_902 = vector.extract %reduce_sum3A_901[15] : f32 from vector<16xf32>
    %add3A_903 = vector.broadcast %reduce_sum3A_902 : f32 to vector<16xf32>
    %add3A_904 = arith.addf %select_n3A_879, %add3A_903 : vector<16xf32>
    %select_n3A_905 = arith.select %eq3A_898, %add3A_904, %select_n3A_879 : vector<16xi1>, vector<16xf32>
    %shift_right_arithmetic3A_906 = arith.constant 4 : i32
    %shift_right_arithmetic3A_907 = arith.shrsi %min3A_158, %shift_right_arithmetic3A_906 : i32
    %add3A_908 = arith.constant 15 : i32
    %add3A_909 = arith.addi %min3A_163, %add3A_908 : i32
    %shift_right_arithmetic3A_910 = arith.constant 4 : i32
    %shift_right_arithmetic3A_911 = arith.shrsi %add3A_909, %shift_right_arithmetic3A_910 : i32
    %while3A_912 = arith.subi %shift_right_arithmetic3A_911, %shift_right_arithmetic3A_907 : i32
    %while3A_913 = arith.addi %shift_right_arithmetic3A_907, %while3A_912 : i32
    %while3A_914 = arith.constant 1 : i32
    %while3A_915 = arith.divsi %while3A_912, %while3A_914 : i32
    %while3A_916 = arith.muli %while3A_915, %while3A_914 : i32
    %while3A_917 = arith.addi %shift_right_arithmetic3A_907, %while3A_916 : i32
    %while3A_918 = arith.constant 1 : i32
    %while3A_919 = scf.for %while3A_1271 = %shift_right_arithmetic3A_907 to %while3A_917 step %while3A_918 iter_args(%while3A_1272 = %broadcast_in_dim3A_9) -> (vector<16xf32>)  : i32 {
      %mul3A_1273 = arith.constant 16 : i32
      %mul3A_1274 = arith.muli %while3A_1271, %mul3A_1273 : i32
      %add3A_1275 = vector.broadcast %mul3A_1274 : i32 to vector<16xi32>
      %add3A_1276 = arith.addi %iota3A, %add3A_1275 : vector<16xi32>
      %mul3A_1277 = arith.constant 16 : i32
      %mul3A_1278 = arith.muli %while3A_1271, %mul3A_1277 : i32
      %get3A_1279 = arith.index_cast %mul3A_1278 : i32 to index
      %get3A_1280 = tpu.vector_load %arg11[%get3A_1279] {strides = array<i32>} : memref<2048xf32, #tpu.memory_space<vmem>>, vector<16xf32>,
      %ge3A = vector.broadcast %min3A_158 : i32 to vector<16xi32>
      %ge3A_1281 = arith.cmpi sge, %add3A_1276, %ge3A : vector<16xi32>
      %lt3A = vector.broadcast %min3A_163 : i32 to vector<16xi32>
      %lt3A_1282 = arith.cmpi slt, %add3A_1276, %lt3A : vector<16xi32>
      %and3A = arith.andi %ge3A_1281, %lt3A_1282 : vector<16xi1>
      %select_n3A_1283 = arith.select %and3A, %get3A_1280, %broadcast_in_dim3A_9 : vector<16xi1>, vector<16xf32>
      %add3A_1284 = arith.addf %while3A_1272, %select_n3A_1283 : vector<16xf32>
      scf.yield %add3A_1284 : vector<16xf32>
    }
    %while3A_920 = arith.constant 1 : i32
    %while3A_921 = scf.for %while3A_1271 = %while3A_917 to %while3A_913 step %while3A_920 iter_args(%while3A_1272 = %while3A_919) -> (vector<16xf32>)  : i32 {
      %mul3A_1273 = arith.constant 16 : i32
      %mul3A_1274 = arith.muli %while3A_1271, %mul3A_1273 : i32
      %add3A_1275 = vector.broadcast %mul3A_1274 : i32 to vector<16xi32>
      %add3A_1276 = arith.addi %iota3A, %add3A_1275 : vector<16xi32>
      %mul3A_1277 = arith.constant 16 : i32
      %mul3A_1278 = arith.muli %while3A_1271, %mul3A_1277 : i32
      %get3A_1279 = arith.index_cast %mul3A_1278 : i32 to index
      %get3A_1280 = tpu.vector_load %arg11[%get3A_1279] {strides = array<i32>} : memref<2048xf32, #tpu.memory_space<vmem>>, vector<16xf32>,
      %ge3A = vector.broadcast %min3A_158 : i32 to vector<16xi32>
      %ge3A_1281 = arith.cmpi sge, %add3A_1276, %ge3A : vector<16xi32>
      %lt3A = vector.broadcast %min3A_163 : i32 to vector<16xi32>
      %lt3A_1282 = arith.cmpi slt, %add3A_1276, %lt3A : vector<16xi32>
      %and3A = arith.andi %ge3A_1281, %lt3A_1282 : vector<16xi1>
      %select_n3A_1283 = arith.select %and3A, %get3A_1280, %broadcast_in_dim3A_9 : vector<16xi1>, vector<16xf32>
      %add3A_1284 = arith.addf %while3A_1272, %select_n3A_1283 : vector<16xf32>
      scf.yield %add3A_1284 : vector<16xf32>
    }
    %eq3A_922 = arith.constant 10 : i32
    %eq3A_923 = vector.broadcast %eq3A_922 : i32 to vector<16xi32>
    %eq3A_924 = arith.cmpi eq, %iota3A, %eq3A_923 : vector<16xi32>
    %reduce_sum3A_925 = arith.constant true
    %reduce_sum3A_926 = vector.broadcast %reduce_sum3A_925 : i1 to vector<16xi1>
    %reduce_sum3A_927 = tpu.scan <sum>, %while3A_921 masked %reduce_sum3A_926 : vector<16xf32>, vector<16xi1> -> vector<16xf32>
    %reduce_sum3A_928 = vector.extract %reduce_sum3A_927[15] : f32 from vector<16xf32>
    %add3A_929 = vector.broadcast %reduce_sum3A_928 : f32 to vector<16xf32>
    %add3A_930 = arith.addf %select_n3A_905, %add3A_929 : vector<16xf32>
    %select_n3A_931 = arith.select %eq3A_924, %add3A_930, %select_n3A_905 : vector<16xi1>, vector<16xf32>
    %shift_right_arithmetic3A_932 = arith.constant 4 : i32
    %shift_right_arithmetic3A_933 = arith.shrsi %min3A_172, %shift_right_arithmetic3A_932 : i32
    %add3A_934 = arith.constant 15 : i32
    %add3A_935 = arith.addi %min3A_177, %add3A_934 : i32
    %shift_right_arithmetic3A_936 = arith.constant 4 : i32
    %shift_right_arithmetic3A_937 = arith.shrsi %add3A_935, %shift_right_arithmetic3A_936 : i32
    %while3A_938 = arith.subi %shift_right_arithmetic3A_937, %shift_right_arithmetic3A_933 : i32
    %while3A_939 = arith.addi %shift_right_arithmetic3A_933, %while3A_938 : i32
    %while3A_940 = arith.constant 1 : i32
    %while3A_941 = arith.divsi %while3A_938, %while3A_940 : i32
    %while3A_942 = arith.muli %while3A_941, %while3A_940 : i32
    %while3A_943 = arith.addi %shift_right_arithmetic3A_933, %while3A_942 : i32
    %while3A_944 = arith.constant 1 : i32
    %while3A_945 = scf.for %while3A_1271 = %shift_right_arithmetic3A_933 to %while3A_943 step %while3A_944 iter_args(%while3A_1272 = %broadcast_in_dim3A_9) -> (vector<16xf32>)  : i32 {
      %mul3A_1273 = arith.constant 16 : i32
      %mul3A_1274 = arith.muli %while3A_1271, %mul3A_1273 : i32
      %add3A_1275 = vector.broadcast %mul3A_1274 : i32 to vector<16xi32>
      %add3A_1276 = arith.addi %iota3A, %add3A_1275 : vector<16xi32>
      %mul3A_1277 = arith.constant 16 : i32
      %mul3A_1278 = arith.muli %while3A_1271, %mul3A_1277 : i32
      %get3A_1279 = arith.index_cast %mul3A_1278 : i32 to index
      %get3A_1280 = tpu.vector_load %arg11[%get3A_1279] {strides = array<i32>} : memref<2048xf32, #tpu.memory_space<vmem>>, vector<16xf32>,
      %ge3A = vector.broadcast %min3A_172 : i32 to vector<16xi32>
      %ge3A_1281 = arith.cmpi sge, %add3A_1276, %ge3A : vector<16xi32>
      %lt3A = vector.broadcast %min3A_177 : i32 to vector<16xi32>
      %lt3A_1282 = arith.cmpi slt, %add3A_1276, %lt3A : vector<16xi32>
      %and3A = arith.andi %ge3A_1281, %lt3A_1282 : vector<16xi1>
      %select_n3A_1283 = arith.select %and3A, %get3A_1280, %broadcast_in_dim3A_9 : vector<16xi1>, vector<16xf32>
      %add3A_1284 = arith.addf %while3A_1272, %select_n3A_1283 : vector<16xf32>
      scf.yield %add3A_1284 : vector<16xf32>
    }
    %while3A_946 = arith.constant 1 : i32
    %while3A_947 = scf.for %while3A_1271 = %while3A_943 to %while3A_939 step %while3A_946 iter_args(%while3A_1272 = %while3A_945) -> (vector<16xf32>)  : i32 {
      %mul3A_1273 = arith.constant 16 : i32
      %mul3A_1274 = arith.muli %while3A_1271, %mul3A_1273 : i32
      %add3A_1275 = vector.broadcast %mul3A_1274 : i32 to vector<16xi32>
      %add3A_1276 = arith.addi %iota3A, %add3A_1275 : vector<16xi32>
      %mul3A_1277 = arith.constant 16 : i32
      %mul3A_1278 = arith.muli %while3A_1271, %mul3A_1277 : i32
      %get3A_1279 = arith.index_cast %mul3A_1278 : i32 to index
      %get3A_1280 = tpu.vector_load %arg11[%get3A_1279] {strides = array<i32>} : memref<2048xf32, #tpu.memory_space<vmem>>, vector<16xf32>,
      %ge3A = vector.broadcast %min3A_172 : i32 to vector<16xi32>
      %ge3A_1281 = arith.cmpi sge, %add3A_1276, %ge3A : vector<16xi32>
      %lt3A = vector.broadcast %min3A_177 : i32 to vector<16xi32>
      %lt3A_1282 = arith.cmpi slt, %add3A_1276, %lt3A : vector<16xi32>
      %and3A = arith.andi %ge3A_1281, %lt3A_1282 : vector<16xi1>
      %select_n3A_1283 = arith.select %and3A, %get3A_1280, %broadcast_in_dim3A_9 : vector<16xi1>, vector<16xf32>
      %add3A_1284 = arith.addf %while3A_1272, %select_n3A_1283 : vector<16xf32>
      scf.yield %add3A_1284 : vector<16xf32>
    }
    %eq3A_948 = arith.constant 11 : i32
    %eq3A_949 = vector.broadcast %eq3A_948 : i32 to vector<16xi32>
    %eq3A_950 = arith.cmpi eq, %iota3A, %eq3A_949 : vector<16xi32>
    %reduce_sum3A_951 = arith.constant true
    %reduce_sum3A_952 = vector.broadcast %reduce_sum3A_951 : i1 to vector<16xi1>
    %reduce_sum3A_953 = tpu.scan <sum>, %while3A_947 masked %reduce_sum3A_952 : vector<16xf32>, vector<16xi1> -> vector<16xf32>
    %reduce_sum3A_954 = vector.extract %reduce_sum3A_953[15] : f32 from vector<16xf32>
    %add3A_955 = vector.broadcast %reduce_sum3A_954 : f32 to vector<16xf32>
    %add3A_956 = arith.addf %select_n3A_931, %add3A_955 : vector<16xf32>
    %select_n3A_957 = arith.select %eq3A_950, %add3A_956, %select_n3A_931 : vector<16xi1>, vector<16xf32>
    %shift_right_arithmetic3A_958 = arith.constant 4 : i32
    %shift_right_arithmetic3A_959 = arith.shrsi %min3A_186, %shift_right_arithmetic3A_958 : i32
    %add3A_960 = arith.constant 15 : i32
    %add3A_961 = arith.addi %min3A_191, %add3A_960 : i32
    %shift_right_arithmetic3A_962 = arith.constant 4 : i32
    %shift_right_arithmetic3A_963 = arith.shrsi %add3A_961, %shift_right_arithmetic3A_962 : i32
    %while3A_964 = arith.subi %shift_right_arithmetic3A_963, %shift_right_arithmetic3A_959 : i32
    %while3A_965 = arith.addi %shift_right_arithmetic3A_959, %while3A_964 : i32
    %while3A_966 = arith.constant 1 : i32
    %while3A_967 = arith.divsi %while3A_964, %while3A_966 : i32
    %while3A_968 = arith.muli %while3A_967, %while3A_966 : i32
    %while3A_969 = arith.addi %shift_right_arithmetic3A_959, %while3A_968 : i32
    %while3A_970 = arith.constant 1 : i32
    %while3A_971 = scf.for %while3A_1271 = %shift_right_arithmetic3A_959 to %while3A_969 step %while3A_970 iter_args(%while3A_1272 = %broadcast_in_dim3A_9) -> (vector<16xf32>)  : i32 {
      %mul3A_1273 = arith.constant 16 : i32
      %mul3A_1274 = arith.muli %while3A_1271, %mul3A_1273 : i32
      %add3A_1275 = vector.broadcast %mul3A_1274 : i32 to vector<16xi32>
      %add3A_1276 = arith.addi %iota3A, %add3A_1275 : vector<16xi32>
      %mul3A_1277 = arith.constant 16 : i32
      %mul3A_1278 = arith.muli %while3A_1271, %mul3A_1277 : i32
      %get3A_1279 = arith.index_cast %mul3A_1278 : i32 to index
      %get3A_1280 = tpu.vector_load %arg11[%get3A_1279] {strides = array<i32>} : memref<2048xf32, #tpu.memory_space<vmem>>, vector<16xf32>,
      %ge3A = vector.broadcast %min3A_186 : i32 to vector<16xi32>
      %ge3A_1281 = arith.cmpi sge, %add3A_1276, %ge3A : vector<16xi32>
      %lt3A = vector.broadcast %min3A_191 : i32 to vector<16xi32>
      %lt3A_1282 = arith.cmpi slt, %add3A_1276, %lt3A : vector<16xi32>
      %and3A = arith.andi %ge3A_1281, %lt3A_1282 : vector<16xi1>
      %select_n3A_1283 = arith.select %and3A, %get3A_1280, %broadcast_in_dim3A_9 : vector<16xi1>, vector<16xf32>
      %add3A_1284 = arith.addf %while3A_1272, %select_n3A_1283 : vector<16xf32>
      scf.yield %add3A_1284 : vector<16xf32>
    }
    %while3A_972 = arith.constant 1 : i32
    %while3A_973 = scf.for %while3A_1271 = %while3A_969 to %while3A_965 step %while3A_972 iter_args(%while3A_1272 = %while3A_971) -> (vector<16xf32>)  : i32 {
      %mul3A_1273 = arith.constant 16 : i32
      %mul3A_1274 = arith.muli %while3A_1271, %mul3A_1273 : i32
      %add3A_1275 = vector.broadcast %mul3A_1274 : i32 to vector<16xi32>
      %add3A_1276 = arith.addi %iota3A, %add3A_1275 : vector<16xi32>
      %mul3A_1277 = arith.constant 16 : i32
      %mul3A_1278 = arith.muli %while3A_1271, %mul3A_1277 : i32
      %get3A_1279 = arith.index_cast %mul3A_1278 : i32 to index
      %get3A_1280 = tpu.vector_load %arg11[%get3A_1279] {strides = array<i32>} : memref<2048xf32, #tpu.memory_space<vmem>>, vector<16xf32>,
      %ge3A = vector.broadcast %min3A_186 : i32 to vector<16xi32>
      %ge3A_1281 = arith.cmpi sge, %add3A_1276, %ge3A : vector<16xi32>
      %lt3A = vector.broadcast %min3A_191 : i32 to vector<16xi32>
      %lt3A_1282 = arith.cmpi slt, %add3A_1276, %lt3A : vector<16xi32>
      %and3A = arith.andi %ge3A_1281, %lt3A_1282 : vector<16xi1>
      %select_n3A_1283 = arith.select %and3A, %get3A_1280, %broadcast_in_dim3A_9 : vector<16xi1>, vector<16xf32>
      %add3A_1284 = arith.addf %while3A_1272, %select_n3A_1283 : vector<16xf32>
      scf.yield %add3A_1284 : vector<16xf32>
    }
    %eq3A_974 = arith.constant 12 : i32
    %eq3A_975 = vector.broadcast %eq3A_974 : i32 to vector<16xi32>
    %eq3A_976 = arith.cmpi eq, %iota3A, %eq3A_975 : vector<16xi32>
    %reduce_sum3A_977 = arith.constant true
    %reduce_sum3A_978 = vector.broadcast %reduce_sum3A_977 : i1 to vector<16xi1>
    %reduce_sum3A_979 = tpu.scan <sum>, %while3A_973 masked %reduce_sum3A_978 : vector<16xf32>, vector<16xi1> -> vector<16xf32>
    %reduce_sum3A_980 = vector.extract %reduce_sum3A_979[15] : f32 from vector<16xf32>
    %add3A_981 = vector.broadcast %reduce_sum3A_980 : f32 to vector<16xf32>
    %add3A_982 = arith.addf %select_n3A_957, %add3A_981 : vector<16xf32>
    %select_n3A_983 = arith.select %eq3A_976, %add3A_982, %select_n3A_957 : vector<16xi1>, vector<16xf32>
    %shift_right_arithmetic3A_984 = arith.constant 4 : i32
    %shift_right_arithmetic3A_985 = arith.shrsi %min3A_200, %shift_right_arithmetic3A_984 : i32
    %add3A_986 = arith.constant 15 : i32
    %add3A_987 = arith.addi %min3A_205, %add3A_986 : i32
    %shift_right_arithmetic3A_988 = arith.constant 4 : i32
    %shift_right_arithmetic3A_989 = arith.shrsi %add3A_987, %shift_right_arithmetic3A_988 : i32
    %while3A_990 = arith.subi %shift_right_arithmetic3A_989, %shift_right_arithmetic3A_985 : i32
    %while3A_991 = arith.addi %shift_right_arithmetic3A_985, %while3A_990 : i32
    %while3A_992 = arith.constant 1 : i32
    %while3A_993 = arith.divsi %while3A_990, %while3A_992 : i32
    %while3A_994 = arith.muli %while3A_993, %while3A_992 : i32
    %while3A_995 = arith.addi %shift_right_arithmetic3A_985, %while3A_994 : i32
    %while3A_996 = arith.constant 1 : i32
    %while3A_997 = scf.for %while3A_1271 = %shift_right_arithmetic3A_985 to %while3A_995 step %while3A_996 iter_args(%while3A_1272 = %broadcast_in_dim3A_9) -> (vector<16xf32>)  : i32 {
      %mul3A_1273 = arith.constant 16 : i32
      %mul3A_1274 = arith.muli %while3A_1271, %mul3A_1273 : i32
      %add3A_1275 = vector.broadcast %mul3A_1274 : i32 to vector<16xi32>
      %add3A_1276 = arith.addi %iota3A, %add3A_1275 : vector<16xi32>
      %mul3A_1277 = arith.constant 16 : i32
      %mul3A_1278 = arith.muli %while3A_1271, %mul3A_1277 : i32
      %get3A_1279 = arith.index_cast %mul3A_1278 : i32 to index
      %get3A_1280 = tpu.vector_load %arg11[%get3A_1279] {strides = array<i32>} : memref<2048xf32, #tpu.memory_space<vmem>>, vector<16xf32>,
      %ge3A = vector.broadcast %min3A_200 : i32 to vector<16xi32>
      %ge3A_1281 = arith.cmpi sge, %add3A_1276, %ge3A : vector<16xi32>
      %lt3A = vector.broadcast %min3A_205 : i32 to vector<16xi32>
      %lt3A_1282 = arith.cmpi slt, %add3A_1276, %lt3A : vector<16xi32>
      %and3A = arith.andi %ge3A_1281, %lt3A_1282 : vector<16xi1>
      %select_n3A_1283 = arith.select %and3A, %get3A_1280, %broadcast_in_dim3A_9 : vector<16xi1>, vector<16xf32>
      %add3A_1284 = arith.addf %while3A_1272, %select_n3A_1283 : vector<16xf32>
      scf.yield %add3A_1284 : vector<16xf32>
    }
    %while3A_998 = arith.constant 1 : i32
    %while3A_999 = scf.for %while3A_1271 = %while3A_995 to %while3A_991 step %while3A_998 iter_args(%while3A_1272 = %while3A_997) -> (vector<16xf32>)  : i32 {
      %mul3A_1273 = arith.constant 16 : i32
      %mul3A_1274 = arith.muli %while3A_1271, %mul3A_1273 : i32
      %add3A_1275 = vector.broadcast %mul3A_1274 : i32 to vector<16xi32>
      %add3A_1276 = arith.addi %iota3A, %add3A_1275 : vector<16xi32>
      %mul3A_1277 = arith.constant 16 : i32
      %mul3A_1278 = arith.muli %while3A_1271, %mul3A_1277 : i32
      %get3A_1279 = arith.index_cast %mul3A_1278 : i32 to index
      %get3A_1280 = tpu.vector_load %arg11[%get3A_1279] {strides = array<i32>} : memref<2048xf32, #tpu.memory_space<vmem>>, vector<16xf32>,
      %ge3A = vector.broadcast %min3A_200 : i32 to vector<16xi32>
      %ge3A_1281 = arith.cmpi sge, %add3A_1276, %ge3A : vector<16xi32>
      %lt3A = vector.broadcast %min3A_205 : i32 to vector<16xi32>
      %lt3A_1282 = arith.cmpi slt, %add3A_1276, %lt3A : vector<16xi32>
      %and3A = arith.andi %ge3A_1281, %lt3A_1282 : vector<16xi1>
      %select_n3A_1283 = arith.select %and3A, %get3A_1280, %broadcast_in_dim3A_9 : vector<16xi1>, vector<16xf32>
      %add3A_1284 = arith.addf %while3A_1272, %select_n3A_1283 : vector<16xf32>
      scf.yield %add3A_1284 : vector<16xf32>
    }
    %eq3A_1000 = arith.constant 13 : i32
    %eq3A_1001 = vector.broadcast %eq3A_1000 : i32 to vector<16xi32>
    %eq3A_1002 = arith.cmpi eq, %iota3A, %eq3A_1001 : vector<16xi32>
    %reduce_sum3A_1003 = arith.constant true
    %reduce_sum3A_1004 = vector.broadcast %reduce_sum3A_1003 : i1 to vector<16xi1>
    %reduce_sum3A_1005 = tpu.scan <sum>, %while3A_999 masked %reduce_sum3A_1004 : vector<16xf32>, vector<16xi1> -> vector<16xf32>
    %reduce_sum3A_1006 = vector.extract %reduce_sum3A_1005[15] : f32 from vector<16xf32>
    %add3A_1007 = vector.broadcast %reduce_sum3A_1006 : f32 to vector<16xf32>
    %add3A_1008 = arith.addf %select_n3A_983, %add3A_1007 : vector<16xf32>
    %select_n3A_1009 = arith.select %eq3A_1002, %add3A_1008, %select_n3A_983 : vector<16xi1>, vector<16xf32>
    %shift_right_arithmetic3A_1010 = arith.constant 4 : i32
    %shift_right_arithmetic3A_1011 = arith.shrsi %min3A_214, %shift_right_arithmetic3A_1010 : i32
    %add3A_1012 = arith.constant 15 : i32
    %add3A_1013 = arith.addi %min3A_219, %add3A_1012 : i32
    %shift_right_arithmetic3A_1014 = arith.constant 4 : i32
    %shift_right_arithmetic3A_1015 = arith.shrsi %add3A_1013, %shift_right_arithmetic3A_1014 : i32
    %while3A_1016 = arith.subi %shift_right_arithmetic3A_1015, %shift_right_arithmetic3A_1011 : i32
    %while3A_1017 = arith.addi %shift_right_arithmetic3A_1011, %while3A_1016 : i32
    %while3A_1018 = arith.constant 1 : i32
    %while3A_1019 = arith.divsi %while3A_1016, %while3A_1018 : i32
    %while3A_1020 = arith.muli %while3A_1019, %while3A_1018 : i32
    %while3A_1021 = arith.addi %shift_right_arithmetic3A_1011, %while3A_1020 : i32
    %while3A_1022 = arith.constant 1 : i32
    %while3A_1023 = scf.for %while3A_1271 = %shift_right_arithmetic3A_1011 to %while3A_1021 step %while3A_1022 iter_args(%while3A_1272 = %broadcast_in_dim3A_9) -> (vector<16xf32>)  : i32 {
      %mul3A_1273 = arith.constant 16 : i32
      %mul3A_1274 = arith.muli %while3A_1271, %mul3A_1273 : i32
      %add3A_1275 = vector.broadcast %mul3A_1274 : i32 to vector<16xi32>
      %add3A_1276 = arith.addi %iota3A, %add3A_1275 : vector<16xi32>
      %mul3A_1277 = arith.constant 16 : i32
      %mul3A_1278 = arith.muli %while3A_1271, %mul3A_1277 : i32
      %get3A_1279 = arith.index_cast %mul3A_1278 : i32 to index
      %get3A_1280 = tpu.vector_load %arg11[%get3A_1279] {strides = array<i32>} : memref<2048xf32, #tpu.memory_space<vmem>>, vector<16xf32>,
      %ge3A = vector.broadcast %min3A_214 : i32 to vector<16xi32>
      %ge3A_1281 = arith.cmpi sge, %add3A_1276, %ge3A : vector<16xi32>
      %lt3A = vector.broadcast %min3A_219 : i32 to vector<16xi32>
      %lt3A_1282 = arith.cmpi slt, %add3A_1276, %lt3A : vector<16xi32>
      %and3A = arith.andi %ge3A_1281, %lt3A_1282 : vector<16xi1>
      %select_n3A_1283 = arith.select %and3A, %get3A_1280, %broadcast_in_dim3A_9 : vector<16xi1>, vector<16xf32>
      %add3A_1284 = arith.addf %while3A_1272, %select_n3A_1283 : vector<16xf32>
      scf.yield %add3A_1284 : vector<16xf32>
    }
    %while3A_1024 = arith.constant 1 : i32
    %while3A_1025 = scf.for %while3A_1271 = %while3A_1021 to %while3A_1017 step %while3A_1024 iter_args(%while3A_1272 = %while3A_1023) -> (vector<16xf32>)  : i32 {
      %mul3A_1273 = arith.constant 16 : i32
      %mul3A_1274 = arith.muli %while3A_1271, %mul3A_1273 : i32
      %add3A_1275 = vector.broadcast %mul3A_1274 : i32 to vector<16xi32>
      %add3A_1276 = arith.addi %iota3A, %add3A_1275 : vector<16xi32>
      %mul3A_1277 = arith.constant 16 : i32
      %mul3A_1278 = arith.muli %while3A_1271, %mul3A_1277 : i32
      %get3A_1279 = arith.index_cast %mul3A_1278 : i32 to index
      %get3A_1280 = tpu.vector_load %arg11[%get3A_1279] {strides = array<i32>} : memref<2048xf32, #tpu.memory_space<vmem>>, vector<16xf32>,
      %ge3A = vector.broadcast %min3A_214 : i32 to vector<16xi32>
      %ge3A_1281 = arith.cmpi sge, %add3A_1276, %ge3A : vector<16xi32>
      %lt3A = vector.broadcast %min3A_219 : i32 to vector<16xi32>
      %lt3A_1282 = arith.cmpi slt, %add3A_1276, %lt3A : vector<16xi32>
      %and3A = arith.andi %ge3A_1281, %lt3A_1282 : vector<16xi1>
      %select_n3A_1283 = arith.select %and3A, %get3A_1280, %broadcast_in_dim3A_9 : vector<16xi1>, vector<16xf32>
      %add3A_1284 = arith.addf %while3A_1272, %select_n3A_1283 : vector<16xf32>
      scf.yield %add3A_1284 : vector<16xf32>
    }
    %eq3A_1026 = arith.constant 14 : i32
    %eq3A_1027 = vector.broadcast %eq3A_1026 : i32 to vector<16xi32>
    %eq3A_1028 = arith.cmpi eq, %iota3A, %eq3A_1027 : vector<16xi32>
    %reduce_sum3A_1029 = arith.constant true
    %reduce_sum3A_1030 = vector.broadcast %reduce_sum3A_1029 : i1 to vector<16xi1>
    %reduce_sum3A_1031 = tpu.scan <sum>, %while3A_1025 masked %reduce_sum3A_1030 : vector<16xf32>, vector<16xi1> -> vector<16xf32>
    %reduce_sum3A_1032 = vector.extract %reduce_sum3A_1031[15] : f32 from vector<16xf32>
    %add3A_1033 = vector.broadcast %reduce_sum3A_1032 : f32 to vector<16xf32>
    %add3A_1034 = arith.addf %select_n3A_1009, %add3A_1033 : vector<16xf32>
    %select_n3A_1035 = arith.select %eq3A_1028, %add3A_1034, %select_n3A_1009 : vector<16xi1>, vector<16xf32>
    %shift_right_arithmetic3A_1036 = arith.constant 4 : i32
    %shift_right_arithmetic3A_1037 = arith.shrsi %min3A_226, %shift_right_arithmetic3A_1036 : i32
    %add3A_1038 = arith.constant 15 : i32
    %add3A_1039 = arith.addi %min3A_232, %add3A_1038 : i32
    %shift_right_arithmetic3A_1040 = arith.constant 4 : i32
    %shift_right_arithmetic3A_1041 = arith.shrsi %add3A_1039, %shift_right_arithmetic3A_1040 : i32
    %while3A_1042 = arith.subi %shift_right_arithmetic3A_1041, %shift_right_arithmetic3A_1037 : i32
    %while3A_1043 = arith.addi %shift_right_arithmetic3A_1037, %while3A_1042 : i32
    %while3A_1044 = arith.constant 1 : i32
    %while3A_1045 = arith.divsi %while3A_1042, %while3A_1044 : i32
    %while3A_1046 = arith.muli %while3A_1045, %while3A_1044 : i32
    %while3A_1047 = arith.addi %shift_right_arithmetic3A_1037, %while3A_1046 : i32
    %while3A_1048 = arith.constant 1 : i32
    %while3A_1049 = scf.for %while3A_1271 = %shift_right_arithmetic3A_1037 to %while3A_1047 step %while3A_1048 iter_args(%while3A_1272 = %broadcast_in_dim3A_9) -> (vector<16xf32>)  : i32 {
      %mul3A_1273 = arith.constant 16 : i32
      %mul3A_1274 = arith.muli %while3A_1271, %mul3A_1273 : i32
      %add3A_1275 = vector.broadcast %mul3A_1274 : i32 to vector<16xi32>
      %add3A_1276 = arith.addi %iota3A, %add3A_1275 : vector<16xi32>
      %mul3A_1277 = arith.constant 16 : i32
      %mul3A_1278 = arith.muli %while3A_1271, %mul3A_1277 : i32
      %get3A_1279 = arith.index_cast %mul3A_1278 : i32 to index
      %get3A_1280 = tpu.vector_load %arg11[%get3A_1279] {strides = array<i32>} : memref<2048xf32, #tpu.memory_space<vmem>>, vector<16xf32>,
      %ge3A = vector.broadcast %min3A_226 : i32 to vector<16xi32>
      %ge3A_1281 = arith.cmpi sge, %add3A_1276, %ge3A : vector<16xi32>
      %lt3A = vector.broadcast %min3A_232 : i32 to vector<16xi32>
      %lt3A_1282 = arith.cmpi slt, %add3A_1276, %lt3A : vector<16xi32>
      %and3A = arith.andi %ge3A_1281, %lt3A_1282 : vector<16xi1>
      %select_n3A_1283 = arith.select %and3A, %get3A_1280, %broadcast_in_dim3A_9 : vector<16xi1>, vector<16xf32>
      %add3A_1284 = arith.addf %while3A_1272, %select_n3A_1283 : vector<16xf32>
      scf.yield %add3A_1284 : vector<16xf32>
    }
    %while3A_1050 = arith.constant 1 : i32
    %while3A_1051 = scf.for %while3A_1271 = %while3A_1047 to %while3A_1043 step %while3A_1050 iter_args(%while3A_1272 = %while3A_1049) -> (vector<16xf32>)  : i32 {
      %mul3A_1273 = arith.constant 16 : i32
      %mul3A_1274 = arith.muli %while3A_1271, %mul3A_1273 : i32
      %add3A_1275 = vector.broadcast %mul3A_1274 : i32 to vector<16xi32>
      %add3A_1276 = arith.addi %iota3A, %add3A_1275 : vector<16xi32>
      %mul3A_1277 = arith.constant 16 : i32
      %mul3A_1278 = arith.muli %while3A_1271, %mul3A_1277 : i32
      %get3A_1279 = arith.index_cast %mul3A_1278 : i32 to index
      %get3A_1280 = tpu.vector_load %arg11[%get3A_1279] {strides = array<i32>} : memref<2048xf32, #tpu.memory_space<vmem>>, vector<16xf32>,
      %ge3A = vector.broadcast %min3A_226 : i32 to vector<16xi32>
      %ge3A_1281 = arith.cmpi sge, %add3A_1276, %ge3A : vector<16xi32>
      %lt3A = vector.broadcast %min3A_232 : i32 to vector<16xi32>
      %lt3A_1282 = arith.cmpi slt, %add3A_1276, %lt3A : vector<16xi32>
      %and3A = arith.andi %ge3A_1281, %lt3A_1282 : vector<16xi1>
      %select_n3A_1283 = arith.select %and3A, %get3A_1280, %broadcast_in_dim3A_9 : vector<16xi1>, vector<16xf32>
      %add3A_1284 = arith.addf %while3A_1272, %select_n3A_1283 : vector<16xf32>
      scf.yield %add3A_1284 : vector<16xf32>
    }
    %eq3A_1052 = arith.constant 15 : i32
    %eq3A_1053 = vector.broadcast %eq3A_1052 : i32 to vector<16xi32>
    %eq3A_1054 = arith.cmpi eq, %iota3A, %eq3A_1053 : vector<16xi32>
    %reduce_sum3A_1055 = arith.constant true
    %reduce_sum3A_1056 = vector.broadcast %reduce_sum3A_1055 : i1 to vector<16xi1>
    %reduce_sum3A_1057 = tpu.scan <sum>, %while3A_1051 masked %reduce_sum3A_1056 : vector<16xf32>, vector<16xi1> -> vector<16xf32>
    %reduce_sum3A_1058 = vector.extract %reduce_sum3A_1057[15] : f32 from vector<16xf32>
    %add3A_1059 = vector.broadcast %reduce_sum3A_1058 : f32 to vector<16xf32>
    %add3A_1060 = arith.addf %select_n3A_1035, %add3A_1059 : vector<16xf32>
    %select_n3A_1061 = arith.select %eq3A_1054, %add3A_1060, %select_n3A_1035 : vector<16xi1>, vector<16xf32>
    %swap3A_1062 = arith.constant 0 : index
    %swap3A_1063 = tpu.vector_load %arg17[%swap3A_1062] {strides = array<i32>} : memref<16xf32, #tpu.memory_space<vmem>>, vector<16xf32>,
    tpu.vector_store %arg17[%swap3A_1062], %select_n3A_642 {strides = array<i32>} : memref<16xf32, #tpu.memory_space<vmem>>, vector<16xf32>,
    %mul3A_1064 = arith.constant 16 : i32
    %mul3A_1065 = arith.muli %arg1, %mul3A_1064 : i32
    "tpu.region"() ({
      %run_scoped3A = tpu.sem_alloc : memref<!tpu.dma_semaphore, #tpu.memory_space<semaphore_mem>>
      %dma_start3A_1271 = tpu.memref_slice %arg19[%mul3A_1065] : memref<256xf32, #tpu.memory_space<vmem_shared>> -> memref<16xf32, #tpu.memory_space<vmem_shared>>
      %dma_start3A_1272 = tpu.memref_slice %arg19[%mul3A_1065] : memref<256xf32, #tpu.memory_space<vmem_shared>> -> memref<16xf32, #tpu.memory_space<vmem_shared>>
      tpu.enqueue_dma source(%arg17 : memref<16xf32, #tpu.memory_space<vmem>>) target(%dma_start3A_1272 : memref<16xf32, #tpu.memory_space<vmem_shared>>) target_semaphore(%run_scoped3A : memref<!tpu.dma_semaphore, #tpu.memory_space<semaphore_mem>>)
      %dma_wait3A_1273 = tpu.memref_slice %arg19[%mul3A_1065] : memref<256xf32, #tpu.memory_space<vmem_shared>> -> memref<16xf32, #tpu.memory_space<vmem_shared>>
      %dma_wait3A_1274 = tpu.memref_slice %arg19[%mul3A_1065] : memref<256xf32, #tpu.memory_space<vmem_shared>> -> memref<16xf32, #tpu.memory_space<vmem_shared>>
      tpu.wait_dma2 semaphore(%run_scoped3A : memref<!tpu.dma_semaphore, #tpu.memory_space<semaphore_mem>>) src(%arg17 : memref<16xf32, #tpu.memory_space<vmem>>) dst(%dma_wait3A_1274 : memref<16xf32, #tpu.memory_space<vmem_shared>>)
      tpu.yield
    }) : () -> ()
    %swap3A_1066 = arith.constant 0 : index
    %swap3A_1067 = tpu.vector_load %arg17[%swap3A_1066] {strides = array<i32>} : memref<16xf32, #tpu.memory_space<vmem>>, vector<16xf32>,
    tpu.vector_store %arg17[%swap3A_1066], %select_n3A_1061 {strides = array<i32>} : memref<16xf32, #tpu.memory_space<vmem>>, vector<16xf32>,
    %mul3A_1068 = arith.constant 16 : i32
    %mul3A_1069 = arith.muli %arg1, %mul3A_1068 : i32
    "tpu.region"() ({
      %run_scoped3A = tpu.sem_alloc : memref<!tpu.dma_semaphore, #tpu.memory_space<semaphore_mem>>
      %dma_start3A_1271 = tpu.memref_slice %arg20[%mul3A_1069] : memref<256xf32, #tpu.memory_space<vmem_shared>> -> memref<16xf32, #tpu.memory_space<vmem_shared>>
      %dma_start3A_1272 = tpu.memref_slice %arg20[%mul3A_1069] : memref<256xf32, #tpu.memory_space<vmem_shared>> -> memref<16xf32, #tpu.memory_space<vmem_shared>>
      tpu.enqueue_dma source(%arg17 : memref<16xf32, #tpu.memory_space<vmem>>) target(%dma_start3A_1272 : memref<16xf32, #tpu.memory_space<vmem_shared>>) target_semaphore(%run_scoped3A : memref<!tpu.dma_semaphore, #tpu.memory_space<semaphore_mem>>)
      %dma_wait3A_1273 = tpu.memref_slice %arg20[%mul3A_1069] : memref<256xf32, #tpu.memory_space<vmem_shared>> -> memref<16xf32, #tpu.memory_space<vmem_shared>>
      %dma_wait3A_1274 = tpu.memref_slice %arg20[%mul3A_1069] : memref<256xf32, #tpu.memory_space<vmem_shared>> -> memref<16xf32, #tpu.memory_space<vmem_shared>>
      tpu.wait_dma2 semaphore(%run_scoped3A : memref<!tpu.dma_semaphore, #tpu.memory_space<semaphore_mem>>) src(%arg17 : memref<16xf32, #tpu.memory_space<vmem>>) dst(%dma_wait3A_1274 : memref<16xf32, #tpu.memory_space<vmem_shared>>)
      tpu.yield
    }) : () -> ()
    %barrier3A = arith.constant 0 : index
    tpu.barrier barrier_id(%barrier3A)
    "tpu.region"() ({
      %run_scoped3A = tpu.sem_alloc : memref<!tpu.dma_semaphore, #tpu.memory_space<semaphore_mem>>
      %dma_start3A_1271 = arith.constant 0 : i32
      %dma_start3A_1272 = tpu.memref_slice %arg18[%dma_start3A_1271] : memref<512xf32, #tpu.memory_space<vmem>> -> memref<256xf32, #tpu.memory_space<vmem>>
      %dma_start3A_1273 = arith.constant 0 : i32
      %dma_start3A_1274 = tpu.memref_slice %arg18[%dma_start3A_1273] : memref<512xf32, #tpu.memory_space<vmem>> -> memref<256xf32, #tpu.memory_space<vmem>>
      tpu.enqueue_dma source(%arg19 : memref<256xf32, #tpu.memory_space<vmem_shared>>) target(%dma_start3A_1274 : memref<256xf32, #tpu.memory_space<vmem>>) target_semaphore(%run_scoped3A : memref<!tpu.dma_semaphore, #tpu.memory_space<semaphore_mem>>)
      %dma_wait3A_1275 = arith.constant 0 : i32
      %dma_wait3A_1276 = tpu.memref_slice %arg18[%dma_wait3A_1275] : memref<512xf32, #tpu.memory_space<vmem>> -> memref<256xf32, #tpu.memory_space<vmem>>
      %dma_wait3A_1277 = arith.constant 0 : i32
      %dma_wait3A_1278 = tpu.memref_slice %arg18[%dma_wait3A_1277] : memref<512xf32, #tpu.memory_space<vmem>> -> memref<256xf32, #tpu.memory_space<vmem>>
      tpu.wait_dma2 semaphore(%run_scoped3A : memref<!tpu.dma_semaphore, #tpu.memory_space<semaphore_mem>>) src(%arg19 : memref<256xf32, #tpu.memory_space<vmem_shared>>) dst(%dma_wait3A_1278 : memref<256xf32, #tpu.memory_space<vmem>>)
      tpu.yield
    }) : () -> ()
    "tpu.region"() ({
      %run_scoped3A = tpu.sem_alloc : memref<!tpu.dma_semaphore, #tpu.memory_space<semaphore_mem>>
      %dma_start3A_1271 = arith.constant 256 : i32
      %dma_start3A_1272 = tpu.memref_slice %arg18[%dma_start3A_1271] : memref<512xf32, #tpu.memory_space<vmem>> -> memref<256xf32, #tpu.memory_space<vmem>>
      %dma_start3A_1273 = arith.constant 256 : i32
      %dma_start3A_1274 = tpu.memref_slice %arg18[%dma_start3A_1273] : memref<512xf32, #tpu.memory_space<vmem>> -> memref<256xf32, #tpu.memory_space<vmem>>
      tpu.enqueue_dma source(%arg20 : memref<256xf32, #tpu.memory_space<vmem_shared>>) target(%dma_start3A_1274 : memref<256xf32, #tpu.memory_space<vmem>>) target_semaphore(%run_scoped3A : memref<!tpu.dma_semaphore, #tpu.memory_space<semaphore_mem>>)
      %dma_wait3A_1275 = arith.constant 256 : i32
      %dma_wait3A_1276 = tpu.memref_slice %arg18[%dma_wait3A_1275] : memref<512xf32, #tpu.memory_space<vmem>> -> memref<256xf32, #tpu.memory_space<vmem>>
      %dma_wait3A_1277 = arith.constant 256 : i32
      %dma_wait3A_1278 = tpu.memref_slice %arg18[%dma_wait3A_1277] : memref<512xf32, #tpu.memory_space<vmem>> -> memref<256xf32, #tpu.memory_space<vmem>>
      tpu.wait_dma2 semaphore(%run_scoped3A : memref<!tpu.dma_semaphore, #tpu.memory_space<semaphore_mem>>) src(%arg20 : memref<256xf32, #tpu.memory_space<vmem_shared>>) dst(%dma_wait3A_1278 : memref<256xf32, #tpu.memory_space<vmem>>)
      tpu.yield
    }) : () -> ()
    %get3A_1070 = arith.constant 0 : index
    %get3A_1071 = tpu.vector_load %arg18[%get3A_1070] {strides = array<i32>} : memref<512xf32, #tpu.memory_space<vmem>>, vector<16xf32>,
    %max3A_1072 = arith.maximumf %broadcast_in_dim3A_7, %get3A_1071 : vector<16xf32>
    %get3A_1073 = arith.constant 16 : index
    %get3A_1074 = tpu.vector_load %arg18[%get3A_1073] {strides = array<i32>} : memref<512xf32, #tpu.memory_space<vmem>>, vector<16xf32>,
    %max3A_1075 = arith.maximumf %max3A_1072, %get3A_1074 : vector<16xf32>
    %get3A_1076 = arith.constant 32 : index
    %get3A_1077 = tpu.vector_load %arg18[%get3A_1076] {strides = array<i32>} : memref<512xf32, #tpu.memory_space<vmem>>, vector<16xf32>,
    %max3A_1078 = arith.maximumf %max3A_1075, %get3A_1077 : vector<16xf32>
    %get3A_1079 = arith.constant 48 : index
    %get3A_1080 = tpu.vector_load %arg18[%get3A_1079] {strides = array<i32>} : memref<512xf32, #tpu.memory_space<vmem>>, vector<16xf32>,
    %max3A_1081 = arith.maximumf %max3A_1078, %get3A_1080 : vector<16xf32>
    %get3A_1082 = arith.constant 64 : index
    %get3A_1083 = tpu.vector_load %arg18[%get3A_1082] {strides = array<i32>} : memref<512xf32, #tpu.memory_space<vmem>>, vector<16xf32>,
    %max3A_1084 = arith.maximumf %max3A_1081, %get3A_1083 : vector<16xf32>
    %get3A_1085 = arith.constant 80 : index
    %get3A_1086 = tpu.vector_load %arg18[%get3A_1085] {strides = array<i32>} : memref<512xf32, #tpu.memory_space<vmem>>, vector<16xf32>,
    %max3A_1087 = arith.maximumf %max3A_1084, %get3A_1086 : vector<16xf32>
    %get3A_1088 = arith.constant 96 : index
    %get3A_1089 = tpu.vector_load %arg18[%get3A_1088] {strides = array<i32>} : memref<512xf32, #tpu.memory_space<vmem>>, vector<16xf32>,
    %max3A_1090 = arith.maximumf %max3A_1087, %get3A_1089 : vector<16xf32>
    %get3A_1091 = arith.constant 112 : index
    %get3A_1092 = tpu.vector_load %arg18[%get3A_1091] {strides = array<i32>} : memref<512xf32, #tpu.memory_space<vmem>>, vector<16xf32>,
    %max3A_1093 = arith.maximumf %max3A_1090, %get3A_1092 : vector<16xf32>
    %get3A_1094 = arith.constant 128 : index
    %get3A_1095 = tpu.vector_load %arg18[%get3A_1094] {strides = array<i32>} : memref<512xf32, #tpu.memory_space<vmem>>, vector<16xf32>,
    %max3A_1096 = arith.maximumf %max3A_1093, %get3A_1095 : vector<16xf32>
    %get3A_1097 = arith.constant 144 : index
    %get3A_1098 = tpu.vector_load %arg18[%get3A_1097] {strides = array<i32>} : memref<512xf32, #tpu.memory_space<vmem>>, vector<16xf32>,
    %max3A_1099 = arith.maximumf %max3A_1096, %get3A_1098 : vector<16xf32>
    %get3A_1100 = arith.constant 160 : index
    %get3A_1101 = tpu.vector_load %arg18[%get3A_1100] {strides = array<i32>} : memref<512xf32, #tpu.memory_space<vmem>>, vector<16xf32>,
    %max3A_1102 = arith.maximumf %max3A_1099, %get3A_1101 : vector<16xf32>
    %get3A_1103 = arith.constant 176 : index
    %get3A_1104 = tpu.vector_load %arg18[%get3A_1103] {strides = array<i32>} : memref<512xf32, #tpu.memory_space<vmem>>, vector<16xf32>,
    %max3A_1105 = arith.maximumf %max3A_1102, %get3A_1104 : vector<16xf32>
    %get3A_1106 = arith.constant 192 : index
    %get3A_1107 = tpu.vector_load %arg18[%get3A_1106] {strides = array<i32>} : memref<512xf32, #tpu.memory_space<vmem>>, vector<16xf32>,
    %max3A_1108 = arith.maximumf %max3A_1105, %get3A_1107 : vector<16xf32>
    %get3A_1109 = arith.constant 208 : index
    %get3A_1110 = tpu.vector_load %arg18[%get3A_1109] {strides = array<i32>} : memref<512xf32, #tpu.memory_space<vmem>>, vector<16xf32>,
    %max3A_1111 = arith.maximumf %max3A_1108, %get3A_1110 : vector<16xf32>
    %get3A_1112 = arith.constant 224 : index
    %get3A_1113 = tpu.vector_load %arg18[%get3A_1112] {strides = array<i32>} : memref<512xf32, #tpu.memory_space<vmem>>, vector<16xf32>,
    %max3A_1114 = arith.maximumf %max3A_1111, %get3A_1113 : vector<16xf32>
    %get3A_1115 = arith.constant 240 : index
    %get3A_1116 = tpu.vector_load %arg18[%get3A_1115] {strides = array<i32>} : memref<512xf32, #tpu.memory_space<vmem>>, vector<16xf32>,
    %max3A_1117 = arith.maximumf %max3A_1114, %get3A_1116 : vector<16xf32>
    %get3A_1118 = arith.constant 0 : index
    %get3A_1119 = tpu.vector_load %arg18[%get3A_1118] {strides = array<i32>} : memref<512xf32, #tpu.memory_space<vmem>>, vector<16xf32>,
    %get3A_1120 = arith.constant 256 : index
    %get3A_1121 = tpu.vector_load %arg18[%get3A_1120] {strides = array<i32>} : memref<512xf32, #tpu.memory_space<vmem>>, vector<16xf32>,
    %sub3A_1122 = arith.subf %get3A_1119, %max3A_1117 : vector<16xf32>
    %exp3A = math.exp %sub3A_1122 : vector<16xf32>
    %mul3A_1123 = arith.mulf %get3A_1121, %exp3A : vector<16xf32>
    %add3A_1124 = arith.addf %broadcast_in_dim3A_9, %mul3A_1123 : vector<16xf32>
    %get3A_1125 = arith.constant 16 : index
    %get3A_1126 = tpu.vector_load %arg18[%get3A_1125] {strides = array<i32>} : memref<512xf32, #tpu.memory_space<vmem>>, vector<16xf32>,
    %get3A_1127 = arith.constant 272 : index
    %get3A_1128 = tpu.vector_load %arg18[%get3A_1127] {strides = array<i32>} : memref<512xf32, #tpu.memory_space<vmem>>, vector<16xf32>,
    %sub3A_1129 = arith.subf %get3A_1126, %max3A_1117 : vector<16xf32>
    %exp3A_1130 = math.exp %sub3A_1129 : vector<16xf32>
    %mul3A_1131 = arith.mulf %get3A_1128, %exp3A_1130 : vector<16xf32>
    %add3A_1132 = arith.addf %add3A_1124, %mul3A_1131 : vector<16xf32>
    %get3A_1133 = arith.constant 32 : index
    %get3A_1134 = tpu.vector_load %arg18[%get3A_1133] {strides = array<i32>} : memref<512xf32, #tpu.memory_space<vmem>>, vector<16xf32>,
    %get3A_1135 = arith.constant 288 : index
    %get3A_1136 = tpu.vector_load %arg18[%get3A_1135] {strides = array<i32>} : memref<512xf32, #tpu.memory_space<vmem>>, vector<16xf32>,
    %sub3A_1137 = arith.subf %get3A_1134, %max3A_1117 : vector<16xf32>
    %exp3A_1138 = math.exp %sub3A_1137 : vector<16xf32>
    %mul3A_1139 = arith.mulf %get3A_1136, %exp3A_1138 : vector<16xf32>
    %add3A_1140 = arith.addf %add3A_1132, %mul3A_1139 : vector<16xf32>
    %get3A_1141 = arith.constant 48 : index
    %get3A_1142 = tpu.vector_load %arg18[%get3A_1141] {strides = array<i32>} : memref<512xf32, #tpu.memory_space<vmem>>, vector<16xf32>,
    %get3A_1143 = arith.constant 304 : index
    %get3A_1144 = tpu.vector_load %arg18[%get3A_1143] {strides = array<i32>} : memref<512xf32, #tpu.memory_space<vmem>>, vector<16xf32>,
    %sub3A_1145 = arith.subf %get3A_1142, %max3A_1117 : vector<16xf32>
    %exp3A_1146 = math.exp %sub3A_1145 : vector<16xf32>
    %mul3A_1147 = arith.mulf %get3A_1144, %exp3A_1146 : vector<16xf32>
    %add3A_1148 = arith.addf %add3A_1140, %mul3A_1147 : vector<16xf32>
    %get3A_1149 = arith.constant 64 : index
    %get3A_1150 = tpu.vector_load %arg18[%get3A_1149] {strides = array<i32>} : memref<512xf32, #tpu.memory_space<vmem>>, vector<16xf32>,
    %get3A_1151 = arith.constant 320 : index
    %get3A_1152 = tpu.vector_load %arg18[%get3A_1151] {strides = array<i32>} : memref<512xf32, #tpu.memory_space<vmem>>, vector<16xf32>,
    %sub3A_1153 = arith.subf %get3A_1150, %max3A_1117 : vector<16xf32>
    %exp3A_1154 = math.exp %sub3A_1153 : vector<16xf32>
    %mul3A_1155 = arith.mulf %get3A_1152, %exp3A_1154 : vector<16xf32>
    %add3A_1156 = arith.addf %add3A_1148, %mul3A_1155 : vector<16xf32>
    %get3A_1157 = arith.constant 80 : index
    %get3A_1158 = tpu.vector_load %arg18[%get3A_1157] {strides = array<i32>} : memref<512xf32, #tpu.memory_space<vmem>>, vector<16xf32>,
    %get3A_1159 = arith.constant 336 : index
    %get3A_1160 = tpu.vector_load %arg18[%get3A_1159] {strides = array<i32>} : memref<512xf32, #tpu.memory_space<vmem>>, vector<16xf32>,
    %sub3A_1161 = arith.subf %get3A_1158, %max3A_1117 : vector<16xf32>
    %exp3A_1162 = math.exp %sub3A_1161 : vector<16xf32>
    %mul3A_1163 = arith.mulf %get3A_1160, %exp3A_1162 : vector<16xf32>
    %add3A_1164 = arith.addf %add3A_1156, %mul3A_1163 : vector<16xf32>
    %get3A_1165 = arith.constant 96 : index
    %get3A_1166 = tpu.vector_load %arg18[%get3A_1165] {strides = array<i32>} : memref<512xf32, #tpu.memory_space<vmem>>, vector<16xf32>,
    %get3A_1167 = arith.constant 352 : index
    %get3A_1168 = tpu.vector_load %arg18[%get3A_1167] {strides = array<i32>} : memref<512xf32, #tpu.memory_space<vmem>>, vector<16xf32>,
    %sub3A_1169 = arith.subf %get3A_1166, %max3A_1117 : vector<16xf32>
    %exp3A_1170 = math.exp %sub3A_1169 : vector<16xf32>
    %mul3A_1171 = arith.mulf %get3A_1168, %exp3A_1170 : vector<16xf32>
    %add3A_1172 = arith.addf %add3A_1164, %mul3A_1171 : vector<16xf32>
    %get3A_1173 = arith.constant 112 : index
    %get3A_1174 = tpu.vector_load %arg18[%get3A_1173] {strides = array<i32>} : memref<512xf32, #tpu.memory_space<vmem>>, vector<16xf32>,
    %get3A_1175 = arith.constant 368 : index
    %get3A_1176 = tpu.vector_load %arg18[%get3A_1175] {strides = array<i32>} : memref<512xf32, #tpu.memory_space<vmem>>, vector<16xf32>,
    %sub3A_1177 = arith.subf %get3A_1174, %max3A_1117 : vector<16xf32>
    %exp3A_1178 = math.exp %sub3A_1177 : vector<16xf32>
    %mul3A_1179 = arith.mulf %get3A_1176, %exp3A_1178 : vector<16xf32>
    %add3A_1180 = arith.addf %add3A_1172, %mul3A_1179 : vector<16xf32>
    %get3A_1181 = arith.constant 128 : index
    %get3A_1182 = tpu.vector_load %arg18[%get3A_1181] {strides = array<i32>} : memref<512xf32, #tpu.memory_space<vmem>>, vector<16xf32>,
    %get3A_1183 = arith.constant 384 : index
    %get3A_1184 = tpu.vector_load %arg18[%get3A_1183] {strides = array<i32>} : memref<512xf32, #tpu.memory_space<vmem>>, vector<16xf32>,
    %sub3A_1185 = arith.subf %get3A_1182, %max3A_1117 : vector<16xf32>
    %exp3A_1186 = math.exp %sub3A_1185 : vector<16xf32>
    %mul3A_1187 = arith.mulf %get3A_1184, %exp3A_1186 : vector<16xf32>
    %add3A_1188 = arith.addf %add3A_1180, %mul3A_1187 : vector<16xf32>
    %get3A_1189 = arith.constant 144 : index
    %get3A_1190 = tpu.vector_load %arg18[%get3A_1189] {strides = array<i32>} : memref<512xf32, #tpu.memory_space<vmem>>, vector<16xf32>,
    %get3A_1191 = arith.constant 400 : index
    %get3A_1192 = tpu.vector_load %arg18[%get3A_1191] {strides = array<i32>} : memref<512xf32, #tpu.memory_space<vmem>>, vector<16xf32>,
    %sub3A_1193 = arith.subf %get3A_1190, %max3A_1117 : vector<16xf32>
    %exp3A_1194 = math.exp %sub3A_1193 : vector<16xf32>
    %mul3A_1195 = arith.mulf %get3A_1192, %exp3A_1194 : vector<16xf32>
    %add3A_1196 = arith.addf %add3A_1188, %mul3A_1195 : vector<16xf32>
    %get3A_1197 = arith.constant 160 : index
    %get3A_1198 = tpu.vector_load %arg18[%get3A_1197] {strides = array<i32>} : memref<512xf32, #tpu.memory_space<vmem>>, vector<16xf32>,
    %get3A_1199 = arith.constant 416 : index
    %get3A_1200 = tpu.vector_load %arg18[%get3A_1199] {strides = array<i32>} : memref<512xf32, #tpu.memory_space<vmem>>, vector<16xf32>,
    %sub3A_1201 = arith.subf %get3A_1198, %max3A_1117 : vector<16xf32>
    %exp3A_1202 = math.exp %sub3A_1201 : vector<16xf32>
    %mul3A_1203 = arith.mulf %get3A_1200, %exp3A_1202 : vector<16xf32>
    %add3A_1204 = arith.addf %add3A_1196, %mul3A_1203 : vector<16xf32>
    %get3A_1205 = arith.constant 176 : index
    %get3A_1206 = tpu.vector_load %arg18[%get3A_1205] {strides = array<i32>} : memref<512xf32, #tpu.memory_space<vmem>>, vector<16xf32>,
    %get3A_1207 = arith.constant 432 : index
    %get3A_1208 = tpu.vector_load %arg18[%get3A_1207] {strides = array<i32>} : memref<512xf32, #tpu.memory_space<vmem>>, vector<16xf32>,
    %sub3A_1209 = arith.subf %get3A_1206, %max3A_1117 : vector<16xf32>
    %exp3A_1210 = math.exp %sub3A_1209 : vector<16xf32>
    %mul3A_1211 = arith.mulf %get3A_1208, %exp3A_1210 : vector<16xf32>
    %add3A_1212 = arith.addf %add3A_1204, %mul3A_1211 : vector<16xf32>
    %get3A_1213 = arith.constant 192 : index
    %get3A_1214 = tpu.vector_load %arg18[%get3A_1213] {strides = array<i32>} : memref<512xf32, #tpu.memory_space<vmem>>, vector<16xf32>,
    %get3A_1215 = arith.constant 448 : index
    %get3A_1216 = tpu.vector_load %arg18[%get3A_1215] {strides = array<i32>} : memref<512xf32, #tpu.memory_space<vmem>>, vector<16xf32>,
    %sub3A_1217 = arith.subf %get3A_1214, %max3A_1117 : vector<16xf32>
    %exp3A_1218 = math.exp %sub3A_1217 : vector<16xf32>
    %mul3A_1219 = arith.mulf %get3A_1216, %exp3A_1218 : vector<16xf32>
    %add3A_1220 = arith.addf %add3A_1212, %mul3A_1219 : vector<16xf32>
    %get3A_1221 = arith.constant 208 : index
    %get3A_1222 = tpu.vector_load %arg18[%get3A_1221] {strides = array<i32>} : memref<512xf32, #tpu.memory_space<vmem>>, vector<16xf32>,
    %get3A_1223 = arith.constant 464 : index
    %get3A_1224 = tpu.vector_load %arg18[%get3A_1223] {strides = array<i32>} : memref<512xf32, #tpu.memory_space<vmem>>, vector<16xf32>,
    %sub3A_1225 = arith.subf %get3A_1222, %max3A_1117 : vector<16xf32>
    %exp3A_1226 = math.exp %sub3A_1225 : vector<16xf32>
    %mul3A_1227 = arith.mulf %get3A_1224, %exp3A_1226 : vector<16xf32>
    %add3A_1228 = arith.addf %add3A_1220, %mul3A_1227 : vector<16xf32>
    %get3A_1229 = arith.constant 224 : index
    %get3A_1230 = tpu.vector_load %arg18[%get3A_1229] {strides = array<i32>} : memref<512xf32, #tpu.memory_space<vmem>>, vector<16xf32>,
    %get3A_1231 = arith.constant 480 : index
    %get3A_1232 = tpu.vector_load %arg18[%get3A_1231] {strides = array<i32>} : memref<512xf32, #tpu.memory_space<vmem>>, vector<16xf32>,
    %sub3A_1233 = arith.subf %get3A_1230, %max3A_1117 : vector<16xf32>
    %exp3A_1234 = math.exp %sub3A_1233 : vector<16xf32>
    %mul3A_1235 = arith.mulf %get3A_1232, %exp3A_1234 : vector<16xf32>
    %add3A_1236 = arith.addf %add3A_1228, %mul3A_1235 : vector<16xf32>
    %get3A_1237 = arith.constant 240 : index
    %get3A_1238 = tpu.vector_load %arg18[%get3A_1237] {strides = array<i32>} : memref<512xf32, #tpu.memory_space<vmem>>, vector<16xf32>,
    %get3A_1239 = arith.constant 496 : index
    %get3A_1240 = tpu.vector_load %arg18[%get3A_1239] {strides = array<i32>} : memref<512xf32, #tpu.memory_space<vmem>>, vector<16xf32>,
    %sub3A_1241 = arith.subf %get3A_1238, %max3A_1117 : vector<16xf32>
    %exp3A_1242 = math.exp %sub3A_1241 : vector<16xf32>
    %mul3A_1243 = arith.mulf %get3A_1240, %exp3A_1242 : vector<16xf32>
    %add3A_1244 = arith.addf %add3A_1236, %mul3A_1243 : vector<16xf32>
    %sub3A_1245 = arith.subf %select_n3A_642, %max3A_1117 : vector<16xf32>
    %exp3A_1246 = math.exp %sub3A_1245 : vector<16xf32>
    %div3A = arith.divf %exp3A_1246, %add3A_1244 : vector<16xf32>
    %swap3A_1247 = arith.constant 0 : index
    %swap3A_1248 = tpu.vector_load %arg15[%swap3A_1247] {strides = array<i32>} : memref<16xf32, #tpu.memory_space<vmem>>, vector<16xf32>,
    tpu.vector_store %arg15[%swap3A_1247], %div3A {strides = array<i32>} : memref<16xf32, #tpu.memory_space<vmem>>, vector<16xf32>,
    %parallel_loop3A_1249 = arith.constant 0 : i32
    %parallel_loop3A_1250 = arith.constant 64 : i32
    %parallel_loop3A_1251 = arith.constant 1 : i32
    scf.for %parallel_loop3A_1271 = %parallel_loop3A_1249 to %parallel_loop3A_1250 step %parallel_loop3A_1251  : i32 {
      %parallel_loop3A_1272 = arith.constant 16 : i32
      %parallel_loop3A_1273 = arith.muli %parallel_loop3A_1271, %parallel_loop3A_1272 : i32
      %parallel_loop3A_1274 = arith.index_cast %parallel_loop3A_1273 : i32 to index
      %parallel_loop3A_1275 = tpu.vector_load %arg11[%parallel_loop3A_1274] {strides = array<i32>} : memref<2048xf32, #tpu.memory_space<vmem>>, vector<16xf32>,
      %parallel_loop3A_1276 = arith.index_cast %parallel_loop3A_1273 : i32 to index
      %parallel_loop3A_1277 = tpu.vector_load %arg9[%parallel_loop3A_1276] {strides = array<i32>} : memref<2048xi32, #tpu.memory_space<vmem>>, vector<16xi32>,
      %parallel_loop3A_1278 = tpu.vector_load_idx %arg15[%parallel_loop3A_1277] : memref<16xf32, #tpu.memory_space<vmem>>[vector<16xi32>], vector<16xf32>,
      %parallel_loop3A_1279 = arith.mulf %parallel_loop3A_1275, %parallel_loop3A_1278 : vector<16xf32>
      %parallel_loop3A_1280 = arith.index_cast %parallel_loop3A_1273 : i32 to index
      %parallel_loop3A_1281 = tpu.vector_load %arg12[%parallel_loop3A_1280] {strides = array<i32>} : memref<2048xf32, #tpu.memory_space<vmem>>, vector<16xf32>,
      tpu.vector_store %arg12[%parallel_loop3A_1280], %parallel_loop3A_1279 {strides = array<i32>} : memref<2048xf32, #tpu.memory_space<vmem>>, vector<16xf32>,
    } {sc.loop_unroll_factor = 4 : i64, sc.parallel_access}
    %dma_start3A_1252 = arith.constant 0 : i32
    %dma_start3A_1253 = tpu.memref_slice %arg12[%dma_start3A_1252] : memref<2048xf32, #tpu.memory_space<vmem>> -> memref<1024xf32, #tpu.memory_space<vmem>>
    %dma_start3A_1254 = tpu.memref_slice %arg7[%mul3A_0] : memref<32768xf32, #tpu.memory_space<hbm>> -> memref<1024xf32, #tpu.memory_space<hbm>>
    %dma_start3A_1255 = tpu.memref_slice %arg7[%mul3A_0] : memref<32768xf32, #tpu.memory_space<hbm>> -> memref<1024xf32, #tpu.memory_space<hbm>>
    %dma_start3A_1256 = arith.constant 0 : i32
    %dma_start3A_1257 = tpu.memref_slice %arg12[%dma_start3A_1256] : memref<2048xf32, #tpu.memory_space<vmem>> -> memref<1024xf32, #tpu.memory_space<vmem>>
    tpu.enqueue_dma source(%dma_start3A_1257 : memref<1024xf32, #tpu.memory_space<vmem>>) target(%dma_start3A_1255 : memref<1024xf32, #tpu.memory_space<hbm>>) target_semaphore(%arg23 : memref<!tpu.dma_semaphore, #tpu.memory_space<semaphore_mem>>)
    %parallel_loop3A_1258 = arith.constant 64 : i32
    %parallel_loop3A_1259 = arith.constant 128 : i32
    %parallel_loop3A_1260 = arith.constant 1 : i32
    scf.for %parallel_loop3A_1271 = %parallel_loop3A_1258 to %parallel_loop3A_1259 step %parallel_loop3A_1260  : i32 {
      %parallel_loop3A_1272 = arith.constant 16 : i32
      %parallel_loop3A_1273 = arith.muli %parallel_loop3A_1271, %parallel_loop3A_1272 : i32
      %parallel_loop3A_1274 = arith.index_cast %parallel_loop3A_1273 : i32 to index
      %parallel_loop3A_1275 = tpu.vector_load %arg11[%parallel_loop3A_1274] {strides = array<i32>} : memref<2048xf32, #tpu.memory_space<vmem>>, vector<16xf32>,
      %parallel_loop3A_1276 = arith.index_cast %parallel_loop3A_1273 : i32 to index
      %parallel_loop3A_1277 = tpu.vector_load %arg9[%parallel_loop3A_1276] {strides = array<i32>} : memref<2048xi32, #tpu.memory_space<vmem>>, vector<16xi32>,
      %parallel_loop3A_1278 = tpu.vector_load_idx %arg15[%parallel_loop3A_1277] : memref<16xf32, #tpu.memory_space<vmem>>[vector<16xi32>], vector<16xf32>,
      %parallel_loop3A_1279 = arith.mulf %parallel_loop3A_1275, %parallel_loop3A_1278 : vector<16xf32>
      %parallel_loop3A_1280 = arith.index_cast %parallel_loop3A_1273 : i32 to index
      %parallel_loop3A_1281 = tpu.vector_load %arg12[%parallel_loop3A_1280] {strides = array<i32>} : memref<2048xf32, #tpu.memory_space<vmem>>, vector<16xf32>,
      tpu.vector_store %arg12[%parallel_loop3A_1280], %parallel_loop3A_1279 {strides = array<i32>} : memref<2048xf32, #tpu.memory_space<vmem>>, vector<16xf32>,
    } {sc.loop_unroll_factor = 4 : i64, sc.parallel_access}
    %add3A_1261 = arith.constant 1024 : i32
    %add3A_1262 = arith.addi %mul3A_0, %add3A_1261 : i32
    "tpu.region"() ({
      %run_scoped3A = tpu.sem_alloc : memref<!tpu.dma_semaphore, #tpu.memory_space<semaphore_mem>>
      %dma_start3A_1271 = arith.constant 1024 : i32
      %dma_start3A_1272 = tpu.memref_slice %arg12[%dma_start3A_1271] : memref<2048xf32, #tpu.memory_space<vmem>> -> memref<1024xf32, #tpu.memory_space<vmem>>
      %dma_start3A_1273 = tpu.memref_slice %arg7[%add3A_1262] : memref<32768xf32, #tpu.memory_space<hbm>> -> memref<1024xf32, #tpu.memory_space<hbm>>
      %dma_start3A_1274 = tpu.memref_slice %arg7[%add3A_1262] : memref<32768xf32, #tpu.memory_space<hbm>> -> memref<1024xf32, #tpu.memory_space<hbm>>
      %dma_start3A_1275 = arith.constant 1024 : i32
      %dma_start3A_1276 = tpu.memref_slice %arg12[%dma_start3A_1275] : memref<2048xf32, #tpu.memory_space<vmem>> -> memref<1024xf32, #tpu.memory_space<vmem>>
      tpu.enqueue_dma source(%dma_start3A_1276 : memref<1024xf32, #tpu.memory_space<vmem>>) target(%dma_start3A_1274 : memref<1024xf32, #tpu.memory_space<hbm>>) target_semaphore(%run_scoped3A : memref<!tpu.dma_semaphore, #tpu.memory_space<semaphore_mem>>)
      %dma_wait3A_1277 = arith.constant 1024 : i32
      %dma_wait3A_1278 = tpu.memref_slice %arg12[%dma_wait3A_1277] : memref<2048xf32, #tpu.memory_space<vmem>> -> memref<1024xf32, #tpu.memory_space<vmem>>
      %dma_wait3A_1279 = tpu.memref_slice %arg7[%add3A_1262] : memref<32768xf32, #tpu.memory_space<hbm>> -> memref<1024xf32, #tpu.memory_space<hbm>>
      %dma_wait3A_1280 = tpu.memref_slice %arg7[%add3A_1262] : memref<32768xf32, #tpu.memory_space<hbm>> -> memref<1024xf32, #tpu.memory_space<hbm>>
      %dma_wait3A_1281 = arith.constant 1024 : i32
      %dma_wait3A_1282 = tpu.memref_slice %arg12[%dma_wait3A_1281] : memref<2048xf32, #tpu.memory_space<vmem>> -> memref<1024xf32, #tpu.memory_space<vmem>>
      tpu.wait_dma2 semaphore(%run_scoped3A : memref<!tpu.dma_semaphore, #tpu.memory_space<semaphore_mem>>) src(%dma_wait3A_1282 : memref<1024xf32, #tpu.memory_space<vmem>>) dst(%dma_wait3A_1280 : memref<1024xf32, #tpu.memory_space<hbm>>)
      tpu.yield
    }) : () -> ()
    %dma_wait3A_1263 = arith.constant 0 : i32
    %dma_wait3A_1264 = tpu.memref_slice %arg12[%dma_wait3A_1263] : memref<2048xf32, #tpu.memory_space<vmem>> -> memref<1024xf32, #tpu.memory_space<vmem>>
    %dma_wait3A_1265 = tpu.memref_slice %arg7[%mul3A_0] : memref<32768xf32, #tpu.memory_space<hbm>> -> memref<1024xf32, #tpu.memory_space<hbm>>
    %dma_wait3A_1266 = tpu.memref_slice %arg7[%mul3A_0] : memref<32768xf32, #tpu.memory_space<hbm>> -> memref<1024xf32, #tpu.memory_space<hbm>>
    %dma_wait3A_1267 = arith.constant 0 : i32
    %dma_wait3A_1268 = tpu.memref_slice %arg12[%dma_wait3A_1267] : memref<2048xf32, #tpu.memory_space<vmem>> -> memref<1024xf32, #tpu.memory_space<vmem>>
    tpu.wait_dma2 semaphore(%arg23 : memref<!tpu.dma_semaphore, #tpu.memory_space<semaphore_mem>>) src(%dma_wait3A_1268 : memref<1024xf32, #tpu.memory_space<vmem>>) dst(%dma_wait3A_1266 : memref<1024xf32, #tpu.memory_space<hbm>>)
    %dma_wait3A_1269 = tpu.memref_slice %arg6[%mul3A_0] : memref<32768xf32, #tpu.memory_space<hbm>> -> memref<2048xf32, #tpu.memory_space<hbm>>
    %dma_wait3A_1270 = tpu.memref_slice %arg6[%mul3A_0] : memref<32768xf32, #tpu.memory_space<hbm>> -> memref<2048xf32, #tpu.memory_space<hbm>>
    tpu.wait_dma2 semaphore(%arg22 : memref<!tpu.dma_semaphore, #tpu.memory_space<semaphore_mem>>) src(%arg10 : memref<2048xf32, #tpu.memory_space<vmem>>) dst(%dma_wait3A_1270 : memref<2048xf32, #tpu.memory_space<hbm>>)
    return
  }
}

module attributes {stable_mosaic.version = 14 : i64} {
  func.func @_tc_prep_body(%arg0: memref<16x1024xf32, #tpu.memory_space<vmem>>, %arg1: memref<256x128xi32, #tpu.memory_space<vmem>>, %arg2: memref<16x1xf32, #tpu.memory_space<vmem>>, %arg3: memref<16x1xi32, #tpu.memory_space<vmem>>) attributes {dimension_semantics = [], scalar_prefetch = 0 : i64, scratch_operands = 0 : i64, tpu.core_type = #tpu.core_type<tc>} {
    %get3A = arith.constant 0 : index
    %get3A_0 = arith.constant 0 : index
    %get3A_1 = vector.load %arg0[%get3A, %get3A_0] : memref<16x1024xf32, #tpu.memory_space<vmem>>, vector<16x1024xf32>
    %square3A = arith.mulf %get3A_1, %get3A_1 : vector<16x1024xf32>
    %mul3A = arith.constant 17.0794678 : f32
    %mul3A_2 = vector.broadcast %mul3A : f32 to vector<16x1024xf32>
    %mul3A_3 = arith.mulf %mul3A_2, %square3A : vector<16x1024xf32>
    %log3A = math.log %mul3A_3 : vector<16x1024xf32>
    %mul3A_4 = arith.constant 5.000000e-01 : f32
    %mul3A_5 = vector.broadcast %mul3A_4 : f32 to vector<16x1024xf32>
    %mul3A_6 = arith.mulf %mul3A_5, %log3A : vector<16x1024xf32>
    %reduce_sum3A = arith.constant dense<0.000000e+00> : vector<16xf32>
    %reduce_sum3A_7 = vector.multi_reduction <add>, %mul3A_6, %reduce_sum3A [1] : vector<16x1024xf32> to vector<16xf32>
    %broadcast_in_dim3A = vector.shape_cast %reduce_sum3A_7 : vector<16xf32> to vector<16x1xf32>
    %swap3A = arith.constant 0 : index
    %swap3A_8 = arith.constant 0 : index
    %swap3A_9 = vector.load %arg2[%swap3A, %swap3A_8] : memref<16x1xf32, #tpu.memory_space<vmem>>, vector<16x1xf32>
    tpu.vector_store %arg2[%swap3A, %swap3A_8], %broadcast_in_dim3A {strides = array<i32>} : memref<16x1xf32, #tpu.memory_space<vmem>>, vector<16x1xf32>,
    %get3A_10 = arith.constant 0 : index
    %get3A_11 = arith.constant 0 : index
    %get3A_12 = vector.load %arg1[%get3A_10, %get3A_11] : memref<256x128xi32, #tpu.memory_space<vmem>>, vector<256x128xi32>
    %iota3A = tpu.iota {dimensions = array<i32: 0>} : vector<16x1xi32>
    %broadcast_in_dim3A_13 = arith.constant 0 : i32
    %broadcast_in_dim3A_14 = vector.broadcast %broadcast_in_dim3A_13 : i32 to vector<16x1xi32>
    %lt3A = arith.constant 0 : i32
    %lt3A_15 = vector.broadcast %lt3A : i32 to vector<256x128xi32>
    %lt3A_16 = arith.cmpi slt, %get3A_12, %lt3A_15 : vector<256x128xi32>
    %convert_element_type3A = arith.extui %lt3A_16 : vector<256x128xi1> to vector<256x128xi32>
    %reduce_sum3A_17 = vector.shape_cast %convert_element_type3A : vector<256x128xi32> to vector<1x256x128xi32>
    %reduce_sum3A_18 = arith.constant dense<0> : vector<1xi32>
    %reduce_sum3A_19 = vector.multi_reduction <add>, %reduce_sum3A_17, %reduce_sum3A_18 [1, 2] : vector<1x256x128xi32> to vector<1xi32>
    %reduce_sum3A_20 = vector.shape_cast %reduce_sum3A_19 : vector<1xi32> to vector<1x1x1xi32>
    %reduce_sum3A_21 = vector.extract %reduce_sum3A_20[0, 0, 0] : i32 from vector<1x1x1xi32>
    %eq3A = arith.constant 0 : i32
    %eq3A_22 = vector.broadcast %eq3A : i32 to vector<16x1xi32>
    %eq3A_23 = arith.cmpi eq, %iota3A, %eq3A_22 : vector<16x1xi32>
    %broadcast_in_dim3A_24 = vector.broadcast %reduce_sum3A_21 : i32 to vector<16x1xi32>
    %select_n3A = arith.select %eq3A_23, %broadcast_in_dim3A_24, %broadcast_in_dim3A_14 : vector<16x1xi1>, vector<16x1xi32>
    %lt3A_25 = arith.constant 1 : i32
    %lt3A_26 = vector.broadcast %lt3A_25 : i32 to vector<256x128xi32>
    %lt3A_27 = arith.cmpi slt, %get3A_12, %lt3A_26 : vector<256x128xi32>
    %convert_element_type3A_28 = arith.extui %lt3A_27 : vector<256x128xi1> to vector<256x128xi32>
    %reduce_sum3A_29 = vector.shape_cast %convert_element_type3A_28 : vector<256x128xi32> to vector<1x256x128xi32>
    %reduce_sum3A_30 = arith.constant dense<0> : vector<1xi32>
    %reduce_sum3A_31 = vector.multi_reduction <add>, %reduce_sum3A_29, %reduce_sum3A_30 [1, 2] : vector<1x256x128xi32> to vector<1xi32>
    %reduce_sum3A_32 = vector.shape_cast %reduce_sum3A_31 : vector<1xi32> to vector<1x1x1xi32>
    %reduce_sum3A_33 = vector.extract %reduce_sum3A_32[0, 0, 0] : i32 from vector<1x1x1xi32>
    %eq3A_34 = arith.constant 1 : i32
    %eq3A_35 = vector.broadcast %eq3A_34 : i32 to vector<16x1xi32>
    %eq3A_36 = arith.cmpi eq, %iota3A, %eq3A_35 : vector<16x1xi32>
    %broadcast_in_dim3A_37 = vector.broadcast %reduce_sum3A_33 : i32 to vector<16x1xi32>
    %select_n3A_38 = arith.select %eq3A_36, %broadcast_in_dim3A_37, %select_n3A : vector<16x1xi1>, vector<16x1xi32>
    %lt3A_39 = arith.constant 2 : i32
    %lt3A_40 = vector.broadcast %lt3A_39 : i32 to vector<256x128xi32>
    %lt3A_41 = arith.cmpi slt, %get3A_12, %lt3A_40 : vector<256x128xi32>
    %convert_element_type3A_42 = arith.extui %lt3A_41 : vector<256x128xi1> to vector<256x128xi32>
    %reduce_sum3A_43 = vector.shape_cast %convert_element_type3A_42 : vector<256x128xi32> to vector<1x256x128xi32>
    %reduce_sum3A_44 = arith.constant dense<0> : vector<1xi32>
    %reduce_sum3A_45 = vector.multi_reduction <add>, %reduce_sum3A_43, %reduce_sum3A_44 [1, 2] : vector<1x256x128xi32> to vector<1xi32>
    %reduce_sum3A_46 = vector.shape_cast %reduce_sum3A_45 : vector<1xi32> to vector<1x1x1xi32>
    %reduce_sum3A_47 = vector.extract %reduce_sum3A_46[0, 0, 0] : i32 from vector<1x1x1xi32>
    %eq3A_48 = arith.constant 2 : i32
    %eq3A_49 = vector.broadcast %eq3A_48 : i32 to vector<16x1xi32>
    %eq3A_50 = arith.cmpi eq, %iota3A, %eq3A_49 : vector<16x1xi32>
    %broadcast_in_dim3A_51 = vector.broadcast %reduce_sum3A_47 : i32 to vector<16x1xi32>
    %select_n3A_52 = arith.select %eq3A_50, %broadcast_in_dim3A_51, %select_n3A_38 : vector<16x1xi1>, vector<16x1xi32>
    %lt3A_53 = arith.constant 3 : i32
    %lt3A_54 = vector.broadcast %lt3A_53 : i32 to vector<256x128xi32>
    %lt3A_55 = arith.cmpi slt, %get3A_12, %lt3A_54 : vector<256x128xi32>
    %convert_element_type3A_56 = arith.extui %lt3A_55 : vector<256x128xi1> to vector<256x128xi32>
    %reduce_sum3A_57 = vector.shape_cast %convert_element_type3A_56 : vector<256x128xi32> to vector<1x256x128xi32>
    %reduce_sum3A_58 = arith.constant dense<0> : vector<1xi32>
    %reduce_sum3A_59 = vector.multi_reduction <add>, %reduce_sum3A_57, %reduce_sum3A_58 [1, 2] : vector<1x256x128xi32> to vector<1xi32>
    %reduce_sum3A_60 = vector.shape_cast %reduce_sum3A_59 : vector<1xi32> to vector<1x1x1xi32>
    %reduce_sum3A_61 = vector.extract %reduce_sum3A_60[0, 0, 0] : i32 from vector<1x1x1xi32>
    %eq3A_62 = arith.constant 3 : i32
    %eq3A_63 = vector.broadcast %eq3A_62 : i32 to vector<16x1xi32>
    %eq3A_64 = arith.cmpi eq, %iota3A, %eq3A_63 : vector<16x1xi32>
    %broadcast_in_dim3A_65 = vector.broadcast %reduce_sum3A_61 : i32 to vector<16x1xi32>
    %select_n3A_66 = arith.select %eq3A_64, %broadcast_in_dim3A_65, %select_n3A_52 : vector<16x1xi1>, vector<16x1xi32>
    %lt3A_67 = arith.constant 4 : i32
    %lt3A_68 = vector.broadcast %lt3A_67 : i32 to vector<256x128xi32>
    %lt3A_69 = arith.cmpi slt, %get3A_12, %lt3A_68 : vector<256x128xi32>
    %convert_element_type3A_70 = arith.extui %lt3A_69 : vector<256x128xi1> to vector<256x128xi32>
    %reduce_sum3A_71 = vector.shape_cast %convert_element_type3A_70 : vector<256x128xi32> to vector<1x256x128xi32>
    %reduce_sum3A_72 = arith.constant dense<0> : vector<1xi32>
    %reduce_sum3A_73 = vector.multi_reduction <add>, %reduce_sum3A_71, %reduce_sum3A_72 [1, 2] : vector<1x256x128xi32> to vector<1xi32>
    %reduce_sum3A_74 = vector.shape_cast %reduce_sum3A_73 : vector<1xi32> to vector<1x1x1xi32>
    %reduce_sum3A_75 = vector.extract %reduce_sum3A_74[0, 0, 0] : i32 from vector<1x1x1xi32>
    %eq3A_76 = arith.constant 4 : i32
    %eq3A_77 = vector.broadcast %eq3A_76 : i32 to vector<16x1xi32>
    %eq3A_78 = arith.cmpi eq, %iota3A, %eq3A_77 : vector<16x1xi32>
    %broadcast_in_dim3A_79 = vector.broadcast %reduce_sum3A_75 : i32 to vector<16x1xi32>
    %select_n3A_80 = arith.select %eq3A_78, %broadcast_in_dim3A_79, %select_n3A_66 : vector<16x1xi1>, vector<16x1xi32>
    %lt3A_81 = arith.constant 5 : i32
    %lt3A_82 = vector.broadcast %lt3A_81 : i32 to vector<256x128xi32>
    %lt3A_83 = arith.cmpi slt, %get3A_12, %lt3A_82 : vector<256x128xi32>
    %convert_element_type3A_84 = arith.extui %lt3A_83 : vector<256x128xi1> to vector<256x128xi32>
    %reduce_sum3A_85 = vector.shape_cast %convert_element_type3A_84 : vector<256x128xi32> to vector<1x256x128xi32>
    %reduce_sum3A_86 = arith.constant dense<0> : vector<1xi32>
    %reduce_sum3A_87 = vector.multi_reduction <add>, %reduce_sum3A_85, %reduce_sum3A_86 [1, 2] : vector<1x256x128xi32> to vector<1xi32>
    %reduce_sum3A_88 = vector.shape_cast %reduce_sum3A_87 : vector<1xi32> to vector<1x1x1xi32>
    %reduce_sum3A_89 = vector.extract %reduce_sum3A_88[0, 0, 0] : i32 from vector<1x1x1xi32>
    %eq3A_90 = arith.constant 5 : i32
    %eq3A_91 = vector.broadcast %eq3A_90 : i32 to vector<16x1xi32>
    %eq3A_92 = arith.cmpi eq, %iota3A, %eq3A_91 : vector<16x1xi32>
    %broadcast_in_dim3A_93 = vector.broadcast %reduce_sum3A_89 : i32 to vector<16x1xi32>
    %select_n3A_94 = arith.select %eq3A_92, %broadcast_in_dim3A_93, %select_n3A_80 : vector<16x1xi1>, vector<16x1xi32>
    %lt3A_95 = arith.constant 6 : i32
    %lt3A_96 = vector.broadcast %lt3A_95 : i32 to vector<256x128xi32>
    %lt3A_97 = arith.cmpi slt, %get3A_12, %lt3A_96 : vector<256x128xi32>
    %convert_element_type3A_98 = arith.extui %lt3A_97 : vector<256x128xi1> to vector<256x128xi32>
    %reduce_sum3A_99 = vector.shape_cast %convert_element_type3A_98 : vector<256x128xi32> to vector<1x256x128xi32>
    %reduce_sum3A_100 = arith.constant dense<0> : vector<1xi32>
    %reduce_sum3A_101 = vector.multi_reduction <add>, %reduce_sum3A_99, %reduce_sum3A_100 [1, 2] : vector<1x256x128xi32> to vector<1xi32>
    %reduce_sum3A_102 = vector.shape_cast %reduce_sum3A_101 : vector<1xi32> to vector<1x1x1xi32>
    %reduce_sum3A_103 = vector.extract %reduce_sum3A_102[0, 0, 0] : i32 from vector<1x1x1xi32>
    %eq3A_104 = arith.constant 6 : i32
    %eq3A_105 = vector.broadcast %eq3A_104 : i32 to vector<16x1xi32>
    %eq3A_106 = arith.cmpi eq, %iota3A, %eq3A_105 : vector<16x1xi32>
    %broadcast_in_dim3A_107 = vector.broadcast %reduce_sum3A_103 : i32 to vector<16x1xi32>
    %select_n3A_108 = arith.select %eq3A_106, %broadcast_in_dim3A_107, %select_n3A_94 : vector<16x1xi1>, vector<16x1xi32>
    %lt3A_109 = arith.constant 7 : i32
    %lt3A_110 = vector.broadcast %lt3A_109 : i32 to vector<256x128xi32>
    %lt3A_111 = arith.cmpi slt, %get3A_12, %lt3A_110 : vector<256x128xi32>
    %convert_element_type3A_112 = arith.extui %lt3A_111 : vector<256x128xi1> to vector<256x128xi32>
    %reduce_sum3A_113 = vector.shape_cast %convert_element_type3A_112 : vector<256x128xi32> to vector<1x256x128xi32>
    %reduce_sum3A_114 = arith.constant dense<0> : vector<1xi32>
    %reduce_sum3A_115 = vector.multi_reduction <add>, %reduce_sum3A_113, %reduce_sum3A_114 [1, 2] : vector<1x256x128xi32> to vector<1xi32>
    %reduce_sum3A_116 = vector.shape_cast %reduce_sum3A_115 : vector<1xi32> to vector<1x1x1xi32>
    %reduce_sum3A_117 = vector.extract %reduce_sum3A_116[0, 0, 0] : i32 from vector<1x1x1xi32>
    %eq3A_118 = arith.constant 7 : i32
    %eq3A_119 = vector.broadcast %eq3A_118 : i32 to vector<16x1xi32>
    %eq3A_120 = arith.cmpi eq, %iota3A, %eq3A_119 : vector<16x1xi32>
    %broadcast_in_dim3A_121 = vector.broadcast %reduce_sum3A_117 : i32 to vector<16x1xi32>
    %select_n3A_122 = arith.select %eq3A_120, %broadcast_in_dim3A_121, %select_n3A_108 : vector<16x1xi1>, vector<16x1xi32>
    %lt3A_123 = arith.constant 8 : i32
    %lt3A_124 = vector.broadcast %lt3A_123 : i32 to vector<256x128xi32>
    %lt3A_125 = arith.cmpi slt, %get3A_12, %lt3A_124 : vector<256x128xi32>
    %convert_element_type3A_126 = arith.extui %lt3A_125 : vector<256x128xi1> to vector<256x128xi32>
    %reduce_sum3A_127 = vector.shape_cast %convert_element_type3A_126 : vector<256x128xi32> to vector<1x256x128xi32>
    %reduce_sum3A_128 = arith.constant dense<0> : vector<1xi32>
    %reduce_sum3A_129 = vector.multi_reduction <add>, %reduce_sum3A_127, %reduce_sum3A_128 [1, 2] : vector<1x256x128xi32> to vector<1xi32>
    %reduce_sum3A_130 = vector.shape_cast %reduce_sum3A_129 : vector<1xi32> to vector<1x1x1xi32>
    %reduce_sum3A_131 = vector.extract %reduce_sum3A_130[0, 0, 0] : i32 from vector<1x1x1xi32>
    %eq3A_132 = arith.constant 8 : i32
    %eq3A_133 = vector.broadcast %eq3A_132 : i32 to vector<16x1xi32>
    %eq3A_134 = arith.cmpi eq, %iota3A, %eq3A_133 : vector<16x1xi32>
    %broadcast_in_dim3A_135 = vector.broadcast %reduce_sum3A_131 : i32 to vector<16x1xi32>
    %select_n3A_136 = arith.select %eq3A_134, %broadcast_in_dim3A_135, %select_n3A_122 : vector<16x1xi1>, vector<16x1xi32>
    %lt3A_137 = arith.constant 9 : i32
    %lt3A_138 = vector.broadcast %lt3A_137 : i32 to vector<256x128xi32>
    %lt3A_139 = arith.cmpi slt, %get3A_12, %lt3A_138 : vector<256x128xi32>
    %convert_element_type3A_140 = arith.extui %lt3A_139 : vector<256x128xi1> to vector<256x128xi32>
    %reduce_sum3A_141 = vector.shape_cast %convert_element_type3A_140 : vector<256x128xi32> to vector<1x256x128xi32>
    %reduce_sum3A_142 = arith.constant dense<0> : vector<1xi32>
    %reduce_sum3A_143 = vector.multi_reduction <add>, %reduce_sum3A_141, %reduce_sum3A_142 [1, 2] : vector<1x256x128xi32> to vector<1xi32>
    %reduce_sum3A_144 = vector.shape_cast %reduce_sum3A_143 : vector<1xi32> to vector<1x1x1xi32>
    %reduce_sum3A_145 = vector.extract %reduce_sum3A_144[0, 0, 0] : i32 from vector<1x1x1xi32>
    %eq3A_146 = arith.constant 9 : i32
    %eq3A_147 = vector.broadcast %eq3A_146 : i32 to vector<16x1xi32>
    %eq3A_148 = arith.cmpi eq, %iota3A, %eq3A_147 : vector<16x1xi32>
    %broadcast_in_dim3A_149 = vector.broadcast %reduce_sum3A_145 : i32 to vector<16x1xi32>
    %select_n3A_150 = arith.select %eq3A_148, %broadcast_in_dim3A_149, %select_n3A_136 : vector<16x1xi1>, vector<16x1xi32>
    %lt3A_151 = arith.constant 10 : i32
    %lt3A_152 = vector.broadcast %lt3A_151 : i32 to vector<256x128xi32>
    %lt3A_153 = arith.cmpi slt, %get3A_12, %lt3A_152 : vector<256x128xi32>
    %convert_element_type3A_154 = arith.extui %lt3A_153 : vector<256x128xi1> to vector<256x128xi32>
    %reduce_sum3A_155 = vector.shape_cast %convert_element_type3A_154 : vector<256x128xi32> to vector<1x256x128xi32>
    %reduce_sum3A_156 = arith.constant dense<0> : vector<1xi32>
    %reduce_sum3A_157 = vector.multi_reduction <add>, %reduce_sum3A_155, %reduce_sum3A_156 [1, 2] : vector<1x256x128xi32> to vector<1xi32>
    %reduce_sum3A_158 = vector.shape_cast %reduce_sum3A_157 : vector<1xi32> to vector<1x1x1xi32>
    %reduce_sum3A_159 = vector.extract %reduce_sum3A_158[0, 0, 0] : i32 from vector<1x1x1xi32>
    %eq3A_160 = arith.constant 10 : i32
    %eq3A_161 = vector.broadcast %eq3A_160 : i32 to vector<16x1xi32>
    %eq3A_162 = arith.cmpi eq, %iota3A, %eq3A_161 : vector<16x1xi32>
    %broadcast_in_dim3A_163 = vector.broadcast %reduce_sum3A_159 : i32 to vector<16x1xi32>
    %select_n3A_164 = arith.select %eq3A_162, %broadcast_in_dim3A_163, %select_n3A_150 : vector<16x1xi1>, vector<16x1xi32>
    %lt3A_165 = arith.constant 11 : i32
    %lt3A_166 = vector.broadcast %lt3A_165 : i32 to vector<256x128xi32>
    %lt3A_167 = arith.cmpi slt, %get3A_12, %lt3A_166 : vector<256x128xi32>
    %convert_element_type3A_168 = arith.extui %lt3A_167 : vector<256x128xi1> to vector<256x128xi32>
    %reduce_sum3A_169 = vector.shape_cast %convert_element_type3A_168 : vector<256x128xi32> to vector<1x256x128xi32>
    %reduce_sum3A_170 = arith.constant dense<0> : vector<1xi32>
    %reduce_sum3A_171 = vector.multi_reduction <add>, %reduce_sum3A_169, %reduce_sum3A_170 [1, 2] : vector<1x256x128xi32> to vector<1xi32>
    %reduce_sum3A_172 = vector.shape_cast %reduce_sum3A_171 : vector<1xi32> to vector<1x1x1xi32>
    %reduce_sum3A_173 = vector.extract %reduce_sum3A_172[0, 0, 0] : i32 from vector<1x1x1xi32>
    %eq3A_174 = arith.constant 11 : i32
    %eq3A_175 = vector.broadcast %eq3A_174 : i32 to vector<16x1xi32>
    %eq3A_176 = arith.cmpi eq, %iota3A, %eq3A_175 : vector<16x1xi32>
    %broadcast_in_dim3A_177 = vector.broadcast %reduce_sum3A_173 : i32 to vector<16x1xi32>
    %select_n3A_178 = arith.select %eq3A_176, %broadcast_in_dim3A_177, %select_n3A_164 : vector<16x1xi1>, vector<16x1xi32>
    %lt3A_179 = arith.constant 12 : i32
    %lt3A_180 = vector.broadcast %lt3A_179 : i32 to vector<256x128xi32>
    %lt3A_181 = arith.cmpi slt, %get3A_12, %lt3A_180 : vector<256x128xi32>
    %convert_element_type3A_182 = arith.extui %lt3A_181 : vector<256x128xi1> to vector<256x128xi32>
    %reduce_sum3A_183 = vector.shape_cast %convert_element_type3A_182 : vector<256x128xi32> to vector<1x256x128xi32>
    %reduce_sum3A_184 = arith.constant dense<0> : vector<1xi32>
    %reduce_sum3A_185 = vector.multi_reduction <add>, %reduce_sum3A_183, %reduce_sum3A_184 [1, 2] : vector<1x256x128xi32> to vector<1xi32>
    %reduce_sum3A_186 = vector.shape_cast %reduce_sum3A_185 : vector<1xi32> to vector<1x1x1xi32>
    %reduce_sum3A_187 = vector.extract %reduce_sum3A_186[0, 0, 0] : i32 from vector<1x1x1xi32>
    %eq3A_188 = arith.constant 12 : i32
    %eq3A_189 = vector.broadcast %eq3A_188 : i32 to vector<16x1xi32>
    %eq3A_190 = arith.cmpi eq, %iota3A, %eq3A_189 : vector<16x1xi32>
    %broadcast_in_dim3A_191 = vector.broadcast %reduce_sum3A_187 : i32 to vector<16x1xi32>
    %select_n3A_192 = arith.select %eq3A_190, %broadcast_in_dim3A_191, %select_n3A_178 : vector<16x1xi1>, vector<16x1xi32>
    %lt3A_193 = arith.constant 13 : i32
    %lt3A_194 = vector.broadcast %lt3A_193 : i32 to vector<256x128xi32>
    %lt3A_195 = arith.cmpi slt, %get3A_12, %lt3A_194 : vector<256x128xi32>
    %convert_element_type3A_196 = arith.extui %lt3A_195 : vector<256x128xi1> to vector<256x128xi32>
    %reduce_sum3A_197 = vector.shape_cast %convert_element_type3A_196 : vector<256x128xi32> to vector<1x256x128xi32>
    %reduce_sum3A_198 = arith.constant dense<0> : vector<1xi32>
    %reduce_sum3A_199 = vector.multi_reduction <add>, %reduce_sum3A_197, %reduce_sum3A_198 [1, 2] : vector<1x256x128xi32> to vector<1xi32>
    %reduce_sum3A_200 = vector.shape_cast %reduce_sum3A_199 : vector<1xi32> to vector<1x1x1xi32>
    %reduce_sum3A_201 = vector.extract %reduce_sum3A_200[0, 0, 0] : i32 from vector<1x1x1xi32>
    %eq3A_202 = arith.constant 13 : i32
    %eq3A_203 = vector.broadcast %eq3A_202 : i32 to vector<16x1xi32>
    %eq3A_204 = arith.cmpi eq, %iota3A, %eq3A_203 : vector<16x1xi32>
    %broadcast_in_dim3A_205 = vector.broadcast %reduce_sum3A_201 : i32 to vector<16x1xi32>
    %select_n3A_206 = arith.select %eq3A_204, %broadcast_in_dim3A_205, %select_n3A_192 : vector<16x1xi1>, vector<16x1xi32>
    %lt3A_207 = arith.constant 14 : i32
    %lt3A_208 = vector.broadcast %lt3A_207 : i32 to vector<256x128xi32>
    %lt3A_209 = arith.cmpi slt, %get3A_12, %lt3A_208 : vector<256x128xi32>
    %convert_element_type3A_210 = arith.extui %lt3A_209 : vector<256x128xi1> to vector<256x128xi32>
    %reduce_sum3A_211 = vector.shape_cast %convert_element_type3A_210 : vector<256x128xi32> to vector<1x256x128xi32>
    %reduce_sum3A_212 = arith.constant dense<0> : vector<1xi32>
    %reduce_sum3A_213 = vector.multi_reduction <add>, %reduce_sum3A_211, %reduce_sum3A_212 [1, 2] : vector<1x256x128xi32> to vector<1xi32>
    %reduce_sum3A_214 = vector.shape_cast %reduce_sum3A_213 : vector<1xi32> to vector<1x1x1xi32>
    %reduce_sum3A_215 = vector.extract %reduce_sum3A_214[0, 0, 0] : i32 from vector<1x1x1xi32>
    %eq3A_216 = arith.constant 14 : i32
    %eq3A_217 = vector.broadcast %eq3A_216 : i32 to vector<16x1xi32>
    %eq3A_218 = arith.cmpi eq, %iota3A, %eq3A_217 : vector<16x1xi32>
    %broadcast_in_dim3A_219 = vector.broadcast %reduce_sum3A_215 : i32 to vector<16x1xi32>
    %select_n3A_220 = arith.select %eq3A_218, %broadcast_in_dim3A_219, %select_n3A_206 : vector<16x1xi1>, vector<16x1xi32>
    %lt3A_221 = arith.constant 15 : i32
    %lt3A_222 = vector.broadcast %lt3A_221 : i32 to vector<256x128xi32>
    %lt3A_223 = arith.cmpi slt, %get3A_12, %lt3A_222 : vector<256x128xi32>
    %convert_element_type3A_224 = arith.extui %lt3A_223 : vector<256x128xi1> to vector<256x128xi32>
    %reduce_sum3A_225 = vector.shape_cast %convert_element_type3A_224 : vector<256x128xi32> to vector<1x256x128xi32>
    %reduce_sum3A_226 = arith.constant dense<0> : vector<1xi32>
    %reduce_sum3A_227 = vector.multi_reduction <add>, %reduce_sum3A_225, %reduce_sum3A_226 [1, 2] : vector<1x256x128xi32> to vector<1xi32>
    %reduce_sum3A_228 = vector.shape_cast %reduce_sum3A_227 : vector<1xi32> to vector<1x1x1xi32>
    %reduce_sum3A_229 = vector.extract %reduce_sum3A_228[0, 0, 0] : i32 from vector<1x1x1xi32>
    %eq3A_230 = arith.constant 15 : i32
    %eq3A_231 = vector.broadcast %eq3A_230 : i32 to vector<16x1xi32>
    %eq3A_232 = arith.cmpi eq, %iota3A, %eq3A_231 : vector<16x1xi32>
    %broadcast_in_dim3A_233 = vector.broadcast %reduce_sum3A_229 : i32 to vector<16x1xi32>
    %select_n3A_234 = arith.select %eq3A_232, %broadcast_in_dim3A_233, %select_n3A_220 : vector<16x1xi1>, vector<16x1xi32>
    %swap3A_235 = arith.constant 0 : index
    %swap3A_236 = arith.constant 0 : index
    %swap3A_237 = vector.load %arg3[%swap3A_235, %swap3A_236] : memref<16x1xi32, #tpu.memory_space<vmem>>, vector<16x1xi32>
    tpu.vector_store %arg3[%swap3A_235, %swap3A_236], %select_n3A_234 {strides = array<i32>} : memref<16x1xi32, #tpu.memory_space<vmem>>, vector<16x1xi32>,
    return
  }
}

</mosaic_0001>

<sc_bundles>
// kernel: kernel.4.cloned.1.call-start
scs
__scs_entry_jumppad:
0x0: {  	(pc) =	sbr.rel $0x88, $3  }
0x1: {  	(tag) =	ssettag $0x0;
	lr =	simm.s32 $0x1  }
0x2: {  	[smem:$0x3F9E] =	sst lr;
	_ =	strace $0xD0000000  }
0x3: {  	_ = 	snop  }
0x4: {  	_ = 	snop  }
0x5: {  	_ = 	snop  }
0x6: {  	_ = 	snop  }
0x7: {  	_ = 	snop  }
__scs_overlays_trampoline_lowered:
0x8: {  	[smem:$0x3FAD] =	sst s0  }
0x9: {  	[smem:$0x3FAE] =	sst s1  }
0xa: {  	[smem:$0x3FAF] =	sst s2  }
0xb: {  	[smem:$0x3FB0] =	sst s3  }
0xc: {  	[smem:$0x3FB1] =	sst s4  }
0xd: {  	[smem:$0x3FB2] =	sst s5  }
0xe: {  	[smem:$0x3FB3] =	sst s6  }
0xf: {  	[smem:$0x3FB4] =	sst s7  }
0x10: {  	[smem:$0x3FB5] =	sst s8  }
0x11: {  	[smem:$0x3FB6] =	sst s9;
	s0 =	simm.s32 @!p0 $0x0  }
0x12: {  	s1 =	sld [smem:$0x3F9C];
	s0 =	simm.s32 @p0 $0x1  }
0x13: {  	[smem:$0x3FB7] =	sst s0;
	s0 =	simm.s32 @!p1 $0x0  }
0x14: {  	s2 =	sld [smem:$0x3F9B];
	s0 =	simm.s32 @p1 $0x1  }
0x15: {  	[smem:$0x3FB8] =	sst s0;
	s0 =	simm.s32 @!p2 $0x0  }
0x16: {  	s3 =	sld [smem:$0x3FDB];
	s0 =	simm.s32 @p2 $0x1  }
0x17: {  	s4 =	simm.s32 $0x1BF5;
	[smem:$0x3FBA] =	sst s0  }
0x18: {  	s0 =	sld [smem:$0x3F9D];
	_ =	swait.ge [sflag:s4], $0x0  }
0x19: {  	s7 =	sld [smem:$0x3F9E]  }
0x1a: {  	s8 =	sadd.s32 $0xFFFFE003, lr  }
0x1b: {  	s9 =	sadd.s32 $0xFFFFFEF7, lr;
	s5 =	simm.s32 $0xFFFFFFFF;
	p2 =	slt.u32 s8, $0xFFFFF086  }
0x1c: {  	p1 =	slt.u32 s9, $0xF7A;
	s5 =	simm.s32 @!p2 $0x0  }
0x1d: {  	s5 =	simm.s32 @p1 $0x1;
	p0 =	seq.s32 s7, s2  }
0x1e: {  	s7 =	smul.u32 @!p0 $0xF7A, s2;
	p2 =	seq.s32 @!p0 s5, $0x0  }
0x1f: {  	s9 =	smul.u32 $0xF7A, s1;
	s8 =	simm.s32 @!p0 $0x1BF5;
	p2 =	por !p2, p0  }
0x20: {  	[sflag:s8] =	ssyncset.s32 @!p0 $0xFFFFF086;
	s6 =	sadd.s32 @!p0 s3, s7;
	s7 =	simm.s32 @!p0 $0x108  }
0x21: {  	s3 =	sadd.s32 s3, s9;
	s6 =	sadd.s32 @!p0 $0x88, s6;
	s7 =	simm.s32 @p2 $0x1082  }
0x22: {  	[simem:s7], [sflag:s8] =	dma.local @!p0 [hbm:s6], $0xF7A  }
0x23: {  	s9 =	sor.u32 $0xD0000000, s2;
	s6 =	simm.s32 $0x108;
	_ =	swait.ge @!p0 [sflag:s8], $0x0  }
0x24: {  	s3 =	sadd.s32 $0x88, s3;
	s6 =	simm.s32 @!p1 $0x1082;
	[sflag:s4] =	ssyncset.s32 $0xFFFFF086  }
0x25: {  	[simem:s6], [sflag:s4] =	dma.local [hbm:s3], $0xF7A  }
0x26: {  	[smem:$0x3F9E] =	sst s1;
	(tag) =	ssettag s2;
	_ =	strace s9  }
0x27: {  	s1 =	sld [smem:$0x3FAE]  }
0x28: {  	s2 =	sld [smem:$0x3FAF]  }
0x29: {  	s4 =	sld [smem:$0x3FB1]  }
0x2a: {  	p0 =	seq.s32 s5, $0x0;
	s5 =	sld [smem:$0x3FB2]  }
0x2b: {  	s6 =	sld [smem:$0x3FB3]  }
0x2c: {  	s7 =	sld [smem:$0x3FB4]  }
0x2d: {  	s3 =	simm.s32 $0x108;
	s8 =	sld [smem:$0x3FB5]  }
0x2e: {  	s3 =	simm.s32 @!p0 $0x1082;
	s9 =	sld [smem:$0x3FB6]  }
0x2f: {  	lr =	sadd.s32 s0, s3;
	s0 =	sld [smem:$0x3FAD]  }
0x30: {  	s3 =	sld [smem:$0x3FB0]  }
0x31: {  	[smem:$0x3FB9] =	sst s10  }
0x32: {  	s10 =	sld [smem:$0x3FB7];
	_ =	sdelay $0x3  }
0x33: {  	p0 =	seq.s32 s10, $0x1;
	s10 =	sld [smem:$0x3FB9];
	_ =	sdelay $0x3  }
0x34: {  	[smem:$0x3FB9] =	sst s10  }
0x35: {  	s10 =	sld [smem:$0x3FB8];
	_ =	sdelay $0x3  }
0x36: {  	p1 =	seq.s32 s10, $0x1;
	s10 =	sld [smem:$0x3FB9];
	_ =	sdelay $0x3  }
0x37: {  	[smem:$0x3FB9] =	sst s10  }
0x38: {  	s10 =	sld [smem:$0x3FBA]  }
0x39: {  	_ = 	snop;
	(pc) =	sbr.ind lr, $3  }
0x3a: {  	_ = 	snop  }
0x3b: {  	_ = 	snop  }
0x3c: {  	p2 =	seq.s32 s10, $0x1;
	s10 =	sld [smem:$0x3FB9]  }
0x3d: {  	_ =	shalt  }
0x3e: {  	_ =	shalt  }
0x3f: {  	_ =	shalt  }
0x40: {  	_ =	shalt  }
0x41: {  	_ =	shalt  }
0x42: {  	_ =	shalt  }
0x43: {  	_ =	shalt  }
0x44: {  	_ =	shalt  }
0x45: {  	_ =	shalt  }
0x46: {  	_ =	shalt  }
0x47: {  	_ =	shalt  }
0x48: {  	_ =	shalt  }
0x49: {  	_ =	shalt  }
0x4a: {  	_ =	shalt  }
0x4b: {  	_ =	shalt  }
0x4c: {  	_ =	shalt  }
0x4d: {  	_ =	shalt  }
0x4e: {  	_ =	shalt  }
0x4f: {  	_ =	shalt  }
0x50: {  	_ =	shalt  }
0x51: {  	_ =	shalt  }
0x52: {  	_ =	shalt  }
0x53: {  	_ =	shalt  }
0x54: {  	_ =	shalt  }
0x55: {  	_ =	shalt  }
0x56: {  	_ =	shalt  }
0x57: {  	_ =	shalt  }
0x58: {  	_ =	shalt  }
0x59: {  	_ =	shalt  }
0x5a: {  	_ =	shalt  }
0x5b: {  	_ =	shalt  }
0x5c: {  	_ =	shalt  }
0x5d: {  	_ =	shalt  }
0x5e: {  	_ =	shalt  }
0x5f: {  	_ =	shalt  }
0x60: {  	_ =	shalt  }
0x61: {  	_ =	shalt  }
0x62: {  	_ =	shalt  }
0x63: {  	_ =	shalt  }
0x64: {  	_ =	shalt  }
0x65: {  	_ =	shalt  }
0x66: {  	_ =	shalt  }
0x67: {  	_ =	shalt  }
0x68: {  	_ =	shalt  }
0x69: {  	_ =	shalt  }
0x6a: {  	_ =	shalt  }
0x6b: {  	_ =	shalt  }
0x6c: {  	_ =	shalt  }
0x6d: {  	_ =	shalt  }
0x6e: {  	_ =	shalt  }
0x6f: {  	_ =	shalt  }
0x70: {  	_ =	shalt  }
0x71: {  	_ =	shalt  }
0x72: {  	_ =	shalt  }
0x73: {  	_ =	shalt  }
0x74: {  	_ =	shalt  }
0x75: {  	_ =	shalt  }
0x76: {  	_ =	shalt  }
0x77: {  	_ =	shalt  }
0x78: {  	_ =	shalt  }
0x79: {  	_ =	shalt  }
0x7a: {  	_ =	shalt  }
0x7b: {  	_ =	shalt  }
0x7c: {  	_ =	shalt  }
0x7d: {  	_ =	shalt  }
0x7e: {  	_ =	shalt  }
0x7f: {  	_ =	shalt  }
0x80: {  	_ =	shalt  }
0x81: {  	_ =	shalt  }
0x82: {  	_ =	shalt  }
0x83: {  	_ =	shalt  }
0x84: {  	_ =	shalt  }
0x85: {  	_ =	shalt  }
0x86: {  	_ =	shalt  }
0x87: {  	_ =	shalt  }
.Lfunc_end0:
.L_simem_size_0:
called_computation_lowered:
.L_overlay_start_0:
0x88: {  	s0 =	sld [smem:$0x3FD9]  }
0x89: {  	s1 =	sld [smem:$0x3FFE];
	_ =	sdelay $0x3  }
0x8a: {  	s0 =	sadd.s32 s1, s0  }
0x8b: {  	[smem:$0x3FC5] =	sst s0  }
0x8c: {  	_ = 	snop  }
0x8d: {  	s0 =	sld [smem:$0x3FD0];
	_ =	sdelay $0x1  }
0x8e: {  	s13 =	sld [smem:$0x3FC9]  }
0x8f: {  	s3 =	simm.s32 $0xA;
	s4 =	simm.s32 $0x10;
	s2 =	sld [smem:$0x3FC7]  }
0x90: {  	[smem:s4], [sflag:s3] =	dma.local [hbm:s0], $0x1  }
0x91: {  	_ =	swait.eq [sflag:s3], $0x1  }
0x92: {  	s14 =	sld [smem:$0x10];
	[sflag:s3] =	ssyncset.done $0x0  }
0x93: {  	s15 =	sld [smem:$0x11];
	[sflag:s3] =	ssyncadd.s32 $0xFFFFFFFF  }
0x94: {  	s16 =	sld [smem:$0x12];
	(tm) =	ssettm $0x1  }
0x95: {  	s5 =	sld [smem:$0x3FFB];
	_ =	sdelay $0x3  }
0x96: {  	_ =	strace s5  }
0x97: {  	s5 =	sld [smem:$0x3FFC];
	_ =	sdelay $0x3  }
0x98: {  	_ =	strace s5  }
0x99: {  	s5 =	sld [smem:$0x3FFD];
	_ =	sdelay $0x3  }
0x9a: {  	_ =	strace s5  }
0x9b: {  	_ =	strace $0x8FFFFFFF  }
0x9c: {  	s17 =	sld [smem:$0x3FDB];
	_ =	sdelay $0x1  }
0x9d: {  	s6 =	simm.s32 $_scs_section_size  }
0x9e: {  	s7 =	simm.s32 $_size__tile_overlayer_lowered;
	s8 =	simm.s32 $_tile_overlayer_lowered  }
0x9f: {  	s20 =	simm.s32 $0x1BFF;
	s19 =	sshll.u32 s8, $0x1;
	s5 =	sadd.s32 s6, s17  }
0xa0: {  	s9 =	simm.s32 $0x0;
	s18 =	sshll.u32 s7, $0x1;
	s7 =	sadd.s32 s19, s5  }
0xa1: {  	[timem:s9], [sflag:s20] =	dma.local [hbm:s7], s18  }
0xa2: {  	_ =	swait.ge [sflag:s20], s18  }
0xa3: {  	s6 =	ssub.s32 $0x0, s18;
	[sflag:s20] =	ssyncset.done $0x0  }
0xa4: {  	[sflag:s20] =	ssyncadd.s32 s6;
	_ =	sdelay $0x1  }
0xa5: {  	s21 =	simm.s32 $0x1B8B  }
0xa6: {  	_ =	swait.ge [sflag:s21], $0x1  }
0xa7: {  	[sflag:s21] =	ssyncset.done $0x0  }
0xa8: {  	s23 =	simm.s32 $0x1B8E;
	s22 =	sld [smem:$0x3FFE];
	[sflag:s21] =	ssyncadd.s32 $0xFFFFFFFF  }
0xa9: {  	s24 =	simm.s32 $execute0_lowered;
	[smem:$0x3FD2] =	sst s23  }
0xaa: {  	s7 =	sshll.u32 s24, $0x1;
	_ =	strace $0x80000046;
	[dreg:$0x1] =	wrdreg $0xFFFFFFFF  }
0xab: {  	s25 =	simm.s32 $_size_execute0_lowered;
	s5 =	sadd.s32 s5, s7;
	[dreg:$0x0] =	wrdreg $0x0  }
0xac: {  	s7 =	sshll.u32 s25, $0x1;
	[dreg:$0x2] =	wrdreg s5  }
0xad: {  	[dreg:$0x3] =	wrdreg s7  }
0xae: {  	[dreg:$0x4] =	wrdreg $0xC0  }
0xaf: {  	_ =	task [dreg:s9], $0x5FFFF  }
0xb0: {  	[dreg:$0x1] =	wrdreg $0xFFFFFFFF  }
0xb1: {  	[dreg:$0x0] =	wrdreg $0x60  }
0xb2: {  	[dreg:$0x2] =	wrdreg s13  }
0xb3: {  	[dreg:$0x3] =	wrdreg s2  }
0xb4: {  	[dreg:$0x4] =	wrdreg s16  }
0xb5: {  	[dreg:$0x5] =	wrdreg s22  }
0xb6: {  	[dreg:$0x6] =	wrdreg s14  }
0xb7: {  	[dreg:$0x7] =	wrdreg s15  }
0xb8: {  	[dreg:$0x8] =	wrdreg $0x2C800  }
0xb9: {  	[dreg:$0x9] =	wrdreg $0x2C900  }
0xba: {  	[dreg:$0xa] =	wrdreg $0x9  }
0xbb: {  	_ =	task.clear_ibuf [dreg:s9], $0xBFFFF;
	_ =	strace $0x90000046  }
0xbc: {  	s26 =	simm.s32 $0x9;
	_ =	strace $0x80000048  }
0xbd: {  	_ =	swait.ge [sflag:s26], $0x1  }
0xbe: {  	[sflag:s26] =	ssyncadd.s32 $0xFFFFFFFF  }
0xbf: {  	_ =	strace $0x90000048  }
0xc0: {  	_ =	sfence  }
0xc1: {  	s28 =	sld [smem:$0x0];
	_ =	sdelay $0x1  }
0xc2: {  	s29 =	srdreg.scid  }
0xc3: {  	s30 =	sshll.u32 s29, $0xD;
	s31 =	sshrl.u32 s29, $0x2  }
0xc4: {  	s1 =	sand.u32 $0x1, s29;
	s2 =	sand.u32 $0x4000, s30;
	s0 =	sadd.s32 s31, s28  }
0xc5: {  	s1 =	sor.u32 s2, s1;
	s0 =	sshll.u32 s0, $0x11  }
0xc6: {  	s0 =	sor.u32 s0, s1  }
0xc7: {  	s0 =	sadd.s32 $0x8F2B, s0  }
0xc8: {  	[sflag:s0] =	ssyncadd.remote.s32 $0x1  }
0xc9: {  	_ =	sfence.sel $0xFFFF  }
0xca: {  	[dreg:$0x0] =	wrdreg $0xFFFFFFFF;
	(pc) =	sbr.abs _section_cstart, $3  }
0xcb: {  	[dreg:$0x1] =	wrdreg $0xFFFFFFFF  }
0xcc: {  	_ =	task.clear_ibuf [dreg:s9], $0x2FFFF;
	_ =	strace $0x9FFFFFFF  }
0xcd: {  	(tm) =	ssettm $0x7FFFFFFF  }
tec
execute0_lowered:
.L_overlay_start_1:
0x0: {  	(tag) =	ssettag $0x1  }
0x1: {  	s1 =	rddreg [dreg:$0x0]  }
0x2: {  	s2 =	rddreg [dreg:$0x1]  }
0x3: {  	s3 =	rddreg [dreg:$0x2]  }
0x4: {  	s4 =	rddreg [dreg:$0x3];
	s6 =	simm.s32 $0x0;
	s5 =	stileid.u32  }
0x5: {  	[smem:$0x7FF] =	sst s6;
	s5 =	sshll.u32 s5, $0x8  }
0x6: {  	s0 =	rddreg [dreg:$0x4];
	_ =	strace $0x80000047;
	s1 =	sadd.s32 s1, s5  }
0x7: {  	[tilespmem:s6], [sflag:$0x1] =	stream.linear.gather [hbm4b:s1+s6], $0x800, $0x38;
	[tilespmem:$0x2CA0] =	vst v63  }
0x8: {  	s24 =	simm.s32 $0x800;
	s23 =	sadd.s32 s2, s5  }
0x9: {  	[tilespmem:s24], [sflag:$0x1] =	stream.linear.gather [hbm4b:s23+s6], $0x800, $0x38;
	[tilespmem:$0x2CA0] =	vst v63  }
0xa: {  	s1 =	simm.s32 $0x2800  }
0xb: {  	[tilespmem:s1], [sflag:$0x1] =	stream.linear.gather [hbm4b:s3+s6], $0x80, $0x38;
	[tilespmem:$0x2CA0] =	vst v63  }
0xc: {  	s26 =	simm.s32 $0x2980;
	s28 =	simm.s32 $0x1;
	s25 =	sadd.s32 $0x400, s4  }
0xd: {  	[tilespmem:s26], [sflag:$0x1] =	stream.linear.gather [hbm4b:s25+s6], $0x80, $0x38;
	[tilespmem:$0x2CA0] =	vst v63  }
0xe: {  	_ =	swait.ge [sflag:s28], $0x800  }
0xf: {  	[sflag:s28] =	ssyncset.done $0x0  }
0x10: {  	[sflag:s28] =	ssyncadd.s32 $0xFFFFF800  }
0x11: {  	_ =	swait.ge [sflag:s28], $0x800  }
0x12: {  	[sflag:s28] =	ssyncset.done $0x0  }
0x13: {  	[sflag:s28] =	ssyncadd.s32 $0xFFFFF800  }
0x14: {  	_ =	swait.ge [sflag:s28], $0x80  }
0x15: {  	[sflag:s28] =	ssyncset.done $0x0  }
0x16: {  	[sflag:s28] =	ssyncadd.s32 $0xFFFFFF80  }
0x17: {  	_ =	swait.ge [sflag:s28], $0x80  }
0x18: {  	[sflag:s28] =	ssyncset.done $0x0  }
0x19: {  	s29 =	simm.s32 $0x820;
	[sflag:s28] =	ssyncadd.s32 $0xFFFFFF80  }
0x1a: {  	v0 =	vld [tilespmem:s29+$0x10]  }
0x1b: {  	v1 =	vld [tilespmem:s29+$0xFFFFFFE0]  }
0x1c: {  	v2 =	vld [tilespmem:s29+$0xFFFFFFF0];
	_ =	sdelay $0x2  }
0x1d: {  	s30 =	simm.s32 $0x20;
	v4 =	vld [tilespmem:s29+$0x0]  }
0x1e: {  	s31 =	simm.s32 $0x860;
	v7 =	vld [tilespmem:s30+$0x10]  }
0x1f: {  	v8 =	vld [tilespmem:s31+$0xFFFFFFE0]  }
0x20: {  	v5 =	vld.idx.msk [tilespmem:v0+s1+$0x0], $0xffff  }
0x21: {  	v0 =	vld.idx.msk [tilespmem:v1+s1+$0x0], $0xffff  }
0x22: {  	v1 =	vld.idx.msk [tilespmem:v2+s1+$0x0], $0xffff  }
0x23: {  	v2 =	vld [tilespmem:s31+$0x10]  }
0x24: {  	v9 =	vld [tilespmem:s31+$0xFFFFFFF0]  }
0x25: {  	v3 =	vld [tilespmem:s31+$0x0]  }
0x26: {  	v11 =	vld [tilespmem:s30+$0xFFFFFFF0]  }
0x27: {  	v12 =	vld [tilespmem:s30+$0x0]  }
0x28: {  	v10 =	vld.idx.msk [tilespmem:v4+s1+$0x0], $0xffff  }
0x29: {  	s3 =	simm.s32 $0x60;
	v6 =	vld [tilespmem:s30+$0xFFFFFFE0]  }
0x2a: {  	v7 =	vmul.f32 v5, v7;
	v5 =	vld [tilespmem:s3+$0x10]  }
0x2b: {  	s2 =	simm.s32 $0x1020;
	v4 =	vld.idx.msk [tilespmem:v2+s1+$0x0], $0xffff  }
0x2c: {  	[tilespmem:s2+$0x10] =	vst v7;
	v7 =	vmul.f32 v1, v11;
	v1 =	vld.idx.msk [tilespmem:v9+s1+$0x0], $0xffff  }
0x2d: {  	s4 =	simm.s32 $0x4;
	s6 =	simm.s32 $0x8A0;
	v2 =	vld.idx.msk [tilespmem:v8+s1+$0x0], $0xffff;
	v8 =	vmul.f32 v10, v12  }
.LBB2_1:
0x2e: {  	v9 =	vld [tilespmem:s6+$0x10];
	s4 =	sadd.s32 $0x4, s4;
	v0 =	vmul.f32 v0, v6;
	[tilespmem:s2+$0xFFFFFFF0] =	vst v7  }
0x2f: {  	v7 =	vld [tilespmem:s6+$0xFFFFFFE0];
	p0 =	slt.u32 s4, $0x7C;
	[tilespmem:s2+$0x0] =	vst v8  }
0x30: {  	v8 =	vld [tilespmem:s6+$0xFFFFFFF0];
	v4 =	vmul.f32 v4, v5;
	[tilespmem:s2+$0xFFFFFFE0] =	vst v0  }
0x31: {  	s2 =	sadd.s32 $0x40, s2;
	v5 =	vld [tilespmem:s6+$0x0]  }
0x32: {  	v10 =	vld.idx.msk [tilespmem:v3+s1+$0x0], $0xffff;
	[tilespmem:s2+$0x10] =	vst v4;
	v0 =	vmov v2  }
0x33: {  	v11 =	vld [tilespmem:s3+$0xFFFFFFF0]  }
0x34: {  	v12 =	vld [tilespmem:s3+$0x0]  }
.Ltmp0:
0x35: {  	v6 =	vld [tilespmem:s3+$0xFFFFFFE0];
	(pc) =	sbr.rel @p0 .LBB2_1-.Ltmp0, $4  }
0x36: {  	s3 =	sadd.s32 $0x40, s3;
	v4 =	vld.idx.msk [tilespmem:v9+s1+$0x0], $0xffff;
	v3 =	vmov v5  }
0x37: {  	v5 =	vld [tilespmem:s3+$0x10]  }
0x38: {  	v2 =	vld.idx.msk [tilespmem:v7+s1+$0x0], $0xffff;
	v7 =	vmul.f32 v1, v11  }
0x39: {  	s6 =	sadd.s32 $0x40, s6;
	v1 =	vld.idx.msk [tilespmem:v8+s1+$0x0], $0xffff;
	v8 =	vmul.f32 v10, v12  }
0x3a: {  	_ =	sdelay $0x3  }
0x3b: {  	v3 =	vld.idx.msk [tilespmem:v3+s1+$0x0], $0xffff  }
0x3c: {  	v9 =	vld [tilespmem:s3+$0xFFFFFFF0]  }
0x3d: {  	v10 =	vld [tilespmem:s3+$0x0]  }
0x3e: {  	v11 =	vld [tilespmem:s3+$0xFFFFFFE0]  }
0x3f: {  	v0 =	vmul.f32 v0, v6;
	[tilespmem:s2+$0xFFFFFFF0] =	vst v7  }
0x40: {  	[tilespmem:s2+$0x0] =	vst v8;
	v4 =	vmul.f32 v4, v5  }
0x41: {  	s25 =	sadd.s32 $0x40, s2;
	[tilespmem:s2+$0xFFFFFFE0] =	vst v0;
	v0 =	vmul.f32 v1, v9  }
0x42: {  	[tilespmem:s25+$0x10] =	vst v4;
	v1 =	vmul.f32 v3, v10  }
0x43: {  	v2 =	vmul.f32 v2, v11;
	[tilespmem:s25+$0xFFFFFFF0] =	vst v0  }
0x44: {  	[tilespmem:s25+$0x0] =	vst v1  }
0x45: {  	s0 =	sadd.s32 s0, s5;
	s26 =	simm.s32 $0x0;
	s28 =	simm.s32 $0x1000;
	[tilespmem:s25+$0xFFFFFFE0] =	vst v2  }
0x46: {  	[hbm4b:s0+s26] =	stream.linear.scatter [tilespmem:s28], [sflag:$0x2], $0x800, $0x38;
	[tilespmem:$0x2CA0] =	vst v63  }
0x47: {  	v0 =	vld [tilespmem:$0x2980];
	_ =	sdelay $0x1  }
0x48: {  	s29 =	stileid.u32  }
0x49: {  	s0 =	sshll.u32 s29, $0xB  }
0x4a: {  	v1 =	vmov s0  }
0x4b: {  	v0 =	vsub.s32 v0, v1  }
0x4c: {  	(v2sf) =	vpush v0, $0x0  }
0x4d: {  	(v2sf) =	vpush v0, $0x1  }
0x4e: {  	(v2sf) =	vpush v0, $0x2  }
0x4f: {  	(v2sf) =	vpush v0, $0x3  }
0x50: {  	(v2sf) =	vpush v0, $0x4  }
0x51: {  	(v2sf) =	vpush v0, $0x5  }
0x52: {  	(v2sf) =	vpush v0, $0x6  }
0x53: {  	(v2sf) =	vpush v0, $0x7  }
0x54: {  	(v2sf) =	vpush v0, $0x8  }
0x55: {  	(v2sf) =	vpush v0, $0x9  }
0x56: {  	(v2sf) =	vpush v0, $0xA  }
0x57: {  	(v2sf) =	vpush v0, $0xB  }
0x58: {  	(v2sf) =	vpush v0, $0xC  }
0x59: {  	(v2sf) =	vpush v0, $0xD  }
0x5a: {  	(v2sf) =	vpush v0, $0xE  }
0x5b: {  	s1 =	spop (v2sf);
	(v2sf) =	vpush v0, $0xF  }
0x5c: {  	s6 =	spop (v2sf)  }
0x5d: {  	s12 =	spop (v2sf)  }
0x5e: {  	s7 =	spop (v2sf)  }
0x5f: {  	p1 =	sgt.s32 s1, $0x0;
	p0 =	sgt.s32 s6, $0x0;
	s8 =	spop (v2sf)  }
0x60: {  	s1 =	simm.s32 @!p1 $0x0;
	s6 =	simm.s32 @!p0 $0x0;
	s11 =	spop (v2sf)  }
0x61: {  	p0 =	sgt.s32 s12, $0x0;
	s30 =	smin.u32 s1, $0x800;
	s13 =	spop (v2sf)  }
0x62: {  	s10 =	smin.u32 s6, $0x800;
	s12 =	simm.s32 @!p0 $0x0;
	s15 =	spop (v2sf)  }
0x63: {  	p0 =	sgt.s32 s7, $0x0;
	s31 =	sadd.s32 $0xF, s10;
	s17 =	spop (v2sf)  }
0x64: {  	s14 =	sshrl.u32 s30, $0x4;
	s16 =	sshrl.u32 s31, $0x4;
	s19 =	spop (v2sf)  }
0x65: {  	s7 =	simm.s32 @!p0 $0x0;
	p0 =	sle.u32 s16, s14;
	s9 =	spop (v2sf)  }
.Ltmp1:
0x66: {  	s4 =	spop (v2sf);
	(pc) =	sbr.rel @p0 .LBB2_6-.Ltmp1, $4  }
0x67: {  	s12 =	smin.u32 s12, $0x800;
	s3 =	spop (v2sf)  }
0x68: {  	s20 =	ssub.s32 s16, s14;
	s16 =	simm.s32 @!p0 $0x0;
	s0 =	spop (v2sf)  }
0x69: {  	v2 =	vimm.f32 $-Inf;
	p1 =	sgt.s32 s8, $0x0;
	s16 =	simm.s32 @p0 $0x1;
	s2 =	spop (v2sf)  }
0x6a: {  	v1 =	vimm.f32 $-Inf;
	v4 =	vmov s30;
	v0 =	vmov s10;
	s6 =	sshll.u32 s14, $0x4;
	[smem:$0x7FD] =	sst s16;
	s1 =	spop (v2sf)  }
0x6b: {  	s14 =	sshll.u32 s14, $0x4  }
0x6c: {  	s18 =	sor.u32 $0x1000, s14  }
0x6d: {  	p0 =	sne.s32 s20, $0x1;
	v5 =	vld [tilespmem:s18+$0x0]  }
.Ltmp2:
0x6e: {  	_ = 	snop;
	(pc) =	sbr.rel @!p0 .LBB2_5-.Ltmp2, $4  }
0x6f: {  	v1 =	vlaneseq.u32  }
0x70: {  	v6 =	vor.u32 s14, v1  }
0x71: {  	v3 =	vimm.f32 $-Inf;
	vm0 =	vge.u32 v6, v4;
	vm1 =	vlt.u32 v6, v0  }
0x72: {  	s16 =	sadd.s32 $0xFFFFFFFF, s20;
	s18 =	sadd.s32 $0x10, s18;
	vm0 =	vmand vm0, vm1;
	v5 =	vmax.f32 v3, v5  }
.LBB2_4:
0x73: {  	v6 =	vld [tilespmem:s18+$0x0];
	p0 =	sne.s32 s16, $0x1;
	s16 =	sadd.s32 $0xFFFFFFFF, s16;
	v3 =	vsel vm0, v5, v3  }
.Ltmp3:
0x74: {  	(pc) =	sbr.rel @p0 .LBB2_4-.Ltmp3, $4  }
0x75: {  	s14 =	sadd.s32 $0x10, s14  }
0x76: {  	v5 =	vor.u32 s14, v1  }
0x77: {  	vm0 =	vge.u32 v5, v4;
	vm1 =	vlt.u32 v5, v0  }
0x78: {  	s18 =	sadd.s32 $0x10, s18;
	vm0 =	vmand vm0, vm1;
	v5 =	vmax.f32 v3, v6  }
.LBB2_5:
0x79: {  	v1 =	vsel vm0, v5, v3  }
.LBB2_6:
0x7a: {  	(xrf0) =	vmax.scan.msk.f32 $0xffff, v1;
	_ =	sdelay $0x1  }
0x7b: {  	s14 =	sadd.s32 $0xF, s12  }
0x7c: {  	s10 =	sshrl.u32 s10, $0x4;
	s16 =	sshrl.u32 s14, $0x4  }
0x7d: {  	s8 =	simm.s32 @!p1 $0x0;
	p1 =	sle.u32 s16, s10  }
.Ltmp4:
0x7e: {  	_ = 	snop;
	(pc) =	sbr.rel @p1 .LBB2_10-.Ltmp4, $4  }
0x7f: {  	v1, _, _ =	vpop (xrf0)  }
0x80: {  	s21 =	ssub.s32 s16, s10;
	s16 =	simm.s32 @!p1 $0x0;
	v1 =	vbroadcast v1, $0xF  }
0x81: {  	p0 =	sgt.s32 s11, $0x0;
	vm0 =	vmmov $0x1;
	s16 =	simm.s32 @p1 $0x1  }
0x82: {  	s14 =	smin.u32 s7, $0x800;
	s7 =	sshll.u32 s10, $0x4;
	[smem:$0x7FC] =	sst s16;
	v3 =	vnsel vm0, $0xFF800000, v1;
	v1 =	vmov s12  }
0x83: {  	s10 =	sshll.u32 s10, $0x4  }
0x84: {  	s18 =	sor.u32 $0x1000, s10  }
0x85: {  	p1 =	sne.s32 s21, $0x1;
	v6 =	vld [tilespmem:s18+$0x0]  }
.Ltmp5:
0x86: {  	_ = 	snop;
	(pc) =	sbr.rel @!p1 .LBB2_9-.Ltmp5, $4  }
0x87: {  	v2 =	vlaneseq.u32  }
0x88: {  	v7 =	vor.u32 s10, v2  }
0x89: {  	v5 =	vimm.f32 $-Inf;
	vm1 =	vge.u32 v7, v0;
	vm2 =	vlt.u32 v7, v1  }
0x8a: {  	s16 =	sadd.s32 $0xFFFFFFFF, s21;
	s18 =	sadd.s32 $0x10, s18;
	vm1 =	vmand vm1, vm2;
	v6 =	vmax.f32 v5, v6  }
.LBB2_8:
0x8b: {  	v7 =	vld [tilespmem:s18+$0x0];
	p1 =	sne.s32 s16, $0x1;
	s16 =	sadd.s32 $0xFFFFFFFF, s16;
	v5 =	vsel vm1, v6, v5  }
.Ltmp6:
0x8c: {  	(pc) =	sbr.rel @p1 .LBB2_8-.Ltmp6, $4  }
0x8d: {  	s10 =	sadd.s32 $0x10, s10  }
0x8e: {  	v6 =	vor.u32 s10, v2  }
0x8f: {  	vm1 =	vge.u32 v6, v0;
	vm2 =	vlt.u32 v6, v1  }
0x90: {  	s18 =	sadd.s32 $0x10, s18;
	vm1 =	vmand vm1, vm2;
	v6 =	vmax.f32 v5, v7  }
.LBB2_9:
0x91: {  	v2 =	vsel vm1, v6, v5  }
.LBB2_10:
0x92: {  	(xrf0) =	vmax.scan.msk.f32 $0xffff, v2;
	_ =	sdelay $0x2  }
0x93: {  	s10 =	sadd.s32 $0xF, s14  }
0x94: {  	s12 =	sshrl.u32 s12, $0x4;
	s16 =	sshrl.u32 s10, $0x4  }
0x95: {  	s11 =	simm.s32 @!p0 $0x0;
	p0 =	sle.u32 s16, s12  }
.Ltmp7:
0x96: {  	v2, _, _ =	vpop (xrf0);
	(pc) =	sbr.rel @p0 .LBB2_14-.Ltmp7, $4  }
0x97: {  	v2 =	vbroadcast v2, $0xF  }
0x98: {  	s22 =	ssub.s32 s16, s12;
	s16 =	simm.s32 @!p0 $0x0  }
0x99: {  	vm1 =	vcmask $0x308;
	p1 =	sgt.s32 s13, $0x0;
	v5 =	vimm.f32 $-Inf;
	s16 =	simm.s32 @p0 $0x1;
	v2 =	vmax.f32 v3, v2  }
0x9a: {  	v6 =	vimm.f32 $-Inf;
	s10 =	smin.u32 s8, $0x800;
	s8 =	sshll.u32 s12, $0x4;
	[smem:$0x7FB] =	sst s16;
	v3 =	vsel vm1, v3, v2;
	v2 =	vmov s14  }
0x9b: {  	s12 =	sshll.u32 s12, $0x4  }
0x9c: {  	s18 =	sor.u32 $0x1000, s12  }
0x9d: {  	p0 =	sne.s32 s22, $0x1;
	v8 =	vld [tilespmem:s18+$0x0]  }
.Ltmp8:
0x9e: {  	_ = 	snop;
	(pc) =	sbr.rel @!p0 .LBB2_13-.Ltmp8, $4  }
0x9f: {  	v6 =	vlaneseq.u32  }
0xa0: {  	v9 =	vor.u32 s12, v6  }
0xa1: {  	v7 =	vimm.f32 $-Inf;
	vm2 =	vge.u32 v9, v1;
	vm3 =	vlt.u32 v9, v2  }
0xa2: {  	s16 =	sadd.s32 $0xFFFFFFFF, s22;
	s18 =	sadd.s32 $0x10, s18;
	vm2 =	vmand vm2, vm3;
	v8 =	vmax.f32 v7, v8  }
.LBB2_12:
0xa3: {  	v9 =	vld [tilespmem:s18+$0x0];
	p0 =	sne.s32 s16, $0x1;
	s16 =	sadd.s32 $0xFFFFFFFF, s16;
	v7 =	vsel vm2, v8, v7  }
.Ltmp9:
0xa4: {  	(pc) =	sbr.rel @p0 .LBB2_12-.Ltmp9, $4  }
0xa5: {  	s12 =	sadd.s32 $0x10, s12  }
0xa6: {  	v8 =	vor.u32 s12, v6  }
0xa7: {  	vm2 =	vge.u32 v8, v1;
	vm3 =	vlt.u32 v8, v2  }
0xa8: {  	s18 =	sadd.s32 $0x10, s18;
	vm2 =	vmand vm2, vm3;
	v8 =	vmax.f32 v7, v9  }
.LBB2_13:
0xa9: {  	v6 =	vsel vm2, v8, v7  }
.LBB2_14:
0xaa: {  	(xrf0) =	vmax.scan.msk.f32 $0xffff, v6;
	_ =	sdelay $0x2  }
0xab: {  	s16 =	sadd.s32 $0xF, s10  }
0xac: {  	s12 =	sshrl.u32 s14, $0x4;
	s31 =	sshrl.u32 s16, $0x4  }
0xad: {  	s13 =	simm.s32 @!p1 $0x0;
	p1 =	sle.u32 s31, s12  }
.Ltmp10:
0xae: {  	v6, _, _ =	vpop (xrf0);
	(pc) =	sbr.rel @p1 .LBB2_18-.Ltmp10, $4  }
0xaf: {  	v6 =	vbroadcast v6, $0xF  }
0xb0: {  	s14 =	simm.s32 @!p1 $0x0  }
0xb1: {  	p0 =	sgt.s32 s15, $0x0;
	vm2 =	vcmask $0x70C;
	s18 =	smin.u32 s11, $0x800;
	s14 =	simm.s32 @p1 $0x1;
	v6 =	vmax.f32 v3, v6  }
0xb2: {  	s11 =	sshll.u32 s12, $0x4;
	s23 =	ssub.s32 s31, s12;
	[smem:$0x7FA] =	sst s14;
	v6 =	vsel vm2, v3, v6;
	v3 =	vmov s10  }
0xb3: {  	s12 =	sshll.u32 s12, $0x4  }
0xb4: {  	s16 =	sor.u32 $0x1000, s12  }
0xb5: {  	p1 =	sne.s32 s23, $0x1;
	v8 =	vld [tilespmem:s16+$0x0]  }
.Ltmp11:
0xb6: {  	_ = 	snop;
	(pc) =	sbr.rel @!p1 .LBB2_17-.Ltmp11, $4  }
0xb7: {  	v5 =	vlaneseq.u32  }
0xb8: {  	v9 =	vor.u32 s12, v5  }
0xb9: {  	v7 =	vimm.f32 $-Inf;
	vm3 =	vge.u32 v9, v2;
	vm4 =	vlt.u32 v9, v3  }
0xba: {  	s14 =	sadd.s32 $0xFFFFFFFF, s23;
	s16 =	sadd.s32 $0x10, s16;
	vm3 =	vmand vm3, vm4;
	v8 =	vmax.f32 v7, v8  }
.LBB2_16:
0xbb: {  	v9 =	vld [tilespmem:s16+$0x0];
	p1 =	sne.s32 s14, $0x1;
	s14 =	sadd.s32 $0xFFFFFFFF, s14;
	v7 =	vsel vm3, v8, v7  }
.Ltmp12:
0xbc: {  	(pc) =	sbr.rel @p1 .LBB2_16-.Ltmp12, $4  }
0xbd: {  	s12 =	sadd.s32 $0x10, s12  }
0xbe: {  	v8 =	vor.u32 s12, v5  }
0xbf: {  	vm3 =	vge.u32 v8, v2;
	vm4 =	vlt.u32 v8, v3  }
0xc0: {  	s16 =	sadd.s32 $0x10, s16;
	vm3 =	vmand vm3, vm4;
	v8 =	vmax.f32 v7, v9  }
.LBB2_17:
0xc1: {  	v5 =	vsel vm3, v8, v7  }
.LBB2_18:
0xc2: {  	(xrf0) =	vmax.scan.msk.f32 $0xffff, v5;
	_ =	sdelay $0x2  }
0xc3: {  	s14 =	sadd.s32 $0xF, s18  }
0xc4: {  	s12 =	sshrl.u32 s10, $0x4;
	s14 =	sshrl.u32 s14, $0x4  }
0xc5: {  	s15 =	simm.s32 @!p0 $0x0;
	p0 =	sle.u32 s14, s12  }
.Ltmp13:
0xc6: {  	v5, _, _ =	vpop (xrf0);
	(pc) =	sbr.rel @p0 .LBB2_22-.Ltmp13, $4  }
0xc7: {  	v5 =	vbroadcast v5, $0xF  }
0xc8: {  	s24 =	ssub.s32 s14, s12;
	s14 =	simm.s32 @!p0 $0x0  }
0xc9: {  	vm3 =	vcmask $0xB10;
	p1 =	sgt.s32 s17, $0x0;
	v7 =	vimm.f32 $-Inf;
	s14 =	simm.s32 @p0 $0x1;
	v5 =	vmax.f32 v6, v5  }
0xca: {  	s10 =	smin.u32 s13, $0x800;
	v8 =	vimm.f32 $-Inf;
	s13 =	sshll.u32 s12, $0x4;
	[smem:$0x7F9] =	sst s14;
	v6 =	vsel vm3, v6, v5;
	v5 =	vmov s18  }
0xcb: {  	s12 =	sshll.u32 s12, $0x4  }
0xcc: {  	s16 =	sor.u32 $0x1000, s12  }
0xcd: {  	p0 =	sne.s32 s24, $0x1;
	v10 =	vld [tilespmem:s16+$0x0]  }
.Ltmp14:
0xce: {  	_ = 	snop;
	(pc) =	sbr.rel @!p0 .LBB2_21-.Ltmp14, $4  }
0xcf: {  	v8 =	vlaneseq.u32  }
0xd0: {  	v11 =	vor.u32 s12, v8  }
0xd1: {  	v9 =	vimm.f32 $-Inf;
	vm4 =	vge.u32 v11, v3;
	vm5 =	vlt.u32 v11, v5  }
0xd2: {  	s14 =	sadd.s32 $0xFFFFFFFF, s24;
	s16 =	sadd.s32 $0x10, s16;
	vm4 =	vmand vm4, vm5;
	v10 =	vmax.f32 v9, v10  }
.LBB2_20:
0xd3: {  	v11 =	vld [tilespmem:s16+$0x0];
	p0 =	sne.s32 s14, $0x1;
	s14 =	sadd.s32 $0xFFFFFFFF, s14;
	v9 =	vsel vm4, v10, v9  }
.Ltmp15:
0xd4: {  	(pc) =	sbr.rel @p0 .LBB2_20-.Ltmp15, $4  }
0xd5: {  	s12 =	sadd.s32 $0x10, s12  }
0xd6: {  	v10 =	vor.u32 s12, v8  }
0xd7: {  	vm4 =	vge.u32 v10, v3;
	vm5 =	vlt.u32 v10, v5  }
0xd8: {  	s16 =	sadd.s32 $0x10, s16;
	vm4 =	vmand vm4, vm5;
	v10 =	vmax.f32 v9, v11  }
.LBB2_21:
0xd9: {  	v8 =	vsel vm4, v10, v9  }
.LBB2_22:
0xda: {  	(xrf0) =	vmax.scan.msk.f32 $0xffff, v8;
	_ =	sdelay $0x2  }
0xdb: {  	s14 =	sadd.s32 $0xF, s10  }
0xdc: {  	s12 =	sshrl.u32 s18, $0x4;
	s14 =	sshrl.u32 s14, $0x4  }
0xdd: {  	s17 =	simm.s32 @!p1 $0x0;
	p1 =	sle.u32 s14, s12  }
.Ltmp16:
0xde: {  	v8, _, _ =	vpop (xrf0);
	(pc) =	sbr.rel @p1 .LBB2_26-.Ltmp16, $4  }
0xdf: {  	v8 =	vbroadcast v8, $0xF  }
0xe0: {  	s18 =	ssub.s32 s14, s12;
	s14 =	simm.s32 @!p1 $0x0  }
0xe1: {  	[dreg:$0xb] =	wrdreg s21;
	p0 =	sgt.s32 s19, $0x0;
	vm4 =	vcmask $0xF14;
	s14 =	simm.s32 @p1 $0x1;
	v8 =	vmax.f32 v6, v8  }
0xe2: {  	s21 =	smin.u32 s15, $0x800;
	s15 =	sshll.u32 s12, $0x4;
	[smem:$0x7F8] =	sst s14;
	v8 =	vsel vm4, v6, v8;
	v6 =	vmov s10  }
0xe3: {  	s12 =	sshll.u32 s12, $0x4  }
0xe4: {  	s16 =	sor.u32 $0x1000, s12  }
0xe5: {  	p1 =	sne.s32 s18, $0x1;
	v10 =	vld [tilespmem:s16+$0x0]  }
.Ltmp17:
0xe6: {  	_ = 	snop;
	(pc) =	sbr.rel @!p1 .LBB2_25-.Ltmp17, $4  }
0xe7: {  	v7 =	vlaneseq.u32  }
0xe8: {  	v11 =	vor.u32 s12, v7  }
0xe9: {  	v9 =	vimm.f32 $-Inf;
	vm5 =	vge.u32 v11, v5;
	vm6 =	vlt.u32 v11, v6  }
0xea: {  	s14 =	sadd.s32 $0xFFFFFFFF, s18;
	s16 =	sadd.s32 $0x10, s16;
	vm5 =	vmand vm5, vm6;
	v10 =	vmax.f32 v9, v10  }
.LBB2_24:
0xeb: {  	v11 =	vld [tilespmem:s16+$0x0];
	p1 =	sne.s32 s14, $0x1;
	s14 =	sadd.s32 $0xFFFFFFFF, s14;
	v9 =	vsel vm5, v10, v9  }
.Ltmp18:
0xec: {  	(pc) =	sbr.rel @p1 .LBB2_24-.Ltmp18, $4  }
0xed: {  	s12 =	sadd.s32 $0x10, s12  }
0xee: {  	v10 =	vor.u32 s12, v7  }
0xef: {  	vm5 =	vge.u32 v10, v5;
	vm6 =	vlt.u32 v10, v6  }
0xf0: {  	s16 =	sadd.s32 $0x10, s16;
	vm5 =	vmand vm5, vm6;
	v10 =	vmax.f32 v9, v11  }
.LBB2_25:
0xf1: {  	v7 =	vsel vm5, v10, v9  }
.LBB2_26:
0xf2: {  	(xrf0) =	vmax.scan.msk.f32 $0xffff, v7;
	_ =	sdelay $0x2  }
0xf3: {  	s14 =	sadd.s32 $0xF, s21  }
0xf4: {  	s12 =	sshrl.u32 s10, $0x4;
	s14 =	sshrl.u32 s14, $0x4  }
0xf5: {  	s19 =	simm.s32 @!p0 $0x0;
	p0 =	sle.u32 s14, s12  }
.Ltmp19:
0xf6: {  	v7, _, _ =	vpop (xrf0);
	(pc) =	sbr.rel @p0 .LBB2_30-.Ltmp19, $4  }
0xf7: {  	v7 =	vbroadcast v7, $0xF  }
0xf8: {  	[dreg:$0xa] =	wrdreg s20;
	s20 =	ssub.s32 s14, s12;
	s14 =	simm.s32 @!p0 $0x0  }
0xf9: {  	vm5 =	vcmask $0x1318;
	p1 =	sgt.s32 s9, $0x0;
	v9 =	vimm.f32 $-Inf;
	s14 =	simm.s32 @p0 $0x1;
	v7 =	vmax.f32 v8, v7  }
0xfa: {  	s10 =	smin.u32 s17, $0x800;
	v10 =	vimm.f32 $-Inf;
	s17 =	sshll.u32 s12, $0x4;
	[smem:$0x7F7] =	sst s14;
	v8 =	vsel vm5, v8, v7;
	v7 =	vmov s21  }
0xfb: {  	s12 =	sshll.u32 s12, $0x4  }
0xfc: {  	s16 =	sor.u32 $0x1000, s12  }
0xfd: {  	p0 =	sne.s32 s20, $0x1;
	v12 =	vld [tilespmem:s16+$0x0]  }
.Ltmp20:
0xfe: {  	_ = 	snop;
	(pc) =	sbr.rel @!p0 .LBB2_29-.Ltmp20, $4  }
0xff: {  	v10 =	vlaneseq.u32  }
0x100: {  	v13 =	vor.u32 s12, v10  }
0x101: {  	v11 =	vimm.f32 $-Inf;
	vm6 =	vge.u32 v13, v6;
	vm7 =	vlt.u32 v13, v7  }
0x102: {  	s14 =	sadd.s32 $0xFFFFFFFF, s20;
	s16 =	sadd.s32 $0x10, s16;
	vm6 =	vmand vm6, vm7;
	v12 =	vmax.f32 v11, v12  }
.LBB2_28:
0x103: {  	v13 =	vld [tilespmem:s16+$0x0];
	p0 =	sne.s32 s14, $0x1;
	s14 =	sadd.s32 $0xFFFFFFFF, s14;
	v11 =	vsel vm6, v12, v11  }
.Ltmp21:
0x104: {  	(pc) =	sbr.rel @p0 .LBB2_28-.Ltmp21, $4  }
0x105: {  	s12 =	sadd.s32 $0x10, s12  }
0x106: {  	v12 =	vor.u32 s12, v10  }
0x107: {  	vm6 =	vge.u32 v12, v6;
	vm7 =	vlt.u32 v12, v7  }
0x108: {  	s16 =	sadd.s32 $0x10, s16;
	vm6 =	vmand vm6, vm7;
	v12 =	vmax.f32 v11, v13  }
.LBB2_29:
0x109: {  	v10 =	vsel vm6, v12, v11  }
.LBB2_30:
0x10a: {  	(xrf0) =	vmax.scan.msk.f32 $0xffff, v10;
	_ =	sdelay $0x2  }
0x10b: {  	s14 =	sadd.s32 $0xF, s10  }
0x10c: {  	s12 =	sshrl.u32 s21, $0x4;
	s14 =	sshrl.u32 s14, $0x4  }
0x10d: {  	s9 =	simm.s32 @!p1 $0x0;
	p1 =	sle.u32 s14, s12  }
.Ltmp22:
0x10e: {  	v10, _, _ =	vpop (xrf0);
	(pc) =	sbr.rel @p1 .LBB2_34-.Ltmp22, $4  }
0x10f: {  	v10 =	vbroadcast v10, $0xF  }
0x110: {  	[dreg:$0xc] =	wrdreg s22;
	s22 =	ssub.s32 s14, s12;
	s14 =	simm.s32 @!p1 $0x0  }
0x111: {  	[dreg:$0xd] =	wrdreg s23;
	p0 =	sgt.s32 s4, $0x0;
	vm6 =	vcmask $0x171C;
	s14 =	simm.s32 @p1 $0x1;
	v10 =	vmax.f32 v8, v10  }
0x112: {  	s23 =	smin.u32 s19, $0x800;
	s19 =	sshll.u32 s12, $0x4;
	[smem:$0x7F6] =	sst s14;
	v10 =	vsel vm6, v8, v10;
	v8 =	vmov s10  }
0x113: {  	s12 =	sshll.u32 s12, $0x4  }
0x114: {  	s16 =	sor.u32 $0x1000, s12  }
0x115: {  	p1 =	sne.s32 s22, $0x1;
	v12 =	vld [tilespmem:s16+$0x0]  }
.Ltmp23:
0x116: {  	_ = 	snop;
	(pc) =	sbr.rel @!p1 .LBB2_33-.Ltmp23, $4  }
0x117: {  	v9 =	vlaneseq.u32  }
0x118: {  	v13 =	vor.u32 s12, v9  }
0x119: {  	v11 =	vimm.f32 $-Inf;
	vm7 =	vge.u32 v13, v7;
	vm8 =	vlt.u32 v13, v8  }
0x11a: {  	s14 =	sadd.s32 $0xFFFFFFFF, s22;
	s16 =	sadd.s32 $0x10, s16;
	vm7 =	vmand vm7, vm8;
	v12 =	vmax.f32 v11, v12  }
.LBB2_32:
0x11b: {  	v13 =	vld [tilespmem:s16+$0x0];
	p1 =	sne.s32 s14, $0x1;
	s14 =	sadd.s32 $0xFFFFFFFF, s14;
	v11 =	vsel vm7, v12, v11  }
.Ltmp24:
0x11c: {  	(pc) =	sbr.rel @p1 .LBB2_32-.Ltmp24, $4  }
0x11d: {  	s12 =	sadd.s32 $0x10, s12  }
0x11e: {  	v12 =	vor.u32 s12, v9  }
0x11f: {  	vm7 =	vge.u32 v12, v7;
	vm8 =	vlt.u32 v12, v8  }
0x120: {  	s16 =	sadd.s32 $0x10, s16;
	vm7 =	vmand vm7, vm8;
	v12 =	vmax.f32 v11, v13  }
.LBB2_33:
0x121: {  	v9 =	vsel vm7, v12, v11  }
.LBB2_34:
0x122: {  	(xrf0) =	vmax.scan.msk.f32 $0xffff, v9;
	_ =	sdelay $0x2  }
0x123: {  	s12 =	sadd.s32 $0xF, s23  }
0x124: {  	s10 =	sshrl.u32 s10, $0x4;
	s12 =	sshrl.u32 s12, $0x4  }
0x125: {  	s4 =	simm.s32 @!p0 $0x0;
	p0 =	sle.u32 s12, s10  }
.Ltmp25:
0x126: {  	v9, _, _ =	vpop (xrf0);
	(pc) =	sbr.rel @p0 .LBB2_38-.Ltmp25, $4  }
0x127: {  	v9 =	vbroadcast v9, $0xF  }
0x128: {  	[dreg:$0xe] =	wrdreg s24;
	s24 =	ssub.s32 s12, s10;
	s12 =	simm.s32 @!p0 $0x0  }
0x129: {  	vm7 =	vcmask $0x1B20;
	p1 =	sgt.s32 s3, $0x0;
	v12 =	vimm.f32 $-Inf;
	s12 =	simm.s32 @p0 $0x1;
	v9 =	vmax.f32 v10, v9  }
0x12a: {  	s9 =	smin.u32 s9, $0x800;
	s21 =	sshll.u32 s10, $0x4;
	[smem:$0x7F5] =	sst s12;
	v11 =	vsel vm7, v10, v9;
	v10 =	vimm.f32 $-Inf;
	v9 =	vmov s23  }
0x12b: {  	s10 =	sshll.u32 s10, $0x4  }
0x12c: {  	s14 =	sor.u32 $0x1000, s10  }
0x12d: {  	p0 =	sne.s32 s24, $0x1;
	v14 =	vld [tilespmem:s14+$0x0]  }
.Ltmp26:
0x12e: {  	_ = 	snop;
	(pc) =	sbr.rel @!p0 .LBB2_37-.Ltmp26, $4  }
0x12f: {  	v12 =	vlaneseq.u32  }
0x130: {  	v15 =	vor.u32 s10, v12  }
0x131: {  	v13 =	vimm.f32 $-Inf;
	vm8 =	vge.u32 v15, v8;
	vm9 =	vlt.u32 v15, v9  }
0x132: {  	s12 =	sadd.s32 $0xFFFFFFFF, s24;
	s14 =	sadd.s32 $0x10, s14;
	vm8 =	vmand vm8, vm9;
	v14 =	vmax.f32 v13, v14  }
.LBB2_36:
0x133: {  	v15 =	vld [tilespmem:s14+$0x0];
	p0 =	sne.s32 s12, $0x1;
	s12 =	sadd.s32 $0xFFFFFFFF, s12;
	v13 =	vsel vm8, v14, v13  }
.Ltmp27:
0x134: {  	(pc) =	sbr.rel @p0 .LBB2_36-.Ltmp27, $4  }
0x135: {  	s10 =	sadd.s32 $0x10, s10  }
0x136: {  	v14 =	vor.u32 s10, v12  }
0x137: {  	vm8 =	vge.u32 v14, v8;
	vm9 =	vlt.u32 v14, v9  }
0x138: {  	s14 =	sadd.s32 $0x10, s14;
	vm8 =	vmand vm8, vm9;
	v14 =	vmax.f32 v13, v15  }
.LBB2_37:
0x139: {  	v12 =	vsel vm8, v14, v13  }
.LBB2_38:
0x13a: {  	(xrf0) =	vmax.scan.msk.f32 $0xffff, v12;
	_ =	sdelay $0x2  }
0x13b: {  	s12 =	sadd.s32 $0xF, s9  }
0x13c: {  	s10 =	sshrl.u32 s23, $0x4;
	s12 =	sshrl.u32 s12, $0x4  }
0x13d: {  	s3 =	simm.s32 @!p1 $0x0;
	p1 =	sle.u32 s12, s10  }
.Ltmp28:
0x13e: {  	v12, _, _ =	vpop (xrf0);
	(pc) =	sbr.rel @p1 .LBB2_42-.Ltmp28, $4  }
0x13f: {  	v12 =	vbroadcast v12, $0xF  }
0x140: {  	s26 =	ssub.s32 s12, s10;
	s12 =	simm.s32 @!p1 $0x0  }
0x141: {  	p0 =	sgt.s32 s0, $0x0;
	vm8 =	vcmask $0x1F24;
	s12 =	simm.s32 @p1 $0x1;
	v12 =	vmax.f32 v11, v12  }
0x142: {  	s4 =	smin.u32 s4, $0x800;
	s23 =	sshll.u32 s10, $0x4;
	[smem:$0x7F4] =	sst s12;
	v12 =	vsel vm8, v11, v12;
	v11 =	vmov s9  }
0x143: {  	s10 =	sshll.u32 s10, $0x4  }
0x144: {  	s14 =	sor.u32 $0x1000, s10  }
0x145: {  	p1 =	sne.s32 s26, $0x1;
	v14 =	vld [tilespmem:s14+$0x0]  }
.Ltmp29:
0x146: {  	_ = 	snop;
	(pc) =	sbr.rel @!p1 .LBB2_41-.Ltmp29, $4  }
0x147: {  	v10 =	vlaneseq.u32  }
0x148: {  	v15 =	vor.u32 s10, v10  }
0x149: {  	v13 =	vimm.f32 $-Inf;
	vm9 =	vge.u32 v15, v9;
	vm10 =	vlt.u32 v15, v11  }
0x14a: {  	s12 =	sadd.s32 $0xFFFFFFFF, s26;
	s14 =	sadd.s32 $0x10, s14;
	vm9 =	vmand vm9, vm10;
	v14 =	vmax.f32 v13, v14  }
.LBB2_40:
0x14b: {  	v15 =	vld [tilespmem:s14+$0x0];
	p1 =	sne.s32 s12, $0x1;
	s12 =	sadd.s32 $0xFFFFFFFF, s12;
	v13 =	vsel vm9, v14, v13  }
.Ltmp30:
0x14c: {  	(pc) =	sbr.rel @p1 .LBB2_40-.Ltmp30, $4  }
0x14d: {  	s10 =	sadd.s32 $0x10, s10  }
0x14e: {  	v14 =	vor.u32 s10, v10  }
0x14f: {  	vm9 =	vge.u32 v14, v9;
	vm10 =	vlt.u32 v14, v11  }
0x150: {  	s14 =	sadd.s32 $0x10, s14;
	vm9 =	vmand vm9, vm10;
	v14 =	vmax.f32 v13, v15  }
.LBB2_41:
0x151: {  	v10 =	vsel vm9, v14, v13  }
.LBB2_42:
0x152: {  	(xrf0) =	vmax.scan.msk.f32 $0xffff, v10;
	_ =	sdelay $0x2  }
0x153: {  	s10 =	sadd.s32 $0xF, s4  }
0x154: {  	s9 =	sshrl.u32 s9, $0x4;
	s10 =	sshrl.u32 s10, $0x4  }
0x155: {  	p3 =	sle.u32 s10, s9  }
.Ltmp31:
0x156: {  	v10, _, _ =	vpop (xrf0);
	(pc) =	sbr.rel @p3 .LBB2_46-.Ltmp31, $3  }
0x157: {  	v10 =	vbroadcast v10, $0xF;
	_ =	sdelay $0x1  }
0x158: {  	[dreg:$0xf] =	wrdreg s18;
	vm9 =	vcmask $0x2328;
	p1 =	sgt.s32 s2, $0x0;
	s0 =	simm.s32 @!p0 $0x0;
	v14 =	vimm.f32 $-Inf;
	v10 =	vmax.f32 v12, v10  }
0x159: {  	s3 =	smin.u32 s3, $0x800;
	s25 =	sshll.u32 s9, $0x4;
	s29 =	ssub.s32 s10, s9;
	v13 =	vsel vm9, v12, v10;
	v10 =	vimm.f32 $-Inf;
	v12 =	vmov s4  }
0x15a: {  	s9 =	sshll.u32 s9, $0x4  }
0x15b: {  	s12 =	sor.u32 $0x1000, s9  }
0x15c: {  	p0 =	sne.s32 s29, $0x1;
	v16 =	vld [tilespmem:s12+$0x0]  }
.Ltmp32:
0x15d: {  	_ = 	snop;
	(pc) =	sbr.rel @!p0 .LBB2_45-.Ltmp32, $4  }
0x15e: {  	v14 =	vlaneseq.u32  }
0x15f: {  	v17 =	vor.u32 s9, v14  }
0x160: {  	v15 =	vimm.f32 $-Inf;
	vm10 =	vge.u32 v17, v11;
	vm11 =	vlt.u32 v17, v12  }
0x161: {  	s10 =	sadd.s32 $0xFFFFFFFF, s29;
	s12 =	sadd.s32 $0x10, s12;
	vm10 =	vmand vm10, vm11;
	v16 =	vmax.f32 v15, v16  }
.LBB2_44:
0x162: {  	v17 =	vld [tilespmem:s12+$0x0];
	p0 =	sne.s32 s10, $0x1;
	s10 =	sadd.s32 $0xFFFFFFFF, s10;
	v15 =	vsel vm10, v16, v15  }
.Ltmp33:
0x163: {  	(pc) =	sbr.rel @p0 .LBB2_44-.Ltmp33, $4  }
0x164: {  	s9 =	sadd.s32 $0x10, s9  }
0x165: {  	v16 =	vor.u32 s9, v14  }
0x166: {  	vm10 =	vge.u32 v16, v11;
	vm11 =	vlt.u32 v16, v12  }
0x167: {  	s12 =	sadd.s32 $0x10, s12;
	vm10 =	vmand vm10, vm11;
	v16 =	vmax.f32 v15, v17  }
.LBB2_45:
0x168: {  	v14 =	vsel vm10, v16, v15  }
.LBB2_46:
0x169: {  	(xrf0) =	vmax.scan.msk.f32 $0xffff, v14;
	_ =	sdelay $0x2  }
0x16a: {  	s10 =	sadd.s32 $0xF, s3  }
0x16b: {  	s9 =	sshrl.u32 s4, $0x4;
	s10 =	sshrl.u32 s10, $0x4  }
0x16c: {  	p4 =	sle.u32 s10, s9  }
.Ltmp34:
0x16d: {  	v14, _, _ =	vpop (xrf0);
	(pc) =	sbr.rel @p4 .LBB2_50-.Ltmp34, $3  }
0x16e: {  	v14 =	vbroadcast v14, $0xF;
	_ =	sdelay $0x1  }
0x16f: {  	p0 =	sgt.s32 s1, $0x0;
	s2 =	simm.s32 @!p1 $0x0;
	vm10 =	vcmask $0x272C;
	v14 =	vmax.f32 v13, v14  }
0x170: {  	s4 =	smin.u32 s0, $0x800;
	s28 =	sshll.u32 s9, $0x4;
	s0 =	ssub.s32 s10, s9;
	v14 =	vsel vm10, v13, v14;
	v13 =	vmov s3  }
0x171: {  	s9 =	sshll.u32 s9, $0x4  }
0x172: {  	s12 =	sor.u32 $0x1000, s9  }
0x173: {  	p1 =	sne.s32 s0, $0x1;
	v16 =	vld [tilespmem:s12+$0x0]  }
.Ltmp35:
0x174: {  	_ = 	snop;
	(pc) =	sbr.rel @!p1 .LBB2_49-.Ltmp35, $4  }
0x175: {  	v10 =	vlaneseq.u32  }
0x176: {  	v17 =	vor.u32 s9, v10  }
0x177: {  	v15 =	vimm.f32 $-Inf;
	vm11 =	vge.u32 v17, v12;
	vm12 =	vlt.u32 v17, v13  }
0x178: {  	s10 =	sadd.s32 $0xFFFFFFFF, s0;
	s12 =	sadd.s32 $0x10, s12;
	vm11 =	vmand vm11, vm12;
	v16 =	vmax.f32 v15, v16  }
.LBB2_48:
0x179: {  	v17 =	vld [tilespmem:s12+$0x0];
	p1 =	sne.s32 s10, $0x1;
	s10 =	sadd.s32 $0xFFFFFFFF, s10;
	v15 =	vsel vm11, v16, v15  }
.Ltmp36:
0x17a: {  	(pc) =	sbr.rel @p1 .LBB2_48-.Ltmp36, $4  }
0x17b: {  	s9 =	sadd.s32 $0x10, s9  }
0x17c: {  	v16 =	vor.u32 s9, v10  }
0x17d: {  	vm11 =	vge.u32 v16, v12;
	vm12 =	vlt.u32 v16, v13  }
0x17e: {  	s12 =	sadd.s32 $0x10, s12;
	vm11 =	vmand vm11, vm12;
	v16 =	vmax.f32 v15, v17  }
.LBB2_49:
0x17f: {  	v10 =	vsel vm11, v16, v15  }
.LBB2_50:
0x180: {  	(xrf0) =	vmax.scan.msk.f32 $0xffff, v10;
	_ =	sdelay $0x2  }
0x181: {  	s12 =	sadd.s32 $0xF, s4  }
0x182: {  	s10 =	sshrl.u32 s3, $0x4;
	s31 =	sshrl.u32 s12, $0x4  }
0x183: {  	p5 =	sle.u32 s31, s10  }
.Ltmp37:
0x184: {  	v10, _, _ =	vpop (xrf0);
	(pc) =	sbr.rel @p5 .LBB2_54-.Ltmp37, $3  }
0x185: {  	v10 =	vbroadcast v10, $0xF;
	_ =	sdelay $0x1  }
0x186: {  	s9 =	smov.u32 s1;
	vm11 =	vcmask $0x2B30;
	s2 =	smin.u32 s2, $0x800;
	v16 =	vimm.f32 $-Inf;
	v10 =	vmax.f32 v14, v10  }
0x187: {  	s9 =	simm.s32 @!p0 $0x0;
	s30 =	sshll.u32 s10, $0x4;
	s3 =	ssub.s32 s31, s10;
	v15 =	vsel vm11, v14, v10;
	v10 =	vimm.f32 $-Inf;
	v14 =	vmov s4  }
0x188: {  	s10 =	sshll.u32 s10, $0x4  }
0x189: {  	s14 =	sor.u32 $0x1000, s10  }
0x18a: {  	p0 =	sne.s32 s3, $0x1;
	v18 =	vld [tilespmem:s14+$0x0]  }
.Ltmp38:
0x18b: {  	_ = 	snop;
	(pc) =	sbr.rel @!p0 .LBB2_53-.Ltmp38, $4  }
0x18c: {  	v16 =	vlaneseq.u32  }
0x18d: {  	v19 =	vor.u32 s10, v16  }
0x18e: {  	v17 =	vimm.f32 $-Inf;
	vm12 =	vge.u32 v19, v13;
	vm13 =	vlt.u32 v19, v14  }
0x18f: {  	s12 =	sadd.s32 $0xFFFFFFFF, s3;
	s14 =	sadd.s32 $0x10, s14;
	vm12 =	vmand vm12, vm13;
	v18 =	vmax.f32 v17, v18  }
.LBB2_52:
0x190: {  	v19 =	vld [tilespmem:s14+$0x0];
	p0 =	sne.s32 s12, $0x1;
	s12 =	sadd.s32 $0xFFFFFFFF, s12;
	v17 =	vsel vm12, v18, v17  }
.Ltmp39:
0x191: {  	(pc) =	sbr.rel @p0 .LBB2_52-.Ltmp39, $4  }
0x192: {  	s10 =	sadd.s32 $0x10, s10  }
0x193: {  	v18 =	vor.u32 s10, v16  }
0x194: {  	vm12 =	vge.u32 v18, v13;
	vm13 =	vlt.u32 v18, v14  }
0x195: {  	s14 =	sadd.s32 $0x10, s14;
	vm12 =	vmand vm12, vm13;
	v18 =	vmax.f32 v17, v19  }
.LBB2_53:
0x196: {  	v16 =	vsel vm12, v18, v17  }
.LBB2_54:
0x197: {  	(xrf0) =	vmax.scan.msk.f32 $0xffff, v16;
	_ =	sdelay $0x2  }
0x198: {  	s10 =	sadd.s32 $0xF, s2  }
0x199: {  	s12 =	sshrl.u32 s4, $0x4;
	s18 =	sshrl.u32 s10, $0x4  }
0x19a: {  	p6 =	sle.u32 s18, s12  }
.Ltmp40:
0x19b: {  	v16, _, _ =	vpop (xrf0);
	(pc) =	sbr.rel @p6 .LBB2_58-.Ltmp40, $3  }
0x19c: {  	v16 =	vbroadcast v16, $0xF;
	_ =	sdelay $0x1  }
0x19d: {  	vm12 =	vcmask $0x2F34;
	v16 =	vmax.f32 v15, v16  }
0x19e: {  	s10 =	smin.u32 s9, $0x800;
	s31 =	sshll.u32 s12, $0x4;
	s4 =	ssub.s32 s18, s12;
	v16 =	vsel vm12, v15, v16;
	v15 =	vmov s2  }
0x19f: {  	s9 =	sshll.u32 s12, $0x4  }
0x1a0: {  	s14 =	sor.u32 $0x1000, s9  }
0x1a1: {  	p0 =	sne.s32 s4, $0x1;
	v18 =	vld [tilespmem:s14+$0x0]  }
.Ltmp41:
0x1a2: {  	_ = 	snop;
	(pc) =	sbr.rel @!p0 .LBB2_57-.Ltmp41, $4  }
0x1a3: {  	v10 =	vlaneseq.u32  }
0x1a4: {  	v19 =	vor.u32 s9, v10  }
0x1a5: {  	v17 =	vimm.f32 $-Inf;
	vm13 =	vge.u32 v19, v14;
	vm14 =	vlt.u32 v19, v15  }
0x1a6: {  	s12 =	sadd.s32 $0xFFFFFFFF, s4;
	s14 =	sadd.s32 $0x10, s14;
	vm13 =	vmand vm13, vm14;
	v18 =	vmax.f32 v17, v18  }
.LBB2_56:
0x1a7: {  	v19 =	vld [tilespmem:s14+$0x0];
	p0 =	sne.s32 s12, $0x1;
	s12 =	sadd.s32 $0xFFFFFFFF, s12;
	v17 =	vsel vm13, v18, v17  }
.Ltmp42:
0x1a8: {  	(pc) =	sbr.rel @p0 .LBB2_56-.Ltmp42, $4  }
0x1a9: {  	s9 =	sadd.s32 $0x10, s9  }
0x1aa: {  	v18 =	vor.u32 s9, v10  }
0x1ab: {  	vm13 =	vge.u32 v18, v14;
	vm14 =	vlt.u32 v18, v15  }
0x1ac: {  	s14 =	sadd.s32 $0x10, s14;
	vm13 =	vmand vm13, vm14;
	v18 =	vmax.f32 v17, v19  }
.LBB2_57:
0x1ad: {  	v10 =	vsel vm13, v18, v17  }
.LBB2_58:
0x1ae: {  	(xrf0) =	vmax.scan.msk.f32 $0xffff, v10;
	_ =	sdelay $0x2  }
0x1af: {  	s9 =	sadd.s32 $0xF, s10  }
0x1b0: {  	s12 =	sshrl.u32 s2, $0x4;
	s18 =	sshrl.u32 s9, $0x4  }
0x1b1: {  	p0 =	sle.u32 s18, s12  }
.Ltmp43:
0x1b2: {  	v10, _, _ =	vpop (xrf0);
	(pc) =	sbr.rel @p0 .LBB2_62-.Ltmp43, $3  }
0x1b3: {  	v10 =	vbroadcast v10, $0xF;
	_ =	sdelay $0x1  }
0x1b4: {  	vm13 =	vcmask $0x3338;
	v18 =	vimm.f32 $-Inf;
	v10 =	vmax.f32 v16, v10  }
0x1b5: {  	s2 =	sshll.u32 s12, $0x4;
	s9 =	ssub.s32 s18, s12;
	v17 =	vsel vm13, v16, v10;
	v10 =	vimm.f32 $-Inf;
	v16 =	vmov s10  }
0x1b6: {  	s12 =	sshll.u32 s12, $0x4  }
0x1b7: {  	s16 =	sor.u32 $0x1000, s12  }
0x1b8: {  	p1 =	sne.s32 s9, $0x1;
	v20 =	vld [tilespmem:s16+$0x0]  }
.Ltmp44:
0x1b9: {  	_ = 	snop;
	(pc) =	sbr.rel @!p1 .LBB2_61-.Ltmp44, $4  }
0x1ba: {  	v18 =	vlaneseq.u32  }
0x1bb: {  	v21 =	vor.u32 s12, v18  }
0x1bc: {  	v19 =	vimm.f32 $-Inf;
	vm14 =	vge.u32 v21, v15;
	vm15 =	vlt.u32 v21, v16  }
0x1bd: {  	s14 =	sadd.s32 $0xFFFFFFFF, s9;
	s16 =	sadd.s32 $0x10, s16;
	vm14 =	vmand vm14, vm15;
	v20 =	vmax.f32 v19, v20  }
.LBB2_60:
0x1be: {  	v21 =	vld [tilespmem:s16+$0x0];
	p1 =	sne.s32 s14, $0x1;
	s14 =	sadd.s32 $0xFFFFFFFF, s14;
	v19 =	vsel vm14, v20, v19  }
.Ltmp45:
0x1bf: {  	(pc) =	sbr.rel @p1 .LBB2_60-.Ltmp45, $4  }
0x1c0: {  	s12 =	sadd.s32 $0x10, s12  }
0x1c1: {  	v20 =	vor.u32 s12, v18  }
0x1c2: {  	vm14 =	vge.u32 v20, v15;
	vm15 =	vlt.u32 v20, v16  }
0x1c3: {  	s16 =	sadd.s32 $0x10, s16;
	vm14 =	vmand vm14, vm15;
	v20 =	vmax.f32 v19, v21  }
.LBB2_61:
0x1c4: {  	v18 =	vsel vm14, v20, v19  }
.LBB2_62:
0x1c5: {  	(xrf0) =	vmax.scan.msk.f32 $0xffff, v18;
	_ =	sdelay $0x4  }
0x1c6: {  	p1 =	sgt.s32 s1, $0x7FF  }
.Ltmp46:
0x1c7: {  	v18, _, _ =	vpop (xrf0);
	(pc) =	sbr.rel @p1 .LBB2_66-.Ltmp46, $4  }
0x1c8: {  	s12 =	sshrl.u32 s10, $0x4;
	v18 =	vbroadcast v18, $0xF  }
0x1c9: {  	s16 =	stileid.u32;
	s18 =	smax.u32 s12, $0x7F  }
0x1ca: {  	vm14 =	vcmask $0x373C;
	s14 =	rddreg [dreg:$0x5];
	s10 =	sshll.u32 s16, $0x4;
	s1 =	ssub.s32 s18, s12;
	v18 =	vmax.f32 v17, v18  }
0x1cb: {  	s16 =	sadd.s32 s14, s5;
	[dreg:$0x10] =	wrdreg s1;
	s1 =	sshll.u32 s12, $0x4;
	v17 =	vsel vm14, v17, v18  }
0x1cc: {  	s5 =	sshll.u32 s12, $0x4;
	s18 =	rddreg [dreg:$0x10]  }
0x1cd: {  	s14 =	sor.u32 $0x1000, s5;
	s12 =	sadd.s32 $0x1, s18  }
0x1ce: {  	v19 =	vld [tilespmem:s14+$0x0];
	p2 =	sne.s32 s12, $0x1  }
.Ltmp47:
0x1cf: {  	_ = 	snop;
	(pc) =	sbr.rel @!p2 .LBB2_65-.Ltmp47, $4  }
0x1d0: {  	v10 =	vlaneseq.u32  }
0x1d1: {  	v20 =	vmov s5;
	v21 =	vor.u32 s5, v10  }
0x1d2: {  	v18 =	vimm.f32 $-Inf;
	vm15 =	vge.u32 v21, v16;
	vm1 =	vlt.u32 v20, $0x800  }
0x1d3: {  	s12 =	sadd.s32 $0xFFFFFFFF, s12;
	s14 =	sadd.s32 $0x10, s14;
	vm15 =	vmand vm1, vm15;
	v19 =	vmax.f32 v18, v19  }
.LBB2_64:
0x1d4: {  	v20 =	vld [tilespmem:s14+$0x0];
	p2 =	sne.s32 s12, $0x1;
	s12 =	sadd.s32 $0xFFFFFFFF, s12;
	v18 =	vsel vm15, v19, v18  }
.Ltmp48:
0x1d5: {  	(pc) =	sbr.rel @p2 .LBB2_64-.Ltmp48, $4  }
0x1d6: {  	s5 =	sadd.s32 $0x10, s5  }
0x1d7: {  	v19 =	vmov s5;
	v21 =	vor.u32 s5, v10  }
0x1d8: {  	vm1 =	vge.u32 v21, v16;
	vm15 =	vlt.u32 v19, $0x800  }
0x1d9: {  	s14 =	sadd.s32 $0x10, s14;
	vm15 =	vmand vm15, vm1;
	v19 =	vmax.f32 v18, v20  }
.LBB2_65:
0x1da: {  	v10 =	vsel vm15, v19, v18  }
.LBB2_66:
0x1db: {  	(xrf0) =	vmax.scan.msk.f32 $0xffff, v10;
	_ =	sdelay $0x5  }
0x1dc: {  	v10, _, _ =	vpop (xrf0)  }
0x1dd: {  	s5 =	rddreg [dreg:$0x6];
	v10 =	vbroadcast v10, $0xF  }
0x1de: {  	s12 =	rddreg [dreg:$0x7];
	s14 =	sadd.s32 $0x80, s16  }
0x1df: {  	vm15 =	vmmov $0x7fff;
	s5 =	sadd.s32 s10, s5;
	[dreg:$0x9] =	wrdreg s14;
	v10 =	vmax.f32 v17, v10  }
0x1e0: {  	[dreg:$0x12] =	wrdreg s5;
	s5 =	sadd.s32 s10, s12;
	v10 =	vsel vm15, v17, v10  }
0x1e1: {  	s14 =	simm.s32 $0x820;
	[dreg:$0x11] =	wrdreg s5;
	[tilespmem:$0x2880] =	vst v10  }
0x1e2: {  	v17 =	vld [tilespmem:s14+$0x10]  }
0x1e3: {  	v18 =	vld [tilespmem:s14+$0xFFFFFFE0]  }
0x1e4: {  	v19 =	vld [tilespmem:s14+$0xFFFFFFF0]  }
0x1e5: {  	s12 =	simm.s32 $0x1020;
	v20 =	vld [tilespmem:s14+$0x0]  }
0x1e6: {  	s18 =	smov.u32 s16;
	s16 =	simm.s32 $0x860;
	v21 =	vld [tilespmem:s12+$0x10]  }
0x1e7: {  	v22 =	vld [tilespmem:s16+$0x10]  }
0x1e8: {  	v23 =	vld [tilespmem:s16+$0xFFFFFFE0]  }
0x1e9: {  	v24 =	vld [tilespmem:s16+$0xFFFFFFF0]  }
0x1ea: {  	s10 =	simm.s32 $0x2880;
	v25 =	vld [tilespmem:s16+$0x0]  }
0x1eb: {  	v17 =	vld.idx.msk [tilespmem:v17+s10+$0x0], $0xffff  }
0x1ec: {  	v26 =	vld [tilespmem:s12+$0xFFFFFFF0]  }
0x1ed: {  	v27 =	vld [tilespmem:s12+$0x0]  }
0x1ee: {  	v19 =	vld.idx.msk [tilespmem:v19+s10+$0x0], $0xffff  }
0x1ef: {  	v28 =	vld [tilespmem:s12+$0xFFFFFFE0];
	s12 =	simm.s32 $0x1060  }
0x1f0: {  	v29 =	vld [tilespmem:s12+$0x10];
	v21 =	vsub.f32 v21, v17  }
0x1f1: {  	v20 =	vld.idx.msk [tilespmem:v20+s10+$0x0], $0xffff  }
0x1f2: {  	s16 =	simm.s32 $0x8A0;
	v18 =	vld.idx.msk [tilespmem:v18+s10+$0x0], $0xffff;
	v21 =	vmul.f32 $1.442695020e+00, v21  }
0x1f3: {  	v19 =	vsub.f32 v26, v19;
	v26 =	vld [tilespmem:s16+$0x10]  }
0x1f4: {  	v22 =	vld.idx.msk [tilespmem:v22+s10+$0x0], $0xffff;
	(erf) = vpow2.f32 v21;
	_ =	sdelay $0x1  }
0x1f5: {  	v30 =	vld [tilespmem:s16+$0xFFFFFFE0];
	v20 =	vsub.f32 v27, v20  }
0x1f6: {  	v31 =	vld [tilespmem:s16+$0xFFFFFFF0];
	v18 =	vsub.f32 v28, v18;
	v19 =	vmul.f32 $1.442695020e+00, v19  }
0x1f7: {  	v63 =	vld [tilespmem:s12+$0x0];
	v20 =	vmul.f32 $1.442695020e+00, v20  }
0x1f8: {  	v24 =	vld.idx.msk [tilespmem:v24+s10+$0x0], $0xffff;
	v22 =	vsub.f32 v29, v22;
	v18 =	vmul.f32 $1.442695020e+00, v18;
	(erf) = vpow2.f32 v19  }
0x1f9: {  	v25 =	vld.idx.msk [tilespmem:v25+s10+$0x0], $0xffff;
	(erf) = vpow2.f32 v20  }
0x1fa: {  	(erf) = vpow2.f32 v18;
	v21 =	vld.idx.msk [tilespmem:v26+s10+$0x0], $0xffff;
	v26 =	vmul.f32 $1.442695020e+00, v22  }
0x1fb: {  	v27 =	vld [tilespmem:s12+$0xFFFFFFF0]  }
0x1fc: {  	v17 =	vld.idx.msk [tilespmem:v23+s10+$0x0], $0xffff;
	v18 =	vpop (erf);
	(erf) = vpow2.f32 v26  }
0x1fd: {  	v23 =	vld [tilespmem:s12+$0xFFFFFFE0]  }
0x1fe: {  	s12 =	simm.s32 $0x10A0;
	v19 =	vld [tilespmem:s16+$0x0]  }
0x1ff: {  	v22 =	vld [tilespmem:s12+$0x10]  }
0x200: {  	s5 =	simm.s32 $0x1820;
	v20 =	vld.idx.msk [tilespmem:v30+s10+$0x0], $0xffff;
	v26 =	vsub.f32 v27, v24  }
0x201: {  	s14 =	simm.s32 $0x8;
	v25 =	vsub.f32 v63, v25;
	s16 =	simm.s32 $0x8E0;
	[tilespmem:s5+$0x10] =	vst v18;
	v18 =	vld.idx.msk [tilespmem:v31+s10+$0x0], $0xffff;
	v24 =	vpop (erf)  }
.LBB2_67:
0x202: {  	v27 =	vld [tilespmem:s16+$0x10];
	s14 =	sadd.s32 $0x4, s14;
	v17 =	vsub.f32 v23, v17;
	v29 =	vmul.f32 $1.442695020e+00, v26;
	[tilespmem:s5+$0xFFFFFFF0] =	vst v24;
	v24 =	vpop (erf)  }
0x203: {  	v26 =	vld [tilespmem:s16+$0xFFFFFFE0];
	p2 =	slt.u32 s14, $0x7C;
	v25 =	vmul.f32 $1.442695020e+00, v25;
	[tilespmem:s5+$0x0] =	vst v24;
	v24 =	vpop (erf)  }
0x204: {  	v28 =	vld [tilespmem:s16+$0xFFFFFFF0];
	v21 =	vsub.f32 v22, v21;
	v30 =	vmul.f32 $1.442695020e+00, v17;
	(erf) = vpow2.f32 v29;
	[tilespmem:s5+$0xFFFFFFE0] =	vst v24  }
0x205: {  	s5 =	sadd.s32 $0x40, s5;
	v22 =	vld [tilespmem:s16+$0x0];
	(erf) = vpow2.f32 v25;
	v23 =	vpop (erf)  }
0x206: {  	v24 =	vld.idx.msk [tilespmem:v19+s10+$0x0], $0xffff;
	v19 =	vmul.f32 $1.442695020e+00, v21;
	[tilespmem:s5+$0x10] =	vst v23;
	(erf) = vpow2.f32 v30;
	v17 =	vmov v20  }
0x207: {  	v25 =	vld [tilespmem:s12+$0xFFFFFFF0]  }
0x208: {  	v29 =	vld [tilespmem:s12+$0x0];
	(erf) = vpow2.f32 v19  }
.Ltmp49:
0x209: {  	v23 =	vld [tilespmem:s12+$0xFFFFFFE0];
	(pc) =	sbr.rel @p2 .LBB2_67-.Ltmp49, $4  }
0x20a: {  	s12 =	sadd.s32 $0x40, s12;
	v21 =	vld.idx.msk [tilespmem:v27+s10+$0x0], $0xffff;
	v19 =	vmov v22  }
0x20b: {  	v22 =	vld [tilespmem:s12+$0x10]  }
0x20c: {  	v20 =	vld.idx.msk [tilespmem:v26+s10+$0x0], $0xffff;
	v26 =	vsub.f32 v25, v18  }
0x20d: {  	s16 =	sadd.s32 $0x40, s16;
	v18 =	vld.idx.msk [tilespmem:v28+s10+$0x0], $0xffff;
	v25 =	vsub.f32 v29, v24;
	v24 =	vpop (erf)  }
0x20e: {  	_ =	sdelay $0x3  }
0x20f: {  	v19 =	vld.idx.msk [tilespmem:v19+s10+$0x0], $0xffff  }
0x210: {  	v27 =	vld [tilespmem:s12+$0xFFFFFFF0]  }
0x211: {  	v28 =	vld [tilespmem:s12+$0x0]  }
0x212: {  	v29 =	vld [tilespmem:s12+$0xFFFFFFE0]  }
0x213: {  	v17 =	vsub.f32 v23, v17;
	v62 =	vmul.f32 $1.442695020e+00, v26  }
0x214: {  	v63 =	vmul.f32 $1.442695020e+00, v25;
	v21 =	vsub.f32 v22, v21  }
0x215: {  	(erf) = vpow2.f32 v62;
	v17 =	vmul.f32 $1.442695020e+00, v17  }
0x216: {  	(erf) = vpow2.f32 v63;
	v21 =	vmul.f32 $1.442695020e+00, v21;
	v18 =	vsub.f32 v27, v18  }
0x217: {  	(erf) = vpow2.f32 v17;
	v19 =	vsub.f32 v28, v19;
	v17 =	vsub.f32 v29, v20  }
0x218: {  	(erf) = vpow2.f32 v21;
	v18 =	vmul.f32 $1.442695020e+00, v18  }
0x219: {  	v19 =	vmul.f32 $1.442695020e+00, v19;
	v17 =	vmul.f32 $1.442695020e+00, v17  }
0x21a: {  	(erf) = vpow2.f32 v18  }
0x21b: {  	(erf) = vpow2.f32 v19  }
0x21c: {  	[tilespmem:s5+$0xFFFFFFF0] =	vst v24;
	v18 =	vpop (erf);
	(erf) = vpow2.f32 v17  }
0x21d: {  	v17 =	vpop (erf);
	[tilespmem:s5+$0x0] =	vst v18  }
0x21e: {  	s16 =	sadd.s32 $0x40, s5;
	v18 =	vpop (erf);
	[tilespmem:s5+$0xFFFFFFE0] =	vst v17  }
0x21f: {  	v17 =	vpop (erf);
	[tilespmem:s16+$0x10] =	vst v18  }
0x220: {  	v18 =	vpop (erf);
	[tilespmem:s16+$0xFFFFFFF0] =	vst v17  }
0x221: {  	v17 =	vpop (erf);
	[tilespmem:s16+$0x0] =	vst v18  }
0x222: {  	s5 =	sadd.s32 $0x40, s16;
	[tilespmem:s16+$0xFFFFFFE0] =	vst v17;
	v17 =	vpop (erf)  }
0x223: {  	[tilespmem:s5+$0x10] =	vst v17;
	v17 =	vpop (erf)  }
0x224: {  	[tilespmem:s5+$0xFFFFFFF0] =	vst v17;
	v17 =	vpop (erf)  }
0x225: {  	[tilespmem:s5+$0x0] =	vst v17;
	v17 =	vpop (erf)  }
0x226: {  	[tilespmem:s5+$0xFFFFFFE0] =	vst v17  }
0x227: {  	s5 =	sld [smem:$0x7FD];
	_ =	sdelay $0x2  }
0x228: {  	p2 =	seq.s32 s5, $0x1  }
.Ltmp50:
0x229: {  	_ = 	snop;
	(pc) =	sbr.rel @p2 .LBB2_72-.Ltmp50, $2  }
0x22a: {  	_ =	sdelay $0x2  }
0x22b: {  	v18 =	vimm.f32 $0.0e+00;
	v17 =	vimm.f32 $0.0e+00  }
0x22c: {  	v19 =	vlaneseq.u32  }
0x22d: {  	s10 =	sadd.s32 $0x1800, s6;
	vm14 =	vmmov vm13;
	vm13 =	vmmov vm12;
	vm12 =	vmmov vm11;
	s5 =	rddreg [dreg:$0xa]  }
0x22e: {  	vm11 =	vmmov vm10;
	vm10 =	vmmov vm9;
	vm9 =	vmmov vm8;
	v20 =	vld [tilespmem:s10+$0x0];
	p2 =	sne.s32 s5, $0x1  }
.Ltmp51:
0x22f: {  	vm8 =	vmmov vm7;
	vm7 =	vmmov vm6;
	vm6 =	vmmov vm5;
	(pc) =	sbr.rel @!p2 .LBB2_71-.Ltmp51, $4  }
0x230: {  	vm5 =	vmmov vm4;
	vm4 =	vmmov vm3;
	v21 =	vor.u32 s6, v19  }
0x231: {  	vm3 =	vmmov vm2;
	vm1 =	vge.u32 v21, v4;
	vm2 =	vlt.u32 v21, v0  }
0x232: {  	vm1 =	vmand vm1, vm2  }
0x233: {  	v18 =	vimm.f32 $0.0e+00;
	s5 =	sadd.s32 $0xFFFFFFFF, s5;
	s10 =	sadd.s32 $0x10, s10;
	v20 =	vnsel vm1, $0x0, v20  }
.LBB2_70:
0x234: {  	v21 =	vld [tilespmem:s10+$0x0];
	p2 =	sne.s32 s5, $0x1;
	s5 =	sadd.s32 $0xFFFFFFFF, s5;
	v18 =	vadd.f32 v20, v18  }
.Ltmp52:
0x235: {  	s6 =	sadd.s32 $0x10, s6;
	(pc) =	sbr.rel @p2 .LBB2_70-.Ltmp52, $4  }
0x236: {  	v20 =	vor.u32 s6, v19  }
0x237: {  	vm1 =	vge.u32 v20, v4;
	vm2 =	vlt.u32 v20, v0  }
0x238: {  	vm1 =	vmand vm1, vm2  }
0x239: {  	s10 =	sadd.s32 $0x10, s10;
	v20 =	vnsel vm1, $0x0, v21  }
.LBB2_71:
0x23a: {  	v18 =	vadd.f32 v20, v18;
	vm2 =	vmmov vm3  }
0x23b: {  	vm3 =	vmmov vm4;
	vm4 =	vmmov vm5;
	vm5 =	vmmov vm6  }
0x23c: {  	vm6 =	vmmov vm7;
	vm7 =	vmmov vm8;
	vm8 =	vmmov vm9  }
0x23d: {  	vm9 =	vmmov vm10;
	vm10 =	vmmov vm11;
	vm11 =	vmmov vm12  }
0x23e: {  	vm12 =	vmmov vm13;
	vm13 =	vmmov vm14;
	vm14 =	vcmask $0x373C  }
.LBB2_72:
0x23f: {  	(xrf2) =	vadd.scan.msk.f32 $0xffff, v18;
	_ =	sdelay $0x6  }
0x240: {  	s5 =	sld [smem:$0x7FC];
	_ =	sdelay $0x2  }
0x241: {  	p2 =	seq.s32 s5, $0x1;
	v4, _, _ =	vpop (xrf2)  }
.Ltmp53:
0x242: {  	v4 =	vadd.f32 $0.0e+00, v4;
	(pc) =	sbr.rel @p2 .LBB2_76-.Ltmp53, $3  }
0x243: {  	_ = 	snop  }
0x244: {  	v4 =	vbroadcast v4, $0xF;
	_ =	sdelay $0x1  }
0x245: {  	v4 =	vnsel vm0, $0x0, v4  }
0x246: {  	s6 =	sadd.s32 $0x1800, s7;
	s5 =	rddreg [dreg:$0xb]  }
0x247: {  	v19 =	vld [tilespmem:s6+$0x0];
	p2 =	sne.s32 s5, $0x1  }
.Ltmp54:
0x248: {  	v17 =	vlaneseq.u32;
	(pc) =	sbr.rel @!p2 .LBB2_75-.Ltmp54, $4  }
0x249: {  	v18 =	vor.u32 s7, v17  }
0x24a: {  	vm0 =	vge.u32 v18, v0;
	vm1 =	vlt.u32 v18, v1  }
0x24b: {  	vm0 =	vmand vm0, vm1  }
0x24c: {  	s5 =	sadd.s32 $0xFFFFFFFF, s5;
	s6 =	sadd.s32 $0x10, s6;
	v18 =	vimm.f32 $0.0e+00;
	v19 =	vnsel vm0, $0x0, v19  }
.LBB2_74:
0x24d: {  	v20 =	vld [tilespmem:s6+$0x0];
	p2 =	sne.s32 s5, $0x1;
	s5 =	sadd.s32 $0xFFFFFFFF, s5;
	v18 =	vadd.f32 v19, v18  }
.Ltmp55:
0x24e: {  	s7 =	sadd.s32 $0x10, s7;
	(pc) =	sbr.rel @p2 .LBB2_74-.Ltmp55, $4  }
0x24f: {  	v19 =	vor.u32 s7, v17  }
0x250: {  	vm0 =	vge.u32 v19, v0;
	vm1 =	vlt.u32 v19, v1  }
0x251: {  	vm0 =	vmand vm0, vm1  }
0x252: {  	s6 =	sadd.s32 $0x10, s6;
	v19 =	vnsel vm0, $0x0, v20  }
.LBB2_75:
0x253: {  	v17 =	vadd.f32 v19, v18  }
.LBB2_76:
0x254: {  	_ = 	snop  }
0x255: {  	(xrf2) =	vadd.scan.msk.f32 $0xffff, v17;
	_ =	sdelay $0x6  }
0x256: {  	s5 =	sld [smem:$0x7FB];
	_ =	sdelay $0x2  }
0x257: {  	p2 =	seq.s32 s5, $0x1;
	v0, _, _ =	vpop (xrf2)  }
.Ltmp56:
0x258: {  	v0 =	vbroadcast v0, $0xF;
	(pc) =	sbr.rel @p2 .LBB2_80-.Ltmp56, $4  }
0x259: {  	_ = 	snop  }
0x25a: {  	v0 =	vadd.f32 v0, v4  }
0x25b: {  	vm0 =	vcmask $0x308  }
0x25c: {  	v17 =	vimm.f32 $0.0e+00;
	v4 =	vsel vm0, v4, v0;
	v0 =	vimm.f32 $0.0e+00  }
0x25d: {  	s6 =	sadd.s32 $0x1800, s8;
	s5 =	rddreg [dreg:$0xc]  }
0x25e: {  	v19 =	vld [tilespmem:s6+$0x0];
	p2 =	sne.s32 s5, $0x1  }
.Ltmp57:
0x25f: {  	v17 =	vlaneseq.u32;
	(pc) =	sbr.rel @!p2 .LBB2_79-.Ltmp57, $4  }
0x260: {  	v18 =	vor.u32 s8, v17  }
0x261: {  	vm0 =	vge.u32 v18, v1;
	vm1 =	vlt.u32 v18, v2  }
0x262: {  	vm0 =	vmand vm0, vm1  }
0x263: {  	s5 =	sadd.s32 $0xFFFFFFFF, s5;
	s6 =	sadd.s32 $0x10, s6;
	v18 =	vimm.f32 $0.0e+00;
	v19 =	vnsel vm0, $0x0, v19  }
.LBB2_78:
0x264: {  	v20 =	vld [tilespmem:s6+$0x0];
	p2 =	sne.s32 s5, $0x1;
	s5 =	sadd.s32 $0xFFFFFFFF, s5;
	v18 =	vadd.f32 v19, v18  }
.Ltmp58:
0x265: {  	s8 =	sadd.s32 $0x10, s8;
	(pc) =	sbr.rel @p2 .LBB2_78-.Ltmp58, $4  }
0x266: {  	v19 =	vor.u32 s8, v17  }
0x267: {  	vm0 =	vge.u32 v19, v1;
	vm1 =	vlt.u32 v19, v2  }
0x268: {  	vm0 =	vmand vm0, vm1  }
0x269: {  	s6 =	sadd.s32 $0x10, s6;
	v19 =	vnsel vm0, $0x0, v20  }
.LBB2_79:
0x26a: {  	v17 =	vadd.f32 v19, v18  }
.LBB2_80:
0x26b: {  	_ = 	snop  }
0x26c: {  	(xrf2) =	vadd.scan.msk.f32 $0xffff, v17;
	_ =	sdelay $0x6  }
0x26d: {  	s5 =	sld [smem:$0x7FA];
	_ =	sdelay $0x2  }
0x26e: {  	p2 =	seq.s32 s5, $0x1;
	v1, _, _ =	vpop (xrf2)  }
.Ltmp59:
0x26f: {  	v1 =	vbroadcast v1, $0xF;
	(pc) =	sbr.rel @p2 .LBB2_84-.Ltmp59, $3  }
0x270: {  	_ = 	snop  }
0x271: {  	v1 =	vadd.f32 v1, v4;
	_ =	sdelay $0x1  }
0x272: {  	v1 =	vsel vm2, v4, v1  }
0x273: {  	s6 =	sadd.s32 $0x1800, s11;
	s5 =	rddreg [dreg:$0xd]  }
0x274: {  	v17 =	vld [tilespmem:s6+$0x0];
	p2 =	sne.s32 s5, $0x1  }
.Ltmp60:
0x275: {  	v0 =	vlaneseq.u32;
	(pc) =	sbr.rel @!p2 .LBB2_83-.Ltmp60, $4  }
0x276: {  	v4 =	vor.u32 s11, v0  }
0x277: {  	vm0 =	vge.u32 v4, v2;
	vm1 =	vlt.u32 v4, v3  }
0x278: {  	vm0 =	vmand vm0, vm1  }
0x279: {  	s5 =	sadd.s32 $0xFFFFFFFF, s5;
	s6 =	sadd.s32 $0x10, s6;
	v4 =	vimm.f32 $0.0e+00;
	v17 =	vnsel vm0, $0x0, v17  }
.LBB2_82:
0x27a: {  	v18 =	vld [tilespmem:s6+$0x0];
	p2 =	sne.s32 s5, $0x1;
	s5 =	sadd.s32 $0xFFFFFFFF, s5;
	v4 =	vadd.f32 v17, v4  }
.Ltmp61:
0x27b: {  	s11 =	sadd.s32 $0x10, s11;
	(pc) =	sbr.rel @p2 .LBB2_82-.Ltmp61, $4  }
0x27c: {  	v17 =	vor.u32 s11, v0  }
0x27d: {  	vm0 =	vge.u32 v17, v2;
	vm1 =	vlt.u32 v17, v3  }
0x27e: {  	vm0 =	vmand vm0, vm1  }
0x27f: {  	s6 =	sadd.s32 $0x10, s6;
	v17 =	vnsel vm0, $0x0, v18  }
.LBB2_83:
0x280: {  	v0 =	vadd.f32 v17, v4  }
.LBB2_84:
0x281: {  	_ = 	snop  }
0x282: {  	(xrf2) =	vadd.scan.msk.f32 $0xffff, v0;
	_ =	sdelay $0x6  }
0x283: {  	s5 =	sld [smem:$0x7F9];
	_ =	sdelay $0x2  }
0x284: {  	p2 =	seq.s32 s5, $0x1;
	v0, _, _ =	vpop (xrf2)  }
.Ltmp62:
0x285: {  	v0 =	vbroadcast v0, $0xF;
	(pc) =	sbr.rel @p2 .LBB2_88-.Ltmp62, $3  }
0x286: {  	_ = 	snop  }
0x287: {  	v0 =	vadd.f32 v0, v1;
	_ =	sdelay $0x1  }
0x288: {  	v2 =	vimm.f32 $0.0e+00;
	v1 =	vsel vm3, v1, v0;
	v0 =	vimm.f32 $0.0e+00  }
0x289: {  	s6 =	sadd.s32 $0x1800, s13;
	s5 =	rddreg [dreg:$0xe]  }
0x28a: {  	v17 =	vld [tilespmem:s6+$0x0];
	p2 =	sne.s32 s5, $0x1  }
.Ltmp63:
0x28b: {  	v2 =	vlaneseq.u32;
	(pc) =	sbr.rel @!p2 .LBB2_87-.Ltmp63, $4  }
0x28c: {  	v4 =	vor.u32 s13, v2  }
0x28d: {  	vm0 =	vge.u32 v4, v3;
	vm1 =	vlt.u32 v4, v5  }
0x28e: {  	vm0 =	vmand vm0, vm1  }
0x28f: {  	s5 =	sadd.s32 $0xFFFFFFFF, s5;
	s6 =	sadd.s32 $0x10, s6;
	v4 =	vimm.f32 $0.0e+00;
	v17 =	vnsel vm0, $0x0, v17  }
.LBB2_86:
0x290: {  	v18 =	vld [tilespmem:s6+$0x0];
	p2 =	sne.s32 s5, $0x1;
	s5 =	sadd.s32 $0xFFFFFFFF, s5;
	v4 =	vadd.f32 v17, v4  }
.Ltmp64:
0x291: {  	s13 =	sadd.s32 $0x10, s13;
	(pc) =	sbr.rel @p2 .LBB2_86-.Ltmp64, $4  }
0x292: {  	v17 =	vor.u32 s13, v2  }
0x293: {  	vm0 =	vge.u32 v17, v3;
	vm1 =	vlt.u32 v17, v5  }
0x294: {  	vm0 =	vmand vm0, vm1  }
0x295: {  	s6 =	sadd.s32 $0x10, s6;
	v17 =	vnsel vm0, $0x0, v18  }
.LBB2_87:
0x296: {  	v2 =	vadd.f32 v17, v4  }
.LBB2_88:
0x297: {  	_ = 	snop  }
0x298: {  	(xrf2) =	vadd.scan.msk.f32 $0xffff, v2;
	_ =	sdelay $0x6  }
0x299: {  	s5 =	sld [smem:$0x7F8];
	_ =	sdelay $0x2  }
0x29a: {  	p2 =	seq.s32 s5, $0x1;
	v2, _, _ =	vpop (xrf2)  }
.Ltmp65:
0x29b: {  	v2 =	vbroadcast v2, $0xF;
	(pc) =	sbr.rel @p2 .LBB2_92-.Ltmp65, $3  }
0x29c: {  	_ = 	snop  }
0x29d: {  	v2 =	vadd.f32 v2, v1;
	_ =	sdelay $0x1  }
0x29e: {  	v1 =	vsel vm4, v1, v2  }
0x29f: {  	s6 =	sadd.s32 $0x1800, s15;
	s5 =	rddreg [dreg:$0xf]  }
0x2a0: {  	v3 =	vld [tilespmem:s6+$0x0];
	p2 =	sne.s32 s5, $0x1  }
.Ltmp66:
0x2a1: {  	v0 =	vlaneseq.u32;
	(pc) =	sbr.rel @!p2 .LBB2_91-.Ltmp66, $4  }
0x2a2: {  	v2 =	vor.u32 s15, v0  }
0x2a3: {  	vm0 =	vge.u32 v2, v5;
	vm1 =	vlt.u32 v2, v6  }
0x2a4: {  	vm0 =	vmand vm0, vm1  }
0x2a5: {  	s5 =	sadd.s32 $0xFFFFFFFF, s5;
	s6 =	sadd.s32 $0x10, s6;
	v2 =	vimm.f32 $0.0e+00;
	v3 =	vnsel vm0, $0x0, v3  }
.LBB2_90:
0x2a6: {  	v4 =	vld [tilespmem:s6+$0x0];
	p2 =	sne.s32 s5, $0x1;
	s5 =	sadd.s32 $0xFFFFFFFF, s5;
	v2 =	vadd.f32 v3, v2  }
.Ltmp67:
0x2a7: {  	s15 =	sadd.s32 $0x10, s15;
	(pc) =	sbr.rel @p2 .LBB2_90-.Ltmp67, $4  }
0x2a8: {  	v3 =	vor.u32 s15, v0  }
0x2a9: {  	vm0 =	vge.u32 v3, v5;
	vm1 =	vlt.u32 v3, v6  }
0x2aa: {  	vm0 =	vmand vm0, vm1  }
0x2ab: {  	s6 =	sadd.s32 $0x10, s6;
	v3 =	vnsel vm0, $0x0, v4  }
.LBB2_91:
0x2ac: {  	v0 =	vadd.f32 v3, v2  }
.LBB2_92:
0x2ad: {  	_ = 	snop  }
0x2ae: {  	(xrf2) =	vadd.scan.msk.f32 $0xffff, v0;
	_ =	sdelay $0x6  }
0x2af: {  	s5 =	sld [smem:$0x7F7];
	_ =	sdelay $0x2  }
0x2b0: {  	p2 =	seq.s32 s5, $0x1;
	v0, _, _ =	vpop (xrf2)  }
.Ltmp68:
0x2b1: {  	v0 =	vbroadcast v0, $0xF;
	(pc) =	sbr.rel @p2 .LBB2_96-.Ltmp68, $3  }
0x2b2: {  	_ = 	snop  }
0x2b3: {  	v0 =	vadd.f32 v0, v1;
	_ =	sdelay $0x1  }
0x2b4: {  	v2 =	vimm.f32 $0.0e+00;
	v1 =	vsel vm5, v1, v0;
	v0 =	vimm.f32 $0.0e+00  }
0x2b5: {  	s6 =	sadd.s32 $0x1800, s17  }
0x2b6: {  	p2 =	sne.s32 s20, $0x1;
	v4 =	vld [tilespmem:s6+$0x0]  }
.Ltmp69:
0x2b7: {  	v2 =	vlaneseq.u32;
	(pc) =	sbr.rel @!p2 .LBB2_95-.Ltmp69, $4  }
0x2b8: {  	v3 =	vor.u32 s17, v2  }
0x2b9: {  	vm0 =	vge.u32 v3, v6;
	vm1 =	vlt.u32 v3, v7  }
0x2ba: {  	vm0 =	vmand vm0, vm1  }
0x2bb: {  	s5 =	sadd.s32 $0xFFFFFFFF, s20;
	s6 =	sadd.s32 $0x10, s6;
	v3 =	vimm.f32 $0.0e+00;
	v4 =	vnsel vm0, $0x0, v4  }
.LBB2_94:
0x2bc: {  	v5 =	vld [tilespmem:s6+$0x0];
	p2 =	sne.s32 s5, $0x1;
	s5 =	sadd.s32 $0xFFFFFFFF, s5;
	v3 =	vadd.f32 v4, v3  }
.Ltmp70:
0x2bd: {  	s17 =	sadd.s32 $0x10, s17;
	(pc) =	sbr.rel @p2 .LBB2_94-.Ltmp70, $4  }
0x2be: {  	v4 =	vor.u32 s17, v2  }
0x2bf: {  	vm0 =	vge.u32 v4, v6;
	vm1 =	vlt.u32 v4, v7  }
0x2c0: {  	vm0 =	vmand vm0, vm1  }
0x2c1: {  	s6 =	sadd.s32 $0x10, s6;
	v4 =	vnsel vm0, $0x0, v5  }
.LBB2_95:
0x2c2: {  	v2 =	vadd.f32 v4, v3  }
.LBB2_96:
0x2c3: {  	_ = 	snop  }
0x2c4: {  	(xrf2) =	vadd.scan.msk.f32 $0xffff, v2;
	_ =	sdelay $0x6  }
0x2c5: {  	s5 =	sld [smem:$0x7F6];
	_ =	sdelay $0x2  }
0x2c6: {  	p2 =	seq.s32 s5, $0x1;
	v2, _, _ =	vpop (xrf2)  }
.Ltmp71:
0x2c7: {  	v2 =	vbroadcast v2, $0xF;
	(pc) =	sbr.rel @p2 .LBB2_100-.Ltmp71, $3  }
0x2c8: {  	_ = 	snop  }
0x2c9: {  	v2 =	vadd.f32 v2, v1;
	_ =	sdelay $0x1  }
0x2ca: {  	v1 =	vsel vm6, v1, v2  }
0x2cb: {  	s6 =	sadd.s32 $0x1800, s19  }
0x2cc: {  	p2 =	sne.s32 s22, $0x1;
	v3 =	vld [tilespmem:s6+$0x0]  }
.Ltmp72:
0x2cd: {  	v0 =	vlaneseq.u32;
	(pc) =	sbr.rel @!p2 .LBB2_99-.Ltmp72, $4  }
0x2ce: {  	v2 =	vor.u32 s19, v0  }
0x2cf: {  	vm0 =	vge.u32 v2, v7;
	vm1 =	vlt.u32 v2, v8  }
0x2d0: {  	vm0 =	vmand vm0, vm1  }
0x2d1: {  	s5 =	sadd.s32 $0xFFFFFFFF, s22;
	s6 =	sadd.s32 $0x10, s6;
	v2 =	vimm.f32 $0.0e+00;
	v3 =	vnsel vm0, $0x0, v3  }
.LBB2_98:
0x2d2: {  	v4 =	vld [tilespmem:s6+$0x0];
	p2 =	sne.s32 s5, $0x1;
	s5 =	sadd.s32 $0xFFFFFFFF, s5;
	v2 =	vadd.f32 v3, v2  }
.Ltmp73:
0x2d3: {  	s19 =	sadd.s32 $0x10, s19;
	(pc) =	sbr.rel @p2 .LBB2_98-.Ltmp73, $4  }
0x2d4: {  	v3 =	vor.u32 s19, v0  }
0x2d5: {  	vm0 =	vge.u32 v3, v7;
	vm1 =	vlt.u32 v3, v8  }
0x2d6: {  	vm0 =	vmand vm0, vm1  }
0x2d7: {  	s6 =	sadd.s32 $0x10, s6;
	v3 =	vnsel vm0, $0x0, v4  }
.LBB2_99:
0x2d8: {  	v0 =	vadd.f32 v3, v2  }
.LBB2_100:
0x2d9: {  	_ = 	snop  }
0x2da: {  	(xrf2) =	vadd.scan.msk.f32 $0xffff, v0;
	_ =	sdelay $0x6  }
0x2db: {  	s5 =	sld [smem:$0x7F5];
	_ =	sdelay $0x2  }
0x2dc: {  	p2 =	seq.s32 s5, $0x1;
	v0, _, _ =	vpop (xrf2)  }
.Ltmp74:
0x2dd: {  	v0 =	vbroadcast v0, $0xF;
	(pc) =	sbr.rel @p2 .LBB2_104-.Ltmp74, $3  }
0x2de: {  	_ = 	snop  }
0x2df: {  	v0 =	vadd.f32 v0, v1;
	_ =	sdelay $0x1  }
0x2e0: {  	v2 =	vimm.f32 $0.0e+00;
	v1 =	vsel vm7, v1, v0;
	v0 =	vimm.f32 $0.0e+00  }
0x2e1: {  	s6 =	sadd.s32 $0x1800, s21  }
0x2e2: {  	p2 =	sne.s32 s24, $0x1;
	v4 =	vld [tilespmem:s6+$0x0]  }
.Ltmp75:
0x2e3: {  	v2 =	vlaneseq.u32;
	(pc) =	sbr.rel @!p2 .LBB2_103-.Ltmp75, $4  }
0x2e4: {  	v3 =	vor.u32 s21, v2  }
0x2e5: {  	vm0 =	vge.u32 v3, v8;
	vm1 =	vlt.u32 v3, v9  }
0x2e6: {  	vm0 =	vmand vm0, vm1  }
0x2e7: {  	s5 =	sadd.s32 $0xFFFFFFFF, s24;
	s6 =	sadd.s32 $0x10, s6;
	v3 =	vimm.f32 $0.0e+00;
	v4 =	vnsel vm0, $0x0, v4  }
.LBB2_102:
0x2e8: {  	v5 =	vld [tilespmem:s6+$0x0];
	p2 =	sne.s32 s5, $0x1;
	s5 =	sadd.s32 $0xFFFFFFFF, s5;
	v3 =	vadd.f32 v4, v3  }
.Ltmp76:
0x2e9: {  	s21 =	sadd.s32 $0x10, s21;
	(pc) =	sbr.rel @p2 .LBB2_102-.Ltmp76, $4  }
0x2ea: {  	v4 =	vor.u32 s21, v2  }
0x2eb: {  	vm0 =	vge.u32 v4, v8;
	vm1 =	vlt.u32 v4, v9  }
0x2ec: {  	vm0 =	vmand vm0, vm1  }
0x2ed: {  	s6 =	sadd.s32 $0x10, s6;
	v4 =	vnsel vm0, $0x0, v5  }
.LBB2_103:
0x2ee: {  	v2 =	vadd.f32 v4, v3  }
.LBB2_104:
0x2ef: {  	_ = 	snop  }
0x2f0: {  	(xrf2) =	vadd.scan.msk.f32 $0xffff, v2;
	_ =	sdelay $0x6  }
0x2f1: {  	s5 =	sld [smem:$0x7F4];
	_ =	sdelay $0x2  }
0x2f2: {  	p2 =	seq.s32 s5, $0x1;
	v2, _, _ =	vpop (xrf2)  }
.Ltmp77:
0x2f3: {  	v2 =	vbroadcast v2, $0xF;
	(pc) =	sbr.rel @p2 .LBB2_108-.Ltmp77, $3  }
0x2f4: {  	_ = 	snop  }
0x2f5: {  	v2 =	vadd.f32 v2, v1;
	_ =	sdelay $0x1  }
0x2f6: {  	v1 =	vsel vm8, v1, v2  }
0x2f7: {  	s6 =	sadd.s32 $0x1800, s23  }
0x2f8: {  	p2 =	sne.s32 s26, $0x1;
	v3 =	vld [tilespmem:s6+$0x0]  }
.Ltmp78:
0x2f9: {  	v0 =	vlaneseq.u32;
	(pc) =	sbr.rel @!p2 .LBB2_107-.Ltmp78, $4  }
0x2fa: {  	v2 =	vor.u32 s23, v0  }
0x2fb: {  	vm0 =	vge.u32 v2, v9;
	vm1 =	vlt.u32 v2, v11  }
0x2fc: {  	vm0 =	vmand vm0, vm1  }
0x2fd: {  	s5 =	sadd.s32 $0xFFFFFFFF, s26;
	s6 =	sadd.s32 $0x10, s6;
	v2 =	vimm.f32 $0.0e+00;
	v3 =	vnsel vm0, $0x0, v3  }
.LBB2_106:
0x2fe: {  	v4 =	vld [tilespmem:s6+$0x0];
	p2 =	sne.s32 s5, $0x1;
	s5 =	sadd.s32 $0xFFFFFFFF, s5;
	v2 =	vadd.f32 v3, v2  }
.Ltmp79:
0x2ff: {  	s23 =	sadd.s32 $0x10, s23;
	(pc) =	sbr.rel @p2 .LBB2_106-.Ltmp79, $4  }
0x300: {  	v3 =	vor.u32 s23, v0  }
0x301: {  	vm0 =	vge.u32 v3, v9;
	vm1 =	vlt.u32 v3, v11  }
0x302: {  	vm0 =	vmand vm0, vm1  }
0x303: {  	s6 =	sadd.s32 $0x10, s6;
	v3 =	vnsel vm0, $0x0, v4  }
.LBB2_107:
0x304: {  	v0 =	vadd.f32 v3, v2  }
.LBB2_108:
0x305: {  	_ = 	snop  }
0x306: {  	(xrf2) =	vadd.scan.msk.f32 $0xffff, v0;
	_ =	sdelay $0x9  }
0x307: {  	v0, _, _ =	vpop (xrf2)  }
.Ltmp80:
0x308: {  	v0 =	vbroadcast v0, $0xF;
	(pc) =	sbr.rel @p3 .LBB2_112-.Ltmp80, $3  }
0x309: {  	_ = 	snop  }
0x30a: {  	v0 =	vadd.f32 v0, v1;
	_ =	sdelay $0x1  }
0x30b: {  	v2 =	vimm.f32 $0.0e+00;
	v1 =	vsel vm9, v1, v0;
	v0 =	vimm.f32 $0.0e+00  }
0x30c: {  	s6 =	sadd.s32 $0x1800, s25  }
0x30d: {  	p2 =	sne.s32 s29, $0x1;
	v4 =	vld [tilespmem:s6+$0x0]  }
.Ltmp81:
0x30e: {  	v2 =	vlaneseq.u32;
	(pc) =	sbr.rel @!p2 .LBB2_111-.Ltmp81, $4  }
0x30f: {  	v3 =	vor.u32 s25, v2  }
0x310: {  	vm0 =	vge.u32 v3, v11;
	vm1 =	vlt.u32 v3, v12  }
0x311: {  	vm0 =	vmand vm0, vm1  }
0x312: {  	s5 =	sadd.s32 $0xFFFFFFFF, s29;
	s6 =	sadd.s32 $0x10, s6;
	v3 =	vimm.f32 $0.0e+00;
	v4 =	vnsel vm0, $0x0, v4  }
.LBB2_110:
0x313: {  	v5 =	vld [tilespmem:s6+$0x0];
	p2 =	sne.s32 s5, $0x1;
	s5 =	sadd.s32 $0xFFFFFFFF, s5;
	v3 =	vadd.f32 v4, v3  }
.Ltmp82:
0x314: {  	s25 =	sadd.s32 $0x10, s25;
	(pc) =	sbr.rel @p2 .LBB2_110-.Ltmp82, $4  }
0x315: {  	v4 =	vor.u32 s25, v2  }
0x316: {  	vm0 =	vge.u32 v4, v11;
	vm1 =	vlt.u32 v4, v12  }
0x317: {  	vm0 =	vmand vm0, vm1  }
0x318: {  	s6 =	sadd.s32 $0x10, s6;
	v4 =	vnsel vm0, $0x0, v5  }
.LBB2_111:
0x319: {  	v2 =	vadd.f32 v4, v3  }
.LBB2_112:
0x31a: {  	_ = 	snop  }
0x31b: {  	(xrf2) =	vadd.scan.msk.f32 $0xffff, v2;
	_ =	sdelay $0x9  }
0x31c: {  	v2, _, _ =	vpop (xrf2)  }
.Ltmp83:
0x31d: {  	v2 =	vbroadcast v2, $0xF;
	(pc) =	sbr.rel @p4 .LBB2_116-.Ltmp83, $3  }
0x31e: {  	_ = 	snop  }
0x31f: {  	v2 =	vadd.f32 v2, v1;
	_ =	sdelay $0x1  }
0x320: {  	v1 =	vsel vm10, v1, v2  }
0x321: {  	s5 =	sadd.s32 $0x1800, s28  }
0x322: {  	p2 =	sne.s32 s0, $0x1;
	v3 =	vld [tilespmem:s5+$0x0]  }
.Ltmp84:
0x323: {  	v0 =	vlaneseq.u32;
	(pc) =	sbr.rel @!p2 .LBB2_115-.Ltmp84, $4  }
0x324: {  	v2 =	vor.u32 s28, v0  }
0x325: {  	vm0 =	vge.u32 v2, v12;
	vm1 =	vlt.u32 v2, v13  }
0x326: {  	vm0 =	vmand vm0, vm1  }
0x327: {  	s0 =	sadd.s32 $0xFFFFFFFF, s0;
	s5 =	sadd.s32 $0x10, s5;
	v2 =	vimm.f32 $0.0e+00;
	v3 =	vnsel vm0, $0x0, v3  }
.LBB2_114:
0x328: {  	v4 =	vld [tilespmem:s5+$0x0];
	p2 =	sne.s32 s0, $0x1;
	s0 =	sadd.s32 $0xFFFFFFFF, s0;
	v2 =	vadd.f32 v3, v2  }
.Ltmp85:
0x329: {  	s28 =	sadd.s32 $0x10, s28;
	(pc) =	sbr.rel @p2 .LBB2_114-.Ltmp85, $4  }
0x32a: {  	v3 =	vor.u32 s28, v0  }
0x32b: {  	vm0 =	vge.u32 v3, v12;
	vm1 =	vlt.u32 v3, v13  }
0x32c: {  	vm0 =	vmand vm0, vm1  }
0x32d: {  	s5 =	sadd.s32 $0x10, s5;
	v3 =	vnsel vm0, $0x0, v4  }
.LBB2_115:
0x32e: {  	v0 =	vadd.f32 v3, v2  }
.LBB2_116:
0x32f: {  	_ = 	snop  }
0x330: {  	(xrf2) =	vadd.scan.msk.f32 $0xffff, v0;
	_ =	sdelay $0x9  }
0x331: {  	v0, _, _ =	vpop (xrf2)  }
.Ltmp86:
0x332: {  	v0 =	vbroadcast v0, $0xF;
	(pc) =	sbr.rel @p5 .LBB2_120-.Ltmp86, $3  }
0x333: {  	_ = 	snop  }
0x334: {  	v0 =	vadd.f32 v0, v1;
	_ =	sdelay $0x1  }
0x335: {  	v2 =	vimm.f32 $0.0e+00;
	v1 =	vsel vm11, v1, v0;
	v0 =	vimm.f32 $0.0e+00  }
0x336: {  	s5 =	sadd.s32 $0x1800, s30  }
0x337: {  	p2 =	sne.s32 s3, $0x1;
	v4 =	vld [tilespmem:s5+$0x0]  }
.Ltmp87:
0x338: {  	v2 =	vlaneseq.u32;
	(pc) =	sbr.rel @!p2 .LBB2_119-.Ltmp87, $4  }
0x339: {  	v3 =	vor.u32 s30, v2  }
0x33a: {  	vm0 =	vge.u32 v3, v13;
	vm1 =	vlt.u32 v3, v14  }
0x33b: {  	vm0 =	vmand vm0, vm1  }
0x33c: {  	s0 =	sadd.s32 $0xFFFFFFFF, s3;
	s3 =	sadd.s32 $0x10, s5;
	v3 =	vimm.f32 $0.0e+00;
	v4 =	vnsel vm0, $0x0, v4  }
.LBB2_118:
0x33d: {  	v5 =	vld [tilespmem:s3+$0x0];
	p2 =	sne.s32 s0, $0x1;
	s0 =	sadd.s32 $0xFFFFFFFF, s0;
	v3 =	vadd.f32 v4, v3  }
.Ltmp88:
0x33e: {  	s30 =	sadd.s32 $0x10, s30;
	(pc) =	sbr.rel @p2 .LBB2_118-.Ltmp88, $4  }
0x33f: {  	v4 =	vor.u32 s30, v2  }
0x340: {  	vm0 =	vge.u32 v4, v13;
	vm1 =	vlt.u32 v4, v14  }
0x341: {  	vm0 =	vmand vm0, vm1  }
0x342: {  	s3 =	sadd.s32 $0x10, s3;
	v4 =	vnsel vm0, $0x0, v5  }
.LBB2_119:
0x343: {  	v2 =	vadd.f32 v4, v3  }
.LBB2_120:
0x344: {  	_ = 	snop  }
0x345: {  	(xrf2) =	vadd.scan.msk.f32 $0xffff, v2;
	_ =	sdelay $0x9  }
0x346: {  	v2, _, _ =	vpop (xrf2)  }
.Ltmp89:
0x347: {  	v2 =	vbroadcast v2, $0xF;
	(pc) =	sbr.rel @p6 .LBB2_124-.Ltmp89, $3  }
0x348: {  	_ = 	snop  }
0x349: {  	v2 =	vadd.f32 v2, v1;
	_ =	sdelay $0x1  }
0x34a: {  	v1 =	vsel vm12, v1, v2  }
0x34b: {  	s3 =	sadd.s32 $0x1800, s31  }
0x34c: {  	p2 =	sne.s32 s4, $0x1;
	v3 =	vld [tilespmem:s3+$0x0]  }
.Ltmp90:
0x34d: {  	v0 =	vlaneseq.u32;
	(pc) =	sbr.rel @!p2 .LBB2_123-.Ltmp90, $4  }
0x34e: {  	v2 =	vor.u32 s31, v0  }
0x34f: {  	vm0 =	vge.u32 v2, v14;
	vm1 =	vlt.u32 v2, v15  }
0x350: {  	vm0 =	vmand vm0, vm1  }
0x351: {  	s0 =	sadd.s32 $0xFFFFFFFF, s4;
	s3 =	sadd.s32 $0x10, s3;
	v2 =	vimm.f32 $0.0e+00;
	v3 =	vnsel vm0, $0x0, v3  }
.LBB2_122:
0x352: {  	v4 =	vld [tilespmem:s3+$0x0];
	p2 =	sne.s32 s0, $0x1;
	s0 =	sadd.s32 $0xFFFFFFFF, s0;
	v2 =	vadd.f32 v3, v2  }
.Ltmp91:
0x353: {  	s31 =	sadd.s32 $0x10, s31;
	(pc) =	sbr.rel @p2 .LBB2_122-.Ltmp91, $4  }
0x354: {  	v3 =	vor.u32 s31, v0  }
0x355: {  	vm0 =	vge.u32 v3, v14;
	vm1 =	vlt.u32 v3, v15  }
0x356: {  	vm0 =	vmand vm0, vm1  }
0x357: {  	s3 =	sadd.s32 $0x10, s3;
	v3 =	vnsel vm0, $0x0, v4  }
.LBB2_123:
0x358: {  	v0 =	vadd.f32 v3, v2  }
.LBB2_124:
0x359: {  	_ = 	snop  }
0x35a: {  	(xrf2) =	vadd.scan.msk.f32 $0xffff, v0;
	_ =	sdelay $0x9  }
0x35b: {  	v0, _, _ =	vpop (xrf2)  }
.Ltmp92:
0x35c: {  	v0 =	vbroadcast v0, $0xF;
	(pc) =	sbr.rel @p0 .LBB2_128-.Ltmp92, $3  }
0x35d: {  	_ = 	snop  }
0x35e: {  	v0 =	vadd.f32 v0, v1;
	_ =	sdelay $0x1  }
0x35f: {  	v2 =	vimm.f32 $0.0e+00;
	v0 =	vsel vm13, v1, v0;
	v1 =	vimm.f32 $0.0e+00  }
0x360: {  	s3 =	sadd.s32 $0x1800, s2  }
0x361: {  	p0 =	sne.s32 s9, $0x1;
	v4 =	vld [tilespmem:s3+$0x0]  }
.Ltmp93:
0x362: {  	v2 =	vlaneseq.u32;
	(pc) =	sbr.rel @!p0 .LBB2_127-.Ltmp93, $4  }
0x363: {  	v3 =	vor.u32 s2, v2  }
0x364: {  	vm0 =	vge.u32 v3, v15;
	vm1 =	vlt.u32 v3, v16  }
0x365: {  	vm0 =	vmand vm0, vm1  }
0x366: {  	s0 =	sadd.s32 $0xFFFFFFFF, s9;
	s3 =	sadd.s32 $0x10, s3;
	v3 =	vimm.f32 $0.0e+00;
	v4 =	vnsel vm0, $0x0, v4  }
.LBB2_126:
0x367: {  	v5 =	vld [tilespmem:s3+$0x0];
	p0 =	sne.s32 s0, $0x1;
	s0 =	sadd.s32 $0xFFFFFFFF, s0;
	v3 =	vadd.f32 v4, v3  }
.Ltmp94:
0x368: {  	s2 =	sadd.s32 $0x10, s2;
	(pc) =	sbr.rel @p0 .LBB2_126-.Ltmp94, $4  }
0x369: {  	v4 =	vor.u32 s2, v2  }
0x36a: {  	vm0 =	vge.u32 v4, v15;
	vm1 =	vlt.u32 v4, v16  }
0x36b: {  	vm0 =	vmand vm0, vm1  }
0x36c: {  	s3 =	sadd.s32 $0x10, s3;
	v4 =	vnsel vm0, $0x0, v5  }
.LBB2_127:
0x36d: {  	v2 =	vadd.f32 v4, v3  }
.LBB2_128:
0x36e: {  	_ = 	snop  }
0x36f: {  	(xrf2) =	vadd.scan.msk.f32 $0xffff, v2;
	_ =	sdelay $0x9  }
0x370: {  	v2, _, _ =	vpop (xrf2)  }
.Ltmp95:
0x371: {  	v2 =	vbroadcast v2, $0xF;
	(pc) =	sbr.rel @p1 .LBB2_132-.Ltmp95, $3  }
0x372: {  	_ = 	snop  }
0x373: {  	v2 =	vadd.f32 v2, v0;
	_ =	sdelay $0x1  }
0x374: {  	v0 =	vsel vm14, v0, v2  }
0x375: {  	s0 =	rddreg [dreg:$0x10]  }
0x376: {  	s2 =	sadd.s32 $0x1800, s1;
	s0 =	sadd.s32 $0x1, s0  }
0x377: {  	v3 =	vld [tilespmem:s2+$0x0];
	p0 =	sne.s32 s0, $0x1  }
.Ltmp96:
0x378: {  	v1 =	vlaneseq.u32;
	(pc) =	sbr.rel @!p0 .LBB2_131-.Ltmp96, $4  }
0x379: {  	v2 =	vmov s1;
	v4 =	vor.u32 s1, v1  }
0x37a: {  	vm1 =	vlt.u32 v2, $0x800;
	vm0 =	vge.u32 v4, v16  }
0x37b: {  	vm0 =	vmand vm1, vm0  }
0x37c: {  	v2 =	vimm.f32 $0.0e+00;
	s2 =	sadd.s32 $0x10, s2;
	s0 =	sadd.s32 $0xFFFFFFFF, s0;
	v3 =	vnsel vm0, $0x0, v3  }
.LBB2_130:
0x37d: {  	v4 =	vld [tilespmem:s2+$0x0];
	p0 =	sne.s32 s0, $0x1;
	s0 =	sadd.s32 $0xFFFFFFFF, s0;
	v2 =	vadd.f32 v3, v2  }
.Ltmp97:
0x37e: {  	s1 =	sadd.s32 $0x10, s1;
	(pc) =	sbr.rel @p0 .LBB2_130-.Ltmp97, $4  }
0x37f: {  	v3 =	vmov s1;
	v5 =	vor.u32 s1, v1  }
0x380: {  	vm0 =	vge.u32 v5, v16;
	vm1 =	vlt.u32 v3, $0x800  }
0x381: {  	vm0 =	vmand vm1, vm0  }
0x382: {  	s2 =	sadd.s32 $0x10, s2;
	v3 =	vnsel vm0, $0x0, v4  }
.LBB2_131:
0x383: {  	v1 =	vadd.f32 v3, v2  }
.LBB2_132:
0x384: {  	_ = 	snop  }
0x385: {  	(xrf2) =	vadd.scan.msk.f32 $0xffff, v1;
	_ =	sdelay $0x8  }
0x386: {  	[tilespmem:$0x2A00] =	vst v10;
	s0 =	simm.s32 $0x2A00;
	s1 =	rddreg [dreg:$0x12];
	s23 =	simm.s32 $0x4  }
0x387: {  	[spmem:s1] =	stream.linear.scatter [tilespmem:s0], [sflag:$0x4], $0x10, $0x38;
	v1, _, _ =	vpop (xrf2);
	[tilespmem:$0x2CA0] =	vst v63  }
0x388: {  	v1 =	vadd.f32 v1, v0;
	_ =	swait.ge [sflag:s23], $0x10  }
0x389: {  	[sflag:s23] =	ssyncset.done $0x0  }
0x38a: {  	v0 =	vsel vm15, v0, v1;
	[sflag:s23] =	ssyncadd.s32 $0xFFFFFFF0  }
0x38b: {  	s2 =	rddreg [dreg:$0x11];
	[tilespmem:$0x2A00] =	vst v0  }
0x38c: {  	[spmem:s2] =	stream.linear.scatter [tilespmem:s0], [sflag:$0x4], $0x10, $0x38;
	[tilespmem:$0x2CA0] =	vst v63  }
0x38d: {  	_ =	swait.ge [sflag:s23], $0x10  }
0x38e: {  	[sflag:s23] =	ssyncset.done $0x0  }
0x38f: {  	[sflag:s23] =	ssyncadd.s32 $0xFFFFFFF0  }
0x390: {  	[bflag:$0x0] =	sbarrier.arrive $0xFFFF  }
0x391: {  	s24 =	simm.s32 $0x2A80;
	s25 =	rddreg [dreg:$0x6]  }
0x392: {  	[tilespmem:s24], [sflag:$0x4] =	stream.linear.gather [spmem:s25], $0x100, $0x38;
	[tilespmem:$0x2CA0] =	vst v63  }
0x393: {  	_ =	swait.ge [sflag:s23], $0x100  }
0x394: {  	[sflag:s23] =	ssyncset.done $0x0  }
0x395: {  	[sflag:s23] =	ssyncadd.s32 $0xFFFFFF00  }
0x396: {  	s26 =	simm.s32 $0x2B80;
	s28 =	rddreg [dreg:$0x7]  }
0x397: {  	[tilespmem:s26], [sflag:$0x4] =	stream.linear.gather [spmem:s28], $0x100, $0x38;
	[tilespmem:$0x2CA0] =	vst v63  }
0x398: {  	_ =	swait.ge [sflag:s23], $0x100  }
0x399: {  	[sflag:s23] =	ssyncset.done $0x0  }
0x39a: {  	[sflag:s23] =	ssyncadd.s32 $0xFFFFFF00  }
0x39b: {  	v0 =	vld [tilespmem:$0x2A80]  }
0x39c: {  	v1 =	vld [tilespmem:$0x2A90]  }
0x39d: {  	v2 =	vld [tilespmem:$0x2AA0]  }
0x39e: {  	v3 =	vld [tilespmem:$0x2AB0]  }
0x39f: {  	v4 =	vld [tilespmem:$0x2AC0]  }
0x3a0: {  	v5 =	vld [tilespmem:$0x2AD0]  }
0x3a1: {  	v7 =	vld [tilespmem:$0x2AE0];
	v6 =	vmax.f32 v0, v1  }
0x3a2: {  	v8 =	vld [tilespmem:$0x2AF0];
	v6 =	vmax.f32 v6, v2  }
0x3a3: {  	v9 =	vld [tilespmem:$0x2B00];
	v6 =	vmax.f32 v6, v3  }
0x3a4: {  	v11 =	vld [tilespmem:$0x2B10];
	v6 =	vmax.f32 v6, v4  }
0x3a5: {  	v12 =	vld [tilespmem:$0x2B20];
	v6 =	vmax.f32 v6, v5  }
0x3a6: {  	v13 =	vld [tilespmem:$0x2B30];
	v6 =	vmax.f32 v6, v7  }
0x3a7: {  	v14 =	vld [tilespmem:$0x2B40];
	v6 =	vmax.f32 v6, v8  }
0x3a8: {  	v15 =	vld [tilespmem:$0x2B50];
	v6 =	vmax.f32 v6, v9  }
0x3a9: {  	v16 =	vld [tilespmem:$0x2B60];
	v6 =	vmax.f32 v6, v11  }
0x3aa: {  	v17 =	vld [tilespmem:$0x2B70];
	v6 =	vmax.f32 v6, v12  }
0x3ab: {  	v6 =	vmax.f32 v6, v13  }
0x3ac: {  	v6 =	vmax.f32 v6, v14  }
0x3ad: {  	v6 =	vmax.f32 v6, v15  }
0x3ae: {  	v6 =	vmax.f32 v6, v16  }
0x3af: {  	v6 =	vmax.f32 v6, v17  }
0x3b0: {  	v0 =	vsub.f32 v0, v6;
	_ =	sdelay $0x1  }
0x3b1: {  	v1 =	vsub.f32 v1, v6;
	v0 =	vmul.f32 $1.442695020e+00, v0;
	_ =	sdelay $0x1  }
0x3b2: {  	(erf) = vpow2.f32 v0;
	v0 =	vmul.f32 $1.442695020e+00, v1;
	v1 =	vsub.f32 v2, v6;
	_ =	sdelay $0x1  }
0x3b3: {  	(erf) = vpow2.f32 v0;
	v0 =	vmul.f32 $1.442695020e+00, v1;
	v1 =	vsub.f32 v3, v6;
	_ =	sdelay $0x1  }
0x3b4: {  	(erf) = vpow2.f32 v0;
	v0 =	vmul.f32 $1.442695020e+00, v1  }
0x3b5: {  	v2 =	vsub.f32 v4, v6;
	v1 =	vld [tilespmem:$0x2B80]  }
0x3b6: {  	(erf) = vpow2.f32 v0  }
0x3b7: {  	v2 =	vmul.f32 $1.442695020e+00, v2;
	v3 =	vsub.f32 v5, v6;
	v0 =	vld [tilespmem:$0x2B90];
	_ =	sdelay $0x1  }
0x3b8: {  	v5 =	vld [tilespmem:$0x2BA0];
	v4 =	vpop (erf);
	(erf) = vpow2.f32 v2;
	v2 =	vmul.f32 $1.442695020e+00, v3;
	v3 =	vsub.f32 v7, v6  }
0x3b9: {  	v1 =	vmul.f32 v4, v1  }
0x3ba: {  	v4 =	vpop (erf);
	(erf) = vpow2.f32 v2;
	v2 =	vmul.f32 $1.442695020e+00, v3;
	v3 =	vsub.f32 v8, v6  }
0x3bb: {  	v1 =	vadd.f32 $0.0e+00, v1;
	v0 =	vmul.f32 v4, v0  }
0x3bc: {  	v7 =	vld [tilespmem:$0x2BB0];
	v4 =	vpop (erf);
	(erf) = vpow2.f32 v2;
	v2 =	vmul.f32 $1.442695020e+00, v3;
	v3 =	vsub.f32 v9, v6  }
0x3bd: {  	v0 =	vadd.f32 v1, v0;
	v1 =	vmul.f32 v4, v5  }
0x3be: {  	v4 =	vld [tilespmem:$0x2BC0];
	v5 =	vpop (erf);
	(erf) = vpow2.f32 v2;
	v2 =	vmul.f32 $1.442695020e+00, v3  }
0x3bf: {  	v3 =	vsub.f32 v11, v6;
	_ =	sdelay $0x1  }
0x3c0: {  	v5 =	vmul.f32 v5, v7;
	v7 =	vld [tilespmem:$0x2BD0];
	v0 =	vadd.f32 v0, v1;
	v1 =	vmul.f32 $1.442695020e+00, v3  }
0x3c1: {  	(erf) = vpow2.f32 v2;
	v2 =	vpop (erf)  }
0x3c2: {  	v8 =	vsub.f32 v12, v6;
	v3 =	vld [tilespmem:$0x2BE0];
	v2 =	vmul.f32 v4, v2  }
0x3c3: {  	v0 =	vadd.f32 v0, v5;
	(erf) = vpow2.f32 v1  }
0x3c4: {  	v5 =	vmul.f32 $1.442695020e+00, v8;
	v8 =	vsub.f32 v13, v6;
	v4 =	vld [tilespmem:$0x2BF0];
	v1 =	vpop (erf)  }
0x3c5: {  	v0 =	vadd.f32 v0, v2;
	v1 =	vmul.f32 v7, v1  }
0x3c6: {  	(erf) = vpow2.f32 v5;
	v5 =	vmul.f32 $1.442695020e+00, v8;
	v8 =	vsub.f32 v14, v6;
	v7 =	vld [tilespmem:$0x2C00];
	v2 =	vpop (erf)  }
0x3c7: {  	v0 =	vadd.f32 v0, v1;
	v1 =	vmul.f32 v3, v2  }
0x3c8: {  	(erf) = vpow2.f32 v5;
	v5 =	vmul.f32 $1.442695020e+00, v8;
	v8 =	vsub.f32 v15, v6;
	v2 =	vpop (erf)  }
0x3c9: {  	v0 =	vadd.f32 v0, v1;
	v1 =	vmul.f32 v4, v2  }
0x3ca: {  	v3 =	vld [tilespmem:$0x2C10];
	(erf) = vpow2.f32 v5;
	v5 =	vsub.f32 v16, v6;
	v2 =	vpop (erf);
	v4 =	vmul.f32 $1.442695020e+00, v8  }
0x3cb: {  	v0 =	vadd.f32 v0, v1;
	v1 =	vmul.f32 v7, v2  }
0x3cc: {  	v2 =	vld [tilespmem:$0x2C20];
	v7 =	vpop (erf);
	(erf) = vpow2.f32 v4;
	v4 =	vmul.f32 $1.442695020e+00, v5  }
0x3cd: {  	v5 =	vsub.f32 v17, v6;
	_ =	sdelay $0x1  }
0x3ce: {  	v3 =	vmul.f32 v3, v7;
	v7 =	vld [tilespmem:$0x2C30];
	v0 =	vadd.f32 v0, v1;
	v1 =	vmul.f32 $1.442695020e+00, v5  }
0x3cf: {  	(erf) = vpow2.f32 v4;
	v4 =	vpop (erf)  }
0x3d0: {  	v5 =	vld [tilespmem:$0x2C40];
	v2 =	vmul.f32 v2, v4  }
0x3d1: {  	v0 =	vadd.f32 v0, v3;
	(erf) = vpow2.f32 v1  }
0x3d2: {  	v3 =	vld [tilespmem:$0x2C50];
	v1 =	vpop (erf)  }
0x3d3: {  	v0 =	vadd.f32 v0, v2;
	v1 =	vmul.f32 v7, v1  }
0x3d4: {  	v4 =	vld [tilespmem:$0x2C60];
	v2 =	vpop (erf)  }
0x3d5: {  	v0 =	vadd.f32 v0, v1;
	v1 =	vmul.f32 v5, v2  }
0x3d6: {  	v2 =	vpop (erf);
	v5 =	vld [tilespmem:$0x2C70]  }
0x3d7: {  	v0 =	vadd.f32 v0, v1;
	v1 =	vmul.f32 v3, v2  }
0x3d8: {  	v2 =	vpop (erf)  }
0x3d9: {  	v0 =	vadd.f32 v0, v1;
	v1 =	vmul.f32 v4, v2  }
0x3da: {  	v3 =	vsub.f32 v10, v6;
	v2 =	vpop (erf)  }
0x3db: {  	v0 =	vadd.f32 v0, v1;
	v1 =	vmul.f32 v5, v2  }
0x3dc: {  	v2 =	vmul.f32 $1.442695020e+00, v3  }
0x3dd: {  	v0 =	vadd.f32 v0, v1  }
0x3de: {  	(erf) = vpow2.f32 v2  }
0x3df: {  	(erf) = vrcp.f32 v0;
	_ =	sdelay $0x7  }
0x3e0: {  	v0 =	vpop (erf)  }
0x3e1: {  	v1 =	vpop (erf)  }
0x3e2: {  	v0 =	vmul.f32 v1, v0;
	_ =	sdelay $0x1  }
0x3e3: {  	s29 =	simm.s32 $0x820;
	[tilespmem:$0x2900] =	vst v0  }
0x3e4: {  	v0 =	vld [tilespmem:s29+$0x10]  }
0x3e5: {  	v1 =	vld [tilespmem:s29+$0xFFFFFFE0]  }
0x3e6: {  	v2 =	vld [tilespmem:s29+$0xFFFFFFF0];
	_ =	sdelay $0x2  }
0x3e7: {  	s30 =	simm.s32 $0x1820;
	v4 =	vld [tilespmem:s29+$0x0]  }
0x3e8: {  	s31 =	simm.s32 $0x860;
	v7 =	vld [tilespmem:s30+$0x10]  }
0x3e9: {  	s0 =	simm.s32 $0x2900;
	v8 =	vld [tilespmem:s31+$0xFFFFFFE0]  }
0x3ea: {  	v5 =	vld.idx.msk [tilespmem:v0+s0+$0x0], $0xffff  }
0x3eb: {  	v0 =	vld.idx.msk [tilespmem:v1+s0+$0x0], $0xffff  }
0x3ec: {  	v1 =	vld.idx.msk [tilespmem:v2+s0+$0x0], $0xffff  }
0x3ed: {  	v2 =	vld [tilespmem:s31+$0x10]  }
0x3ee: {  	v9 =	vld [tilespmem:s31+$0xFFFFFFF0]  }
0x3ef: {  	v3 =	vld [tilespmem:s31+$0x0]  }
0x3f0: {  	v11 =	vld [tilespmem:s30+$0xFFFFFFF0]  }
0x3f1: {  	v63 =	vld [tilespmem:s30+$0x0]  }
0x3f2: {  	v10 =	vld.idx.msk [tilespmem:v4+s0+$0x0], $0xffff  }
0x3f3: {  	s2 =	simm.s32 $0x1860;
	v6 =	vld [tilespmem:s30+$0xFFFFFFE0]  }
0x3f4: {  	v7 =	vmul.f32 v5, v7;
	v5 =	vld [tilespmem:s2+$0x10]  }
0x3f5: {  	s1 =	simm.s32 $0x2020;
	v4 =	vld.idx.msk [tilespmem:v2+s0+$0x0], $0xffff  }
0x3f6: {  	[tilespmem:s1+$0x10] =	vst v7;
	v7 =	vmul.f32 v1, v11;
	v1 =	vld.idx.msk [tilespmem:v9+s0+$0x0], $0xffff  }
0x3f7: {  	s3 =	simm.s32 $0x4;
	s4 =	simm.s32 $0x8A0;
	v2 =	vld.idx.msk [tilespmem:v8+s0+$0x0], $0xffff;
	v8 =	vmul.f32 v10, v63  }
.LBB2_133:
0x3f8: {  	v9 =	vld [tilespmem:s4+$0x10];
	s3 =	sadd.s32 $0x4, s3;
	v0 =	vmul.f32 v0, v6;
	[tilespmem:s1+$0xFFFFFFF0] =	vst v7  }
0x3f9: {  	v7 =	vld [tilespmem:s4+$0xFFFFFFE0];
	p0 =	slt.u32 s3, $0x3C;
	[tilespmem:s1+$0x0] =	vst v8  }
0x3fa: {  	v8 =	vld [tilespmem:s4+$0xFFFFFFF0];
	v4 =	vmul.f32 v4, v5;
	[tilespmem:s1+$0xFFFFFFE0] =	vst v0  }
0x3fb: {  	s1 =	sadd.s32 $0x40, s1;
	v5 =	vld [tilespmem:s4+$0x0]  }
0x3fc: {  	v10 =	vld.idx.msk [tilespmem:v3+s0+$0x0], $0xffff;
	[tilespmem:s1+$0x10] =	vst v4;
	v0 =	vmov v2  }
0x3fd: {  	v11 =	vld [tilespmem:s2+$0xFFFFFFF0]  }
0x3fe: {  	v12 =	vld [tilespmem:s2+$0x0]  }
.Ltmp98:
0x3ff: {  	v6 =	vld [tilespmem:s2+$0xFFFFFFE0];
	(pc) =	sbr.rel @p0 .LBB2_133-.Ltmp98, $4  }
0x400: {  	s2 =	sadd.s32 $0x40, s2;
	v4 =	vld.idx.msk [tilespmem:v9+s0+$0x0], $0xffff;
	v3 =	vmov v5  }
0x401: {  	v5 =	vld [tilespmem:s2+$0x10]  }
0x402: {  	v2 =	vld.idx.msk [tilespmem:v7+s0+$0x0], $0xffff;
	v7 =	vmul.f32 v1, v11  }
0x403: {  	s4 =	sadd.s32 $0x40, s4;
	v1 =	vld.idx.msk [tilespmem:v8+s0+$0x0], $0xffff;
	v8 =	vmul.f32 v10, v12  }
0x404: {  	_ =	sdelay $0x3  }
0x405: {  	v3 =	vld.idx.msk [tilespmem:v3+s0+$0x0], $0xffff  }
0x406: {  	v9 =	vld [tilespmem:s2+$0xFFFFFFF0]  }
0x407: {  	v10 =	vld [tilespmem:s2+$0x0]  }
0x408: {  	v11 =	vld [tilespmem:s2+$0xFFFFFFE0]  }
0x409: {  	v0 =	vmul.f32 v0, v6;
	[tilespmem:s1+$0xFFFFFFF0] =	vst v7  }
0x40a: {  	[tilespmem:s1+$0x0] =	vst v8;
	v4 =	vmul.f32 v4, v5  }
0x40b: {  	s25 =	sadd.s32 $0x40, s1;
	[tilespmem:s1+$0xFFFFFFE0] =	vst v0;
	v0 =	vmul.f32 v1, v9  }
0x40c: {  	[tilespmem:s25+$0x10] =	vst v4;
	v1 =	vmul.f32 v3, v10  }
0x40d: {  	v2 =	vmul.f32 v2, v11;
	[tilespmem:s25+$0xFFFFFFF0] =	vst v0  }
0x40e: {  	[tilespmem:s25+$0x0] =	vst v1  }
0x40f: {  	s26 =	simm.s32 $0x0;
	s28 =	simm.s32 $0x2000;
	s29 =	simm.s32 $0xC30;
	[tilespmem:s25+$0xFFFFFFE0] =	vst v2  }
0x410: {  	[hbm4b:s18+s26] =	stream.linear.scatter [tilespmem:s28], [sflag:$0x3], $0x400, $0x38;
	[tilespmem:$0x2CA0] =	vst v63  }
0x411: {  	v0 =	vld [tilespmem:s29+$0x0]  }
0x412: {  	v1 =	vld [tilespmem:s29+$0xFFFFFFD0]  }
0x413: {  	v2 =	vld [tilespmem:s29+$0xFFFFFFE0];
	_ =	sdelay $0x2  }
0x414: {  	s30 =	simm.s32 $0x1C30;
	v4 =	vld [tilespmem:s29+$0xFFFFFFF0]  }
0x415: {  	s31 =	simm.s32 $0xC70;
	v7 =	vld [tilespmem:s30+$0x0]  }
0x416: {  	s0 =	simm.s32 $0x2900;
	v8 =	vld [tilespmem:s31+$0xFFFFFFD0]  }
0x417: {  	v5 =	vld.idx.msk [tilespmem:v0+s0+$0x0], $0xffff  }
0x418: {  	v0 =	vld.idx.msk [tilespmem:v1+s0+$0x0], $0xffff  }
0x419: {  	v1 =	vld.idx.msk [tilespmem:v2+s0+$0x0], $0xffff  }
0x41a: {  	v2 =	vld [tilespmem:s31+$0x0]  }
0x41b: {  	v9 =	vld [tilespmem:s31+$0xFFFFFFE0]  }
0x41c: {  	v3 =	vld [tilespmem:s31+$0xFFFFFFF0]  }
0x41d: {  	v11 =	vld [tilespmem:s30+$0xFFFFFFE0]  }
0x41e: {  	v12 =	vld [tilespmem:s30+$0xFFFFFFF0]  }
0x41f: {  	v10 =	vld.idx.msk [tilespmem:v4+s0+$0x0], $0xffff  }
0x420: {  	s2 =	simm.s32 $0x1C70;
	v6 =	vld [tilespmem:s30+$0xFFFFFFD0]  }
0x421: {  	v7 =	vmul.f32 v5, v7;
	v5 =	vld [tilespmem:s2+$0x0]  }
0x422: {  	s1 =	simm.s32 $0x2430;
	v4 =	vld.idx.msk [tilespmem:v2+s0+$0x0], $0xffff  }
0x423: {  	[tilespmem:s1+$0x0] =	vst v7;
	v7 =	vmul.f32 v1, v11;
	v1 =	vld.idx.msk [tilespmem:v9+s0+$0x0], $0xffff  }
0x424: {  	s3 =	simm.s32 $0x44;
	s4 =	simm.s32 $0xCB0;
	v2 =	vld.idx.msk [tilespmem:v8+s0+$0x0], $0xffff;
	v8 =	vmul.f32 v10, v12  }
.LBB2_135:
0x425: {  	v9 =	vld [tilespmem:s4+$0x0];
	s3 =	sadd.s32 $0x4, s3;
	v0 =	vmul.f32 v0, v6;
	[tilespmem:s1+$0xFFFFFFE0] =	vst v7  }
0x426: {  	v7 =	vld [tilespmem:s4+$0xFFFFFFD0];
	p0 =	slt.u32 s3, $0x7C;
	[tilespmem:s1+$0xFFFFFFF0] =	vst v8  }
0x427: {  	v8 =	vld [tilespmem:s4+$0xFFFFFFE0];
	v4 =	vmul.f32 v4, v5;
	[tilespmem:s1+$0xFFFFFFD0] =	vst v0  }
0x428: {  	s1 =	sadd.s32 $0x40, s1;
	v5 =	vld [tilespmem:s4+$0xFFFFFFF0]  }
0x429: {  	v10 =	vld.idx.msk [tilespmem:v3+s0+$0x0], $0xffff;
	[tilespmem:s1+$0x0] =	vst v4;
	v0 =	vmov v2  }
0x42a: {  	v11 =	vld [tilespmem:s2+$0xFFFFFFE0]  }
0x42b: {  	v12 =	vld [tilespmem:s2+$0xFFFFFFF0]  }
.Ltmp99:
0x42c: {  	v6 =	vld [tilespmem:s2+$0xFFFFFFD0];
	(pc) =	sbr.rel @p0 .LBB2_135-.Ltmp99, $4  }
0x42d: {  	s2 =	sadd.s32 $0x40, s2;
	v4 =	vld.idx.msk [tilespmem:v9+s0+$0x0], $0xffff;
	v3 =	vmov v5  }
0x42e: {  	v5 =	vld [tilespmem:s2+$0x0]  }
0x42f: {  	v2 =	vld.idx.msk [tilespmem:v7+s0+$0x0], $0xffff;
	v7 =	vmul.f32 v1, v11  }
0x430: {  	s4 =	sadd.s32 $0x40, s4;
	v1 =	vld.idx.msk [tilespmem:v8+s0+$0x0], $0xffff;
	v8 =	vmul.f32 v10, v12  }
0x431: {  	_ =	sdelay $0x3  }
0x432: {  	v3 =	vld.idx.msk [tilespmem:v3+s0+$0x0], $0xffff  }
0x433: {  	v9 =	vld [tilespmem:s2+$0xFFFFFFE0]  }
0x434: {  	v10 =	vld [tilespmem:s2+$0xFFFFFFF0]  }
0x435: {  	v11 =	vld [tilespmem:s2+$0xFFFFFFD0]  }
0x436: {  	v0 =	vmul.f32 v0, v6;
	[tilespmem:s1+$0xFFFFFFE0] =	vst v7  }
0x437: {  	[tilespmem:s1+$0xFFFFFFF0] =	vst v8;
	v4 =	vmul.f32 v4, v5  }
0x438: {  	s23 =	sadd.s32 $0x40, s1;
	[tilespmem:s1+$0xFFFFFFD0] =	vst v0;
	v62 =	vmul.f32 v1, v9  }
0x439: {  	[tilespmem:s23+$0x0] =	vst v4;
	v63 =	vmul.f32 v3, v10  }
0x43a: {  	v2 =	vmul.f32 v2, v11;
	[tilespmem:s23+$0xFFFFFFE0] =	vst v62  }
0x43b: {  	[tilespmem:s23+$0xFFFFFFF0] =	vst v63  }
0x43c: {  	s24 =	simm.s32 $0x0;
	[tilespmem:s23+$0xFFFFFFD0] =	vst v2  }
0x43d: {  	s25 =	simm.s32 $0x2400;
	s28 =	simm.s32 $0x4;
	s26 =	rddreg [dreg:$0x9]  }
0x43e: {  	[hbm4b:s26+s24] =	stream.linear.scatter [tilespmem:s25], [sflag:$0x4], $0x400, $0x38;
	[tilespmem:$0x2CA0] =	vst v63  }
0x43f: {  	_ =	swait.ge [sflag:s28], $0x400  }
0x440: {  	[sflag:s28] =	ssyncset.done $0x0  }
0x441: {  	s29 =	simm.s32 $0x3;
	[sflag:s28] =	ssyncadd.s32 $0xFFFFFC00  }
0x442: {  	_ =	swait.ge [sflag:s29], $0x400  }
0x443: {  	[sflag:s29] =	ssyncset.done $0x0  }
0x444: {  	s30 =	simm.s32 $0x2;
	[sflag:s29] =	ssyncadd.s32 $0xFFFFFC00  }
0x445: {  	_ =	swait.ge [sflag:s30], $0x800  }
0x446: {  	[sflag:s30] =	ssyncset.done $0x0  }
0x447: {  	[sflag:s30] =	ssyncadd.s32 $0xFFFFF800  }
0x448: {  	_ =	sfence.sel $0x180000  }
0x449: {  	[bflag:$0x0] =	sbarrier.arrive $0xFFFF  }
0x44a: {  	_ =	strace $0x90000047  }
0x44b: {  	s31 =	stileid.u32;
	[bflag:$0x2] =	sbarrier.arrive $0xFFFF  }
0x44c: {  	p0 =	sne.s32 s31, $0x0;
	s0 =	rddreg [dreg:$0x8]  }
0x44d: {  	s0 =	sadd.s32 @!p0 $0x100000, s0  }
0x44e: {  	[sflag:s0] =	ssyncadd.tile.s32 @!p0 $0x1;
	_ =	shalt  }
.Lfunc_end2:
_tile_overlayer_lowered:
.L_overlay_start_2:
0x44f: {  	(tag) =	ssettag $0x2  }
0x450: {  	s0 =	rddreg [dreg:$0x0];
	s2 =	stileid.u32  }
0x451: {  	s1 =	rddreg [dreg:$0x1];
	p0 =	sne.s32 s2, $0x0  }
0x452: {  	s3 =	rddreg [dreg:$0x2];
	[bflag:$0x3] =	sbarrier.arrive $0xFFFF;
	s2 =	simm.s32 @!p0 $0x1C04  }
0x453: {  	[timem:s3], [sflag:s2] =	dma.local @!p0 [hbm:s0], s1  }
0x454: {  	s0 =	simm.s32 @!p0 $0x4  }
0x455: {  	_ =	swait.ge @!p0 [sflag:s0], s1  }
0x456: {  	s1 =	ssub.s32 @!p0 $0x0, s1;
	[sflag:s0] =	ssyncset.done @!p0 $0x0  }
0x457: {  	[sflag:s0] =	ssyncadd.s32 @!p0 s1  }
0x458: {  	[bflag:$0x3] =	sbarrier.arrive $0xFFFF  }
0x459: {  	_ =	shalt  }

</sc_bundles>
